<compile_context>
chip_gen: v7x
topology: tpu7x:2x2x1
jax: 0.10.2.dev20260603
libtpu: 0.0.44.dev20260713+nightly
codegen_flags: <defaults>
</compile_context>

<pallas_src>
import functools

import jax
import jax.numpy as jnp
from jax import lax
from jax.experimental import pallas as pl
from jax.experimental.pallas import tpu as pltpu
from jax.experimental.pallas import tpu_sc as plsc

N = 10000
N_PAD = 10240
D = 128
E = 320000
E_TOT = E + N
NC, NS = 2, 16
NW = NC * NS
RPT = N_PAD // NS
F32 = jnp.float32


def _even_ceil(a, b):
    n = -(-a // b)
    return n + (n % 2)


CHUNK1 = 96
NCH1 = _even_ceil(E_TOT, NW * CHUNK1)
E_PAD1 = NW * NCH1 * CHUNK1
CHUNK2 = 88
NCH2 = _even_ceil(E_TOT, NW * CHUNK2)
E_PAD2 = NW * NCH2 * CHUNK2

_mesh = plsc.VectorSubcoreMesh(core_axis_name="c", subcore_axis_name="s")
_sc_params = pltpu.CompilerParams(use_tc_tiling_on_sc=False)


def _edge_sweep_body(src_h, dst_h, feat_h, as_h, ad_h, acc_o, den_o, scr,
                     *, chunk, nch, width, tables_in_spmem, heads):
    c = lax.axis_index("c")
    s = lax.axis_index("s")
    wid = c * NS + s
    r0 = s * RPT
    nj = width // 16
    db_a = not tables_in_spmem

    if tables_in_spmem:
        sh_feat, sh_as, sh_ad = scr[0], scr[1], scr[2]
        scr = scr[3:]
    sh_acc, sh_den = scr[0], scr[1]
    v_src = scr[2:4]
    v_dst = scr[4:6]
    v_f = scr[6:8]
    if db_a:
        v_as, v_ad, v_w = scr[8:10], scr[10:12], scr[12]
        sems = scr[13:15]
    else:
        v_as, v_ad, v_w = [scr[8]], [scr[9]], scr[10]
        sems = scr[11:14]

    feat_src = sh_feat if tables_in_spmem else feat_h
    as_src = sh_as if tables_in_spmem else as_h
    ad_src = sh_ad if tables_in_spmem else ad_h

    if tables_in_spmem:
        pltpu.sync_copy(feat_h.at[pl.ds(r0, RPT)], sh_feat.at[pl.ds(r0, RPT)])
        pltpu.sync_copy(as_h.at[pl.ds(r0, RPT)], sh_as.at[pl.ds(r0, RPT)])
        pltpu.sync_copy(ad_h.at[pl.ds(r0, RPT)], sh_ad.at[pl.ds(r0, RPT)])

    z16 = jnp.zeros((16,), F32)

    @plsc.parallel_loop(0, chunk, unroll=4)
    def zrow(k):
        for j in range(nj):
            v_f[0][k, pl.ds(j * 16, 16)] = z16
        v_w[k] = z16

    done = 0
    while done < RPT:
        n = min(chunk, RPT - done)
        pltpu.sync_copy(v_f[0].at[pl.ds(0, n)], sh_acc.at[pl.ds(r0 + done, n)])
        pltpu.sync_copy(v_w.at[pl.ds(0, n)], sh_den.at[pl.ds(r0 + done, n)])
        done += n
    plsc.subcore_barrier()

    iota16 = lax.iota(jnp.int32, 16)
    ge8 = (iota16 & 8) >> 3
    if heads == 8:
        cols = [2 * j + ge8 for j in range(nj)]
    else:
        cols = [jnp.zeros((16,), jnp.int32)] * nj

    def _bcast(w16, idx):
        return lax.gather(
            w16, idx[:, None],
            dimension_numbers=lax.GatherDimensionNumbers(
                offset_dims=(), collapsed_slice_dims=(0,),
                start_index_map=(0,)),
            slice_sizes=(1,),
            mode=lax.GatherScatterMode.PROMISE_IN_BOUNDS)

    def issue(ci, b):
        base = (wid * nch + ci) * chunk
        pltpu.sync_copy(src_h.at[pl.ds(base, chunk)], v_src[b])
        pltpu.sync_copy(dst_h.at[pl.ds(base, chunk)], v_dst[b])
        pltpu.async_copy(feat_src.at[v_src[b]], v_f[b], sems[b])
        if db_a:
            pltpu.async_copy(as_src.at[v_src[b]], v_as[b], sems[b])
            pltpu.async_copy(ad_src.at[v_dst[b]], v_ad[b], sems[b])

    def wait_gathers(b):
        pltpu.make_async_copy(feat_src.at[v_src[b]], v_f[b], sems[b]).wait()
        if db_a:
            pltpu.make_async_copy(as_src.at[v_src[b]], v_as[b], sems[b]).wait()
            pltpu.make_async_copy(ad_src.at[v_dst[b]], v_ad[b], sems[b]).wait()

    issue(0, 0)

    def gbody(g, _):
        for b in (0, 1):
            ci = 2 * g + b
            nb = 1 - b
            ab = b if db_a else 0
            wait_gathers(b)
            if not db_a:
                pltpu.async_copy(as_src.at[v_src[b]], v_as[0], sems[2]).wait()
                pltpu.async_copy(ad_src.at[v_dst[b]], v_ad[0], sems[2]).wait()
            vas, vad, vf = v_as[ab], v_ad[ab], v_f[b]

            @pl.when(ci + 1 < nch)
            def _():
                issue(ci + 1, nb)

            @plsc.parallel_loop(0, chunk, unroll=4)
            def ebody(k):
                a = vas[k] + vad[k]
                w16 = jnp.exp(jnp.maximum(a, 0.2 * a))
                v_w[k] = w16
                wvs = [_bcast(w16, cols[j]) for j in range(nj)]
                for j in range(nj):
                    vf[k, pl.ds(j * 16, 16)] = vf[k, pl.ds(j * 16, 16)] * wvs[j]

            pltpu.sync_copy(v_w, sh_den.at[v_dst[b]], add=True)
            pltpu.sync_copy(vf, sh_acc.at[v_dst[b]], add=True)
        return 0

    lax.fori_loop(0, nch // 2, gbody, 0)
    plsc.subcore_barrier()

    pltpu.sync_copy(sh_acc.at[pl.ds(r0, RPT)], acc_o.at[c, pl.ds(r0, RPT)])
    pltpu.sync_copy(sh_den.at[pl.ds(r0, RPT)], den_o.at[c, pl.ds(r0, RPT)])


def _make_edge_sweep(chunk, nch, width, tables_in_spmem, heads):
    scratch = []
    if tables_in_spmem:
        scratch += [pltpu.VMEM_SHARED((N_PAD, width), F32),
                    pltpu.VMEM_SHARED((N_PAD, 16), F32),
                    pltpu.VMEM_SHARED((N_PAD, 16), F32)]
    scratch += [pltpu.VMEM_SHARED((N_PAD, width), F32),
                pltpu.VMEM_SHARED((N_PAD, 16), F32)]
    scratch += [pltpu.VMEM((chunk,), jnp.int32)] * 4
    scratch += [pltpu.VMEM((chunk, width), F32)] * 2
    if not tables_in_spmem:
        scratch += [pltpu.VMEM((chunk, 16), F32)] * 4
        scratch += [pltpu.VMEM((chunk, 16), F32)]
        scratch += [pltpu.SemaphoreType.DMA] * 2
    else:
        scratch += [pltpu.VMEM((chunk, 16), F32)] * 2
        scratch += [pltpu.VMEM((chunk, 16), F32)]
        scratch += [pltpu.SemaphoreType.DMA] * 3

    def body(src_h, dst_h, feat_h, as_h, ad_h, acc_o, den_o, *scr):
        _edge_sweep_body(src_h, dst_h, feat_h, as_h, ad_h, acc_o, den_o,
                         list(scr), chunk=chunk, nch=nch, width=width,
                         tables_in_spmem=tables_in_spmem, heads=heads)

    return pl.kernel(
        body,
        out_type=[jax.ShapeDtypeStruct((NC, N_PAD, width), F32),
                  jax.ShapeDtypeStruct((NC, N_PAD, 16), F32)],
        mesh=_mesh,
        compiler_params=_sc_params,
        scratch_types=scratch,
    )


def _phase_a(x_pad, W1, att_s, att_d):
    BN = 1024
    grid = (N_PAD // BN,)

    def body(x_ref, w_ref, s_ref, d_ref, h_ref, as_ref, ad_ref):
        h = jnp.dot(x_ref[...], w_ref[...], preferred_element_type=F32)
        h_ref[...] = h
        h3 = h.reshape(BN, 8, 8)
        s8 = jnp.sum(h3 * s_ref[...][None], axis=-1)
        d8 = jnp.sum(h3 * d_ref[...][None], axis=-1)
        z = jnp.zeros_like(s8)
        as_ref[...] = jnp.concatenate([s8, z], axis=1)
        ad_ref[...] = jnp.concatenate([d8, z], axis=1)

    return pl.pallas_call(
        body,
        grid=grid,
        in_specs=[
            pl.BlockSpec((BN, D), lambda i: (i, 0)),
            pl.BlockSpec((D, 64), lambda i: (0, 0)),
            pl.BlockSpec((8, 8), lambda i: (0, 0)),
            pl.BlockSpec((8, 8), lambda i: (0, 0)),
        ],
        out_specs=[
            pl.BlockSpec((BN, 64), lambda i: (i, 0)),
            pl.BlockSpec((BN, 16), lambda i: (i, 0)),
            pl.BlockSpec((BN, 16), lambda i: (i, 0)),
        ],
        out_shape=[
            jax.ShapeDtypeStruct((N_PAD, 64), F32),
            jax.ShapeDtypeStruct((N_PAD, 16), F32),
            jax.ShapeDtypeStruct((N_PAD, 16), F32),
        ],
    )(x_pad, W1, att_s, att_d)


def _phase_c(accp, denp, bias1, W2, att_s2, att_d2):
    BN = 1024
    grid = (N_PAD // BN,)

    def body(a_ref, dn_ref, b_ref, w_ref, s_ref, d_ref, h_ref, as_ref, ad_ref):
        acc = a_ref[0] + a_ref[1]
        den16 = dn_ref[0] + dn_ref[1]
        den8 = den16[:, :8]
        den8 = jnp.where(den8 == 0.0, 1.0, den8)
        denr = jnp.broadcast_to(den8[:, :, None], (BN, 8, 8)).reshape(BN, 64)
        out1 = acc / denr + b_ref[...]
        m = jnp.where(out1 > 0, out1, jnp.exp(jnp.minimum(out1, 0.0)) - 1.0)
        h2 = jnp.dot(m, w_ref[...], preferred_element_type=F32)
        h_ref[...] = h2
        a2s = jnp.sum(h2 * s_ref[...], axis=-1, keepdims=True)
        a2d = jnp.sum(h2 * d_ref[...], axis=-1, keepdims=True)
        z = jnp.zeros((BN, 15), F32)
        as_ref[...] = jnp.concatenate([a2s, z], axis=1)
        ad_ref[...] = jnp.concatenate([a2d, z], axis=1)

    return pl.pallas_call(
        body,
        grid=grid,
        in_specs=[
            pl.BlockSpec((2, BN, 64), lambda i: (0, i, 0)),
            pl.BlockSpec((2, BN, 16), lambda i: (0, i, 0)),
            pl.BlockSpec((1, 64), lambda i: (0, 0)),
            pl.BlockSpec((64, D), lambda i: (0, 0)),
            pl.BlockSpec((1, D), lambda i: (0, 0)),
            pl.BlockSpec((1, D), lambda i: (0, 0)),
        ],
        out_specs=[
            pl.BlockSpec((BN, D), lambda i: (i, 0)),
            pl.BlockSpec((BN, 16), lambda i: (i, 0)),
            pl.BlockSpec((BN, 16), lambda i: (i, 0)),
        ],
        out_shape=[
            jax.ShapeDtypeStruct((N_PAD, D), F32),
            jax.ShapeDtypeStruct((N_PAD, 16), F32),
            jax.ShapeDtypeStruct((N_PAD, 16), F32),
        ],
    )(accp, denp, bias1, W2, att_s2, att_d2)


def _phase_e(accp, denp, bias2):
    BN = 1024
    grid = (N_PAD // BN,)

    def body(a_ref, dn_ref, b_ref, o_ref):
        acc = a_ref[0] + a_ref[1]
        den = dn_ref[0][:, :1] + dn_ref[1][:, :1]
        den = jnp.where(den == 0.0, 1.0, den)
        o_ref[...] = acc / den + b_ref[...]

    return pl.pallas_call(
        body,
        grid=grid,
        in_specs=[
            pl.BlockSpec((2, BN, D), lambda i: (0, i, 0)),
            pl.BlockSpec((2, BN, 16), lambda i: (0, i, 0)),
            pl.BlockSpec((1, D), lambda i: (0, 0)),
        ],
        out_specs=pl.BlockSpec((BN, D), lambda i: (i, 0)),
        out_shape=jax.ShapeDtypeStruct((N_PAD, D), F32),
    )(accp, denp, bias2)


_sweep1 = _make_edge_sweep(CHUNK1, NCH1, 64, tables_in_spmem=True, heads=8)
_sweep2 = _make_edge_sweep(CHUNK2, NCH2, 128, tables_in_spmem=False, heads=1)


@jax.jit
def kernel(x, edge_index, W1, att_src1, att_dst1, bias1, W2, att_src2,
           att_dst2, bias2):
    x_pad = jnp.pad(x, ((0, N_PAD - N), (0, 0)))
    loop = jnp.arange(N, dtype=edge_index.dtype)
    d1 = jnp.full((E_PAD1 - E_TOT,), N, dtype=edge_index.dtype)
    d2 = jnp.full((E_PAD2 - E_TOT,), N, dtype=edge_index.dtype)
    src1 = jnp.concatenate([edge_index[0], loop, d1])
    dst1 = jnp.concatenate([edge_index[1], loop, d1])
    src2 = jnp.concatenate([edge_index[0], loop, d2])
    dst2 = jnp.concatenate([edge_index[1], loop, d2])

    h1, a1s, a1d = _phase_a(x_pad, W1, att_src1.reshape(8, 8),
                            att_dst1.reshape(8, 8))
    acc1, den1 = _sweep1(src1, dst1, h1, a1s, a1d)
    h2, a2s, a2d = _phase_c(acc1, den1, bias1.reshape(1, 64), W2,
                            att_src2.reshape(1, D), att_dst2.reshape(1, D))
    acc2, den2 = _sweep2(src2, dst2, h2, a2s, a2d)
    out = _phase_e(acc2, den2, bias2.reshape(1, D))
    return out[:N]

# --- scband reference (transcript-rebuilt; emitter-appended) ---
"""Pipeline reference for scband-gatencoder-86981677679216 (READ-ONLY COPY).

The authoritative reference and input builder live on the scoring server;
editing this copy changes nothing except your own understanding.
"""

import jax, jax.numpy as jnp
import numpy as np

N_NODES = 10000
N_EDGES = 320000
D_FEAT = 128
OUT_CH = 128


def _gat_conv(x, edge_index, W, att_src, att_dst, bias, heads, out_ch, concat):
    # Faithful PyG GATConv (eval mode: dropout identity, add_self_loops=True)
    N = x.shape[0]
    loop = jnp.arange(N, dtype=edge_index.dtype)
    ei = jnp.concatenate([edge_index, jnp.stack([loop, loop], axis=0)], axis=1)
    src, dst = ei[0], ei[1]
    h = (x @ W).reshape(N, heads, out_ch)
    a_src = jnp.sum(h * att_src, axis=-1)  # [N, H]
    a_dst = jnp.sum(h * att_dst, axis=-1)  # [N, H]
    alpha = a_src[src] + a_dst[dst]        # [E, H]
    alpha = jax.nn.leaky_relu(alpha, negative_slope=0.2)
    amax = jax.ops.segment_max(alpha, dst, num_segments=N)
    amax = jax.lax.stop_gradient(jnp.where(jnp.isfinite(amax), amax, 0.0))
    ex = jnp.exp(alpha - amax[dst])
    denom = jax.ops.segment_sum(ex, dst, num_segments=N)
    attn = ex / (denom[dst] + 1e-16)       # softmax over incoming edges per dst
    msg = h[src] * attn[:, :, None]        # [E, H, C]
    out = jax.ops.segment_sum(msg, dst, num_segments=N)
    if concat:
        out = out.reshape(N, heads * out_ch)
    else:
        out = jnp.mean(out, axis=1)
    return out + bias


def setup_inputs(seed: int = 0):
    key = jax.random.key(seed)
    ks = jax.random.split(key, 10)
    x = jax.random.normal(ks[0], (N_NODES, D_FEAT), dtype=jnp.float32)
    edge_index = jax.random.randint(ks[1], (2, N_EDGES), 0, N_NODES, dtype=jnp.int32)
    W1 = jax.random.normal(ks[2], (D_FEAT, 8 * 8), dtype=jnp.float32) * (1.0 / np.sqrt(D_FEAT))
    att_src1 = jax.random.normal(ks[3], (1, 8, 8), dtype=jnp.float32) * 0.1
    att_dst1 = jax.random.normal(ks[4], (1, 8, 8), dtype=jnp.float32) * 0.1
    bias1 = jnp.zeros((8 * 8,), dtype=jnp.float32)
    W2 = jax.random.normal(ks[5], (8 * 8, OUT_CH), dtype=jnp.float32) * (1.0 / np.sqrt(8 * 8))
    att_src2 = jax.random.normal(ks[6], (1, 1, OUT_CH), dtype=jnp.float32) * 0.1
    att_dst2 = jax.random.normal(ks[7], (1, 1, OUT_CH), dtype=jnp.float32) * 0.1
    bias2 = jnp.zeros((OUT_CH,), dtype=jnp.float32)
    return {"x": x, "edge_index": edge_index, "W1": W1, "att_src1": att_src1,
            "att_dst1": att_dst1, "bias1": bias1, "W2": W2, "att_src2": att_src2,
            "att_dst2": att_dst2, "bias2": bias2}


def reference(x, edge_index, W1, att_src1, att_dst1, bias1, W2, att_src2, att_dst2, bias2):
    # eval mode: F.dropout(p=0.6) is identity
    h = _gat_conv(x, edge_index, W1, att_src1, att_dst1, bias1, heads=8, out_ch=8, concat=True)
    h = jax.nn.elu(h)
    out = _gat_conv(h, edge_index, W2, att_src2, att_dst2, bias2, heads=1, out_ch=OUT_CH, concat=False)
    return out

if __name__ == "__main__":
    import jax
    _d = setup_inputs()
    print(jax.jit(kernel)(*tuple(_d.values())))

</pallas_src>

<mosaic_0001>
#map = affine_map<(d0, d1) -> (0)>
#map1 = affine_map<(d0, d1) -> (0, 0)>
#map2 = affine_map<(d0, d1) -> (0, 0, 0)>
module attributes {stable_mosaic.version = 14 : i64} {
  func.func @body(%arg0: i32, %arg1: i32, %arg2: memref<331776xi32, #tpu.memory_space<hbm>>, %arg3: memref<331776xi32, #tpu.memory_space<hbm>>, %arg4: memref<10240x64xf32, #tpu.memory_space<hbm>>, %arg5: memref<10240x16xf32, #tpu.memory_space<hbm>>, %arg6: memref<10240x16xf32, #tpu.memory_space<hbm>>, %arg7: memref<2x10240x64xf32, #tpu.memory_space<hbm>>, %arg8: memref<2x10240x16xf32, #tpu.memory_space<hbm>>, %arg9: memref<10240x64xf32, #tpu.memory_space<vmem_shared>>, %arg10: memref<10240x16xf32, #tpu.memory_space<vmem_shared>>, %arg11: memref<10240x16xf32, #tpu.memory_space<vmem_shared>>, %arg12: memref<10240x64xf32, #tpu.memory_space<vmem_shared>>, %arg13: memref<10240x16xf32, #tpu.memory_space<vmem_shared>>, %arg14: memref<96xi32, #tpu.memory_space<vmem>>, %arg15: memref<96xi32, #tpu.memory_space<vmem>>, %arg16: memref<96xi32, #tpu.memory_space<vmem>>, %arg17: memref<96xi32, #tpu.memory_space<vmem>>, %arg18: memref<96x64xf32, #tpu.memory_space<vmem>>, %arg19: memref<96x64xf32, #tpu.memory_space<vmem>>, %arg20: memref<96x16xf32, #tpu.memory_space<vmem>>, %arg21: memref<96x16xf32, #tpu.memory_space<vmem>>, %arg22: memref<96x16xf32, #tpu.memory_space<vmem>>, %arg23: memref<!tpu.dma_semaphore, #tpu.memory_space<semaphore_mem>>, %arg24: memref<!tpu.dma_semaphore, #tpu.memory_space<semaphore_mem>>, %arg25: memref<!tpu.dma_semaphore, #tpu.memory_space<semaphore_mem>>) attributes {dimension_semantics = [#tpu.dimension_semantics<core_parallel>, #tpu.dimension_semantics<subcore_parallel>], iteration_bounds = array<i64: 2, 16>, scalar_prefetch = 0 : i64, scratch_operands = 17 : i64, tpu.core_type = #tpu.core_type<sc_vector_subcore>, window_params = [{transform_indices = #map}, {transform_indices = #map}, {transform_indices = #map1}, {transform_indices = #map1}, {transform_indices = #map1}, {transform_indices = #map2}, {transform_indices = #map2}]} {
    %mul3A = arith.constant 16 : i32
    %mul3A_0 = arith.muli %arg0, %mul3A : i32
    %add3A = arith.addi %mul3A_0, %arg1 : i32
    %mul3A_1 = arith.constant 640 : i32
    %mul3A_2 = arith.muli %arg1, %mul3A_1 : i32
    "tpu.region"() ({
      %run_scoped3A = tpu.sem_alloc : memref<!tpu.dma_semaphore, #tpu.memory_space<semaphore_mem>>
      %dma_start3A_65 = arith.constant 0 : i32
      %dma_start3A_66 = tpu.memref_slice %arg9[%mul3A_2, %dma_start3A_65] : memref<10240x64xf32, #tpu.memory_space<vmem_shared>> -> memref<640x64xf32, #tpu.memory_space<vmem_shared>>
      %dma_start3A_67 = arith.constant 0 : i32
      %dma_start3A_68 = tpu.memref_slice %arg4[%mul3A_2, %dma_start3A_67] : memref<10240x64xf32, #tpu.memory_space<hbm>> -> memref<640x64xf32, #tpu.memory_space<hbm>>
      tpu.enqueue_dma source(%dma_start3A_68 : memref<640x64xf32, #tpu.memory_space<hbm>>) target(%dma_start3A_66 : memref<640x64xf32, #tpu.memory_space<vmem_shared>>) target_semaphore(%run_scoped3A : memref<!tpu.dma_semaphore, #tpu.memory_space<semaphore_mem>>)
      %dma_wait3A = arith.constant 0 : i32
      %dma_wait3A_69 = tpu.memref_slice %arg9[%mul3A_2, %dma_wait3A] : memref<10240x64xf32, #tpu.memory_space<vmem_shared>> -> memref<640x64xf32, #tpu.memory_space<vmem_shared>>
      %dma_wait3A_70 = arith.constant 0 : i32
      %dma_wait3A_71 = tpu.memref_slice %arg4[%mul3A_2, %dma_wait3A_70] : memref<10240x64xf32, #tpu.memory_space<hbm>> -> memref<640x64xf32, #tpu.memory_space<hbm>>
      tpu.wait_dma2 semaphore(%run_scoped3A : memref<!tpu.dma_semaphore, #tpu.memory_space<semaphore_mem>>) src(%dma_wait3A_71 : memref<640x64xf32, #tpu.memory_space<hbm>>) dst(%dma_wait3A_69 : memref<640x64xf32, #tpu.memory_space<vmem_shared>>)
      tpu.yield
    }) : () -> ()
    "tpu.region"() ({
      %run_scoped3A = tpu.sem_alloc : memref<!tpu.dma_semaphore, #tpu.memory_space<semaphore_mem>>
      %dma_start3A_65 = arith.constant 0 : i32
      %dma_start3A_66 = tpu.memref_slice %arg10[%mul3A_2, %dma_start3A_65] : memref<10240x16xf32, #tpu.memory_space<vmem_shared>> -> memref<640x16xf32, #tpu.memory_space<vmem_shared>>
      %dma_start3A_67 = arith.constant 0 : i32
      %dma_start3A_68 = tpu.memref_slice %arg5[%mul3A_2, %dma_start3A_67] : memref<10240x16xf32, #tpu.memory_space<hbm>> -> memref<640x16xf32, #tpu.memory_space<hbm>>
      tpu.enqueue_dma source(%dma_start3A_68 : memref<640x16xf32, #tpu.memory_space<hbm>>) target(%dma_start3A_66 : memref<640x16xf32, #tpu.memory_space<vmem_shared>>) target_semaphore(%run_scoped3A : memref<!tpu.dma_semaphore, #tpu.memory_space<semaphore_mem>>)
      %dma_wait3A = arith.constant 0 : i32
      %dma_wait3A_69 = tpu.memref_slice %arg10[%mul3A_2, %dma_wait3A] : memref<10240x16xf32, #tpu.memory_space<vmem_shared>> -> memref<640x16xf32, #tpu.memory_space<vmem_shared>>
      %dma_wait3A_70 = arith.constant 0 : i32
      %dma_wait3A_71 = tpu.memref_slice %arg5[%mul3A_2, %dma_wait3A_70] : memref<10240x16xf32, #tpu.memory_space<hbm>> -> memref<640x16xf32, #tpu.memory_space<hbm>>
      tpu.wait_dma2 semaphore(%run_scoped3A : memref<!tpu.dma_semaphore, #tpu.memory_space<semaphore_mem>>) src(%dma_wait3A_71 : memref<640x16xf32, #tpu.memory_space<hbm>>) dst(%dma_wait3A_69 : memref<640x16xf32, #tpu.memory_space<vmem_shared>>)
      tpu.yield
    }) : () -> ()
    "tpu.region"() ({
      %run_scoped3A = tpu.sem_alloc : memref<!tpu.dma_semaphore, #tpu.memory_space<semaphore_mem>>
      %dma_start3A_65 = arith.constant 0 : i32
      %dma_start3A_66 = tpu.memref_slice %arg11[%mul3A_2, %dma_start3A_65] : memref<10240x16xf32, #tpu.memory_space<vmem_shared>> -> memref<640x16xf32, #tpu.memory_space<vmem_shared>>
      %dma_start3A_67 = arith.constant 0 : i32
      %dma_start3A_68 = tpu.memref_slice %arg6[%mul3A_2, %dma_start3A_67] : memref<10240x16xf32, #tpu.memory_space<hbm>> -> memref<640x16xf32, #tpu.memory_space<hbm>>
      tpu.enqueue_dma source(%dma_start3A_68 : memref<640x16xf32, #tpu.memory_space<hbm>>) target(%dma_start3A_66 : memref<640x16xf32, #tpu.memory_space<vmem_shared>>) target_semaphore(%run_scoped3A : memref<!tpu.dma_semaphore, #tpu.memory_space<semaphore_mem>>)
      %dma_wait3A = arith.constant 0 : i32
      %dma_wait3A_69 = tpu.memref_slice %arg11[%mul3A_2, %dma_wait3A] : memref<10240x16xf32, #tpu.memory_space<vmem_shared>> -> memref<640x16xf32, #tpu.memory_space<vmem_shared>>
      %dma_wait3A_70 = arith.constant 0 : i32
      %dma_wait3A_71 = tpu.memref_slice %arg6[%mul3A_2, %dma_wait3A_70] : memref<10240x16xf32, #tpu.memory_space<hbm>> -> memref<640x16xf32, #tpu.memory_space<hbm>>
      tpu.wait_dma2 semaphore(%run_scoped3A : memref<!tpu.dma_semaphore, #tpu.memory_space<semaphore_mem>>) src(%dma_wait3A_71 : memref<640x16xf32, #tpu.memory_space<hbm>>) dst(%dma_wait3A_69 : memref<640x16xf32, #tpu.memory_space<vmem_shared>>)
      tpu.yield
    }) : () -> ()
    %broadcast_in_dim3A = arith.constant 0.000000e+00 : f32
    %broadcast_in_dim3A_3 = vector.broadcast %broadcast_in_dim3A : f32 to vector<16xf32>
    %parallel_loop3A = arith.constant 0 : i32
    %parallel_loop3A_4 = arith.constant 96 : i32
    %parallel_loop3A_5 = arith.constant 1 : i32
    scf.for %parallel_loop3A_65 = %parallel_loop3A to %parallel_loop3A_4 step %parallel_loop3A_5  : i32 {
      %parallel_loop3A_66 = arith.index_cast %parallel_loop3A_65 : i32 to index
      %parallel_loop3A_67 = arith.constant 0 : index
      %parallel_loop3A_68 = tpu.vector_load %arg18[%parallel_loop3A_66, %parallel_loop3A_67] {strides = array<i32>} : memref<96x64xf32, #tpu.memory_space<vmem>>, vector<1x16xf32>,
      %parallel_loop3A_69 = vector.shape_cast %parallel_loop3A_68 : vector<1x16xf32> to vector<16xf32>
      %parallel_loop3A_70 = vector.shape_cast %broadcast_in_dim3A_3 : vector<16xf32> to vector<1x16xf32>
      tpu.vector_store %arg18[%parallel_loop3A_66, %parallel_loop3A_67], %parallel_loop3A_70 {strides = array<i32>} : memref<96x64xf32, #tpu.memory_space<vmem>>, vector<1x16xf32>,
      %parallel_loop3A_71 = arith.index_cast %parallel_loop3A_65 : i32 to index
      %parallel_loop3A_72 = arith.constant 16 : index
      %parallel_loop3A_73 = tpu.vector_load %arg18[%parallel_loop3A_71, %parallel_loop3A_72] {strides = array<i32>} : memref<96x64xf32, #tpu.memory_space<vmem>>, vector<1x16xf32>,
      %parallel_loop3A_74 = vector.shape_cast %parallel_loop3A_73 : vector<1x16xf32> to vector<16xf32>
      %parallel_loop3A_75 = vector.shape_cast %broadcast_in_dim3A_3 : vector<16xf32> to vector<1x16xf32>
      tpu.vector_store %arg18[%parallel_loop3A_71, %parallel_loop3A_72], %parallel_loop3A_75 {strides = array<i32>} : memref<96x64xf32, #tpu.memory_space<vmem>>, vector<1x16xf32>,
      %parallel_loop3A_76 = arith.index_cast %parallel_loop3A_65 : i32 to index
      %parallel_loop3A_77 = arith.constant 32 : index
      %parallel_loop3A_78 = tpu.vector_load %arg18[%parallel_loop3A_76, %parallel_loop3A_77] {strides = array<i32>} : memref<96x64xf32, #tpu.memory_space<vmem>>, vector<1x16xf32>,
      %parallel_loop3A_79 = vector.shape_cast %parallel_loop3A_78 : vector<1x16xf32> to vector<16xf32>
      %parallel_loop3A_80 = vector.shape_cast %broadcast_in_dim3A_3 : vector<16xf32> to vector<1x16xf32>
      tpu.vector_store %arg18[%parallel_loop3A_76, %parallel_loop3A_77], %parallel_loop3A_80 {strides = array<i32>} : memref<96x64xf32, #tpu.memory_space<vmem>>, vector<1x16xf32>,
      %parallel_loop3A_81 = arith.index_cast %parallel_loop3A_65 : i32 to index
      %parallel_loop3A_82 = arith.constant 48 : index
      %parallel_loop3A_83 = tpu.vector_load %arg18[%parallel_loop3A_81, %parallel_loop3A_82] {strides = array<i32>} : memref<96x64xf32, #tpu.memory_space<vmem>>, vector<1x16xf32>,
      %parallel_loop3A_84 = vector.shape_cast %parallel_loop3A_83 : vector<1x16xf32> to vector<16xf32>
      %parallel_loop3A_85 = vector.shape_cast %broadcast_in_dim3A_3 : vector<16xf32> to vector<1x16xf32>
      tpu.vector_store %arg18[%parallel_loop3A_81, %parallel_loop3A_82], %parallel_loop3A_85 {strides = array<i32>} : memref<96x64xf32, #tpu.memory_space<vmem>>, vector<1x16xf32>,
      %parallel_loop3A_86 = arith.index_cast %parallel_loop3A_65 : i32 to index
      %parallel_loop3A_87 = arith.constant 0 : index
      %parallel_loop3A_88 = tpu.vector_load %arg22[%parallel_loop3A_86, %parallel_loop3A_87] {strides = array<i32>} : memref<96x16xf32, #tpu.memory_space<vmem>>, vector<1x16xf32>,
      %parallel_loop3A_89 = vector.shape_cast %parallel_loop3A_88 : vector<1x16xf32> to vector<16xf32>
      %parallel_loop3A_90 = vector.shape_cast %broadcast_in_dim3A_3 : vector<16xf32> to vector<1x16xf32>
      tpu.vector_store %arg22[%parallel_loop3A_86, %parallel_loop3A_87], %parallel_loop3A_90 {strides = array<i32>} : memref<96x16xf32, #tpu.memory_space<vmem>>, vector<1x16xf32>,
    } {sc.loop_unroll_factor = 4 : i64, sc.parallel_access}
    %add3A_6 = arith.constant 0 : i32
    %add3A_7 = arith.addi %mul3A_2, %add3A_6 : i32
    "tpu.region"() ({
      %run_scoped3A = tpu.sem_alloc : memref<!tpu.dma_semaphore, #tpu.memory_space<semaphore_mem>>
      %dma_start3A_65 = arith.constant 0 : i32
      %dma_start3A_66 = arith.constant 0 : i32
      %dma_start3A_67 = tpu.memref_slice %arg18[%dma_start3A_65, %dma_start3A_66] : memref<96x64xf32, #tpu.memory_space<vmem>> -> memref<96x64xf32, #tpu.memory_space<vmem>>
      %dma_start3A_68 = arith.constant 0 : i32
      %dma_start3A_69 = tpu.memref_slice %arg12[%add3A_7, %dma_start3A_68] : memref<10240x64xf32, #tpu.memory_space<vmem_shared>> -> memref<96x64xf32, #tpu.memory_space<vmem_shared>>
      %dma_start3A_70 = arith.constant 0 : i32
      %dma_start3A_71 = tpu.memref_slice %arg12[%add3A_7, %dma_start3A_70] : memref<10240x64xf32, #tpu.memory_space<vmem_shared>> -> memref<96x64xf32, #tpu.memory_space<vmem_shared>>
      %dma_start3A_72 = arith.constant 0 : i32
      %dma_start3A_73 = arith.constant 0 : i32
      %dma_start3A_74 = tpu.memref_slice %arg18[%dma_start3A_72, %dma_start3A_73] : memref<96x64xf32, #tpu.memory_space<vmem>> -> memref<96x64xf32, #tpu.memory_space<vmem>>
      tpu.enqueue_dma source(%dma_start3A_74 : memref<96x64xf32, #tpu.memory_space<vmem>>) target(%dma_start3A_71 : memref<96x64xf32, #tpu.memory_space<vmem_shared>>) target_semaphore(%run_scoped3A : memref<!tpu.dma_semaphore, #tpu.memory_space<semaphore_mem>>)
      %dma_wait3A = arith.constant 0 : i32
      %dma_wait3A_75 = arith.constant 0 : i32
      %dma_wait3A_76 = tpu.memref_slice %arg18[%dma_wait3A, %dma_wait3A_75] : memref<96x64xf32, #tpu.memory_space<vmem>> -> memref<96x64xf32, #tpu.memory_space<vmem>>
      %dma_wait3A_77 = arith.constant 0 : i32
      %dma_wait3A_78 = tpu.memref_slice %arg12[%add3A_7, %dma_wait3A_77] : memref<10240x64xf32, #tpu.memory_space<vmem_shared>> -> memref<96x64xf32, #tpu.memory_space<vmem_shared>>
      %dma_wait3A_79 = arith.constant 0 : i32
      %dma_wait3A_80 = tpu.memref_slice %arg12[%add3A_7, %dma_wait3A_79] : memref<10240x64xf32, #tpu.memory_space<vmem_shared>> -> memref<96x64xf32, #tpu.memory_space<vmem_shared>>
      %dma_wait3A_81 = arith.constant 0 : i32
      %dma_wait3A_82 = arith.constant 0 : i32
      %dma_wait3A_83 = tpu.memref_slice %arg18[%dma_wait3A_81, %dma_wait3A_82] : memref<96x64xf32, #tpu.memory_space<vmem>> -> memref<96x64xf32, #tpu.memory_space<vmem>>
      tpu.wait_dma2 semaphore(%run_scoped3A : memref<!tpu.dma_semaphore, #tpu.memory_space<semaphore_mem>>) src(%dma_wait3A_83 : memref<96x64xf32, #tpu.memory_space<vmem>>) dst(%dma_wait3A_80 : memref<96x64xf32, #tpu.memory_space<vmem_shared>>)
      tpu.yield
    }) : () -> ()
    %add3A_8 = arith.constant 0 : i32
    %add3A_9 = arith.addi %mul3A_2, %add3A_8 : i32
    "tpu.region"() ({
      %run_scoped3A = tpu.sem_alloc : memref<!tpu.dma_semaphore, #tpu.memory_space<semaphore_mem>>
      %dma_start3A_65 = arith.constant 0 : i32
      %dma_start3A_66 = arith.constant 0 : i32
      %dma_start3A_67 = tpu.memref_slice %arg22[%dma_start3A_65, %dma_start3A_66] : memref<96x16xf32, #tpu.memory_space<vmem>> -> memref<96x16xf32, #tpu.memory_space<vmem>>
      %dma_start3A_68 = arith.constant 0 : i32
      %dma_start3A_69 = tpu.memref_slice %arg13[%add3A_9, %dma_start3A_68] : memref<10240x16xf32, #tpu.memory_space<vmem_shared>> -> memref<96x16xf32, #tpu.memory_space<vmem_shared>>
      %dma_start3A_70 = arith.constant 0 : i32
      %dma_start3A_71 = tpu.memref_slice %arg13[%add3A_9, %dma_start3A_70] : memref<10240x16xf32, #tpu.memory_space<vmem_shared>> -> memref<96x16xf32, #tpu.memory_space<vmem_shared>>
      %dma_start3A_72 = arith.constant 0 : i32
      %dma_start3A_73 = arith.constant 0 : i32
      %dma_start3A_74 = tpu.memref_slice %arg22[%dma_start3A_72, %dma_start3A_73] : memref<96x16xf32, #tpu.memory_space<vmem>> -> memref<96x16xf32, #tpu.memory_space<vmem>>
      tpu.enqueue_dma source(%dma_start3A_74 : memref<96x16xf32, #tpu.memory_space<vmem>>) target(%dma_start3A_71 : memref<96x16xf32, #tpu.memory_space<vmem_shared>>) target_semaphore(%run_scoped3A : memref<!tpu.dma_semaphore, #tpu.memory_space<semaphore_mem>>)
      %dma_wait3A = arith.constant 0 : i32
      %dma_wait3A_75 = arith.constant 0 : i32
      %dma_wait3A_76 = tpu.memref_slice %arg22[%dma_wait3A, %dma_wait3A_75] : memref<96x16xf32, #tpu.memory_space<vmem>> -> memref<96x16xf32, #tpu.memory_space<vmem>>
      %dma_wait3A_77 = arith.constant 0 : i32
      %dma_wait3A_78 = tpu.memref_slice %arg13[%add3A_9, %dma_wait3A_77] : memref<10240x16xf32, #tpu.memory_space<vmem_shared>> -> memref<96x16xf32, #tpu.memory_space<vmem_shared>>
      %dma_wait3A_79 = arith.constant 0 : i32
      %dma_wait3A_80 = tpu.memref_slice %arg13[%add3A_9, %dma_wait3A_79] : memref<10240x16xf32, #tpu.memory_space<vmem_shared>> -> memref<96x16xf32, #tpu.memory_space<vmem_shared>>
      %dma_wait3A_81 = arith.constant 0 : i32
      %dma_wait3A_82 = arith.constant 0 : i32
      %dma_wait3A_83 = tpu.memref_slice %arg22[%dma_wait3A_81, %dma_wait3A_82] : memref<96x16xf32, #tpu.memory_space<vmem>> -> memref<96x16xf32, #tpu.memory_space<vmem>>
      tpu.wait_dma2 semaphore(%run_scoped3A : memref<!tpu.dma_semaphore, #tpu.memory_space<semaphore_mem>>) src(%dma_wait3A_83 : memref<96x16xf32, #tpu.memory_space<vmem>>) dst(%dma_wait3A_80 : memref<96x16xf32, #tpu.memory_space<vmem_shared>>)
      tpu.yield
    }) : () -> ()
    %add3A_10 = arith.constant 96 : i32
    %add3A_11 = arith.addi %mul3A_2, %add3A_10 : i32
    "tpu.region"() ({
      %run_scoped3A = tpu.sem_alloc : memref<!tpu.dma_semaphore, #tpu.memory_space<semaphore_mem>>
      %dma_start3A_65 = arith.constant 0 : i32
      %dma_start3A_66 = arith.constant 0 : i32
      %dma_start3A_67 = tpu.memref_slice %arg18[%dma_start3A_65, %dma_start3A_66] : memref<96x64xf32, #tpu.memory_space<vmem>> -> memref<96x64xf32, #tpu.memory_space<vmem>>
      %dma_start3A_68 = arith.constant 0 : i32
      %dma_start3A_69 = tpu.memref_slice %arg12[%add3A_11, %dma_start3A_68] : memref<10240x64xf32, #tpu.memory_space<vmem_shared>> -> memref<96x64xf32, #tpu.memory_space<vmem_shared>>
      %dma_start3A_70 = arith.constant 0 : i32
      %dma_start3A_71 = tpu.memref_slice %arg12[%add3A_11, %dma_start3A_70] : memref<10240x64xf32, #tpu.memory_space<vmem_shared>> -> memref<96x64xf32, #tpu.memory_space<vmem_shared>>
      %dma_start3A_72 = arith.constant 0 : i32
      %dma_start3A_73 = arith.constant 0 : i32
      %dma_start3A_74 = tpu.memref_slice %arg18[%dma_start3A_72, %dma_start3A_73] : memref<96x64xf32, #tpu.memory_space<vmem>> -> memref<96x64xf32, #tpu.memory_space<vmem>>
      tpu.enqueue_dma source(%dma_start3A_74 : memref<96x64xf32, #tpu.memory_space<vmem>>) target(%dma_start3A_71 : memref<96x64xf32, #tpu.memory_space<vmem_shared>>) target_semaphore(%run_scoped3A : memref<!tpu.dma_semaphore, #tpu.memory_space<semaphore_mem>>)
      %dma_wait3A = arith.constant 0 : i32
      %dma_wait3A_75 = arith.constant 0 : i32
      %dma_wait3A_76 = tpu.memref_slice %arg18[%dma_wait3A, %dma_wait3A_75] : memref<96x64xf32, #tpu.memory_space<vmem>> -> memref<96x64xf32, #tpu.memory_space<vmem>>
      %dma_wait3A_77 = arith.constant 0 : i32
      %dma_wait3A_78 = tpu.memref_slice %arg12[%add3A_11, %dma_wait3A_77] : memref<10240x64xf32, #tpu.memory_space<vmem_shared>> -> memref<96x64xf32, #tpu.memory_space<vmem_shared>>
      %dma_wait3A_79 = arith.constant 0 : i32
      %dma_wait3A_80 = tpu.memref_slice %arg12[%add3A_11, %dma_wait3A_79] : memref<10240x64xf32, #tpu.memory_space<vmem_shared>> -> memref<96x64xf32, #tpu.memory_space<vmem_shared>>
      %dma_wait3A_81 = arith.constant 0 : i32
      %dma_wait3A_82 = arith.constant 0 : i32
      %dma_wait3A_83 = tpu.memref_slice %arg18[%dma_wait3A_81, %dma_wait3A_82] : memref<96x64xf32, #tpu.memory_space<vmem>> -> memref<96x64xf32, #tpu.memory_space<vmem>>
      tpu.wait_dma2 semaphore(%run_scoped3A : memref<!tpu.dma_semaphore, #tpu.memory_space<semaphore_mem>>) src(%dma_wait3A_83 : memref<96x64xf32, #tpu.memory_space<vmem>>) dst(%dma_wait3A_80 : memref<96x64xf32, #tpu.memory_space<vmem_shared>>)
      tpu.yield
    }) : () -> ()
    %add3A_12 = arith.constant 96 : i32
    %add3A_13 = arith.addi %mul3A_2, %add3A_12 : i32
    "tpu.region"() ({
      %run_scoped3A = tpu.sem_alloc : memref<!tpu.dma_semaphore, #tpu.memory_space<semaphore_mem>>
      %dma_start3A_65 = arith.constant 0 : i32
      %dma_start3A_66 = arith.constant 0 : i32
      %dma_start3A_67 = tpu.memref_slice %arg22[%dma_start3A_65, %dma_start3A_66] : memref<96x16xf32, #tpu.memory_space<vmem>> -> memref<96x16xf32, #tpu.memory_space<vmem>>
      %dma_start3A_68 = arith.constant 0 : i32
      %dma_start3A_69 = tpu.memref_slice %arg13[%add3A_13, %dma_start3A_68] : memref<10240x16xf32, #tpu.memory_space<vmem_shared>> -> memref<96x16xf32, #tpu.memory_space<vmem_shared>>
      %dma_start3A_70 = arith.constant 0 : i32
      %dma_start3A_71 = tpu.memref_slice %arg13[%add3A_13, %dma_start3A_70] : memref<10240x16xf32, #tpu.memory_space<vmem_shared>> -> memref<96x16xf32, #tpu.memory_space<vmem_shared>>
      %dma_start3A_72 = arith.constant 0 : i32
      %dma_start3A_73 = arith.constant 0 : i32
      %dma_start3A_74 = tpu.memref_slice %arg22[%dma_start3A_72, %dma_start3A_73] : memref<96x16xf32, #tpu.memory_space<vmem>> -> memref<96x16xf32, #tpu.memory_space<vmem>>
      tpu.enqueue_dma source(%dma_start3A_74 : memref<96x16xf32, #tpu.memory_space<vmem>>) target(%dma_start3A_71 : memref<96x16xf32, #tpu.memory_space<vmem_shared>>) target_semaphore(%run_scoped3A : memref<!tpu.dma_semaphore, #tpu.memory_space<semaphore_mem>>)
      %dma_wait3A = arith.constant 0 : i32
      %dma_wait3A_75 = arith.constant 0 : i32
      %dma_wait3A_76 = tpu.memref_slice %arg22[%dma_wait3A, %dma_wait3A_75] : memref<96x16xf32, #tpu.memory_space<vmem>> -> memref<96x16xf32, #tpu.memory_space<vmem>>
      %dma_wait3A_77 = arith.constant 0 : i32
      %dma_wait3A_78 = tpu.memref_slice %arg13[%add3A_13, %dma_wait3A_77] : memref<10240x16xf32, #tpu.memory_space<vmem_shared>> -> memref<96x16xf32, #tpu.memory_space<vmem_shared>>
      %dma_wait3A_79 = arith.constant 0 : i32
      %dma_wait3A_80 = tpu.memref_slice %arg13[%add3A_13, %dma_wait3A_79] : memref<10240x16xf32, #tpu.memory_space<vmem_shared>> -> memref<96x16xf32, #tpu.memory_space<vmem_shared>>
      %dma_wait3A_81 = arith.constant 0 : i32
      %dma_wait3A_82 = arith.constant 0 : i32
      %dma_wait3A_83 = tpu.memref_slice %arg22[%dma_wait3A_81, %dma_wait3A_82] : memref<96x16xf32, #tpu.memory_space<vmem>> -> memref<96x16xf32, #tpu.memory_space<vmem>>
      tpu.wait_dma2 semaphore(%run_scoped3A : memref<!tpu.dma_semaphore, #tpu.memory_space<semaphore_mem>>) src(%dma_wait3A_83 : memref<96x16xf32, #tpu.memory_space<vmem>>) dst(%dma_wait3A_80 : memref<96x16xf32, #tpu.memory_space<vmem_shared>>)
      tpu.yield
    }) : () -> ()
    %add3A_14 = arith.constant 192 : i32
    %add3A_15 = arith.addi %mul3A_2, %add3A_14 : i32
    "tpu.region"() ({
      %run_scoped3A = tpu.sem_alloc : memref<!tpu.dma_semaphore, #tpu.memory_space<semaphore_mem>>
      %dma_start3A_65 = arith.constant 0 : i32
      %dma_start3A_66 = arith.constant 0 : i32
      %dma_start3A_67 = tpu.memref_slice %arg18[%dma_start3A_65, %dma_start3A_66] : memref<96x64xf32, #tpu.memory_space<vmem>> -> memref<96x64xf32, #tpu.memory_space<vmem>>
      %dma_start3A_68 = arith.constant 0 : i32
      %dma_start3A_69 = tpu.memref_slice %arg12[%add3A_15, %dma_start3A_68] : memref<10240x64xf32, #tpu.memory_space<vmem_shared>> -> memref<96x64xf32, #tpu.memory_space<vmem_shared>>
      %dma_start3A_70 = arith.constant 0 : i32
      %dma_start3A_71 = tpu.memref_slice %arg12[%add3A_15, %dma_start3A_70] : memref<10240x64xf32, #tpu.memory_space<vmem_shared>> -> memref<96x64xf32, #tpu.memory_space<vmem_shared>>
      %dma_start3A_72 = arith.constant 0 : i32
      %dma_start3A_73 = arith.constant 0 : i32
      %dma_start3A_74 = tpu.memref_slice %arg18[%dma_start3A_72, %dma_start3A_73] : memref<96x64xf32, #tpu.memory_space<vmem>> -> memref<96x64xf32, #tpu.memory_space<vmem>>
      tpu.enqueue_dma source(%dma_start3A_74 : memref<96x64xf32, #tpu.memory_space<vmem>>) target(%dma_start3A_71 : memref<96x64xf32, #tpu.memory_space<vmem_shared>>) target_semaphore(%run_scoped3A : memref<!tpu.dma_semaphore, #tpu.memory_space<semaphore_mem>>)
      %dma_wait3A = arith.constant 0 : i32
      %dma_wait3A_75 = arith.constant 0 : i32
      %dma_wait3A_76 = tpu.memref_slice %arg18[%dma_wait3A, %dma_wait3A_75] : memref<96x64xf32, #tpu.memory_space<vmem>> -> memref<96x64xf32, #tpu.memory_space<vmem>>
      %dma_wait3A_77 = arith.constant 0 : i32
      %dma_wait3A_78 = tpu.memref_slice %arg12[%add3A_15, %dma_wait3A_77] : memref<10240x64xf32, #tpu.memory_space<vmem_shared>> -> memref<96x64xf32, #tpu.memory_space<vmem_shared>>
      %dma_wait3A_79 = arith.constant 0 : i32
      %dma_wait3A_80 = tpu.memref_slice %arg12[%add3A_15, %dma_wait3A_79] : memref<10240x64xf32, #tpu.memory_space<vmem_shared>> -> memref<96x64xf32, #tpu.memory_space<vmem_shared>>
      %dma_wait3A_81 = arith.constant 0 : i32
      %dma_wait3A_82 = arith.constant 0 : i32
      %dma_wait3A_83 = tpu.memref_slice %arg18[%dma_wait3A_81, %dma_wait3A_82] : memref<96x64xf32, #tpu.memory_space<vmem>> -> memref<96x64xf32, #tpu.memory_space<vmem>>
      tpu.wait_dma2 semaphore(%run_scoped3A : memref<!tpu.dma_semaphore, #tpu.memory_space<semaphore_mem>>) src(%dma_wait3A_83 : memref<96x64xf32, #tpu.memory_space<vmem>>) dst(%dma_wait3A_80 : memref<96x64xf32, #tpu.memory_space<vmem_shared>>)
      tpu.yield
    }) : () -> ()
    %add3A_16 = arith.constant 192 : i32
    %add3A_17 = arith.addi %mul3A_2, %add3A_16 : i32
    "tpu.region"() ({
      %run_scoped3A = tpu.sem_alloc : memref<!tpu.dma_semaphore, #tpu.memory_space<semaphore_mem>>
      %dma_start3A_65 = arith.constant 0 : i32
      %dma_start3A_66 = arith.constant 0 : i32
      %dma_start3A_67 = tpu.memref_slice %arg22[%dma_start3A_65, %dma_start3A_66] : memref<96x16xf32, #tpu.memory_space<vmem>> -> memref<96x16xf32, #tpu.memory_space<vmem>>
      %dma_start3A_68 = arith.constant 0 : i32
      %dma_start3A_69 = tpu.memref_slice %arg13[%add3A_17, %dma_start3A_68] : memref<10240x16xf32, #tpu.memory_space<vmem_shared>> -> memref<96x16xf32, #tpu.memory_space<vmem_shared>>
      %dma_start3A_70 = arith.constant 0 : i32
      %dma_start3A_71 = tpu.memref_slice %arg13[%add3A_17, %dma_start3A_70] : memref<10240x16xf32, #tpu.memory_space<vmem_shared>> -> memref<96x16xf32, #tpu.memory_space<vmem_shared>>
      %dma_start3A_72 = arith.constant 0 : i32
      %dma_start3A_73 = arith.constant 0 : i32
      %dma_start3A_74 = tpu.memref_slice %arg22[%dma_start3A_72, %dma_start3A_73] : memref<96x16xf32, #tpu.memory_space<vmem>> -> memref<96x16xf32, #tpu.memory_space<vmem>>
      tpu.enqueue_dma source(%dma_start3A_74 : memref<96x16xf32, #tpu.memory_space<vmem>>) target(%dma_start3A_71 : memref<96x16xf32, #tpu.memory_space<vmem_shared>>) target_semaphore(%run_scoped3A : memref<!tpu.dma_semaphore, #tpu.memory_space<semaphore_mem>>)
      %dma_wait3A = arith.constant 0 : i32
      %dma_wait3A_75 = arith.constant 0 : i32
      %dma_wait3A_76 = tpu.memref_slice %arg22[%dma_wait3A, %dma_wait3A_75] : memref<96x16xf32, #tpu.memory_space<vmem>> -> memref<96x16xf32, #tpu.memory_space<vmem>>
      %dma_wait3A_77 = arith.constant 0 : i32
      %dma_wait3A_78 = tpu.memref_slice %arg13[%add3A_17, %dma_wait3A_77] : memref<10240x16xf32, #tpu.memory_space<vmem_shared>> -> memref<96x16xf32, #tpu.memory_space<vmem_shared>>
      %dma_wait3A_79 = arith.constant 0 : i32
      %dma_wait3A_80 = tpu.memref_slice %arg13[%add3A_17, %dma_wait3A_79] : memref<10240x16xf32, #tpu.memory_space<vmem_shared>> -> memref<96x16xf32, #tpu.memory_space<vmem_shared>>
      %dma_wait3A_81 = arith.constant 0 : i32
      %dma_wait3A_82 = arith.constant 0 : i32
      %dma_wait3A_83 = tpu.memref_slice %arg22[%dma_wait3A_81, %dma_wait3A_82] : memref<96x16xf32, #tpu.memory_space<vmem>> -> memref<96x16xf32, #tpu.memory_space<vmem>>
      tpu.wait_dma2 semaphore(%run_scoped3A : memref<!tpu.dma_semaphore, #tpu.memory_space<semaphore_mem>>) src(%dma_wait3A_83 : memref<96x16xf32, #tpu.memory_space<vmem>>) dst(%dma_wait3A_80 : memref<96x16xf32, #tpu.memory_space<vmem_shared>>)
      tpu.yield
    }) : () -> ()
    %add3A_18 = arith.constant 288 : i32
    %add3A_19 = arith.addi %mul3A_2, %add3A_18 : i32
    "tpu.region"() ({
      %run_scoped3A = tpu.sem_alloc : memref<!tpu.dma_semaphore, #tpu.memory_space<semaphore_mem>>
      %dma_start3A_65 = arith.constant 0 : i32
      %dma_start3A_66 = arith.constant 0 : i32
      %dma_start3A_67 = tpu.memref_slice %arg18[%dma_start3A_65, %dma_start3A_66] : memref<96x64xf32, #tpu.memory_space<vmem>> -> memref<96x64xf32, #tpu.memory_space<vmem>>
      %dma_start3A_68 = arith.constant 0 : i32
      %dma_start3A_69 = tpu.memref_slice %arg12[%add3A_19, %dma_start3A_68] : memref<10240x64xf32, #tpu.memory_space<vmem_shared>> -> memref<96x64xf32, #tpu.memory_space<vmem_shared>>
      %dma_start3A_70 = arith.constant 0 : i32
      %dma_start3A_71 = tpu.memref_slice %arg12[%add3A_19, %dma_start3A_70] : memref<10240x64xf32, #tpu.memory_space<vmem_shared>> -> memref<96x64xf32, #tpu.memory_space<vmem_shared>>
      %dma_start3A_72 = arith.constant 0 : i32
      %dma_start3A_73 = arith.constant 0 : i32
      %dma_start3A_74 = tpu.memref_slice %arg18[%dma_start3A_72, %dma_start3A_73] : memref<96x64xf32, #tpu.memory_space<vmem>> -> memref<96x64xf32, #tpu.memory_space<vmem>>
      tpu.enqueue_dma source(%dma_start3A_74 : memref<96x64xf32, #tpu.memory_space<vmem>>) target(%dma_start3A_71 : memref<96x64xf32, #tpu.memory_space<vmem_shared>>) target_semaphore(%run_scoped3A : memref<!tpu.dma_semaphore, #tpu.memory_space<semaphore_mem>>)
      %dma_wait3A = arith.constant 0 : i32
      %dma_wait3A_75 = arith.constant 0 : i32
      %dma_wait3A_76 = tpu.memref_slice %arg18[%dma_wait3A, %dma_wait3A_75] : memref<96x64xf32, #tpu.memory_space<vmem>> -> memref<96x64xf32, #tpu.memory_space<vmem>>
      %dma_wait3A_77 = arith.constant 0 : i32
      %dma_wait3A_78 = tpu.memref_slice %arg12[%add3A_19, %dma_wait3A_77] : memref<10240x64xf32, #tpu.memory_space<vmem_shared>> -> memref<96x64xf32, #tpu.memory_space<vmem_shared>>
      %dma_wait3A_79 = arith.constant 0 : i32
      %dma_wait3A_80 = tpu.memref_slice %arg12[%add3A_19, %dma_wait3A_79] : memref<10240x64xf32, #tpu.memory_space<vmem_shared>> -> memref<96x64xf32, #tpu.memory_space<vmem_shared>>
      %dma_wait3A_81 = arith.constant 0 : i32
      %dma_wait3A_82 = arith.constant 0 : i32
      %dma_wait3A_83 = tpu.memref_slice %arg18[%dma_wait3A_81, %dma_wait3A_82] : memref<96x64xf32, #tpu.memory_space<vmem>> -> memref<96x64xf32, #tpu.memory_space<vmem>>
      tpu.wait_dma2 semaphore(%run_scoped3A : memref<!tpu.dma_semaphore, #tpu.memory_space<semaphore_mem>>) src(%dma_wait3A_83 : memref<96x64xf32, #tpu.memory_space<vmem>>) dst(%dma_wait3A_80 : memref<96x64xf32, #tpu.memory_space<vmem_shared>>)
      tpu.yield
    }) : () -> ()
    %add3A_20 = arith.constant 288 : i32
    %add3A_21 = arith.addi %mul3A_2, %add3A_20 : i32
    "tpu.region"() ({
      %run_scoped3A = tpu.sem_alloc : memref<!tpu.dma_semaphore, #tpu.memory_space<semaphore_mem>>
      %dma_start3A_65 = arith.constant 0 : i32
      %dma_start3A_66 = arith.constant 0 : i32
      %dma_start3A_67 = tpu.memref_slice %arg22[%dma_start3A_65, %dma_start3A_66] : memref<96x16xf32, #tpu.memory_space<vmem>> -> memref<96x16xf32, #tpu.memory_space<vmem>>
      %dma_start3A_68 = arith.constant 0 : i32
      %dma_start3A_69 = tpu.memref_slice %arg13[%add3A_21, %dma_start3A_68] : memref<10240x16xf32, #tpu.memory_space<vmem_shared>> -> memref<96x16xf32, #tpu.memory_space<vmem_shared>>
      %dma_start3A_70 = arith.constant 0 : i32
      %dma_start3A_71 = tpu.memref_slice %arg13[%add3A_21, %dma_start3A_70] : memref<10240x16xf32, #tpu.memory_space<vmem_shared>> -> memref<96x16xf32, #tpu.memory_space<vmem_shared>>
      %dma_start3A_72 = arith.constant 0 : i32
      %dma_start3A_73 = arith.constant 0 : i32
      %dma_start3A_74 = tpu.memref_slice %arg22[%dma_start3A_72, %dma_start3A_73] : memref<96x16xf32, #tpu.memory_space<vmem>> -> memref<96x16xf32, #tpu.memory_space<vmem>>
      tpu.enqueue_dma source(%dma_start3A_74 : memref<96x16xf32, #tpu.memory_space<vmem>>) target(%dma_start3A_71 : memref<96x16xf32, #tpu.memory_space<vmem_shared>>) target_semaphore(%run_scoped3A : memref<!tpu.dma_semaphore, #tpu.memory_space<semaphore_mem>>)
      %dma_wait3A = arith.constant 0 : i32
      %dma_wait3A_75 = arith.constant 0 : i32
      %dma_wait3A_76 = tpu.memref_slice %arg22[%dma_wait3A, %dma_wait3A_75] : memref<96x16xf32, #tpu.memory_space<vmem>> -> memref<96x16xf32, #tpu.memory_space<vmem>>
      %dma_wait3A_77 = arith.constant 0 : i32
      %dma_wait3A_78 = tpu.memref_slice %arg13[%add3A_21, %dma_wait3A_77] : memref<10240x16xf32, #tpu.memory_space<vmem_shared>> -> memref<96x16xf32, #tpu.memory_space<vmem_shared>>
      %dma_wait3A_79 = arith.constant 0 : i32
      %dma_wait3A_80 = tpu.memref_slice %arg13[%add3A_21, %dma_wait3A_79] : memref<10240x16xf32, #tpu.memory_space<vmem_shared>> -> memref<96x16xf32, #tpu.memory_space<vmem_shared>>
      %dma_wait3A_81 = arith.constant 0 : i32
      %dma_wait3A_82 = arith.constant 0 : i32
      %dma_wait3A_83 = tpu.memref_slice %arg22[%dma_wait3A_81, %dma_wait3A_82] : memref<96x16xf32, #tpu.memory_space<vmem>> -> memref<96x16xf32, #tpu.memory_space<vmem>>
      tpu.wait_dma2 semaphore(%run_scoped3A : memref<!tpu.dma_semaphore, #tpu.memory_space<semaphore_mem>>) src(%dma_wait3A_83 : memref<96x16xf32, #tpu.memory_space<vmem>>) dst(%dma_wait3A_80 : memref<96x16xf32, #tpu.memory_space<vmem_shared>>)
      tpu.yield
    }) : () -> ()
    %add3A_22 = arith.constant 384 : i32
    %add3A_23 = arith.addi %mul3A_2, %add3A_22 : i32
    "tpu.region"() ({
      %run_scoped3A = tpu.sem_alloc : memref<!tpu.dma_semaphore, #tpu.memory_space<semaphore_mem>>
      %dma_start3A_65 = arith.constant 0 : i32
      %dma_start3A_66 = arith.constant 0 : i32
      %dma_start3A_67 = tpu.memref_slice %arg18[%dma_start3A_65, %dma_start3A_66] : memref<96x64xf32, #tpu.memory_space<vmem>> -> memref<96x64xf32, #tpu.memory_space<vmem>>
      %dma_start3A_68 = arith.constant 0 : i32
      %dma_start3A_69 = tpu.memref_slice %arg12[%add3A_23, %dma_start3A_68] : memref<10240x64xf32, #tpu.memory_space<vmem_shared>> -> memref<96x64xf32, #tpu.memory_space<vmem_shared>>
      %dma_start3A_70 = arith.constant 0 : i32
      %dma_start3A_71 = tpu.memref_slice %arg12[%add3A_23, %dma_start3A_70] : memref<10240x64xf32, #tpu.memory_space<vmem_shared>> -> memref<96x64xf32, #tpu.memory_space<vmem_shared>>
      %dma_start3A_72 = arith.constant 0 : i32
      %dma_start3A_73 = arith.constant 0 : i32
      %dma_start3A_74 = tpu.memref_slice %arg18[%dma_start3A_72, %dma_start3A_73] : memref<96x64xf32, #tpu.memory_space<vmem>> -> memref<96x64xf32, #tpu.memory_space<vmem>>
      tpu.enqueue_dma source(%dma_start3A_74 : memref<96x64xf32, #tpu.memory_space<vmem>>) target(%dma_start3A_71 : memref<96x64xf32, #tpu.memory_space<vmem_shared>>) target_semaphore(%run_scoped3A : memref<!tpu.dma_semaphore, #tpu.memory_space<semaphore_mem>>)
      %dma_wait3A = arith.constant 0 : i32
      %dma_wait3A_75 = arith.constant 0 : i32
      %dma_wait3A_76 = tpu.memref_slice %arg18[%dma_wait3A, %dma_wait3A_75] : memref<96x64xf32, #tpu.memory_space<vmem>> -> memref<96x64xf32, #tpu.memory_space<vmem>>
      %dma_wait3A_77 = arith.constant 0 : i32
      %dma_wait3A_78 = tpu.memref_slice %arg12[%add3A_23, %dma_wait3A_77] : memref<10240x64xf32, #tpu.memory_space<vmem_shared>> -> memref<96x64xf32, #tpu.memory_space<vmem_shared>>
      %dma_wait3A_79 = arith.constant 0 : i32
      %dma_wait3A_80 = tpu.memref_slice %arg12[%add3A_23, %dma_wait3A_79] : memref<10240x64xf32, #tpu.memory_space<vmem_shared>> -> memref<96x64xf32, #tpu.memory_space<vmem_shared>>
      %dma_wait3A_81 = arith.constant 0 : i32
      %dma_wait3A_82 = arith.constant 0 : i32
      %dma_wait3A_83 = tpu.memref_slice %arg18[%dma_wait3A_81, %dma_wait3A_82] : memref<96x64xf32, #tpu.memory_space<vmem>> -> memref<96x64xf32, #tpu.memory_space<vmem>>
      tpu.wait_dma2 semaphore(%run_scoped3A : memref<!tpu.dma_semaphore, #tpu.memory_space<semaphore_mem>>) src(%dma_wait3A_83 : memref<96x64xf32, #tpu.memory_space<vmem>>) dst(%dma_wait3A_80 : memref<96x64xf32, #tpu.memory_space<vmem_shared>>)
      tpu.yield
    }) : () -> ()
    %add3A_24 = arith.constant 384 : i32
    %add3A_25 = arith.addi %mul3A_2, %add3A_24 : i32
    "tpu.region"() ({
      %run_scoped3A = tpu.sem_alloc : memref<!tpu.dma_semaphore, #tpu.memory_space<semaphore_mem>>
      %dma_start3A_65 = arith.constant 0 : i32
      %dma_start3A_66 = arith.constant 0 : i32
      %dma_start3A_67 = tpu.memref_slice %arg22[%dma_start3A_65, %dma_start3A_66] : memref<96x16xf32, #tpu.memory_space<vmem>> -> memref<96x16xf32, #tpu.memory_space<vmem>>
      %dma_start3A_68 = arith.constant 0 : i32
      %dma_start3A_69 = tpu.memref_slice %arg13[%add3A_25, %dma_start3A_68] : memref<10240x16xf32, #tpu.memory_space<vmem_shared>> -> memref<96x16xf32, #tpu.memory_space<vmem_shared>>
      %dma_start3A_70 = arith.constant 0 : i32
      %dma_start3A_71 = tpu.memref_slice %arg13[%add3A_25, %dma_start3A_70] : memref<10240x16xf32, #tpu.memory_space<vmem_shared>> -> memref<96x16xf32, #tpu.memory_space<vmem_shared>>
      %dma_start3A_72 = arith.constant 0 : i32
      %dma_start3A_73 = arith.constant 0 : i32
      %dma_start3A_74 = tpu.memref_slice %arg22[%dma_start3A_72, %dma_start3A_73] : memref<96x16xf32, #tpu.memory_space<vmem>> -> memref<96x16xf32, #tpu.memory_space<vmem>>
      tpu.enqueue_dma source(%dma_start3A_74 : memref<96x16xf32, #tpu.memory_space<vmem>>) target(%dma_start3A_71 : memref<96x16xf32, #tpu.memory_space<vmem_shared>>) target_semaphore(%run_scoped3A : memref<!tpu.dma_semaphore, #tpu.memory_space<semaphore_mem>>)
      %dma_wait3A = arith.constant 0 : i32
      %dma_wait3A_75 = arith.constant 0 : i32
      %dma_wait3A_76 = tpu.memref_slice %arg22[%dma_wait3A, %dma_wait3A_75] : memref<96x16xf32, #tpu.memory_space<vmem>> -> memref<96x16xf32, #tpu.memory_space<vmem>>
      %dma_wait3A_77 = arith.constant 0 : i32
      %dma_wait3A_78 = tpu.memref_slice %arg13[%add3A_25, %dma_wait3A_77] : memref<10240x16xf32, #tpu.memory_space<vmem_shared>> -> memref<96x16xf32, #tpu.memory_space<vmem_shared>>
      %dma_wait3A_79 = arith.constant 0 : i32
      %dma_wait3A_80 = tpu.memref_slice %arg13[%add3A_25, %dma_wait3A_79] : memref<10240x16xf32, #tpu.memory_space<vmem_shared>> -> memref<96x16xf32, #tpu.memory_space<vmem_shared>>
      %dma_wait3A_81 = arith.constant 0 : i32
      %dma_wait3A_82 = arith.constant 0 : i32
      %dma_wait3A_83 = tpu.memref_slice %arg22[%dma_wait3A_81, %dma_wait3A_82] : memref<96x16xf32, #tpu.memory_space<vmem>> -> memref<96x16xf32, #tpu.memory_space<vmem>>
      tpu.wait_dma2 semaphore(%run_scoped3A : memref<!tpu.dma_semaphore, #tpu.memory_space<semaphore_mem>>) src(%dma_wait3A_83 : memref<96x16xf32, #tpu.memory_space<vmem>>) dst(%dma_wait3A_80 : memref<96x16xf32, #tpu.memory_space<vmem_shared>>)
      tpu.yield
    }) : () -> ()
    %add3A_26 = arith.constant 480 : i32
    %add3A_27 = arith.addi %mul3A_2, %add3A_26 : i32
    "tpu.region"() ({
      %run_scoped3A = tpu.sem_alloc : memref<!tpu.dma_semaphore, #tpu.memory_space<semaphore_mem>>
      %dma_start3A_65 = arith.constant 0 : i32
      %dma_start3A_66 = arith.constant 0 : i32
      %dma_start3A_67 = tpu.memref_slice %arg18[%dma_start3A_65, %dma_start3A_66] : memref<96x64xf32, #tpu.memory_space<vmem>> -> memref<96x64xf32, #tpu.memory_space<vmem>>
      %dma_start3A_68 = arith.constant 0 : i32
      %dma_start3A_69 = tpu.memref_slice %arg12[%add3A_27, %dma_start3A_68] : memref<10240x64xf32, #tpu.memory_space<vmem_shared>> -> memref<96x64xf32, #tpu.memory_space<vmem_shared>>
      %dma_start3A_70 = arith.constant 0 : i32
      %dma_start3A_71 = tpu.memref_slice %arg12[%add3A_27, %dma_start3A_70] : memref<10240x64xf32, #tpu.memory_space<vmem_shared>> -> memref<96x64xf32, #tpu.memory_space<vmem_shared>>
      %dma_start3A_72 = arith.constant 0 : i32
      %dma_start3A_73 = arith.constant 0 : i32
      %dma_start3A_74 = tpu.memref_slice %arg18[%dma_start3A_72, %dma_start3A_73] : memref<96x64xf32, #tpu.memory_space<vmem>> -> memref<96x64xf32, #tpu.memory_space<vmem>>
      tpu.enqueue_dma source(%dma_start3A_74 : memref<96x64xf32, #tpu.memory_space<vmem>>) target(%dma_start3A_71 : memref<96x64xf32, #tpu.memory_space<vmem_shared>>) target_semaphore(%run_scoped3A : memref<!tpu.dma_semaphore, #tpu.memory_space<semaphore_mem>>)
      %dma_wait3A = arith.constant 0 : i32
      %dma_wait3A_75 = arith.constant 0 : i32
      %dma_wait3A_76 = tpu.memref_slice %arg18[%dma_wait3A, %dma_wait3A_75] : memref<96x64xf32, #tpu.memory_space<vmem>> -> memref<96x64xf32, #tpu.memory_space<vmem>>
      %dma_wait3A_77 = arith.constant 0 : i32
      %dma_wait3A_78 = tpu.memref_slice %arg12[%add3A_27, %dma_wait3A_77] : memref<10240x64xf32, #tpu.memory_space<vmem_shared>> -> memref<96x64xf32, #tpu.memory_space<vmem_shared>>
      %dma_wait3A_79 = arith.constant 0 : i32
      %dma_wait3A_80 = tpu.memref_slice %arg12[%add3A_27, %dma_wait3A_79] : memref<10240x64xf32, #tpu.memory_space<vmem_shared>> -> memref<96x64xf32, #tpu.memory_space<vmem_shared>>
      %dma_wait3A_81 = arith.constant 0 : i32
      %dma_wait3A_82 = arith.constant 0 : i32
      %dma_wait3A_83 = tpu.memref_slice %arg18[%dma_wait3A_81, %dma_wait3A_82] : memref<96x64xf32, #tpu.memory_space<vmem>> -> memref<96x64xf32, #tpu.memory_space<vmem>>
      tpu.wait_dma2 semaphore(%run_scoped3A : memref<!tpu.dma_semaphore, #tpu.memory_space<semaphore_mem>>) src(%dma_wait3A_83 : memref<96x64xf32, #tpu.memory_space<vmem>>) dst(%dma_wait3A_80 : memref<96x64xf32, #tpu.memory_space<vmem_shared>>)
      tpu.yield
    }) : () -> ()
    %add3A_28 = arith.constant 480 : i32
    %add3A_29 = arith.addi %mul3A_2, %add3A_28 : i32
    "tpu.region"() ({
      %run_scoped3A = tpu.sem_alloc : memref<!tpu.dma_semaphore, #tpu.memory_space<semaphore_mem>>
      %dma_start3A_65 = arith.constant 0 : i32
      %dma_start3A_66 = arith.constant 0 : i32
      %dma_start3A_67 = tpu.memref_slice %arg22[%dma_start3A_65, %dma_start3A_66] : memref<96x16xf32, #tpu.memory_space<vmem>> -> memref<96x16xf32, #tpu.memory_space<vmem>>
      %dma_start3A_68 = arith.constant 0 : i32
      %dma_start3A_69 = tpu.memref_slice %arg13[%add3A_29, %dma_start3A_68] : memref<10240x16xf32, #tpu.memory_space<vmem_shared>> -> memref<96x16xf32, #tpu.memory_space<vmem_shared>>
      %dma_start3A_70 = arith.constant 0 : i32
      %dma_start3A_71 = tpu.memref_slice %arg13[%add3A_29, %dma_start3A_70] : memref<10240x16xf32, #tpu.memory_space<vmem_shared>> -> memref<96x16xf32, #tpu.memory_space<vmem_shared>>
      %dma_start3A_72 = arith.constant 0 : i32
      %dma_start3A_73 = arith.constant 0 : i32
      %dma_start3A_74 = tpu.memref_slice %arg22[%dma_start3A_72, %dma_start3A_73] : memref<96x16xf32, #tpu.memory_space<vmem>> -> memref<96x16xf32, #tpu.memory_space<vmem>>
      tpu.enqueue_dma source(%dma_start3A_74 : memref<96x16xf32, #tpu.memory_space<vmem>>) target(%dma_start3A_71 : memref<96x16xf32, #tpu.memory_space<vmem_shared>>) target_semaphore(%run_scoped3A : memref<!tpu.dma_semaphore, #tpu.memory_space<semaphore_mem>>)
      %dma_wait3A = arith.constant 0 : i32
      %dma_wait3A_75 = arith.constant 0 : i32
      %dma_wait3A_76 = tpu.memref_slice %arg22[%dma_wait3A, %dma_wait3A_75] : memref<96x16xf32, #tpu.memory_space<vmem>> -> memref<96x16xf32, #tpu.memory_space<vmem>>
      %dma_wait3A_77 = arith.constant 0 : i32
      %dma_wait3A_78 = tpu.memref_slice %arg13[%add3A_29, %dma_wait3A_77] : memref<10240x16xf32, #tpu.memory_space<vmem_shared>> -> memref<96x16xf32, #tpu.memory_space<vmem_shared>>
      %dma_wait3A_79 = arith.constant 0 : i32
      %dma_wait3A_80 = tpu.memref_slice %arg13[%add3A_29, %dma_wait3A_79] : memref<10240x16xf32, #tpu.memory_space<vmem_shared>> -> memref<96x16xf32, #tpu.memory_space<vmem_shared>>
      %dma_wait3A_81 = arith.constant 0 : i32
      %dma_wait3A_82 = arith.constant 0 : i32
      %dma_wait3A_83 = tpu.memref_slice %arg22[%dma_wait3A_81, %dma_wait3A_82] : memref<96x16xf32, #tpu.memory_space<vmem>> -> memref<96x16xf32, #tpu.memory_space<vmem>>
      tpu.wait_dma2 semaphore(%run_scoped3A : memref<!tpu.dma_semaphore, #tpu.memory_space<semaphore_mem>>) src(%dma_wait3A_83 : memref<96x16xf32, #tpu.memory_space<vmem>>) dst(%dma_wait3A_80 : memref<96x16xf32, #tpu.memory_space<vmem_shared>>)
      tpu.yield
    }) : () -> ()
    %add3A_30 = arith.constant 576 : i32
    %add3A_31 = arith.addi %mul3A_2, %add3A_30 : i32
    "tpu.region"() ({
      %run_scoped3A = tpu.sem_alloc : memref<!tpu.dma_semaphore, #tpu.memory_space<semaphore_mem>>
      %dma_start3A_65 = arith.constant 0 : i32
      %dma_start3A_66 = arith.constant 0 : i32
      %dma_start3A_67 = tpu.memref_slice %arg18[%dma_start3A_65, %dma_start3A_66] : memref<96x64xf32, #tpu.memory_space<vmem>> -> memref<64x64xf32, #tpu.memory_space<vmem>>
      %dma_start3A_68 = arith.constant 0 : i32
      %dma_start3A_69 = tpu.memref_slice %arg12[%add3A_31, %dma_start3A_68] : memref<10240x64xf32, #tpu.memory_space<vmem_shared>> -> memref<64x64xf32, #tpu.memory_space<vmem_shared>>
      %dma_start3A_70 = arith.constant 0 : i32
      %dma_start3A_71 = tpu.memref_slice %arg12[%add3A_31, %dma_start3A_70] : memref<10240x64xf32, #tpu.memory_space<vmem_shared>> -> memref<64x64xf32, #tpu.memory_space<vmem_shared>>
      %dma_start3A_72 = arith.constant 0 : i32
      %dma_start3A_73 = arith.constant 0 : i32
      %dma_start3A_74 = tpu.memref_slice %arg18[%dma_start3A_72, %dma_start3A_73] : memref<96x64xf32, #tpu.memory_space<vmem>> -> memref<64x64xf32, #tpu.memory_space<vmem>>
      tpu.enqueue_dma source(%dma_start3A_74 : memref<64x64xf32, #tpu.memory_space<vmem>>) target(%dma_start3A_71 : memref<64x64xf32, #tpu.memory_space<vmem_shared>>) target_semaphore(%run_scoped3A : memref<!tpu.dma_semaphore, #tpu.memory_space<semaphore_mem>>)
      %dma_wait3A = arith.constant 0 : i32
      %dma_wait3A_75 = arith.constant 0 : i32
      %dma_wait3A_76 = tpu.memref_slice %arg18[%dma_wait3A, %dma_wait3A_75] : memref<96x64xf32, #tpu.memory_space<vmem>> -> memref<64x64xf32, #tpu.memory_space<vmem>>
      %dma_wait3A_77 = arith.constant 0 : i32
      %dma_wait3A_78 = tpu.memref_slice %arg12[%add3A_31, %dma_wait3A_77] : memref<10240x64xf32, #tpu.memory_space<vmem_shared>> -> memref<64x64xf32, #tpu.memory_space<vmem_shared>>
      %dma_wait3A_79 = arith.constant 0 : i32
      %dma_wait3A_80 = tpu.memref_slice %arg12[%add3A_31, %dma_wait3A_79] : memref<10240x64xf32, #tpu.memory_space<vmem_shared>> -> memref<64x64xf32, #tpu.memory_space<vmem_shared>>
      %dma_wait3A_81 = arith.constant 0 : i32
      %dma_wait3A_82 = arith.constant 0 : i32
      %dma_wait3A_83 = tpu.memref_slice %arg18[%dma_wait3A_81, %dma_wait3A_82] : memref<96x64xf32, #tpu.memory_space<vmem>> -> memref<64x64xf32, #tpu.memory_space<vmem>>
      tpu.wait_dma2 semaphore(%run_scoped3A : memref<!tpu.dma_semaphore, #tpu.memory_space<semaphore_mem>>) src(%dma_wait3A_83 : memref<64x64xf32, #tpu.memory_space<vmem>>) dst(%dma_wait3A_80 : memref<64x64xf32, #tpu.memory_space<vmem_shared>>)
      tpu.yield
    }) : () -> ()
    %add3A_32 = arith.constant 576 : i32
    %add3A_33 = arith.addi %mul3A_2, %add3A_32 : i32
    "tpu.region"() ({
      %run_scoped3A = tpu.sem_alloc : memref<!tpu.dma_semaphore, #tpu.memory_space<semaphore_mem>>
      %dma_start3A_65 = arith.constant 0 : i32
      %dma_start3A_66 = arith.constant 0 : i32
      %dma_start3A_67 = tpu.memref_slice %arg22[%dma_start3A_65, %dma_start3A_66] : memref<96x16xf32, #tpu.memory_space<vmem>> -> memref<64x16xf32, #tpu.memory_space<vmem>>
      %dma_start3A_68 = arith.constant 0 : i32
      %dma_start3A_69 = tpu.memref_slice %arg13[%add3A_33, %dma_start3A_68] : memref<10240x16xf32, #tpu.memory_space<vmem_shared>> -> memref<64x16xf32, #tpu.memory_space<vmem_shared>>
      %dma_start3A_70 = arith.constant 0 : i32
      %dma_start3A_71 = tpu.memref_slice %arg13[%add3A_33, %dma_start3A_70] : memref<10240x16xf32, #tpu.memory_space<vmem_shared>> -> memref<64x16xf32, #tpu.memory_space<vmem_shared>>
      %dma_start3A_72 = arith.constant 0 : i32
      %dma_start3A_73 = arith.constant 0 : i32
      %dma_start3A_74 = tpu.memref_slice %arg22[%dma_start3A_72, %dma_start3A_73] : memref<96x16xf32, #tpu.memory_space<vmem>> -> memref<64x16xf32, #tpu.memory_space<vmem>>
      tpu.enqueue_dma source(%dma_start3A_74 : memref<64x16xf32, #tpu.memory_space<vmem>>) target(%dma_start3A_71 : memref<64x16xf32, #tpu.memory_space<vmem_shared>>) target_semaphore(%run_scoped3A : memref<!tpu.dma_semaphore, #tpu.memory_space<semaphore_mem>>)
      %dma_wait3A = arith.constant 0 : i32
      %dma_wait3A_75 = arith.constant 0 : i32
      %dma_wait3A_76 = tpu.memref_slice %arg22[%dma_wait3A, %dma_wait3A_75] : memref<96x16xf32, #tpu.memory_space<vmem>> -> memref<64x16xf32, #tpu.memory_space<vmem>>
      %dma_wait3A_77 = arith.constant 0 : i32
      %dma_wait3A_78 = tpu.memref_slice %arg13[%add3A_33, %dma_wait3A_77] : memref<10240x16xf32, #tpu.memory_space<vmem_shared>> -> memref<64x16xf32, #tpu.memory_space<vmem_shared>>
      %dma_wait3A_79 = arith.constant 0 : i32
      %dma_wait3A_80 = tpu.memref_slice %arg13[%add3A_33, %dma_wait3A_79] : memref<10240x16xf32, #tpu.memory_space<vmem_shared>> -> memref<64x16xf32, #tpu.memory_space<vmem_shared>>
      %dma_wait3A_81 = arith.constant 0 : i32
      %dma_wait3A_82 = arith.constant 0 : i32
      %dma_wait3A_83 = tpu.memref_slice %arg22[%dma_wait3A_81, %dma_wait3A_82] : memref<96x16xf32, #tpu.memory_space<vmem>> -> memref<64x16xf32, #tpu.memory_space<vmem>>
      tpu.wait_dma2 semaphore(%run_scoped3A : memref<!tpu.dma_semaphore, #tpu.memory_space<semaphore_mem>>) src(%dma_wait3A_83 : memref<64x16xf32, #tpu.memory_space<vmem>>) dst(%dma_wait3A_80 : memref<64x16xf32, #tpu.memory_space<vmem_shared>>)
      tpu.yield
    }) : () -> ()
    %barrier3A = arith.constant 0 : index
    tpu.barrier barrier_id(%barrier3A)
    %iota3A = tpu.iota {dimensions = array<i32: 0>} : vector<16xi32>
    %and3A = arith.constant 8 : i32
    %and3A_34 = vector.broadcast %and3A : i32 to vector<16xi32>
    %and3A_35 = arith.andi %iota3A, %and3A_34 : vector<16xi32>
    %shift_right_arithmetic3A = arith.constant 3 : i32
    %shift_right_arithmetic3A_36 = vector.broadcast %shift_right_arithmetic3A : i32 to vector<16xi32>
    %shift_right_arithmetic3A_37 = arith.shrsi %and3A_35, %shift_right_arithmetic3A_36 : vector<16xi32>
    %add3A_38 = arith.constant 0 : i32
    %add3A_39 = vector.broadcast %add3A_38 : i32 to vector<16xi32>
    %add3A_40 = arith.addi %add3A_39, %shift_right_arithmetic3A_37 : vector<16xi32>
    %add3A_41 = arith.constant 2 : i32
    %add3A_42 = vector.broadcast %add3A_41 : i32 to vector<16xi32>
    %add3A_43 = arith.addi %add3A_42, %shift_right_arithmetic3A_37 : vector<16xi32>
    %add3A_44 = arith.constant 4 : i32
    %add3A_45 = vector.broadcast %add3A_44 : i32 to vector<16xi32>
    %add3A_46 = arith.addi %add3A_45, %shift_right_arithmetic3A_37 : vector<16xi32>
    %add3A_47 = arith.constant 6 : i32
    %add3A_48 = vector.broadcast %add3A_47 : i32 to vector<16xi32>
    %add3A_49 = arith.addi %add3A_48, %shift_right_arithmetic3A_37 : vector<16xi32>
    %mul3A_50 = arith.constant 108 : i32
    %mul3A_51 = arith.muli %add3A, %mul3A_50 : i32
    %add3A_52 = arith.constant 0 : i32
    %add3A_53 = arith.addi %mul3A_51, %add3A_52 : i32
    %mul3A_54 = arith.constant 96 : i32
    %mul3A_55 = arith.muli %add3A_53, %mul3A_54 : i32
    "tpu.region"() ({
      %run_scoped3A = tpu.sem_alloc : memref<!tpu.dma_semaphore, #tpu.memory_space<semaphore_mem>>
      %dma_start3A_65 = tpu.memref_slice %arg2[%mul3A_55] : memref<331776xi32, #tpu.memory_space<hbm>> -> memref<96xi32, #tpu.memory_space<hbm>>
      %dma_start3A_66 = tpu.memref_slice %arg2[%mul3A_55] : memref<331776xi32, #tpu.memory_space<hbm>> -> memref<96xi32, #tpu.memory_space<hbm>>
      tpu.enqueue_dma source(%dma_start3A_66 : memref<96xi32, #tpu.memory_space<hbm>>) target(%arg14 : memref<96xi32, #tpu.memory_space<vmem>>) target_semaphore(%run_scoped3A : memref<!tpu.dma_semaphore, #tpu.memory_space<semaphore_mem>>)
      %dma_wait3A = tpu.memref_slice %arg2[%mul3A_55] : memref<331776xi32, #tpu.memory_space<hbm>> -> memref<96xi32, #tpu.memory_space<hbm>>
      %dma_wait3A_67 = tpu.memref_slice %arg2[%mul3A_55] : memref<331776xi32, #tpu.memory_space<hbm>> -> memref<96xi32, #tpu.memory_space<hbm>>
      tpu.wait_dma2 semaphore(%run_scoped3A : memref<!tpu.dma_semaphore, #tpu.memory_space<semaphore_mem>>) src(%dma_wait3A_67 : memref<96xi32, #tpu.memory_space<hbm>>) dst(%arg14 : memref<96xi32, #tpu.memory_space<vmem>>)
      tpu.yield
    }) : () -> ()
    "tpu.region"() ({
      %run_scoped3A = tpu.sem_alloc : memref<!tpu.dma_semaphore, #tpu.memory_space<semaphore_mem>>
      %dma_start3A_65 = tpu.memref_slice %arg3[%mul3A_55] : memref<331776xi32, #tpu.memory_space<hbm>> -> memref<96xi32, #tpu.memory_space<hbm>>
      %dma_start3A_66 = tpu.memref_slice %arg3[%mul3A_55] : memref<331776xi32, #tpu.memory_space<hbm>> -> memref<96xi32, #tpu.memory_space<hbm>>
      tpu.enqueue_dma source(%dma_start3A_66 : memref<96xi32, #tpu.memory_space<hbm>>) target(%arg16 : memref<96xi32, #tpu.memory_space<vmem>>) target_semaphore(%run_scoped3A : memref<!tpu.dma_semaphore, #tpu.memory_space<semaphore_mem>>)
      %dma_wait3A = tpu.memref_slice %arg3[%mul3A_55] : memref<331776xi32, #tpu.memory_space<hbm>> -> memref<96xi32, #tpu.memory_space<hbm>>
      %dma_wait3A_67 = tpu.memref_slice %arg3[%mul3A_55] : memref<331776xi32, #tpu.memory_space<hbm>> -> memref<96xi32, #tpu.memory_space<hbm>>
      tpu.wait_dma2 semaphore(%run_scoped3A : memref<!tpu.dma_semaphore, #tpu.memory_space<semaphore_mem>>) src(%dma_wait3A_67 : memref<96xi32, #tpu.memory_space<hbm>>) dst(%arg16 : memref<96xi32, #tpu.memory_space<vmem>>)
      tpu.yield
    }) : () -> ()
    %dma_start3A = arith.constant 0 : i32
    %dma_start3A_56 = arith.constant 0 : i32
    %dma_start3A_57 = tpu.memref_slice %arg9[%dma_start3A, %dma_start3A_56] : memref<10240x64xf32, #tpu.memory_space<vmem_shared>> -> memref<10240x64xf32, #tpu.memory_space<vmem_shared>>
    tpu.enqueue_indirect_dma source(%dma_start3A_57 : memref<10240x64xf32, #tpu.memory_space<vmem_shared>>) target(%arg18 : memref<96x64xf32, #tpu.memory_space<vmem>>) offsets(%arg14 : memref<96xi32, #tpu.memory_space<vmem>>) semaphore(%arg23 : memref<!tpu.dma_semaphore, #tpu.memory_space<semaphore_mem>>)
    %scan3A = arith.constant 0 : i32
    %scan3A_58 = arith.constant 0 : i32
    %scan3A_59 = arith.constant 54 : i32
    %scan3A_60 = arith.addi %scan3A_58, %scan3A_59 : i32
    %scan3A_61 = arith.constant 1 : i32
    %scan3A_62 = scf.for %scan3A_65 = %scan3A_58 to %scan3A_60 step %scan3A_61 iter_args(%scan3A_66 = %scan3A) -> (i32)  : i32 {
      %mul3A_67 = arith.constant 2 : i32
      %mul3A_68 = arith.muli %mul3A_67, %scan3A_65 : i32
      %add3A_69 = arith.constant 0 : i32
      %add3A_70 = arith.addi %mul3A_68, %add3A_69 : i32
      %dma_wait3A = arith.constant 0 : i32
      %dma_wait3A_71 = arith.constant 0 : i32
      %dma_wait3A_72 = tpu.memref_slice %arg9[%dma_wait3A, %dma_wait3A_71] : memref<10240x64xf32, #tpu.memory_space<vmem_shared>> -> memref<10240x64xf32, #tpu.memory_space<vmem_shared>>
      tpu.wait_indirect_dma semaphore(%arg23 : memref<!tpu.dma_semaphore, #tpu.memory_space<semaphore_mem>>) src(%dma_wait3A_72 : memref<10240x64xf32, #tpu.memory_space<vmem_shared>>) dst(%arg18 : memref<96x64xf32, #tpu.memory_space<vmem>>)
      %dma_start3A_73 = arith.constant 0 : i32
      %dma_start3A_74 = arith.constant 0 : i32
      %dma_start3A_75 = tpu.memref_slice %arg10[%dma_start3A_73, %dma_start3A_74] : memref<10240x16xf32, #tpu.memory_space<vmem_shared>> -> memref<10240x16xf32, #tpu.memory_space<vmem_shared>>
      tpu.enqueue_indirect_dma source(%dma_start3A_75 : memref<10240x16xf32, #tpu.memory_space<vmem_shared>>) target(%arg20 : memref<96x16xf32, #tpu.memory_space<vmem>>) offsets(%arg14 : memref<96xi32, #tpu.memory_space<vmem>>) semaphore(%arg25 : memref<!tpu.dma_semaphore, #tpu.memory_space<semaphore_mem>>)
      %dma_wait3A_76 = arith.constant 0 : i32
      %dma_wait3A_77 = arith.constant 0 : i32
      %dma_wait3A_78 = tpu.memref_slice %arg10[%dma_wait3A_76, %dma_wait3A_77] : memref<10240x16xf32, #tpu.memory_space<vmem_shared>> -> memref<10240x16xf32, #tpu.memory_space<vmem_shared>>
      tpu.wait_indirect_dma semaphore(%arg25 : memref<!tpu.dma_semaphore, #tpu.memory_space<semaphore_mem>>) src(%dma_wait3A_78 : memref<10240x16xf32, #tpu.memory_space<vmem_shared>>) dst(%arg20 : memref<96x16xf32, #tpu.memory_space<vmem>>)
      %dma_start3A_79 = arith.constant 0 : i32
      %dma_start3A_80 = arith.constant 0 : i32
      %dma_start3A_81 = tpu.memref_slice %arg11[%dma_start3A_79, %dma_start3A_80] : memref<10240x16xf32, #tpu.memory_space<vmem_shared>> -> memref<10240x16xf32, #tpu.memory_space<vmem_shared>>
      tpu.enqueue_indirect_dma source(%dma_start3A_81 : memref<10240x16xf32, #tpu.memory_space<vmem_shared>>) target(%arg21 : memref<96x16xf32, #tpu.memory_space<vmem>>) offsets(%arg16 : memref<96xi32, #tpu.memory_space<vmem>>) semaphore(%arg25 : memref<!tpu.dma_semaphore, #tpu.memory_space<semaphore_mem>>)
      %dma_wait3A_82 = arith.constant 0 : i32
      %dma_wait3A_83 = arith.constant 0 : i32
      %dma_wait3A_84 = tpu.memref_slice %arg11[%dma_wait3A_82, %dma_wait3A_83] : memref<10240x16xf32, #tpu.memory_space<vmem_shared>> -> memref<10240x16xf32, #tpu.memory_space<vmem_shared>>
      tpu.wait_indirect_dma semaphore(%arg25 : memref<!tpu.dma_semaphore, #tpu.memory_space<semaphore_mem>>) src(%dma_wait3A_84 : memref<10240x16xf32, #tpu.memory_space<vmem_shared>>) dst(%arg21 : memref<96x16xf32, #tpu.memory_space<vmem>>)
      %add3A_85 = arith.constant 1 : i32
      %add3A_86 = arith.addi %add3A_70, %add3A_85 : i32
      %lt3A = arith.constant 108 : i32
      %lt3A_87 = arith.cmpi slt, %add3A_86, %lt3A : i32
      %convert_element_type3A = arith.extui %lt3A_87 : i1 to i32
      %cond3A = arith.constant 0 : i32
      %cond3A_88 = arith.cmpi ne, %convert_element_type3A, %cond3A : i32
      scf.if %cond3A_88 {
        %add3A_122 = arith.constant 1 : i32
        %add3A_123 = arith.addi %add3A_70, %add3A_122 : i32
        %mul3A_124 = arith.constant 108 : i32
        %mul3A_125 = arith.muli %add3A, %mul3A_124 : i32
        %add3A_126 = arith.addi %mul3A_125, %add3A_123 : i32
        %mul3A_127 = arith.constant 96 : i32
        %mul3A_128 = arith.muli %add3A_126, %mul3A_127 : i32
        "tpu.region"() ({
          %run_scoped3A = tpu.sem_alloc : memref<!tpu.dma_semaphore, #tpu.memory_space<semaphore_mem>>
          %dma_start3A_132 = tpu.memref_slice %arg2[%mul3A_128] : memref<331776xi32, #tpu.memory_space<hbm>> -> memref<96xi32, #tpu.memory_space<hbm>>
          %dma_start3A_133 = tpu.memref_slice %arg2[%mul3A_128] : memref<331776xi32, #tpu.memory_space<hbm>> -> memref<96xi32, #tpu.memory_space<hbm>>
          tpu.enqueue_dma source(%dma_start3A_133 : memref<96xi32, #tpu.memory_space<hbm>>) target(%arg15 : memref<96xi32, #tpu.memory_space<vmem>>) target_semaphore(%run_scoped3A : memref<!tpu.dma_semaphore, #tpu.memory_space<semaphore_mem>>)
          %dma_wait3A_134 = tpu.memref_slice %arg2[%mul3A_128] : memref<331776xi32, #tpu.memory_space<hbm>> -> memref<96xi32, #tpu.memory_space<hbm>>
          %dma_wait3A_135 = tpu.memref_slice %arg2[%mul3A_128] : memref<331776xi32, #tpu.memory_space<hbm>> -> memref<96xi32, #tpu.memory_space<hbm>>
          tpu.wait_dma2 semaphore(%run_scoped3A : memref<!tpu.dma_semaphore, #tpu.memory_space<semaphore_mem>>) src(%dma_wait3A_135 : memref<96xi32, #tpu.memory_space<hbm>>) dst(%arg15 : memref<96xi32, #tpu.memory_space<vmem>>)
          tpu.yield
        }) : () -> ()
        "tpu.region"() ({
          %run_scoped3A = tpu.sem_alloc : memref<!tpu.dma_semaphore, #tpu.memory_space<semaphore_mem>>
          %dma_start3A_132 = tpu.memref_slice %arg3[%mul3A_128] : memref<331776xi32, #tpu.memory_space<hbm>> -> memref<96xi32, #tpu.memory_space<hbm>>
          %dma_start3A_133 = tpu.memref_slice %arg3[%mul3A_128] : memref<331776xi32, #tpu.memory_space<hbm>> -> memref<96xi32, #tpu.memory_space<hbm>>
          tpu.enqueue_dma source(%dma_start3A_133 : memref<96xi32, #tpu.memory_space<hbm>>) target(%arg17 : memref<96xi32, #tpu.memory_space<vmem>>) target_semaphore(%run_scoped3A : memref<!tpu.dma_semaphore, #tpu.memory_space<semaphore_mem>>)
          %dma_wait3A_134 = tpu.memref_slice %arg3[%mul3A_128] : memref<331776xi32, #tpu.memory_space<hbm>> -> memref<96xi32, #tpu.memory_space<hbm>>
          %dma_wait3A_135 = tpu.memref_slice %arg3[%mul3A_128] : memref<331776xi32, #tpu.memory_space<hbm>> -> memref<96xi32, #tpu.memory_space<hbm>>
          tpu.wait_dma2 semaphore(%run_scoped3A : memref<!tpu.dma_semaphore, #tpu.memory_space<semaphore_mem>>) src(%dma_wait3A_135 : memref<96xi32, #tpu.memory_space<hbm>>) dst(%arg17 : memref<96xi32, #tpu.memory_space<vmem>>)
          tpu.yield
        }) : () -> ()
        %dma_start3A_129 = arith.constant 0 : i32
        %dma_start3A_130 = arith.constant 0 : i32
        %dma_start3A_131 = tpu.memref_slice %arg9[%dma_start3A_129, %dma_start3A_130] : memref<10240x64xf32, #tpu.memory_space<vmem_shared>> -> memref<10240x64xf32, #tpu.memory_space<vmem_shared>>
        tpu.enqueue_indirect_dma source(%dma_start3A_131 : memref<10240x64xf32, #tpu.memory_space<vmem_shared>>) target(%arg19 : memref<96x64xf32, #tpu.memory_space<vmem>>) offsets(%arg15 : memref<96xi32, #tpu.memory_space<vmem>>) semaphore(%arg24 : memref<!tpu.dma_semaphore, #tpu.memory_space<semaphore_mem>>)
      } else {
      }
      %parallel_loop3A_89 = arith.constant 0 : i32
      %parallel_loop3A_90 = arith.constant 96 : i32
      %parallel_loop3A_91 = arith.constant 1 : i32
      scf.for %parallel_loop3A_122 = %parallel_loop3A_89 to %parallel_loop3A_90 step %parallel_loop3A_91  : i32 {
        %parallel_loop3A_123 = arith.index_cast %parallel_loop3A_122 : i32 to index
        %parallel_loop3A_124 = arith.constant 0 : index
        %parallel_loop3A_125 = tpu.vector_load %arg20[%parallel_loop3A_123, %parallel_loop3A_124] {strides = array<i32>} : memref<96x16xf32, #tpu.memory_space<vmem>>, vector<1x16xf32>,
        %parallel_loop3A_126 = vector.shape_cast %parallel_loop3A_125 : vector<1x16xf32> to vector<16xf32>
        %parallel_loop3A_127 = arith.index_cast %parallel_loop3A_122 : i32 to index
        %parallel_loop3A_128 = arith.constant 0 : index
        %parallel_loop3A_129 = tpu.vector_load %arg21[%parallel_loop3A_127, %parallel_loop3A_128] {strides = array<i32>} : memref<96x16xf32, #tpu.memory_space<vmem>>, vector<1x16xf32>,
        %parallel_loop3A_130 = vector.shape_cast %parallel_loop3A_129 : vector<1x16xf32> to vector<16xf32>
        %parallel_loop3A_131 = arith.addf %parallel_loop3A_126, %parallel_loop3A_130 : vector<16xf32>
        %parallel_loop3A_132 = arith.constant 2.000000e-01 : f32
        %parallel_loop3A_133 = vector.broadcast %parallel_loop3A_132 : f32 to vector<16xf32>
        %parallel_loop3A_134 = arith.mulf %parallel_loop3A_133, %parallel_loop3A_131 : vector<16xf32>
        %parallel_loop3A_135 = arith.maximumf %parallel_loop3A_131, %parallel_loop3A_134 : vector<16xf32>
        %parallel_loop3A_136 = math.exp %parallel_loop3A_135 : vector<16xf32>
        %parallel_loop3A_137 = arith.index_cast %parallel_loop3A_122 : i32 to index
        %parallel_loop3A_138 = arith.constant 0 : index
        %parallel_loop3A_139 = tpu.vector_load %arg22[%parallel_loop3A_137, %parallel_loop3A_138] {strides = array<i32>} : memref<96x16xf32, #tpu.memory_space<vmem>>, vector<1x16xf32>,
        %parallel_loop3A_140 = vector.shape_cast %parallel_loop3A_139 : vector<1x16xf32> to vector<16xf32>
        %parallel_loop3A_141 = vector.shape_cast %parallel_loop3A_136 : vector<16xf32> to vector<1x16xf32>
        tpu.vector_store %arg22[%parallel_loop3A_137, %parallel_loop3A_138], %parallel_loop3A_141 {strides = array<i32>} : memref<96x16xf32, #tpu.memory_space<vmem>>, vector<1x16xf32>,
        %parallel_loop3A_142 = vector.shape_cast %add3A_40 : vector<16xi32> to vector<16x1xi32>
        %parallel_loop3A_143 = vector.shape_cast %parallel_loop3A_142 : vector<16x1xi32> to vector<16xi32>
        %parallel_loop3A_144 = tpu.dynamic_gather %parallel_loop3A_136[%parallel_loop3A_143] in [0] : vector<16xf32>, vector<16xi32> -> vector<16xf32>
        %parallel_loop3A_145 = vector.shape_cast %add3A_43 : vector<16xi32> to vector<16x1xi32>
        %parallel_loop3A_146 = vector.shape_cast %parallel_loop3A_145 : vector<16x1xi32> to vector<16xi32>
        %parallel_loop3A_147 = tpu.dynamic_gather %parallel_loop3A_136[%parallel_loop3A_146] in [0] : vector<16xf32>, vector<16xi32> -> vector<16xf32>
        %parallel_loop3A_148 = vector.shape_cast %add3A_46 : vector<16xi32> to vector<16x1xi32>
        %parallel_loop3A_149 = vector.shape_cast %parallel_loop3A_148 : vector<16x1xi32> to vector<16xi32>
        %parallel_loop3A_150 = tpu.dynamic_gather %parallel_loop3A_136[%parallel_loop3A_149] in [0] : vector<16xf32>, vector<16xi32> -> vector<16xf32>
        %parallel_loop3A_151 = vector.shape_cast %add3A_49 : vector<16xi32> to vector<16x1xi32>
        %parallel_loop3A_152 = vector.shape_cast %parallel_loop3A_151 : vector<16x1xi32> to vector<16xi32>
        %parallel_loop3A_153 = tpu.dynamic_gather %parallel_loop3A_136[%parallel_loop3A_152] in [0] : vector<16xf32>, vector<16xi32> -> vector<16xf32>
        %parallel_loop3A_154 = arith.index_cast %parallel_loop3A_122 : i32 to index
        %parallel_loop3A_155 = arith.constant 0 : index
        %parallel_loop3A_156 = tpu.vector_load %arg18[%parallel_loop3A_154, %parallel_loop3A_155] {strides = array<i32>} : memref<96x64xf32, #tpu.memory_space<vmem>>, vector<1x16xf32>,
        %parallel_loop3A_157 = vector.shape_cast %parallel_loop3A_156 : vector<1x16xf32> to vector<16xf32>
        %parallel_loop3A_158 = arith.mulf %parallel_loop3A_157, %parallel_loop3A_144 : vector<16xf32>
        %parallel_loop3A_159 = arith.index_cast %parallel_loop3A_122 : i32 to index
        %parallel_loop3A_160 = arith.constant 0 : index
        %parallel_loop3A_161 = tpu.vector_load %arg18[%parallel_loop3A_159, %parallel_loop3A_160] {strides = array<i32>} : memref<96x64xf32, #tpu.memory_space<vmem>>, vector<1x16xf32>,
        %parallel_loop3A_162 = vector.shape_cast %parallel_loop3A_161 : vector<1x16xf32> to vector<16xf32>
        %parallel_loop3A_163 = vector.shape_cast %parallel_loop3A_158 : vector<16xf32> to vector<1x16xf32>
        tpu.vector_store %arg18[%parallel_loop3A_159, %parallel_loop3A_160], %parallel_loop3A_163 {strides = array<i32>} : memref<96x64xf32, #tpu.memory_space<vmem>>, vector<1x16xf32>,
        %parallel_loop3A_164 = arith.index_cast %parallel_loop3A_122 : i32 to index
        %parallel_loop3A_165 = arith.constant 16 : index
        %parallel_loop3A_166 = tpu.vector_load %arg18[%parallel_loop3A_164, %parallel_loop3A_165] {strides = array<i32>} : memref<96x64xf32, #tpu.memory_space<vmem>>, vector<1x16xf32>,
        %parallel_loop3A_167 = vector.shape_cast %parallel_loop3A_166 : vector<1x16xf32> to vector<16xf32>
        %parallel_loop3A_168 = arith.mulf %parallel_loop3A_167, %parallel_loop3A_147 : vector<16xf32>
        %parallel_loop3A_169 = arith.index_cast %parallel_loop3A_122 : i32 to index
        %parallel_loop3A_170 = arith.constant 16 : index
        %parallel_loop3A_171 = tpu.vector_load %arg18[%parallel_loop3A_169, %parallel_loop3A_170] {strides = array<i32>} : memref<96x64xf32, #tpu.memory_space<vmem>>, vector<1x16xf32>,
        %parallel_loop3A_172 = vector.shape_cast %parallel_loop3A_171 : vector<1x16xf32> to vector<16xf32>
        %parallel_loop3A_173 = vector.shape_cast %parallel_loop3A_168 : vector<16xf32> to vector<1x16xf32>
        tpu.vector_store %arg18[%parallel_loop3A_169, %parallel_loop3A_170], %parallel_loop3A_173 {strides = array<i32>} : memref<96x64xf32, #tpu.memory_space<vmem>>, vector<1x16xf32>,
        %parallel_loop3A_174 = arith.index_cast %parallel_loop3A_122 : i32 to index
        %parallel_loop3A_175 = arith.constant 32 : index
        %parallel_loop3A_176 = tpu.vector_load %arg18[%parallel_loop3A_174, %parallel_loop3A_175] {strides = array<i32>} : memref<96x64xf32, #tpu.memory_space<vmem>>, vector<1x16xf32>,
        %parallel_loop3A_177 = vector.shape_cast %parallel_loop3A_176 : vector<1x16xf32> to vector<16xf32>
        %parallel_loop3A_178 = arith.mulf %parallel_loop3A_177, %parallel_loop3A_150 : vector<16xf32>
        %parallel_loop3A_179 = arith.index_cast %parallel_loop3A_122 : i32 to index
        %parallel_loop3A_180 = arith.constant 32 : index
        %parallel_loop3A_181 = tpu.vector_load %arg18[%parallel_loop3A_179, %parallel_loop3A_180] {strides = array<i32>} : memref<96x64xf32, #tpu.memory_space<vmem>>, vector<1x16xf32>,
        %parallel_loop3A_182 = vector.shape_cast %parallel_loop3A_181 : vector<1x16xf32> to vector<16xf32>
        %parallel_loop3A_183 = vector.shape_cast %parallel_loop3A_178 : vector<16xf32> to vector<1x16xf32>
        tpu.vector_store %arg18[%parallel_loop3A_179, %parallel_loop3A_180], %parallel_loop3A_183 {strides = array<i32>} : memref<96x64xf32, #tpu.memory_space<vmem>>, vector<1x16xf32>,
        %parallel_loop3A_184 = arith.index_cast %parallel_loop3A_122 : i32 to index
        %parallel_loop3A_185 = arith.constant 48 : index
        %parallel_loop3A_186 = tpu.vector_load %arg18[%parallel_loop3A_184, %parallel_loop3A_185] {strides = array<i32>} : memref<96x64xf32, #tpu.memory_space<vmem>>, vector<1x16xf32>,
        %parallel_loop3A_187 = vector.shape_cast %parallel_loop3A_186 : vector<1x16xf32> to vector<16xf32>
        %parallel_loop3A_188 = arith.mulf %parallel_loop3A_187, %parallel_loop3A_153 : vector<16xf32>
        %parallel_loop3A_189 = arith.index_cast %parallel_loop3A_122 : i32 to index
        %parallel_loop3A_190 = arith.constant 48 : index
        %parallel_loop3A_191 = tpu.vector_load %arg18[%parallel_loop3A_189, %parallel_loop3A_190] {strides = array<i32>} : memref<96x64xf32, #tpu.memory_space<vmem>>, vector<1x16xf32>,
        %parallel_loop3A_192 = vector.shape_cast %parallel_loop3A_191 : vector<1x16xf32> to vector<16xf32>
        %parallel_loop3A_193 = vector.shape_cast %parallel_loop3A_188 : vector<16xf32> to vector<1x16xf32>
        tpu.vector_store %arg18[%parallel_loop3A_189, %parallel_loop3A_190], %parallel_loop3A_193 {strides = array<i32>} : memref<96x64xf32, #tpu.memory_space<vmem>>, vector<1x16xf32>,
      } {sc.loop_unroll_factor = 4 : i64, sc.parallel_access}
      "tpu.region"() ({
        %run_scoped3A = tpu.sem_alloc : memref<!tpu.dma_semaphore, #tpu.memory_space<semaphore_mem>>
        %dma_start3A_122 = arith.constant 0 : i32
        %dma_start3A_123 = arith.constant 0 : i32
        %dma_start3A_124 = tpu.memref_slice %arg13[%dma_start3A_122, %dma_start3A_123] : memref<10240x16xf32, #tpu.memory_space<vmem_shared>> -> memref<10240x16xf32, #tpu.memory_space<vmem_shared>>
        tpu.enqueue_indirect_dma source(%arg22 : memref<96x16xf32, #tpu.memory_space<vmem>>) target(%dma_start3A_124 : memref<10240x16xf32, #tpu.memory_space<vmem_shared>>) offsets(%arg16 : memref<96xi32, #tpu.memory_space<vmem>>) semaphore(%run_scoped3A : memref<!tpu.dma_semaphore, #tpu.memory_space<semaphore_mem>>) {add = true}
        %dma_wait3A_125 = arith.constant 0 : i32
        %dma_wait3A_126 = arith.constant 0 : i32
        %dma_wait3A_127 = tpu.memref_slice %arg13[%dma_wait3A_125, %dma_wait3A_126] : memref<10240x16xf32, #tpu.memory_space<vmem_shared>> -> memref<10240x16xf32, #tpu.memory_space<vmem_shared>>
        tpu.wait_indirect_dma semaphore(%run_scoped3A : memref<!tpu.dma_semaphore, #tpu.memory_space<semaphore_mem>>) src(%arg22 : memref<96x16xf32, #tpu.memory_space<vmem>>) dst(%dma_wait3A_127 : memref<10240x16xf32, #tpu.memory_space<vmem_shared>>)
        tpu.yield
      }) : () -> ()
      "tpu.region"() ({
        %run_scoped3A = tpu.sem_alloc : memref<!tpu.dma_semaphore, #tpu.memory_space<semaphore_mem>>
        %dma_start3A_122 = arith.constant 0 : i32
        %dma_start3A_123 = arith.constant 0 : i32
        %dma_start3A_124 = tpu.memref_slice %arg12[%dma_start3A_122, %dma_start3A_123] : memref<10240x64xf32, #tpu.memory_space<vmem_shared>> -> memref<10240x64xf32, #tpu.memory_space<vmem_shared>>
        tpu.enqueue_indirect_dma source(%arg18 : memref<96x64xf32, #tpu.memory_space<vmem>>) target(%dma_start3A_124 : memref<10240x64xf32, #tpu.memory_space<vmem_shared>>) offsets(%arg16 : memref<96xi32, #tpu.memory_space<vmem>>) semaphore(%run_scoped3A : memref<!tpu.dma_semaphore, #tpu.memory_space<semaphore_mem>>) {add = true}
        %dma_wait3A_125 = arith.constant 0 : i32
        %dma_wait3A_126 = arith.constant 0 : i32
        %dma_wait3A_127 = tpu.memref_slice %arg12[%dma_wait3A_125, %dma_wait3A_126] : memref<10240x64xf32, #tpu.memory_space<vmem_shared>> -> memref<10240x64xf32, #tpu.memory_space<vmem_shared>>
        tpu.wait_indirect_dma semaphore(%run_scoped3A : memref<!tpu.dma_semaphore, #tpu.memory_space<semaphore_mem>>) src(%arg18 : memref<96x64xf32, #tpu.memory_space<vmem>>) dst(%dma_wait3A_127 : memref<10240x64xf32, #tpu.memory_space<vmem_shared>>)
        tpu.yield
      }) : () -> ()
      %mul3A_92 = arith.constant 2 : i32
      %mul3A_93 = arith.muli %mul3A_92, %scan3A_65 : i32
      %add3A_94 = arith.constant 1 : i32
      %add3A_95 = arith.addi %mul3A_93, %add3A_94 : i32
      %dma_wait3A_96 = arith.constant 0 : i32
      %dma_wait3A_97 = arith.constant 0 : i32
      %dma_wait3A_98 = tpu.memref_slice %arg9[%dma_wait3A_96, %dma_wait3A_97] : memref<10240x64xf32, #tpu.memory_space<vmem_shared>> -> memref<10240x64xf32, #tpu.memory_space<vmem_shared>>
      tpu.wait_indirect_dma semaphore(%arg24 : memref<!tpu.dma_semaphore, #tpu.memory_space<semaphore_mem>>) src(%dma_wait3A_98 : memref<10240x64xf32, #tpu.memory_space<vmem_shared>>) dst(%arg19 : memref<96x64xf32, #tpu.memory_space<vmem>>)
      %dma_start3A_99 = arith.constant 0 : i32
      %dma_start3A_100 = arith.constant 0 : i32
      %dma_start3A_101 = tpu.memref_slice %arg10[%dma_start3A_99, %dma_start3A_100] : memref<10240x16xf32, #tpu.memory_space<vmem_shared>> -> memref<10240x16xf32, #tpu.memory_space<vmem_shared>>
      tpu.enqueue_indirect_dma source(%dma_start3A_101 : memref<10240x16xf32, #tpu.memory_space<vmem_shared>>) target(%arg20 : memref<96x16xf32, #tpu.memory_space<vmem>>) offsets(%arg15 : memref<96xi32, #tpu.memory_space<vmem>>) semaphore(%arg25 : memref<!tpu.dma_semaphore, #tpu.memory_space<semaphore_mem>>)
      %dma_wait3A_102 = arith.constant 0 : i32
      %dma_wait3A_103 = arith.constant 0 : i32
      %dma_wait3A_104 = tpu.memref_slice %arg10[%dma_wait3A_102, %dma_wait3A_103] : memref<10240x16xf32, #tpu.memory_space<vmem_shared>> -> memref<10240x16xf32, #tpu.memory_space<vmem_shared>>
      tpu.wait_indirect_dma semaphore(%arg25 : memref<!tpu.dma_semaphore, #tpu.memory_space<semaphore_mem>>) src(%dma_wait3A_104 : memref<10240x16xf32, #tpu.memory_space<vmem_shared>>) dst(%arg20 : memref<96x16xf32, #tpu.memory_space<vmem>>)
      %dma_start3A_105 = arith.constant 0 : i32
      %dma_start3A_106 = arith.constant 0 : i32
      %dma_start3A_107 = tpu.memref_slice %arg11[%dma_start3A_105, %dma_start3A_106] : memref<10240x16xf32, #tpu.memory_space<vmem_shared>> -> memref<10240x16xf32, #tpu.memory_space<vmem_shared>>
      tpu.enqueue_indirect_dma source(%dma_start3A_107 : memref<10240x16xf32, #tpu.memory_space<vmem_shared>>) target(%arg21 : memref<96x16xf32, #tpu.memory_space<vmem>>) offsets(%arg17 : memref<96xi32, #tpu.memory_space<vmem>>) semaphore(%arg25 : memref<!tpu.dma_semaphore, #tpu.memory_space<semaphore_mem>>)
      %dma_wait3A_108 = arith.constant 0 : i32
      %dma_wait3A_109 = arith.constant 0 : i32
      %dma_wait3A_110 = tpu.memref_slice %arg11[%dma_wait3A_108, %dma_wait3A_109] : memref<10240x16xf32, #tpu.memory_space<vmem_shared>> -> memref<10240x16xf32, #tpu.memory_space<vmem_shared>>
      tpu.wait_indirect_dma semaphore(%arg25 : memref<!tpu.dma_semaphore, #tpu.memory_space<semaphore_mem>>) src(%dma_wait3A_110 : memref<10240x16xf32, #tpu.memory_space<vmem_shared>>) dst(%arg21 : memref<96x16xf32, #tpu.memory_space<vmem>>)
      %add3A_111 = arith.constant 1 : i32
      %add3A_112 = arith.addi %add3A_95, %add3A_111 : i32
      %lt3A_113 = arith.constant 108 : i32
      %lt3A_114 = arith.cmpi slt, %add3A_112, %lt3A_113 : i32
      %convert_element_type3A_115 = arith.extui %lt3A_114 : i1 to i32
      %cond3A_116 = arith.constant 0 : i32
      %cond3A_117 = arith.cmpi ne, %convert_element_type3A_115, %cond3A_116 : i32
      scf.if %cond3A_117 {
        %add3A_122 = arith.constant 1 : i32
        %add3A_123 = arith.addi %add3A_95, %add3A_122 : i32
        %mul3A_124 = arith.constant 108 : i32
        %mul3A_125 = arith.muli %add3A, %mul3A_124 : i32
        %add3A_126 = arith.addi %mul3A_125, %add3A_123 : i32
        %mul3A_127 = arith.constant 96 : i32
        %mul3A_128 = arith.muli %add3A_126, %mul3A_127 : i32
        "tpu.region"() ({
          %run_scoped3A = tpu.sem_alloc : memref<!tpu.dma_semaphore, #tpu.memory_space<semaphore_mem>>
          %dma_start3A_132 = tpu.memref_slice %arg2[%mul3A_128] : memref<331776xi32, #tpu.memory_space<hbm>> -> memref<96xi32, #tpu.memory_space<hbm>>
          %dma_start3A_133 = tpu.memref_slice %arg2[%mul3A_128] : memref<331776xi32, #tpu.memory_space<hbm>> -> memref<96xi32, #tpu.memory_space<hbm>>
          tpu.enqueue_dma source(%dma_start3A_133 : memref<96xi32, #tpu.memory_space<hbm>>) target(%arg14 : memref<96xi32, #tpu.memory_space<vmem>>) target_semaphore(%run_scoped3A : memref<!tpu.dma_semaphore, #tpu.memory_space<semaphore_mem>>)
          %dma_wait3A_134 = tpu.memref_slice %arg2[%mul3A_128] : memref<331776xi32, #tpu.memory_space<hbm>> -> memref<96xi32, #tpu.memory_space<hbm>>
          %dma_wait3A_135 = tpu.memref_slice %arg2[%mul3A_128] : memref<331776xi32, #tpu.memory_space<hbm>> -> memref<96xi32, #tpu.memory_space<hbm>>
          tpu.wait_dma2 semaphore(%run_scoped3A : memref<!tpu.dma_semaphore, #tpu.memory_space<semaphore_mem>>) src(%dma_wait3A_135 : memref<96xi32, #tpu.memory_space<hbm>>) dst(%arg14 : memref<96xi32, #tpu.memory_space<vmem>>)
          tpu.yield
        }) : () -> ()
        "tpu.region"() ({
          %run_scoped3A = tpu.sem_alloc : memref<!tpu.dma_semaphore, #tpu.memory_space<semaphore_mem>>
          %dma_start3A_132 = tpu.memref_slice %arg3[%mul3A_128] : memref<331776xi32, #tpu.memory_space<hbm>> -> memref<96xi32, #tpu.memory_space<hbm>>
          %dma_start3A_133 = tpu.memref_slice %arg3[%mul3A_128] : memref<331776xi32, #tpu.memory_space<hbm>> -> memref<96xi32, #tpu.memory_space<hbm>>
          tpu.enqueue_dma source(%dma_start3A_133 : memref<96xi32, #tpu.memory_space<hbm>>) target(%arg16 : memref<96xi32, #tpu.memory_space<vmem>>) target_semaphore(%run_scoped3A : memref<!tpu.dma_semaphore, #tpu.memory_space<semaphore_mem>>)
          %dma_wait3A_134 = tpu.memref_slice %arg3[%mul3A_128] : memref<331776xi32, #tpu.memory_space<hbm>> -> memref<96xi32, #tpu.memory_space<hbm>>
          %dma_wait3A_135 = tpu.memref_slice %arg3[%mul3A_128] : memref<331776xi32, #tpu.memory_space<hbm>> -> memref<96xi32, #tpu.memory_space<hbm>>
          tpu.wait_dma2 semaphore(%run_scoped3A : memref<!tpu.dma_semaphore, #tpu.memory_space<semaphore_mem>>) src(%dma_wait3A_135 : memref<96xi32, #tpu.memory_space<hbm>>) dst(%arg16 : memref<96xi32, #tpu.memory_space<vmem>>)
          tpu.yield
        }) : () -> ()
        %dma_start3A_129 = arith.constant 0 : i32
        %dma_start3A_130 = arith.constant 0 : i32
        %dma_start3A_131 = tpu.memref_slice %arg9[%dma_start3A_129, %dma_start3A_130] : memref<10240x64xf32, #tpu.memory_space<vmem_shared>> -> memref<10240x64xf32, #tpu.memory_space<vmem_shared>>
        tpu.enqueue_indirect_dma source(%dma_start3A_131 : memref<10240x64xf32, #tpu.memory_space<vmem_shared>>) target(%arg18 : memref<96x64xf32, #tpu.memory_space<vmem>>) offsets(%arg14 : memref<96xi32, #tpu.memory_space<vmem>>) semaphore(%arg23 : memref<!tpu.dma_semaphore, #tpu.memory_space<semaphore_mem>>)
      } else {
      }
      %parallel_loop3A_118 = arith.constant 0 : i32
      %parallel_loop3A_119 = arith.constant 96 : i32
      %parallel_loop3A_120 = arith.constant 1 : i32
      scf.for %parallel_loop3A_122 = %parallel_loop3A_118 to %parallel_loop3A_119 step %parallel_loop3A_120  : i32 {
        %parallel_loop3A_123 = arith.index_cast %parallel_loop3A_122 : i32 to index
        %parallel_loop3A_124 = arith.constant 0 : index
        %parallel_loop3A_125 = tpu.vector_load %arg20[%parallel_loop3A_123, %parallel_loop3A_124] {strides = array<i32>} : memref<96x16xf32, #tpu.memory_space<vmem>>, vector<1x16xf32>,
        %parallel_loop3A_126 = vector.shape_cast %parallel_loop3A_125 : vector<1x16xf32> to vector<16xf32>
        %parallel_loop3A_127 = arith.index_cast %parallel_loop3A_122 : i32 to index
        %parallel_loop3A_128 = arith.constant 0 : index
        %parallel_loop3A_129 = tpu.vector_load %arg21[%parallel_loop3A_127, %parallel_loop3A_128] {strides = array<i32>} : memref<96x16xf32, #tpu.memory_space<vmem>>, vector<1x16xf32>,
        %parallel_loop3A_130 = vector.shape_cast %parallel_loop3A_129 : vector<1x16xf32> to vector<16xf32>
        %parallel_loop3A_131 = arith.addf %parallel_loop3A_126, %parallel_loop3A_130 : vector<16xf32>
        %parallel_loop3A_132 = arith.constant 2.000000e-01 : f32
        %parallel_loop3A_133 = vector.broadcast %parallel_loop3A_132 : f32 to vector<16xf32>
        %parallel_loop3A_134 = arith.mulf %parallel_loop3A_133, %parallel_loop3A_131 : vector<16xf32>
        %parallel_loop3A_135 = arith.maximumf %parallel_loop3A_131, %parallel_loop3A_134 : vector<16xf32>
        %parallel_loop3A_136 = math.exp %parallel_loop3A_135 : vector<16xf32>
        %parallel_loop3A_137 = arith.index_cast %parallel_loop3A_122 : i32 to index
        %parallel_loop3A_138 = arith.constant 0 : index
        %parallel_loop3A_139 = tpu.vector_load %arg22[%parallel_loop3A_137, %parallel_loop3A_138] {strides = array<i32>} : memref<96x16xf32, #tpu.memory_space<vmem>>, vector<1x16xf32>,
        %parallel_loop3A_140 = vector.shape_cast %parallel_loop3A_139 : vector<1x16xf32> to vector<16xf32>
        %parallel_loop3A_141 = vector.shape_cast %parallel_loop3A_136 : vector<16xf32> to vector<1x16xf32>
        tpu.vector_store %arg22[%parallel_loop3A_137, %parallel_loop3A_138], %parallel_loop3A_141 {strides = array<i32>} : memref<96x16xf32, #tpu.memory_space<vmem>>, vector<1x16xf32>,
        %parallel_loop3A_142 = vector.shape_cast %add3A_40 : vector<16xi32> to vector<16x1xi32>
        %parallel_loop3A_143 = vector.shape_cast %parallel_loop3A_142 : vector<16x1xi32> to vector<16xi32>
        %parallel_loop3A_144 = tpu.dynamic_gather %parallel_loop3A_136[%parallel_loop3A_143] in [0] : vector<16xf32>, vector<16xi32> -> vector<16xf32>
        %parallel_loop3A_145 = vector.shape_cast %add3A_43 : vector<16xi32> to vector<16x1xi32>
        %parallel_loop3A_146 = vector.shape_cast %parallel_loop3A_145 : vector<16x1xi32> to vector<16xi32>
        %parallel_loop3A_147 = tpu.dynamic_gather %parallel_loop3A_136[%parallel_loop3A_146] in [0] : vector<16xf32>, vector<16xi32> -> vector<16xf32>
        %parallel_loop3A_148 = vector.shape_cast %add3A_46 : vector<16xi32> to vector<16x1xi32>
        %parallel_loop3A_149 = vector.shape_cast %parallel_loop3A_148 : vector<16x1xi32> to vector<16xi32>
        %parallel_loop3A_150 = tpu.dynamic_gather %parallel_loop3A_136[%parallel_loop3A_149] in [0] : vector<16xf32>, vector<16xi32> -> vector<16xf32>
        %parallel_loop3A_151 = vector.shape_cast %add3A_49 : vector<16xi32> to vector<16x1xi32>
        %parallel_loop3A_152 = vector.shape_cast %parallel_loop3A_151 : vector<16x1xi32> to vector<16xi32>
        %parallel_loop3A_153 = tpu.dynamic_gather %parallel_loop3A_136[%parallel_loop3A_152] in [0] : vector<16xf32>, vector<16xi32> -> vector<16xf32>
        %parallel_loop3A_154 = arith.index_cast %parallel_loop3A_122 : i32 to index
        %parallel_loop3A_155 = arith.constant 0 : index
        %parallel_loop3A_156 = tpu.vector_load %arg19[%parallel_loop3A_154, %parallel_loop3A_155] {strides = array<i32>} : memref<96x64xf32, #tpu.memory_space<vmem>>, vector<1x16xf32>,
        %parallel_loop3A_157 = vector.shape_cast %parallel_loop3A_156 : vector<1x16xf32> to vector<16xf32>
        %parallel_loop3A_158 = arith.mulf %parallel_loop3A_157, %parallel_loop3A_144 : vector<16xf32>
        %parallel_loop3A_159 = arith.index_cast %parallel_loop3A_122 : i32 to index
        %parallel_loop3A_160 = arith.constant 0 : index
        %parallel_loop3A_161 = tpu.vector_load %arg19[%parallel_loop3A_159, %parallel_loop3A_160] {strides = array<i32>} : memref<96x64xf32, #tpu.memory_space<vmem>>, vector<1x16xf32>,
        %parallel_loop3A_162 = vector.shape_cast %parallel_loop3A_161 : vector<1x16xf32> to vector<16xf32>
        %parallel_loop3A_163 = vector.shape_cast %parallel_loop3A_158 : vector<16xf32> to vector<1x16xf32>
        tpu.vector_store %arg19[%parallel_loop3A_159, %parallel_loop3A_160], %parallel_loop3A_163 {strides = array<i32>} : memref<96x64xf32, #tpu.memory_space<vmem>>, vector<1x16xf32>,
        %parallel_loop3A_164 = arith.index_cast %parallel_loop3A_122 : i32 to index
        %parallel_loop3A_165 = arith.constant 16 : index
        %parallel_loop3A_166 = tpu.vector_load %arg19[%parallel_loop3A_164, %parallel_loop3A_165] {strides = array<i32>} : memref<96x64xf32, #tpu.memory_space<vmem>>, vector<1x16xf32>,
        %parallel_loop3A_167 = vector.shape_cast %parallel_loop3A_166 : vector<1x16xf32> to vector<16xf32>
        %parallel_loop3A_168 = arith.mulf %parallel_loop3A_167, %parallel_loop3A_147 : vector<16xf32>
        %parallel_loop3A_169 = arith.index_cast %parallel_loop3A_122 : i32 to index
        %parallel_loop3A_170 = arith.constant 16 : index
        %parallel_loop3A_171 = tpu.vector_load %arg19[%parallel_loop3A_169, %parallel_loop3A_170] {strides = array<i32>} : memref<96x64xf32, #tpu.memory_space<vmem>>, vector<1x16xf32>,
        %parallel_loop3A_172 = vector.shape_cast %parallel_loop3A_171 : vector<1x16xf32> to vector<16xf32>
        %parallel_loop3A_173 = vector.shape_cast %parallel_loop3A_168 : vector<16xf32> to vector<1x16xf32>
        tpu.vector_store %arg19[%parallel_loop3A_169, %parallel_loop3A_170], %parallel_loop3A_173 {strides = array<i32>} : memref<96x64xf32, #tpu.memory_space<vmem>>, vector<1x16xf32>,
        %parallel_loop3A_174 = arith.index_cast %parallel_loop3A_122 : i32 to index
        %parallel_loop3A_175 = arith.constant 32 : index
        %parallel_loop3A_176 = tpu.vector_load %arg19[%parallel_loop3A_174, %parallel_loop3A_175] {strides = array<i32>} : memref<96x64xf32, #tpu.memory_space<vmem>>, vector<1x16xf32>,
        %parallel_loop3A_177 = vector.shape_cast %parallel_loop3A_176 : vector<1x16xf32> to vector<16xf32>
        %parallel_loop3A_178 = arith.mulf %parallel_loop3A_177, %parallel_loop3A_150 : vector<16xf32>
        %parallel_loop3A_179 = arith.index_cast %parallel_loop3A_122 : i32 to index
        %parallel_loop3A_180 = arith.constant 32 : index
        %parallel_loop3A_181 = tpu.vector_load %arg19[%parallel_loop3A_179, %parallel_loop3A_180] {strides = array<i32>} : memref<96x64xf32, #tpu.memory_space<vmem>>, vector<1x16xf32>,
        %parallel_loop3A_182 = vector.shape_cast %parallel_loop3A_181 : vector<1x16xf32> to vector<16xf32>
        %parallel_loop3A_183 = vector.shape_cast %parallel_loop3A_178 : vector<16xf32> to vector<1x16xf32>
        tpu.vector_store %arg19[%parallel_loop3A_179, %parallel_loop3A_180], %parallel_loop3A_183 {strides = array<i32>} : memref<96x64xf32, #tpu.memory_space<vmem>>, vector<1x16xf32>,
        %parallel_loop3A_184 = arith.index_cast %parallel_loop3A_122 : i32 to index
        %parallel_loop3A_185 = arith.constant 48 : index
        %parallel_loop3A_186 = tpu.vector_load %arg19[%parallel_loop3A_184, %parallel_loop3A_185] {strides = array<i32>} : memref<96x64xf32, #tpu.memory_space<vmem>>, vector<1x16xf32>,
        %parallel_loop3A_187 = vector.shape_cast %parallel_loop3A_186 : vector<1x16xf32> to vector<16xf32>
        %parallel_loop3A_188 = arith.mulf %parallel_loop3A_187, %parallel_loop3A_153 : vector<16xf32>
        %parallel_loop3A_189 = arith.index_cast %parallel_loop3A_122 : i32 to index
        %parallel_loop3A_190 = arith.constant 48 : index
        %parallel_loop3A_191 = tpu.vector_load %arg19[%parallel_loop3A_189, %parallel_loop3A_190] {strides = array<i32>} : memref<96x64xf32, #tpu.memory_space<vmem>>, vector<1x16xf32>,
        %parallel_loop3A_192 = vector.shape_cast %parallel_loop3A_191 : vector<1x16xf32> to vector<16xf32>
        %parallel_loop3A_193 = vector.shape_cast %parallel_loop3A_188 : vector<16xf32> to vector<1x16xf32>
        tpu.vector_store %arg19[%parallel_loop3A_189, %parallel_loop3A_190], %parallel_loop3A_193 {strides = array<i32>} : memref<96x64xf32, #tpu.memory_space<vmem>>, vector<1x16xf32>,
      } {sc.loop_unroll_factor = 4 : i64, sc.parallel_access}
      "tpu.region"() ({
        %run_scoped3A = tpu.sem_alloc : memref<!tpu.dma_semaphore, #tpu.memory_space<semaphore_mem>>
        %dma_start3A_122 = arith.constant 0 : i32
        %dma_start3A_123 = arith.constant 0 : i32
        %dma_start3A_124 = tpu.memref_slice %arg13[%dma_start3A_122, %dma_start3A_123] : memref<10240x16xf32, #tpu.memory_space<vmem_shared>> -> memref<10240x16xf32, #tpu.memory_space<vmem_shared>>
        tpu.enqueue_indirect_dma source(%arg22 : memref<96x16xf32, #tpu.memory_space<vmem>>) target(%dma_start3A_124 : memref<10240x16xf32, #tpu.memory_space<vmem_shared>>) offsets(%arg17 : memref<96xi32, #tpu.memory_space<vmem>>) semaphore(%run_scoped3A : memref<!tpu.dma_semaphore, #tpu.memory_space<semaphore_mem>>) {add = true}
        %dma_wait3A_125 = arith.constant 0 : i32
        %dma_wait3A_126 = arith.constant 0 : i32
        %dma_wait3A_127 = tpu.memref_slice %arg13[%dma_wait3A_125, %dma_wait3A_126] : memref<10240x16xf32, #tpu.memory_space<vmem_shared>> -> memref<10240x16xf32, #tpu.memory_space<vmem_shared>>
        tpu.wait_indirect_dma semaphore(%run_scoped3A : memref<!tpu.dma_semaphore, #tpu.memory_space<semaphore_mem>>) src(%arg22 : memref<96x16xf32, #tpu.memory_space<vmem>>) dst(%dma_wait3A_127 : memref<10240x16xf32, #tpu.memory_space<vmem_shared>>)
        tpu.yield
      }) : () -> ()
      "tpu.region"() ({
        %run_scoped3A = tpu.sem_alloc : memref<!tpu.dma_semaphore, #tpu.memory_space<semaphore_mem>>
        %dma_start3A_122 = arith.constant 0 : i32
        %dma_start3A_123 = arith.constant 0 : i32
        %dma_start3A_124 = tpu.memref_slice %arg12[%dma_start3A_122, %dma_start3A_123] : memref<10240x64xf32, #tpu.memory_space<vmem_shared>> -> memref<10240x64xf32, #tpu.memory_space<vmem_shared>>
        tpu.enqueue_indirect_dma source(%arg19 : memref<96x64xf32, #tpu.memory_space<vmem>>) target(%dma_start3A_124 : memref<10240x64xf32, #tpu.memory_space<vmem_shared>>) offsets(%arg17 : memref<96xi32, #tpu.memory_space<vmem>>) semaphore(%run_scoped3A : memref<!tpu.dma_semaphore, #tpu.memory_space<semaphore_mem>>) {add = true}
        %dma_wait3A_125 = arith.constant 0 : i32
        %dma_wait3A_126 = arith.constant 0 : i32
        %dma_wait3A_127 = tpu.memref_slice %arg12[%dma_wait3A_125, %dma_wait3A_126] : memref<10240x64xf32, #tpu.memory_space<vmem_shared>> -> memref<10240x64xf32, #tpu.memory_space<vmem_shared>>
        tpu.wait_indirect_dma semaphore(%run_scoped3A : memref<!tpu.dma_semaphore, #tpu.memory_space<semaphore_mem>>) src(%arg19 : memref<96x64xf32, #tpu.memory_space<vmem>>) dst(%dma_wait3A_127 : memref<10240x64xf32, #tpu.memory_space<vmem_shared>>)
        tpu.yield
      }) : () -> ()
      %scan3A_121 = arith.constant 0 : i32
      scf.yield %scan3A_121 : i32
    }
    %scan3A_63 = arith.constant 54 : i32
    %barrier3A_64 = arith.constant 0 : index
    tpu.barrier barrier_id(%barrier3A_64)
    "tpu.region"() ({
      %run_scoped3A = tpu.sem_alloc : memref<!tpu.dma_semaphore, #tpu.memory_space<semaphore_mem>>
      %dma_start3A_65 = arith.constant 0 : i32
      %dma_start3A_66 = tpu.memref_slice %arg7[%arg0, %mul3A_2, %dma_start3A_65] : memref<2x10240x64xf32, #tpu.memory_space<hbm>> -> memref<1x640x64xf32, #tpu.memory_space<hbm>>
      %dma_start3A_67 = tpu.memref_squeeze %dma_start3A_66 : memref<1x640x64xf32, #tpu.memory_space<hbm>> -> memref<640x64xf32, #tpu.memory_space<hbm>>
      %dma_start3A_68 = arith.constant 0 : i32
      %dma_start3A_69 = tpu.memref_slice %arg12[%mul3A_2, %dma_start3A_68] : memref<10240x64xf32, #tpu.memory_space<vmem_shared>> -> memref<640x64xf32, #tpu.memory_space<vmem_shared>>
      tpu.enqueue_dma source(%dma_start3A_69 : memref<640x64xf32, #tpu.memory_space<vmem_shared>>) target(%dma_start3A_67 : memref<640x64xf32, #tpu.memory_space<hbm>>) target_semaphore(%run_scoped3A : memref<!tpu.dma_semaphore, #tpu.memory_space<semaphore_mem>>)
      %dma_wait3A = arith.constant 0 : i32
      %dma_wait3A_70 = tpu.memref_slice %arg7[%arg0, %mul3A_2, %dma_wait3A] : memref<2x10240x64xf32, #tpu.memory_space<hbm>> -> memref<1x640x64xf32, #tpu.memory_space<hbm>>
      %dma_wait3A_71 = tpu.memref_squeeze %dma_wait3A_70 : memref<1x640x64xf32, #tpu.memory_space<hbm>> -> memref<640x64xf32, #tpu.memory_space<hbm>>
      %dma_wait3A_72 = arith.constant 0 : i32
      %dma_wait3A_73 = tpu.memref_slice %arg12[%mul3A_2, %dma_wait3A_72] : memref<10240x64xf32, #tpu.memory_space<vmem_shared>> -> memref<640x64xf32, #tpu.memory_space<vmem_shared>>
      tpu.wait_dma2 semaphore(%run_scoped3A : memref<!tpu.dma_semaphore, #tpu.memory_space<semaphore_mem>>) src(%dma_wait3A_73 : memref<640x64xf32, #tpu.memory_space<vmem_shared>>) dst(%dma_wait3A_71 : memref<640x64xf32, #tpu.memory_space<hbm>>)
      tpu.yield
    }) : () -> ()
    "tpu.region"() ({
      %run_scoped3A = tpu.sem_alloc : memref<!tpu.dma_semaphore, #tpu.memory_space<semaphore_mem>>
      %dma_start3A_65 = arith.constant 0 : i32
      %dma_start3A_66 = tpu.memref_slice %arg8[%arg0, %mul3A_2, %dma_start3A_65] : memref<2x10240x16xf32, #tpu.memory_space<hbm>> -> memref<1x640x16xf32, #tpu.memory_space<hbm>>
      %dma_start3A_67 = tpu.memref_squeeze %dma_start3A_66 : memref<1x640x16xf32, #tpu.memory_space<hbm>> -> memref<640x16xf32, #tpu.memory_space<hbm>>
      %dma_start3A_68 = arith.constant 0 : i32
      %dma_start3A_69 = tpu.memref_slice %arg13[%mul3A_2, %dma_start3A_68] : memref<10240x16xf32, #tpu.memory_space<vmem_shared>> -> memref<640x16xf32, #tpu.memory_space<vmem_shared>>
      tpu.enqueue_dma source(%dma_start3A_69 : memref<640x16xf32, #tpu.memory_space<vmem_shared>>) target(%dma_start3A_67 : memref<640x16xf32, #tpu.memory_space<hbm>>) target_semaphore(%run_scoped3A : memref<!tpu.dma_semaphore, #tpu.memory_space<semaphore_mem>>)
      %dma_wait3A = arith.constant 0 : i32
      %dma_wait3A_70 = tpu.memref_slice %arg8[%arg0, %mul3A_2, %dma_wait3A] : memref<2x10240x16xf32, #tpu.memory_space<hbm>> -> memref<1x640x16xf32, #tpu.memory_space<hbm>>
      %dma_wait3A_71 = tpu.memref_squeeze %dma_wait3A_70 : memref<1x640x16xf32, #tpu.memory_space<hbm>> -> memref<640x16xf32, #tpu.memory_space<hbm>>
      %dma_wait3A_72 = arith.constant 0 : i32
      %dma_wait3A_73 = tpu.memref_slice %arg13[%mul3A_2, %dma_wait3A_72] : memref<10240x16xf32, #tpu.memory_space<vmem_shared>> -> memref<640x16xf32, #tpu.memory_space<vmem_shared>>
      tpu.wait_dma2 semaphore(%run_scoped3A : memref<!tpu.dma_semaphore, #tpu.memory_space<semaphore_mem>>) src(%dma_wait3A_73 : memref<640x16xf32, #tpu.memory_space<vmem_shared>>) dst(%dma_wait3A_71 : memref<640x16xf32, #tpu.memory_space<hbm>>)
      tpu.yield
    }) : () -> ()
    return
  }
}

#map = affine_map<(d0, d1) -> (0)>
#map1 = affine_map<(d0, d1) -> (0, 0)>
#map2 = affine_map<(d0, d1) -> (0, 0, 0)>
module attributes {stable_mosaic.version = 14 : i64} {
  func.func @body(%arg0: i32, %arg1: i32, %arg2: memref<332288xi32, #tpu.memory_space<hbm>>, %arg3: memref<332288xi32, #tpu.memory_space<hbm>>, %arg4: memref<10240x128xf32, #tpu.memory_space<hbm>>, %arg5: memref<10240x16xf32, #tpu.memory_space<hbm>>, %arg6: memref<10240x16xf32, #tpu.memory_space<hbm>>, %arg7: memref<2x10240x128xf32, #tpu.memory_space<hbm>>, %arg8: memref<2x10240x16xf32, #tpu.memory_space<hbm>>, %arg9: memref<10240x128xf32, #tpu.memory_space<vmem_shared>>, %arg10: memref<10240x16xf32, #tpu.memory_space<vmem_shared>>, %arg11: memref<88xi32, #tpu.memory_space<vmem>>, %arg12: memref<88xi32, #tpu.memory_space<vmem>>, %arg13: memref<88xi32, #tpu.memory_space<vmem>>, %arg14: memref<88xi32, #tpu.memory_space<vmem>>, %arg15: memref<88x128xf32, #tpu.memory_space<vmem>>, %arg16: memref<88x128xf32, #tpu.memory_space<vmem>>, %arg17: memref<88x16xf32, #tpu.memory_space<vmem>>, %arg18: memref<88x16xf32, #tpu.memory_space<vmem>>, %arg19: memref<88x16xf32, #tpu.memory_space<vmem>>, %arg20: memref<88x16xf32, #tpu.memory_space<vmem>>, %arg21: memref<88x16xf32, #tpu.memory_space<vmem>>, %arg22: memref<!tpu.dma_semaphore, #tpu.memory_space<semaphore_mem>>, %arg23: memref<!tpu.dma_semaphore, #tpu.memory_space<semaphore_mem>>) attributes {dimension_semantics = [#tpu.dimension_semantics<core_parallel>, #tpu.dimension_semantics<subcore_parallel>], iteration_bounds = array<i64: 2, 16>, scalar_prefetch = 0 : i64, scratch_operands = 15 : i64, tpu.core_type = #tpu.core_type<sc_vector_subcore>, window_params = [{transform_indices = #map}, {transform_indices = #map}, {transform_indices = #map1}, {transform_indices = #map1}, {transform_indices = #map1}, {transform_indices = #map2}, {transform_indices = #map2}]} {
    %mul3A = arith.constant 16 : i32
    %mul3A_0 = arith.muli %arg0, %mul3A : i32
    %add3A = arith.addi %mul3A_0, %arg1 : i32
    %mul3A_1 = arith.constant 640 : i32
    %mul3A_2 = arith.muli %arg1, %mul3A_1 : i32
    %broadcast_in_dim3A = arith.constant 0.000000e+00 : f32
    %broadcast_in_dim3A_3 = vector.broadcast %broadcast_in_dim3A : f32 to vector<16xf32>
    %parallel_loop3A = arith.constant 0 : i32
    %parallel_loop3A_4 = arith.constant 88 : i32
    %parallel_loop3A_5 = arith.constant 1 : i32
    scf.for %parallel_loop3A_65 = %parallel_loop3A to %parallel_loop3A_4 step %parallel_loop3A_5  : i32 {
      %parallel_loop3A_66 = arith.index_cast %parallel_loop3A_65 : i32 to index
      %parallel_loop3A_67 = arith.constant 0 : index
      %parallel_loop3A_68 = tpu.vector_load %arg15[%parallel_loop3A_66, %parallel_loop3A_67] {strides = array<i32>} : memref<88x128xf32, #tpu.memory_space<vmem>>, vector<1x16xf32>,
      %parallel_loop3A_69 = vector.shape_cast %parallel_loop3A_68 : vector<1x16xf32> to vector<16xf32>
      %parallel_loop3A_70 = vector.shape_cast %broadcast_in_dim3A_3 : vector<16xf32> to vector<1x16xf32>
      tpu.vector_store %arg15[%parallel_loop3A_66, %parallel_loop3A_67], %parallel_loop3A_70 {strides = array<i32>} : memref<88x128xf32, #tpu.memory_space<vmem>>, vector<1x16xf32>,
      %parallel_loop3A_71 = arith.index_cast %parallel_loop3A_65 : i32 to index
      %parallel_loop3A_72 = arith.constant 16 : index
      %parallel_loop3A_73 = tpu.vector_load %arg15[%parallel_loop3A_71, %parallel_loop3A_72] {strides = array<i32>} : memref<88x128xf32, #tpu.memory_space<vmem>>, vector<1x16xf32>,
      %parallel_loop3A_74 = vector.shape_cast %parallel_loop3A_73 : vector<1x16xf32> to vector<16xf32>
      %parallel_loop3A_75 = vector.shape_cast %broadcast_in_dim3A_3 : vector<16xf32> to vector<1x16xf32>
      tpu.vector_store %arg15[%parallel_loop3A_71, %parallel_loop3A_72], %parallel_loop3A_75 {strides = array<i32>} : memref<88x128xf32, #tpu.memory_space<vmem>>, vector<1x16xf32>,
      %parallel_loop3A_76 = arith.index_cast %parallel_loop3A_65 : i32 to index
      %parallel_loop3A_77 = arith.constant 32 : index
      %parallel_loop3A_78 = tpu.vector_load %arg15[%parallel_loop3A_76, %parallel_loop3A_77] {strides = array<i32>} : memref<88x128xf32, #tpu.memory_space<vmem>>, vector<1x16xf32>,
      %parallel_loop3A_79 = vector.shape_cast %parallel_loop3A_78 : vector<1x16xf32> to vector<16xf32>
      %parallel_loop3A_80 = vector.shape_cast %broadcast_in_dim3A_3 : vector<16xf32> to vector<1x16xf32>
      tpu.vector_store %arg15[%parallel_loop3A_76, %parallel_loop3A_77], %parallel_loop3A_80 {strides = array<i32>} : memref<88x128xf32, #tpu.memory_space<vmem>>, vector<1x16xf32>,
      %parallel_loop3A_81 = arith.index_cast %parallel_loop3A_65 : i32 to index
      %parallel_loop3A_82 = arith.constant 48 : index
      %parallel_loop3A_83 = tpu.vector_load %arg15[%parallel_loop3A_81, %parallel_loop3A_82] {strides = array<i32>} : memref<88x128xf32, #tpu.memory_space<vmem>>, vector<1x16xf32>,
      %parallel_loop3A_84 = vector.shape_cast %parallel_loop3A_83 : vector<1x16xf32> to vector<16xf32>
      %parallel_loop3A_85 = vector.shape_cast %broadcast_in_dim3A_3 : vector<16xf32> to vector<1x16xf32>
      tpu.vector_store %arg15[%parallel_loop3A_81, %parallel_loop3A_82], %parallel_loop3A_85 {strides = array<i32>} : memref<88x128xf32, #tpu.memory_space<vmem>>, vector<1x16xf32>,
      %parallel_loop3A_86 = arith.index_cast %parallel_loop3A_65 : i32 to index
      %parallel_loop3A_87 = arith.constant 64 : index
      %parallel_loop3A_88 = tpu.vector_load %arg15[%parallel_loop3A_86, %parallel_loop3A_87] {strides = array<i32>} : memref<88x128xf32, #tpu.memory_space<vmem>>, vector<1x16xf32>,
      %parallel_loop3A_89 = vector.shape_cast %parallel_loop3A_88 : vector<1x16xf32> to vector<16xf32>
      %parallel_loop3A_90 = vector.shape_cast %broadcast_in_dim3A_3 : vector<16xf32> to vector<1x16xf32>
      tpu.vector_store %arg15[%parallel_loop3A_86, %parallel_loop3A_87], %parallel_loop3A_90 {strides = array<i32>} : memref<88x128xf32, #tpu.memory_space<vmem>>, vector<1x16xf32>,
      %parallel_loop3A_91 = arith.index_cast %parallel_loop3A_65 : i32 to index
      %parallel_loop3A_92 = arith.constant 80 : index
      %parallel_loop3A_93 = tpu.vector_load %arg15[%parallel_loop3A_91, %parallel_loop3A_92] {strides = array<i32>} : memref<88x128xf32, #tpu.memory_space<vmem>>, vector<1x16xf32>,
      %parallel_loop3A_94 = vector.shape_cast %parallel_loop3A_93 : vector<1x16xf32> to vector<16xf32>
      %parallel_loop3A_95 = vector.shape_cast %broadcast_in_dim3A_3 : vector<16xf32> to vector<1x16xf32>
      tpu.vector_store %arg15[%parallel_loop3A_91, %parallel_loop3A_92], %parallel_loop3A_95 {strides = array<i32>} : memref<88x128xf32, #tpu.memory_space<vmem>>, vector<1x16xf32>,
      %parallel_loop3A_96 = arith.index_cast %parallel_loop3A_65 : i32 to index
      %parallel_loop3A_97 = arith.constant 96 : index
      %parallel_loop3A_98 = tpu.vector_load %arg15[%parallel_loop3A_96, %parallel_loop3A_97] {strides = array<i32>} : memref<88x128xf32, #tpu.memory_space<vmem>>, vector<1x16xf32>,
      %parallel_loop3A_99 = vector.shape_cast %parallel_loop3A_98 : vector<1x16xf32> to vector<16xf32>
      %parallel_loop3A_100 = vector.shape_cast %broadcast_in_dim3A_3 : vector<16xf32> to vector<1x16xf32>
      tpu.vector_store %arg15[%parallel_loop3A_96, %parallel_loop3A_97], %parallel_loop3A_100 {strides = array<i32>} : memref<88x128xf32, #tpu.memory_space<vmem>>, vector<1x16xf32>,
      %parallel_loop3A_101 = arith.index_cast %parallel_loop3A_65 : i32 to index
      %parallel_loop3A_102 = arith.constant 112 : index
      %parallel_loop3A_103 = tpu.vector_load %arg15[%parallel_loop3A_101, %parallel_loop3A_102] {strides = array<i32>} : memref<88x128xf32, #tpu.memory_space<vmem>>, vector<1x16xf32>,
      %parallel_loop3A_104 = vector.shape_cast %parallel_loop3A_103 : vector<1x16xf32> to vector<16xf32>
      %parallel_loop3A_105 = vector.shape_cast %broadcast_in_dim3A_3 : vector<16xf32> to vector<1x16xf32>
      tpu.vector_store %arg15[%parallel_loop3A_101, %parallel_loop3A_102], %parallel_loop3A_105 {strides = array<i32>} : memref<88x128xf32, #tpu.memory_space<vmem>>, vector<1x16xf32>,
      %parallel_loop3A_106 = arith.index_cast %parallel_loop3A_65 : i32 to index
      %parallel_loop3A_107 = arith.constant 0 : index
      %parallel_loop3A_108 = tpu.vector_load %arg21[%parallel_loop3A_106, %parallel_loop3A_107] {strides = array<i32>} : memref<88x16xf32, #tpu.memory_space<vmem>>, vector<1x16xf32>,
      %parallel_loop3A_109 = vector.shape_cast %parallel_loop3A_108 : vector<1x16xf32> to vector<16xf32>
      %parallel_loop3A_110 = vector.shape_cast %broadcast_in_dim3A_3 : vector<16xf32> to vector<1x16xf32>
      tpu.vector_store %arg21[%parallel_loop3A_106, %parallel_loop3A_107], %parallel_loop3A_110 {strides = array<i32>} : memref<88x16xf32, #tpu.memory_space<vmem>>, vector<1x16xf32>,
    } {sc.loop_unroll_factor = 4 : i64, sc.parallel_access}
    %add3A_6 = arith.constant 0 : i32
    %add3A_7 = arith.addi %mul3A_2, %add3A_6 : i32
    "tpu.region"() ({
      %run_scoped3A = tpu.sem_alloc : memref<!tpu.dma_semaphore, #tpu.memory_space<semaphore_mem>>
      %dma_start3A_65 = arith.constant 0 : i32
      %dma_start3A_66 = arith.constant 0 : i32
      %dma_start3A_67 = tpu.memref_slice %arg15[%dma_start3A_65, %dma_start3A_66] : memref<88x128xf32, #tpu.memory_space<vmem>> -> memref<88x128xf32, #tpu.memory_space<vmem>>
      %dma_start3A_68 = arith.constant 0 : i32
      %dma_start3A_69 = tpu.memref_slice %arg9[%add3A_7, %dma_start3A_68] : memref<10240x128xf32, #tpu.memory_space<vmem_shared>> -> memref<88x128xf32, #tpu.memory_space<vmem_shared>>
      %dma_start3A_70 = arith.constant 0 : i32
      %dma_start3A_71 = tpu.memref_slice %arg9[%add3A_7, %dma_start3A_70] : memref<10240x128xf32, #tpu.memory_space<vmem_shared>> -> memref<88x128xf32, #tpu.memory_space<vmem_shared>>
      %dma_start3A_72 = arith.constant 0 : i32
      %dma_start3A_73 = arith.constant 0 : i32
      %dma_start3A_74 = tpu.memref_slice %arg15[%dma_start3A_72, %dma_start3A_73] : memref<88x128xf32, #tpu.memory_space<vmem>> -> memref<88x128xf32, #tpu.memory_space<vmem>>
      tpu.enqueue_dma source(%dma_start3A_74 : memref<88x128xf32, #tpu.memory_space<vmem>>) target(%dma_start3A_71 : memref<88x128xf32, #tpu.memory_space<vmem_shared>>) target_semaphore(%run_scoped3A : memref<!tpu.dma_semaphore, #tpu.memory_space<semaphore_mem>>)
      %dma_wait3A = arith.constant 0 : i32
      %dma_wait3A_75 = arith.constant 0 : i32
      %dma_wait3A_76 = tpu.memref_slice %arg15[%dma_wait3A, %dma_wait3A_75] : memref<88x128xf32, #tpu.memory_space<vmem>> -> memref<88x128xf32, #tpu.memory_space<vmem>>
      %dma_wait3A_77 = arith.constant 0 : i32
      %dma_wait3A_78 = tpu.memref_slice %arg9[%add3A_7, %dma_wait3A_77] : memref<10240x128xf32, #tpu.memory_space<vmem_shared>> -> memref<88x128xf32, #tpu.memory_space<vmem_shared>>
      %dma_wait3A_79 = arith.constant 0 : i32
      %dma_wait3A_80 = tpu.memref_slice %arg9[%add3A_7, %dma_wait3A_79] : memref<10240x128xf32, #tpu.memory_space<vmem_shared>> -> memref<88x128xf32, #tpu.memory_space<vmem_shared>>
      %dma_wait3A_81 = arith.constant 0 : i32
      %dma_wait3A_82 = arith.constant 0 : i32
      %dma_wait3A_83 = tpu.memref_slice %arg15[%dma_wait3A_81, %dma_wait3A_82] : memref<88x128xf32, #tpu.memory_space<vmem>> -> memref<88x128xf32, #tpu.memory_space<vmem>>
      tpu.wait_dma2 semaphore(%run_scoped3A : memref<!tpu.dma_semaphore, #tpu.memory_space<semaphore_mem>>) src(%dma_wait3A_83 : memref<88x128xf32, #tpu.memory_space<vmem>>) dst(%dma_wait3A_80 : memref<88x128xf32, #tpu.memory_space<vmem_shared>>)
      tpu.yield
    }) : () -> ()
    %add3A_8 = arith.constant 0 : i32
    %add3A_9 = arith.addi %mul3A_2, %add3A_8 : i32
    "tpu.region"() ({
      %run_scoped3A = tpu.sem_alloc : memref<!tpu.dma_semaphore, #tpu.memory_space<semaphore_mem>>
      %dma_start3A_65 = arith.constant 0 : i32
      %dma_start3A_66 = arith.constant 0 : i32
      %dma_start3A_67 = tpu.memref_slice %arg21[%dma_start3A_65, %dma_start3A_66] : memref<88x16xf32, #tpu.memory_space<vmem>> -> memref<88x16xf32, #tpu.memory_space<vmem>>
      %dma_start3A_68 = arith.constant 0 : i32
      %dma_start3A_69 = tpu.memref_slice %arg10[%add3A_9, %dma_start3A_68] : memref<10240x16xf32, #tpu.memory_space<vmem_shared>> -> memref<88x16xf32, #tpu.memory_space<vmem_shared>>
      %dma_start3A_70 = arith.constant 0 : i32
      %dma_start3A_71 = tpu.memref_slice %arg10[%add3A_9, %dma_start3A_70] : memref<10240x16xf32, #tpu.memory_space<vmem_shared>> -> memref<88x16xf32, #tpu.memory_space<vmem_shared>>
      %dma_start3A_72 = arith.constant 0 : i32
      %dma_start3A_73 = arith.constant 0 : i32
      %dma_start3A_74 = tpu.memref_slice %arg21[%dma_start3A_72, %dma_start3A_73] : memref<88x16xf32, #tpu.memory_space<vmem>> -> memref<88x16xf32, #tpu.memory_space<vmem>>
      tpu.enqueue_dma source(%dma_start3A_74 : memref<88x16xf32, #tpu.memory_space<vmem>>) target(%dma_start3A_71 : memref<88x16xf32, #tpu.memory_space<vmem_shared>>) target_semaphore(%run_scoped3A : memref<!tpu.dma_semaphore, #tpu.memory_space<semaphore_mem>>)
      %dma_wait3A = arith.constant 0 : i32
      %dma_wait3A_75 = arith.constant 0 : i32
      %dma_wait3A_76 = tpu.memref_slice %arg21[%dma_wait3A, %dma_wait3A_75] : memref<88x16xf32, #tpu.memory_space<vmem>> -> memref<88x16xf32, #tpu.memory_space<vmem>>
      %dma_wait3A_77 = arith.constant 0 : i32
      %dma_wait3A_78 = tpu.memref_slice %arg10[%add3A_9, %dma_wait3A_77] : memref<10240x16xf32, #tpu.memory_space<vmem_shared>> -> memref<88x16xf32, #tpu.memory_space<vmem_shared>>
      %dma_wait3A_79 = arith.constant 0 : i32
      %dma_wait3A_80 = tpu.memref_slice %arg10[%add3A_9, %dma_wait3A_79] : memref<10240x16xf32, #tpu.memory_space<vmem_shared>> -> memref<88x16xf32, #tpu.memory_space<vmem_shared>>
      %dma_wait3A_81 = arith.constant 0 : i32
      %dma_wait3A_82 = arith.constant 0 : i32
      %dma_wait3A_83 = tpu.memref_slice %arg21[%dma_wait3A_81, %dma_wait3A_82] : memref<88x16xf32, #tpu.memory_space<vmem>> -> memref<88x16xf32, #tpu.memory_space<vmem>>
      tpu.wait_dma2 semaphore(%run_scoped3A : memref<!tpu.dma_semaphore, #tpu.memory_space<semaphore_mem>>) src(%dma_wait3A_83 : memref<88x16xf32, #tpu.memory_space<vmem>>) dst(%dma_wait3A_80 : memref<88x16xf32, #tpu.memory_space<vmem_shared>>)
      tpu.yield
    }) : () -> ()
    %add3A_10 = arith.constant 88 : i32
    %add3A_11 = arith.addi %mul3A_2, %add3A_10 : i32
    "tpu.region"() ({
      %run_scoped3A = tpu.sem_alloc : memref<!tpu.dma_semaphore, #tpu.memory_space<semaphore_mem>>
      %dma_start3A_65 = arith.constant 0 : i32
      %dma_start3A_66 = arith.constant 0 : i32
      %dma_start3A_67 = tpu.memref_slice %arg15[%dma_start3A_65, %dma_start3A_66] : memref<88x128xf32, #tpu.memory_space<vmem>> -> memref<88x128xf32, #tpu.memory_space<vmem>>
      %dma_start3A_68 = arith.constant 0 : i32
      %dma_start3A_69 = tpu.memref_slice %arg9[%add3A_11, %dma_start3A_68] : memref<10240x128xf32, #tpu.memory_space<vmem_shared>> -> memref<88x128xf32, #tpu.memory_space<vmem_shared>>
      %dma_start3A_70 = arith.constant 0 : i32
      %dma_start3A_71 = tpu.memref_slice %arg9[%add3A_11, %dma_start3A_70] : memref<10240x128xf32, #tpu.memory_space<vmem_shared>> -> memref<88x128xf32, #tpu.memory_space<vmem_shared>>
      %dma_start3A_72 = arith.constant 0 : i32
      %dma_start3A_73 = arith.constant 0 : i32
      %dma_start3A_74 = tpu.memref_slice %arg15[%dma_start3A_72, %dma_start3A_73] : memref<88x128xf32, #tpu.memory_space<vmem>> -> memref<88x128xf32, #tpu.memory_space<vmem>>
      tpu.enqueue_dma source(%dma_start3A_74 : memref<88x128xf32, #tpu.memory_space<vmem>>) target(%dma_start3A_71 : memref<88x128xf32, #tpu.memory_space<vmem_shared>>) target_semaphore(%run_scoped3A : memref<!tpu.dma_semaphore, #tpu.memory_space<semaphore_mem>>)
      %dma_wait3A = arith.constant 0 : i32
      %dma_wait3A_75 = arith.constant 0 : i32
      %dma_wait3A_76 = tpu.memref_slice %arg15[%dma_wait3A, %dma_wait3A_75] : memref<88x128xf32, #tpu.memory_space<vmem>> -> memref<88x128xf32, #tpu.memory_space<vmem>>
      %dma_wait3A_77 = arith.constant 0 : i32
      %dma_wait3A_78 = tpu.memref_slice %arg9[%add3A_11, %dma_wait3A_77] : memref<10240x128xf32, #tpu.memory_space<vmem_shared>> -> memref<88x128xf32, #tpu.memory_space<vmem_shared>>
      %dma_wait3A_79 = arith.constant 0 : i32
      %dma_wait3A_80 = tpu.memref_slice %arg9[%add3A_11, %dma_wait3A_79] : memref<10240x128xf32, #tpu.memory_space<vmem_shared>> -> memref<88x128xf32, #tpu.memory_space<vmem_shared>>
      %dma_wait3A_81 = arith.constant 0 : i32
      %dma_wait3A_82 = arith.constant 0 : i32
      %dma_wait3A_83 = tpu.memref_slice %arg15[%dma_wait3A_81, %dma_wait3A_82] : memref<88x128xf32, #tpu.memory_space<vmem>> -> memref<88x128xf32, #tpu.memory_space<vmem>>
      tpu.wait_dma2 semaphore(%run_scoped3A : memref<!tpu.dma_semaphore, #tpu.memory_space<semaphore_mem>>) src(%dma_wait3A_83 : memref<88x128xf32, #tpu.memory_space<vmem>>) dst(%dma_wait3A_80 : memref<88x128xf32, #tpu.memory_space<vmem_shared>>)
      tpu.yield
    }) : () -> ()
    %add3A_12 = arith.constant 88 : i32
    %add3A_13 = arith.addi %mul3A_2, %add3A_12 : i32
    "tpu.region"() ({
      %run_scoped3A = tpu.sem_alloc : memref<!tpu.dma_semaphore, #tpu.memory_space<semaphore_mem>>
      %dma_start3A_65 = arith.constant 0 : i32
      %dma_start3A_66 = arith.constant 0 : i32
      %dma_start3A_67 = tpu.memref_slice %arg21[%dma_start3A_65, %dma_start3A_66] : memref<88x16xf32, #tpu.memory_space<vmem>> -> memref<88x16xf32, #tpu.memory_space<vmem>>
      %dma_start3A_68 = arith.constant 0 : i32
      %dma_start3A_69 = tpu.memref_slice %arg10[%add3A_13, %dma_start3A_68] : memref<10240x16xf32, #tpu.memory_space<vmem_shared>> -> memref<88x16xf32, #tpu.memory_space<vmem_shared>>
      %dma_start3A_70 = arith.constant 0 : i32
      %dma_start3A_71 = tpu.memref_slice %arg10[%add3A_13, %dma_start3A_70] : memref<10240x16xf32, #tpu.memory_space<vmem_shared>> -> memref<88x16xf32, #tpu.memory_space<vmem_shared>>
      %dma_start3A_72 = arith.constant 0 : i32
      %dma_start3A_73 = arith.constant 0 : i32
      %dma_start3A_74 = tpu.memref_slice %arg21[%dma_start3A_72, %dma_start3A_73] : memref<88x16xf32, #tpu.memory_space<vmem>> -> memref<88x16xf32, #tpu.memory_space<vmem>>
      tpu.enqueue_dma source(%dma_start3A_74 : memref<88x16xf32, #tpu.memory_space<vmem>>) target(%dma_start3A_71 : memref<88x16xf32, #tpu.memory_space<vmem_shared>>) target_semaphore(%run_scoped3A : memref<!tpu.dma_semaphore, #tpu.memory_space<semaphore_mem>>)
      %dma_wait3A = arith.constant 0 : i32
      %dma_wait3A_75 = arith.constant 0 : i32
      %dma_wait3A_76 = tpu.memref_slice %arg21[%dma_wait3A, %dma_wait3A_75] : memref<88x16xf32, #tpu.memory_space<vmem>> -> memref<88x16xf32, #tpu.memory_space<vmem>>
      %dma_wait3A_77 = arith.constant 0 : i32
      %dma_wait3A_78 = tpu.memref_slice %arg10[%add3A_13, %dma_wait3A_77] : memref<10240x16xf32, #tpu.memory_space<vmem_shared>> -> memref<88x16xf32, #tpu.memory_space<vmem_shared>>
      %dma_wait3A_79 = arith.constant 0 : i32
      %dma_wait3A_80 = tpu.memref_slice %arg10[%add3A_13, %dma_wait3A_79] : memref<10240x16xf32, #tpu.memory_space<vmem_shared>> -> memref<88x16xf32, #tpu.memory_space<vmem_shared>>
      %dma_wait3A_81 = arith.constant 0 : i32
      %dma_wait3A_82 = arith.constant 0 : i32
      %dma_wait3A_83 = tpu.memref_slice %arg21[%dma_wait3A_81, %dma_wait3A_82] : memref<88x16xf32, #tpu.memory_space<vmem>> -> memref<88x16xf32, #tpu.memory_space<vmem>>
      tpu.wait_dma2 semaphore(%run_scoped3A : memref<!tpu.dma_semaphore, #tpu.memory_space<semaphore_mem>>) src(%dma_wait3A_83 : memref<88x16xf32, #tpu.memory_space<vmem>>) dst(%dma_wait3A_80 : memref<88x16xf32, #tpu.memory_space<vmem_shared>>)
      tpu.yield
    }) : () -> ()
    %add3A_14 = arith.constant 176 : i32
    %add3A_15 = arith.addi %mul3A_2, %add3A_14 : i32
    "tpu.region"() ({
      %run_scoped3A = tpu.sem_alloc : memref<!tpu.dma_semaphore, #tpu.memory_space<semaphore_mem>>
      %dma_start3A_65 = arith.constant 0 : i32
      %dma_start3A_66 = arith.constant 0 : i32
      %dma_start3A_67 = tpu.memref_slice %arg15[%dma_start3A_65, %dma_start3A_66] : memref<88x128xf32, #tpu.memory_space<vmem>> -> memref<88x128xf32, #tpu.memory_space<vmem>>
      %dma_start3A_68 = arith.constant 0 : i32
      %dma_start3A_69 = tpu.memref_slice %arg9[%add3A_15, %dma_start3A_68] : memref<10240x128xf32, #tpu.memory_space<vmem_shared>> -> memref<88x128xf32, #tpu.memory_space<vmem_shared>>
      %dma_start3A_70 = arith.constant 0 : i32
      %dma_start3A_71 = tpu.memref_slice %arg9[%add3A_15, %dma_start3A_70] : memref<10240x128xf32, #tpu.memory_space<vmem_shared>> -> memref<88x128xf32, #tpu.memory_space<vmem_shared>>
      %dma_start3A_72 = arith.constant 0 : i32
      %dma_start3A_73 = arith.constant 0 : i32
      %dma_start3A_74 = tpu.memref_slice %arg15[%dma_start3A_72, %dma_start3A_73] : memref<88x128xf32, #tpu.memory_space<vmem>> -> memref<88x128xf32, #tpu.memory_space<vmem>>
      tpu.enqueue_dma source(%dma_start3A_74 : memref<88x128xf32, #tpu.memory_space<vmem>>) target(%dma_start3A_71 : memref<88x128xf32, #tpu.memory_space<vmem_shared>>) target_semaphore(%run_scoped3A : memref<!tpu.dma_semaphore, #tpu.memory_space<semaphore_mem>>)
      %dma_wait3A = arith.constant 0 : i32
      %dma_wait3A_75 = arith.constant 0 : i32
      %dma_wait3A_76 = tpu.memref_slice %arg15[%dma_wait3A, %dma_wait3A_75] : memref<88x128xf32, #tpu.memory_space<vmem>> -> memref<88x128xf32, #tpu.memory_space<vmem>>
      %dma_wait3A_77 = arith.constant 0 : i32
      %dma_wait3A_78 = tpu.memref_slice %arg9[%add3A_15, %dma_wait3A_77] : memref<10240x128xf32, #tpu.memory_space<vmem_shared>> -> memref<88x128xf32, #tpu.memory_space<vmem_shared>>
      %dma_wait3A_79 = arith.constant 0 : i32
      %dma_wait3A_80 = tpu.memref_slice %arg9[%add3A_15, %dma_wait3A_79] : memref<10240x128xf32, #tpu.memory_space<vmem_shared>> -> memref<88x128xf32, #tpu.memory_space<vmem_shared>>
      %dma_wait3A_81 = arith.constant 0 : i32
      %dma_wait3A_82 = arith.constant 0 : i32
      %dma_wait3A_83 = tpu.memref_slice %arg15[%dma_wait3A_81, %dma_wait3A_82] : memref<88x128xf32, #tpu.memory_space<vmem>> -> memref<88x128xf32, #tpu.memory_space<vmem>>
      tpu.wait_dma2 semaphore(%run_scoped3A : memref<!tpu.dma_semaphore, #tpu.memory_space<semaphore_mem>>) src(%dma_wait3A_83 : memref<88x128xf32, #tpu.memory_space<vmem>>) dst(%dma_wait3A_80 : memref<88x128xf32, #tpu.memory_space<vmem_shared>>)
      tpu.yield
    }) : () -> ()
    %add3A_16 = arith.constant 176 : i32
    %add3A_17 = arith.addi %mul3A_2, %add3A_16 : i32
    "tpu.region"() ({
      %run_scoped3A = tpu.sem_alloc : memref<!tpu.dma_semaphore, #tpu.memory_space<semaphore_mem>>
      %dma_start3A_65 = arith.constant 0 : i32
      %dma_start3A_66 = arith.constant 0 : i32
      %dma_start3A_67 = tpu.memref_slice %arg21[%dma_start3A_65, %dma_start3A_66] : memref<88x16xf32, #tpu.memory_space<vmem>> -> memref<88x16xf32, #tpu.memory_space<vmem>>
      %dma_start3A_68 = arith.constant 0 : i32
      %dma_start3A_69 = tpu.memref_slice %arg10[%add3A_17, %dma_start3A_68] : memref<10240x16xf32, #tpu.memory_space<vmem_shared>> -> memref<88x16xf32, #tpu.memory_space<vmem_shared>>
      %dma_start3A_70 = arith.constant 0 : i32
      %dma_start3A_71 = tpu.memref_slice %arg10[%add3A_17, %dma_start3A_70] : memref<10240x16xf32, #tpu.memory_space<vmem_shared>> -> memref<88x16xf32, #tpu.memory_space<vmem_shared>>
      %dma_start3A_72 = arith.constant 0 : i32
      %dma_start3A_73 = arith.constant 0 : i32
      %dma_start3A_74 = tpu.memref_slice %arg21[%dma_start3A_72, %dma_start3A_73] : memref<88x16xf32, #tpu.memory_space<vmem>> -> memref<88x16xf32, #tpu.memory_space<vmem>>
      tpu.enqueue_dma source(%dma_start3A_74 : memref<88x16xf32, #tpu.memory_space<vmem>>) target(%dma_start3A_71 : memref<88x16xf32, #tpu.memory_space<vmem_shared>>) target_semaphore(%run_scoped3A : memref<!tpu.dma_semaphore, #tpu.memory_space<semaphore_mem>>)
      %dma_wait3A = arith.constant 0 : i32
      %dma_wait3A_75 = arith.constant 0 : i32
      %dma_wait3A_76 = tpu.memref_slice %arg21[%dma_wait3A, %dma_wait3A_75] : memref<88x16xf32, #tpu.memory_space<vmem>> -> memref<88x16xf32, #tpu.memory_space<vmem>>
      %dma_wait3A_77 = arith.constant 0 : i32
      %dma_wait3A_78 = tpu.memref_slice %arg10[%add3A_17, %dma_wait3A_77] : memref<10240x16xf32, #tpu.memory_space<vmem_shared>> -> memref<88x16xf32, #tpu.memory_space<vmem_shared>>
      %dma_wait3A_79 = arith.constant 0 : i32
      %dma_wait3A_80 = tpu.memref_slice %arg10[%add3A_17, %dma_wait3A_79] : memref<10240x16xf32, #tpu.memory_space<vmem_shared>> -> memref<88x16xf32, #tpu.memory_space<vmem_shared>>
      %dma_wait3A_81 = arith.constant 0 : i32
      %dma_wait3A_82 = arith.constant 0 : i32
      %dma_wait3A_83 = tpu.memref_slice %arg21[%dma_wait3A_81, %dma_wait3A_82] : memref<88x16xf32, #tpu.memory_space<vmem>> -> memref<88x16xf32, #tpu.memory_space<vmem>>
      tpu.wait_dma2 semaphore(%run_scoped3A : memref<!tpu.dma_semaphore, #tpu.memory_space<semaphore_mem>>) src(%dma_wait3A_83 : memref<88x16xf32, #tpu.memory_space<vmem>>) dst(%dma_wait3A_80 : memref<88x16xf32, #tpu.memory_space<vmem_shared>>)
      tpu.yield
    }) : () -> ()
    %add3A_18 = arith.constant 264 : i32
    %add3A_19 = arith.addi %mul3A_2, %add3A_18 : i32
    "tpu.region"() ({
      %run_scoped3A = tpu.sem_alloc : memref<!tpu.dma_semaphore, #tpu.memory_space<semaphore_mem>>
      %dma_start3A_65 = arith.constant 0 : i32
      %dma_start3A_66 = arith.constant 0 : i32
      %dma_start3A_67 = tpu.memref_slice %arg15[%dma_start3A_65, %dma_start3A_66] : memref<88x128xf32, #tpu.memory_space<vmem>> -> memref<88x128xf32, #tpu.memory_space<vmem>>
      %dma_start3A_68 = arith.constant 0 : i32
      %dma_start3A_69 = tpu.memref_slice %arg9[%add3A_19, %dma_start3A_68] : memref<10240x128xf32, #tpu.memory_space<vmem_shared>> -> memref<88x128xf32, #tpu.memory_space<vmem_shared>>
      %dma_start3A_70 = arith.constant 0 : i32
      %dma_start3A_71 = tpu.memref_slice %arg9[%add3A_19, %dma_start3A_70] : memref<10240x128xf32, #tpu.memory_space<vmem_shared>> -> memref<88x128xf32, #tpu.memory_space<vmem_shared>>
      %dma_start3A_72 = arith.constant 0 : i32
      %dma_start3A_73 = arith.constant 0 : i32
      %dma_start3A_74 = tpu.memref_slice %arg15[%dma_start3A_72, %dma_start3A_73] : memref<88x128xf32, #tpu.memory_space<vmem>> -> memref<88x128xf32, #tpu.memory_space<vmem>>
      tpu.enqueue_dma source(%dma_start3A_74 : memref<88x128xf32, #tpu.memory_space<vmem>>) target(%dma_start3A_71 : memref<88x128xf32, #tpu.memory_space<vmem_shared>>) target_semaphore(%run_scoped3A : memref<!tpu.dma_semaphore, #tpu.memory_space<semaphore_mem>>)
      %dma_wait3A = arith.constant 0 : i32
      %dma_wait3A_75 = arith.constant 0 : i32
      %dma_wait3A_76 = tpu.memref_slice %arg15[%dma_wait3A, %dma_wait3A_75] : memref<88x128xf32, #tpu.memory_space<vmem>> -> memref<88x128xf32, #tpu.memory_space<vmem>>
      %dma_wait3A_77 = arith.constant 0 : i32
      %dma_wait3A_78 = tpu.memref_slice %arg9[%add3A_19, %dma_wait3A_77] : memref<10240x128xf32, #tpu.memory_space<vmem_shared>> -> memref<88x128xf32, #tpu.memory_space<vmem_shared>>
      %dma_wait3A_79 = arith.constant 0 : i32
      %dma_wait3A_80 = tpu.memref_slice %arg9[%add3A_19, %dma_wait3A_79] : memref<10240x128xf32, #tpu.memory_space<vmem_shared>> -> memref<88x128xf32, #tpu.memory_space<vmem_shared>>
      %dma_wait3A_81 = arith.constant 0 : i32
      %dma_wait3A_82 = arith.constant 0 : i32
      %dma_wait3A_83 = tpu.memref_slice %arg15[%dma_wait3A_81, %dma_wait3A_82] : memref<88x128xf32, #tpu.memory_space<vmem>> -> memref<88x128xf32, #tpu.memory_space<vmem>>
      tpu.wait_dma2 semaphore(%run_scoped3A : memref<!tpu.dma_semaphore, #tpu.memory_space<semaphore_mem>>) src(%dma_wait3A_83 : memref<88x128xf32, #tpu.memory_space<vmem>>) dst(%dma_wait3A_80 : memref<88x128xf32, #tpu.memory_space<vmem_shared>>)
      tpu.yield
    }) : () -> ()
    %add3A_20 = arith.constant 264 : i32
    %add3A_21 = arith.addi %mul3A_2, %add3A_20 : i32
    "tpu.region"() ({
      %run_scoped3A = tpu.sem_alloc : memref<!tpu.dma_semaphore, #tpu.memory_space<semaphore_mem>>
      %dma_start3A_65 = arith.constant 0 : i32
      %dma_start3A_66 = arith.constant 0 : i32
      %dma_start3A_67 = tpu.memref_slice %arg21[%dma_start3A_65, %dma_start3A_66] : memref<88x16xf32, #tpu.memory_space<vmem>> -> memref<88x16xf32, #tpu.memory_space<vmem>>
      %dma_start3A_68 = arith.constant 0 : i32
      %dma_start3A_69 = tpu.memref_slice %arg10[%add3A_21, %dma_start3A_68] : memref<10240x16xf32, #tpu.memory_space<vmem_shared>> -> memref<88x16xf32, #tpu.memory_space<vmem_shared>>
      %dma_start3A_70 = arith.constant 0 : i32
      %dma_start3A_71 = tpu.memref_slice %arg10[%add3A_21, %dma_start3A_70] : memref<10240x16xf32, #tpu.memory_space<vmem_shared>> -> memref<88x16xf32, #tpu.memory_space<vmem_shared>>
      %dma_start3A_72 = arith.constant 0 : i32
      %dma_start3A_73 = arith.constant 0 : i32
      %dma_start3A_74 = tpu.memref_slice %arg21[%dma_start3A_72, %dma_start3A_73] : memref<88x16xf32, #tpu.memory_space<vmem>> -> memref<88x16xf32, #tpu.memory_space<vmem>>
      tpu.enqueue_dma source(%dma_start3A_74 : memref<88x16xf32, #tpu.memory_space<vmem>>) target(%dma_start3A_71 : memref<88x16xf32, #tpu.memory_space<vmem_shared>>) target_semaphore(%run_scoped3A : memref<!tpu.dma_semaphore, #tpu.memory_space<semaphore_mem>>)
      %dma_wait3A = arith.constant 0 : i32
      %dma_wait3A_75 = arith.constant 0 : i32
      %dma_wait3A_76 = tpu.memref_slice %arg21[%dma_wait3A, %dma_wait3A_75] : memref<88x16xf32, #tpu.memory_space<vmem>> -> memref<88x16xf32, #tpu.memory_space<vmem>>
      %dma_wait3A_77 = arith.constant 0 : i32
      %dma_wait3A_78 = tpu.memref_slice %arg10[%add3A_21, %dma_wait3A_77] : memref<10240x16xf32, #tpu.memory_space<vmem_shared>> -> memref<88x16xf32, #tpu.memory_space<vmem_shared>>
      %dma_wait3A_79 = arith.constant 0 : i32
      %dma_wait3A_80 = tpu.memref_slice %arg10[%add3A_21, %dma_wait3A_79] : memref<10240x16xf32, #tpu.memory_space<vmem_shared>> -> memref<88x16xf32, #tpu.memory_space<vmem_shared>>
      %dma_wait3A_81 = arith.constant 0 : i32
      %dma_wait3A_82 = arith.constant 0 : i32
      %dma_wait3A_83 = tpu.memref_slice %arg21[%dma_wait3A_81, %dma_wait3A_82] : memref<88x16xf32, #tpu.memory_space<vmem>> -> memref<88x16xf32, #tpu.memory_space<vmem>>
      tpu.wait_dma2 semaphore(%run_scoped3A : memref<!tpu.dma_semaphore, #tpu.memory_space<semaphore_mem>>) src(%dma_wait3A_83 : memref<88x16xf32, #tpu.memory_space<vmem>>) dst(%dma_wait3A_80 : memref<88x16xf32, #tpu.memory_space<vmem_shared>>)
      tpu.yield
    }) : () -> ()
    %add3A_22 = arith.constant 352 : i32
    %add3A_23 = arith.addi %mul3A_2, %add3A_22 : i32
    "tpu.region"() ({
      %run_scoped3A = tpu.sem_alloc : memref<!tpu.dma_semaphore, #tpu.memory_space<semaphore_mem>>
      %dma_start3A_65 = arith.constant 0 : i32
      %dma_start3A_66 = arith.constant 0 : i32
      %dma_start3A_67 = tpu.memref_slice %arg15[%dma_start3A_65, %dma_start3A_66] : memref<88x128xf32, #tpu.memory_space<vmem>> -> memref<88x128xf32, #tpu.memory_space<vmem>>
      %dma_start3A_68 = arith.constant 0 : i32
      %dma_start3A_69 = tpu.memref_slice %arg9[%add3A_23, %dma_start3A_68] : memref<10240x128xf32, #tpu.memory_space<vmem_shared>> -> memref<88x128xf32, #tpu.memory_space<vmem_shared>>
      %dma_start3A_70 = arith.constant 0 : i32
      %dma_start3A_71 = tpu.memref_slice %arg9[%add3A_23, %dma_start3A_70] : memref<10240x128xf32, #tpu.memory_space<vmem_shared>> -> memref<88x128xf32, #tpu.memory_space<vmem_shared>>
      %dma_start3A_72 = arith.constant 0 : i32
      %dma_start3A_73 = arith.constant 0 : i32
      %dma_start3A_74 = tpu.memref_slice %arg15[%dma_start3A_72, %dma_start3A_73] : memref<88x128xf32, #tpu.memory_space<vmem>> -> memref<88x128xf32, #tpu.memory_space<vmem>>
      tpu.enqueue_dma source(%dma_start3A_74 : memref<88x128xf32, #tpu.memory_space<vmem>>) target(%dma_start3A_71 : memref<88x128xf32, #tpu.memory_space<vmem_shared>>) target_semaphore(%run_scoped3A : memref<!tpu.dma_semaphore, #tpu.memory_space<semaphore_mem>>)
      %dma_wait3A = arith.constant 0 : i32
      %dma_wait3A_75 = arith.constant 0 : i32
      %dma_wait3A_76 = tpu.memref_slice %arg15[%dma_wait3A, %dma_wait3A_75] : memref<88x128xf32, #tpu.memory_space<vmem>> -> memref<88x128xf32, #tpu.memory_space<vmem>>
      %dma_wait3A_77 = arith.constant 0 : i32
      %dma_wait3A_78 = tpu.memref_slice %arg9[%add3A_23, %dma_wait3A_77] : memref<10240x128xf32, #tpu.memory_space<vmem_shared>> -> memref<88x128xf32, #tpu.memory_space<vmem_shared>>
      %dma_wait3A_79 = arith.constant 0 : i32
      %dma_wait3A_80 = tpu.memref_slice %arg9[%add3A_23, %dma_wait3A_79] : memref<10240x128xf32, #tpu.memory_space<vmem_shared>> -> memref<88x128xf32, #tpu.memory_space<vmem_shared>>
      %dma_wait3A_81 = arith.constant 0 : i32
      %dma_wait3A_82 = arith.constant 0 : i32
      %dma_wait3A_83 = tpu.memref_slice %arg15[%dma_wait3A_81, %dma_wait3A_82] : memref<88x128xf32, #tpu.memory_space<vmem>> -> memref<88x128xf32, #tpu.memory_space<vmem>>
      tpu.wait_dma2 semaphore(%run_scoped3A : memref<!tpu.dma_semaphore, #tpu.memory_space<semaphore_mem>>) src(%dma_wait3A_83 : memref<88x128xf32, #tpu.memory_space<vmem>>) dst(%dma_wait3A_80 : memref<88x128xf32, #tpu.memory_space<vmem_shared>>)
      tpu.yield
    }) : () -> ()
    %add3A_24 = arith.constant 352 : i32
    %add3A_25 = arith.addi %mul3A_2, %add3A_24 : i32
    "tpu.region"() ({
      %run_scoped3A = tpu.sem_alloc : memref<!tpu.dma_semaphore, #tpu.memory_space<semaphore_mem>>
      %dma_start3A_65 = arith.constant 0 : i32
      %dma_start3A_66 = arith.constant 0 : i32
      %dma_start3A_67 = tpu.memref_slice %arg21[%dma_start3A_65, %dma_start3A_66] : memref<88x16xf32, #tpu.memory_space<vmem>> -> memref<88x16xf32, #tpu.memory_space<vmem>>
      %dma_start3A_68 = arith.constant 0 : i32
      %dma_start3A_69 = tpu.memref_slice %arg10[%add3A_25, %dma_start3A_68] : memref<10240x16xf32, #tpu.memory_space<vmem_shared>> -> memref<88x16xf32, #tpu.memory_space<vmem_shared>>
      %dma_start3A_70 = arith.constant 0 : i32
      %dma_start3A_71 = tpu.memref_slice %arg10[%add3A_25, %dma_start3A_70] : memref<10240x16xf32, #tpu.memory_space<vmem_shared>> -> memref<88x16xf32, #tpu.memory_space<vmem_shared>>
      %dma_start3A_72 = arith.constant 0 : i32
      %dma_start3A_73 = arith.constant 0 : i32
      %dma_start3A_74 = tpu.memref_slice %arg21[%dma_start3A_72, %dma_start3A_73] : memref<88x16xf32, #tpu.memory_space<vmem>> -> memref<88x16xf32, #tpu.memory_space<vmem>>
      tpu.enqueue_dma source(%dma_start3A_74 : memref<88x16xf32, #tpu.memory_space<vmem>>) target(%dma_start3A_71 : memref<88x16xf32, #tpu.memory_space<vmem_shared>>) target_semaphore(%run_scoped3A : memref<!tpu.dma_semaphore, #tpu.memory_space<semaphore_mem>>)
      %dma_wait3A = arith.constant 0 : i32
      %dma_wait3A_75 = arith.constant 0 : i32
      %dma_wait3A_76 = tpu.memref_slice %arg21[%dma_wait3A, %dma_wait3A_75] : memref<88x16xf32, #tpu.memory_space<vmem>> -> memref<88x16xf32, #tpu.memory_space<vmem>>
      %dma_wait3A_77 = arith.constant 0 : i32
      %dma_wait3A_78 = tpu.memref_slice %arg10[%add3A_25, %dma_wait3A_77] : memref<10240x16xf32, #tpu.memory_space<vmem_shared>> -> memref<88x16xf32, #tpu.memory_space<vmem_shared>>
      %dma_wait3A_79 = arith.constant 0 : i32
      %dma_wait3A_80 = tpu.memref_slice %arg10[%add3A_25, %dma_wait3A_79] : memref<10240x16xf32, #tpu.memory_space<vmem_shared>> -> memref<88x16xf32, #tpu.memory_space<vmem_shared>>
      %dma_wait3A_81 = arith.constant 0 : i32
      %dma_wait3A_82 = arith.constant 0 : i32
      %dma_wait3A_83 = tpu.memref_slice %arg21[%dma_wait3A_81, %dma_wait3A_82] : memref<88x16xf32, #tpu.memory_space<vmem>> -> memref<88x16xf32, #tpu.memory_space<vmem>>
      tpu.wait_dma2 semaphore(%run_scoped3A : memref<!tpu.dma_semaphore, #tpu.memory_space<semaphore_mem>>) src(%dma_wait3A_83 : memref<88x16xf32, #tpu.memory_space<vmem>>) dst(%dma_wait3A_80 : memref<88x16xf32, #tpu.memory_space<vmem_shared>>)
      tpu.yield
    }) : () -> ()
    %add3A_26 = arith.constant 440 : i32
    %add3A_27 = arith.addi %mul3A_2, %add3A_26 : i32
    "tpu.region"() ({
      %run_scoped3A = tpu.sem_alloc : memref<!tpu.dma_semaphore, #tpu.memory_space<semaphore_mem>>
      %dma_start3A_65 = arith.constant 0 : i32
      %dma_start3A_66 = arith.constant 0 : i32
      %dma_start3A_67 = tpu.memref_slice %arg15[%dma_start3A_65, %dma_start3A_66] : memref<88x128xf32, #tpu.memory_space<vmem>> -> memref<88x128xf32, #tpu.memory_space<vmem>>
      %dma_start3A_68 = arith.constant 0 : i32
      %dma_start3A_69 = tpu.memref_slice %arg9[%add3A_27, %dma_start3A_68] : memref<10240x128xf32, #tpu.memory_space<vmem_shared>> -> memref<88x128xf32, #tpu.memory_space<vmem_shared>>
      %dma_start3A_70 = arith.constant 0 : i32
      %dma_start3A_71 = tpu.memref_slice %arg9[%add3A_27, %dma_start3A_70] : memref<10240x128xf32, #tpu.memory_space<vmem_shared>> -> memref<88x128xf32, #tpu.memory_space<vmem_shared>>
      %dma_start3A_72 = arith.constant 0 : i32
      %dma_start3A_73 = arith.constant 0 : i32
      %dma_start3A_74 = tpu.memref_slice %arg15[%dma_start3A_72, %dma_start3A_73] : memref<88x128xf32, #tpu.memory_space<vmem>> -> memref<88x128xf32, #tpu.memory_space<vmem>>
      tpu.enqueue_dma source(%dma_start3A_74 : memref<88x128xf32, #tpu.memory_space<vmem>>) target(%dma_start3A_71 : memref<88x128xf32, #tpu.memory_space<vmem_shared>>) target_semaphore(%run_scoped3A : memref<!tpu.dma_semaphore, #tpu.memory_space<semaphore_mem>>)
      %dma_wait3A = arith.constant 0 : i32
      %dma_wait3A_75 = arith.constant 0 : i32
      %dma_wait3A_76 = tpu.memref_slice %arg15[%dma_wait3A, %dma_wait3A_75] : memref<88x128xf32, #tpu.memory_space<vmem>> -> memref<88x128xf32, #tpu.memory_space<vmem>>
      %dma_wait3A_77 = arith.constant 0 : i32
      %dma_wait3A_78 = tpu.memref_slice %arg9[%add3A_27, %dma_wait3A_77] : memref<10240x128xf32, #tpu.memory_space<vmem_shared>> -> memref<88x128xf32, #tpu.memory_space<vmem_shared>>
      %dma_wait3A_79 = arith.constant 0 : i32
      %dma_wait3A_80 = tpu.memref_slice %arg9[%add3A_27, %dma_wait3A_79] : memref<10240x128xf32, #tpu.memory_space<vmem_shared>> -> memref<88x128xf32, #tpu.memory_space<vmem_shared>>
      %dma_wait3A_81 = arith.constant 0 : i32
      %dma_wait3A_82 = arith.constant 0 : i32
      %dma_wait3A_83 = tpu.memref_slice %arg15[%dma_wait3A_81, %dma_wait3A_82] : memref<88x128xf32, #tpu.memory_space<vmem>> -> memref<88x128xf32, #tpu.memory_space<vmem>>
      tpu.wait_dma2 semaphore(%run_scoped3A : memref<!tpu.dma_semaphore, #tpu.memory_space<semaphore_mem>>) src(%dma_wait3A_83 : memref<88x128xf32, #tpu.memory_space<vmem>>) dst(%dma_wait3A_80 : memref<88x128xf32, #tpu.memory_space<vmem_shared>>)
      tpu.yield
    }) : () -> ()
    %add3A_28 = arith.constant 440 : i32
    %add3A_29 = arith.addi %mul3A_2, %add3A_28 : i32
    "tpu.region"() ({
      %run_scoped3A = tpu.sem_alloc : memref<!tpu.dma_semaphore, #tpu.memory_space<semaphore_mem>>
      %dma_start3A_65 = arith.constant 0 : i32
      %dma_start3A_66 = arith.constant 0 : i32
      %dma_start3A_67 = tpu.memref_slice %arg21[%dma_start3A_65, %dma_start3A_66] : memref<88x16xf32, #tpu.memory_space<vmem>> -> memref<88x16xf32, #tpu.memory_space<vmem>>
      %dma_start3A_68 = arith.constant 0 : i32
      %dma_start3A_69 = tpu.memref_slice %arg10[%add3A_29, %dma_start3A_68] : memref<10240x16xf32, #tpu.memory_space<vmem_shared>> -> memref<88x16xf32, #tpu.memory_space<vmem_shared>>
      %dma_start3A_70 = arith.constant 0 : i32
      %dma_start3A_71 = tpu.memref_slice %arg10[%add3A_29, %dma_start3A_70] : memref<10240x16xf32, #tpu.memory_space<vmem_shared>> -> memref<88x16xf32, #tpu.memory_space<vmem_shared>>
      %dma_start3A_72 = arith.constant 0 : i32
      %dma_start3A_73 = arith.constant 0 : i32
      %dma_start3A_74 = tpu.memref_slice %arg21[%dma_start3A_72, %dma_start3A_73] : memref<88x16xf32, #tpu.memory_space<vmem>> -> memref<88x16xf32, #tpu.memory_space<vmem>>
      tpu.enqueue_dma source(%dma_start3A_74 : memref<88x16xf32, #tpu.memory_space<vmem>>) target(%dma_start3A_71 : memref<88x16xf32, #tpu.memory_space<vmem_shared>>) target_semaphore(%run_scoped3A : memref<!tpu.dma_semaphore, #tpu.memory_space<semaphore_mem>>)
      %dma_wait3A = arith.constant 0 : i32
      %dma_wait3A_75 = arith.constant 0 : i32
      %dma_wait3A_76 = tpu.memref_slice %arg21[%dma_wait3A, %dma_wait3A_75] : memref<88x16xf32, #tpu.memory_space<vmem>> -> memref<88x16xf32, #tpu.memory_space<vmem>>
      %dma_wait3A_77 = arith.constant 0 : i32
      %dma_wait3A_78 = tpu.memref_slice %arg10[%add3A_29, %dma_wait3A_77] : memref<10240x16xf32, #tpu.memory_space<vmem_shared>> -> memref<88x16xf32, #tpu.memory_space<vmem_shared>>
      %dma_wait3A_79 = arith.constant 0 : i32
      %dma_wait3A_80 = tpu.memref_slice %arg10[%add3A_29, %dma_wait3A_79] : memref<10240x16xf32, #tpu.memory_space<vmem_shared>> -> memref<88x16xf32, #tpu.memory_space<vmem_shared>>
      %dma_wait3A_81 = arith.constant 0 : i32
      %dma_wait3A_82 = arith.constant 0 : i32
      %dma_wait3A_83 = tpu.memref_slice %arg21[%dma_wait3A_81, %dma_wait3A_82] : memref<88x16xf32, #tpu.memory_space<vmem>> -> memref<88x16xf32, #tpu.memory_space<vmem>>
      tpu.wait_dma2 semaphore(%run_scoped3A : memref<!tpu.dma_semaphore, #tpu.memory_space<semaphore_mem>>) src(%dma_wait3A_83 : memref<88x16xf32, #tpu.memory_space<vmem>>) dst(%dma_wait3A_80 : memref<88x16xf32, #tpu.memory_space<vmem_shared>>)
      tpu.yield
    }) : () -> ()
    %add3A_30 = arith.constant 528 : i32
    %add3A_31 = arith.addi %mul3A_2, %add3A_30 : i32
    "tpu.region"() ({
      %run_scoped3A = tpu.sem_alloc : memref<!tpu.dma_semaphore, #tpu.memory_space<semaphore_mem>>
      %dma_start3A_65 = arith.constant 0 : i32
      %dma_start3A_66 = arith.constant 0 : i32
      %dma_start3A_67 = tpu.memref_slice %arg15[%dma_start3A_65, %dma_start3A_66] : memref<88x128xf32, #tpu.memory_space<vmem>> -> memref<88x128xf32, #tpu.memory_space<vmem>>
      %dma_start3A_68 = arith.constant 0 : i32
      %dma_start3A_69 = tpu.memref_slice %arg9[%add3A_31, %dma_start3A_68] : memref<10240x128xf32, #tpu.memory_space<vmem_shared>> -> memref<88x128xf32, #tpu.memory_space<vmem_shared>>
      %dma_start3A_70 = arith.constant 0 : i32
      %dma_start3A_71 = tpu.memref_slice %arg9[%add3A_31, %dma_start3A_70] : memref<10240x128xf32, #tpu.memory_space<vmem_shared>> -> memref<88x128xf32, #tpu.memory_space<vmem_shared>>
      %dma_start3A_72 = arith.constant 0 : i32
      %dma_start3A_73 = arith.constant 0 : i32
      %dma_start3A_74 = tpu.memref_slice %arg15[%dma_start3A_72, %dma_start3A_73] : memref<88x128xf32, #tpu.memory_space<vmem>> -> memref<88x128xf32, #tpu.memory_space<vmem>>
      tpu.enqueue_dma source(%dma_start3A_74 : memref<88x128xf32, #tpu.memory_space<vmem>>) target(%dma_start3A_71 : memref<88x128xf32, #tpu.memory_space<vmem_shared>>) target_semaphore(%run_scoped3A : memref<!tpu.dma_semaphore, #tpu.memory_space<semaphore_mem>>)
      %dma_wait3A = arith.constant 0 : i32
      %dma_wait3A_75 = arith.constant 0 : i32
      %dma_wait3A_76 = tpu.memref_slice %arg15[%dma_wait3A, %dma_wait3A_75] : memref<88x128xf32, #tpu.memory_space<vmem>> -> memref<88x128xf32, #tpu.memory_space<vmem>>
      %dma_wait3A_77 = arith.constant 0 : i32
      %dma_wait3A_78 = tpu.memref_slice %arg9[%add3A_31, %dma_wait3A_77] : memref<10240x128xf32, #tpu.memory_space<vmem_shared>> -> memref<88x128xf32, #tpu.memory_space<vmem_shared>>
      %dma_wait3A_79 = arith.constant 0 : i32
      %dma_wait3A_80 = tpu.memref_slice %arg9[%add3A_31, %dma_wait3A_79] : memref<10240x128xf32, #tpu.memory_space<vmem_shared>> -> memref<88x128xf32, #tpu.memory_space<vmem_shared>>
      %dma_wait3A_81 = arith.constant 0 : i32
      %dma_wait3A_82 = arith.constant 0 : i32
      %dma_wait3A_83 = tpu.memref_slice %arg15[%dma_wait3A_81, %dma_wait3A_82] : memref<88x128xf32, #tpu.memory_space<vmem>> -> memref<88x128xf32, #tpu.memory_space<vmem>>
      tpu.wait_dma2 semaphore(%run_scoped3A : memref<!tpu.dma_semaphore, #tpu.memory_space<semaphore_mem>>) src(%dma_wait3A_83 : memref<88x128xf32, #tpu.memory_space<vmem>>) dst(%dma_wait3A_80 : memref<88x128xf32, #tpu.memory_space<vmem_shared>>)
      tpu.yield
    }) : () -> ()
    %add3A_32 = arith.constant 528 : i32
    %add3A_33 = arith.addi %mul3A_2, %add3A_32 : i32
    "tpu.region"() ({
      %run_scoped3A = tpu.sem_alloc : memref<!tpu.dma_semaphore, #tpu.memory_space<semaphore_mem>>
      %dma_start3A_65 = arith.constant 0 : i32
      %dma_start3A_66 = arith.constant 0 : i32
      %dma_start3A_67 = tpu.memref_slice %arg21[%dma_start3A_65, %dma_start3A_66] : memref<88x16xf32, #tpu.memory_space<vmem>> -> memref<88x16xf32, #tpu.memory_space<vmem>>
      %dma_start3A_68 = arith.constant 0 : i32
      %dma_start3A_69 = tpu.memref_slice %arg10[%add3A_33, %dma_start3A_68] : memref<10240x16xf32, #tpu.memory_space<vmem_shared>> -> memref<88x16xf32, #tpu.memory_space<vmem_shared>>
      %dma_start3A_70 = arith.constant 0 : i32
      %dma_start3A_71 = tpu.memref_slice %arg10[%add3A_33, %dma_start3A_70] : memref<10240x16xf32, #tpu.memory_space<vmem_shared>> -> memref<88x16xf32, #tpu.memory_space<vmem_shared>>
      %dma_start3A_72 = arith.constant 0 : i32
      %dma_start3A_73 = arith.constant 0 : i32
      %dma_start3A_74 = tpu.memref_slice %arg21[%dma_start3A_72, %dma_start3A_73] : memref<88x16xf32, #tpu.memory_space<vmem>> -> memref<88x16xf32, #tpu.memory_space<vmem>>
      tpu.enqueue_dma source(%dma_start3A_74 : memref<88x16xf32, #tpu.memory_space<vmem>>) target(%dma_start3A_71 : memref<88x16xf32, #tpu.memory_space<vmem_shared>>) target_semaphore(%run_scoped3A : memref<!tpu.dma_semaphore, #tpu.memory_space<semaphore_mem>>)
      %dma_wait3A = arith.constant 0 : i32
      %dma_wait3A_75 = arith.constant 0 : i32
      %dma_wait3A_76 = tpu.memref_slice %arg21[%dma_wait3A, %dma_wait3A_75] : memref<88x16xf32, #tpu.memory_space<vmem>> -> memref<88x16xf32, #tpu.memory_space<vmem>>
      %dma_wait3A_77 = arith.constant 0 : i32
      %dma_wait3A_78 = tpu.memref_slice %arg10[%add3A_33, %dma_wait3A_77] : memref<10240x16xf32, #tpu.memory_space<vmem_shared>> -> memref<88x16xf32, #tpu.memory_space<vmem_shared>>
      %dma_wait3A_79 = arith.constant 0 : i32
      %dma_wait3A_80 = tpu.memref_slice %arg10[%add3A_33, %dma_wait3A_79] : memref<10240x16xf32, #tpu.memory_space<vmem_shared>> -> memref<88x16xf32, #tpu.memory_space<vmem_shared>>
      %dma_wait3A_81 = arith.constant 0 : i32
      %dma_wait3A_82 = arith.constant 0 : i32
      %dma_wait3A_83 = tpu.memref_slice %arg21[%dma_wait3A_81, %dma_wait3A_82] : memref<88x16xf32, #tpu.memory_space<vmem>> -> memref<88x16xf32, #tpu.memory_space<vmem>>
      tpu.wait_dma2 semaphore(%run_scoped3A : memref<!tpu.dma_semaphore, #tpu.memory_space<semaphore_mem>>) src(%dma_wait3A_83 : memref<88x16xf32, #tpu.memory_space<vmem>>) dst(%dma_wait3A_80 : memref<88x16xf32, #tpu.memory_space<vmem_shared>>)
      tpu.yield
    }) : () -> ()
    %add3A_34 = arith.constant 616 : i32
    %add3A_35 = arith.addi %mul3A_2, %add3A_34 : i32
    "tpu.region"() ({
      %run_scoped3A = tpu.sem_alloc : memref<!tpu.dma_semaphore, #tpu.memory_space<semaphore_mem>>
      %dma_start3A_65 = arith.constant 0 : i32
      %dma_start3A_66 = arith.constant 0 : i32
      %dma_start3A_67 = tpu.memref_slice %arg15[%dma_start3A_65, %dma_start3A_66] : memref<88x128xf32, #tpu.memory_space<vmem>> -> memref<24x128xf32, #tpu.memory_space<vmem>>
      %dma_start3A_68 = arith.constant 0 : i32
      %dma_start3A_69 = tpu.memref_slice %arg9[%add3A_35, %dma_start3A_68] : memref<10240x128xf32, #tpu.memory_space<vmem_shared>> -> memref<24x128xf32, #tpu.memory_space<vmem_shared>>
      %dma_start3A_70 = arith.constant 0 : i32
      %dma_start3A_71 = tpu.memref_slice %arg9[%add3A_35, %dma_start3A_70] : memref<10240x128xf32, #tpu.memory_space<vmem_shared>> -> memref<24x128xf32, #tpu.memory_space<vmem_shared>>
      %dma_start3A_72 = arith.constant 0 : i32
      %dma_start3A_73 = arith.constant 0 : i32
      %dma_start3A_74 = tpu.memref_slice %arg15[%dma_start3A_72, %dma_start3A_73] : memref<88x128xf32, #tpu.memory_space<vmem>> -> memref<24x128xf32, #tpu.memory_space<vmem>>
      tpu.enqueue_dma source(%dma_start3A_74 : memref<24x128xf32, #tpu.memory_space<vmem>>) target(%dma_start3A_71 : memref<24x128xf32, #tpu.memory_space<vmem_shared>>) target_semaphore(%run_scoped3A : memref<!tpu.dma_semaphore, #tpu.memory_space<semaphore_mem>>)
      %dma_wait3A = arith.constant 0 : i32
      %dma_wait3A_75 = arith.constant 0 : i32
      %dma_wait3A_76 = tpu.memref_slice %arg15[%dma_wait3A, %dma_wait3A_75] : memref<88x128xf32, #tpu.memory_space<vmem>> -> memref<24x128xf32, #tpu.memory_space<vmem>>
      %dma_wait3A_77 = arith.constant 0 : i32
      %dma_wait3A_78 = tpu.memref_slice %arg9[%add3A_35, %dma_wait3A_77] : memref<10240x128xf32, #tpu.memory_space<vmem_shared>> -> memref<24x128xf32, #tpu.memory_space<vmem_shared>>
      %dma_wait3A_79 = arith.constant 0 : i32
      %dma_wait3A_80 = tpu.memref_slice %arg9[%add3A_35, %dma_wait3A_79] : memref<10240x128xf32, #tpu.memory_space<vmem_shared>> -> memref<24x128xf32, #tpu.memory_space<vmem_shared>>
      %dma_wait3A_81 = arith.constant 0 : i32
      %dma_wait3A_82 = arith.constant 0 : i32
      %dma_wait3A_83 = tpu.memref_slice %arg15[%dma_wait3A_81, %dma_wait3A_82] : memref<88x128xf32, #tpu.memory_space<vmem>> -> memref<24x128xf32, #tpu.memory_space<vmem>>
      tpu.wait_dma2 semaphore(%run_scoped3A : memref<!tpu.dma_semaphore, #tpu.memory_space<semaphore_mem>>) src(%dma_wait3A_83 : memref<24x128xf32, #tpu.memory_space<vmem>>) dst(%dma_wait3A_80 : memref<24x128xf32, #tpu.memory_space<vmem_shared>>)
      tpu.yield
    }) : () -> ()
    %add3A_36 = arith.constant 616 : i32
    %add3A_37 = arith.addi %mul3A_2, %add3A_36 : i32
    "tpu.region"() ({
      %run_scoped3A = tpu.sem_alloc : memref<!tpu.dma_semaphore, #tpu.memory_space<semaphore_mem>>
      %dma_start3A_65 = arith.constant 0 : i32
      %dma_start3A_66 = arith.constant 0 : i32
      %dma_start3A_67 = tpu.memref_slice %arg21[%dma_start3A_65, %dma_start3A_66] : memref<88x16xf32, #tpu.memory_space<vmem>> -> memref<24x16xf32, #tpu.memory_space<vmem>>
      %dma_start3A_68 = arith.constant 0 : i32
      %dma_start3A_69 = tpu.memref_slice %arg10[%add3A_37, %dma_start3A_68] : memref<10240x16xf32, #tpu.memory_space<vmem_shared>> -> memref<24x16xf32, #tpu.memory_space<vmem_shared>>
      %dma_start3A_70 = arith.constant 0 : i32
      %dma_start3A_71 = tpu.memref_slice %arg10[%add3A_37, %dma_start3A_70] : memref<10240x16xf32, #tpu.memory_space<vmem_shared>> -> memref<24x16xf32, #tpu.memory_space<vmem_shared>>
      %dma_start3A_72 = arith.constant 0 : i32
      %dma_start3A_73 = arith.constant 0 : i32
      %dma_start3A_74 = tpu.memref_slice %arg21[%dma_start3A_72, %dma_start3A_73] : memref<88x16xf32, #tpu.memory_space<vmem>> -> memref<24x16xf32, #tpu.memory_space<vmem>>
      tpu.enqueue_dma source(%dma_start3A_74 : memref<24x16xf32, #tpu.memory_space<vmem>>) target(%dma_start3A_71 : memref<24x16xf32, #tpu.memory_space<vmem_shared>>) target_semaphore(%run_scoped3A : memref<!tpu.dma_semaphore, #tpu.memory_space<semaphore_mem>>)
      %dma_wait3A = arith.constant 0 : i32
      %dma_wait3A_75 = arith.constant 0 : i32
      %dma_wait3A_76 = tpu.memref_slice %arg21[%dma_wait3A, %dma_wait3A_75] : memref<88x16xf32, #tpu.memory_space<vmem>> -> memref<24x16xf32, #tpu.memory_space<vmem>>
      %dma_wait3A_77 = arith.constant 0 : i32
      %dma_wait3A_78 = tpu.memref_slice %arg10[%add3A_37, %dma_wait3A_77] : memref<10240x16xf32, #tpu.memory_space<vmem_shared>> -> memref<24x16xf32, #tpu.memory_space<vmem_shared>>
      %dma_wait3A_79 = arith.constant 0 : i32
      %dma_wait3A_80 = tpu.memref_slice %arg10[%add3A_37, %dma_wait3A_79] : memref<10240x16xf32, #tpu.memory_space<vmem_shared>> -> memref<24x16xf32, #tpu.memory_space<vmem_shared>>
      %dma_wait3A_81 = arith.constant 0 : i32
      %dma_wait3A_82 = arith.constant 0 : i32
      %dma_wait3A_83 = tpu.memref_slice %arg21[%dma_wait3A_81, %dma_wait3A_82] : memref<88x16xf32, #tpu.memory_space<vmem>> -> memref<24x16xf32, #tpu.memory_space<vmem>>
      tpu.wait_dma2 semaphore(%run_scoped3A : memref<!tpu.dma_semaphore, #tpu.memory_space<semaphore_mem>>) src(%dma_wait3A_83 : memref<24x16xf32, #tpu.memory_space<vmem>>) dst(%dma_wait3A_80 : memref<24x16xf32, #tpu.memory_space<vmem_shared>>)
      tpu.yield
    }) : () -> ()
    %barrier3A = arith.constant 0 : index
    tpu.barrier barrier_id(%barrier3A)
    %iota3A = tpu.iota {dimensions = array<i32: 0>} : vector<16xi32>
    %and3A = arith.constant 8 : i32
    %and3A_38 = vector.broadcast %and3A : i32 to vector<16xi32>
    %and3A_39 = arith.andi %iota3A, %and3A_38 : vector<16xi32>
    %shift_right_arithmetic3A = arith.constant 3 : i32
    %shift_right_arithmetic3A_40 = vector.broadcast %shift_right_arithmetic3A : i32 to vector<16xi32>
    %shift_right_arithmetic3A_41 = arith.shrsi %and3A_39, %shift_right_arithmetic3A_40 : vector<16xi32>
    %broadcast_in_dim3A_42 = arith.constant 0 : i32
    %broadcast_in_dim3A_43 = vector.broadcast %broadcast_in_dim3A_42 : i32 to vector<16xi32>
    %mul3A_44 = arith.constant 118 : i32
    %mul3A_45 = arith.muli %add3A, %mul3A_44 : i32
    %add3A_46 = arith.constant 0 : i32
    %add3A_47 = arith.addi %mul3A_45, %add3A_46 : i32
    %mul3A_48 = arith.constant 88 : i32
    %mul3A_49 = arith.muli %add3A_47, %mul3A_48 : i32
    "tpu.region"() ({
      %run_scoped3A = tpu.sem_alloc : memref<!tpu.dma_semaphore, #tpu.memory_space<semaphore_mem>>
      %dma_start3A_65 = tpu.memref_slice %arg2[%mul3A_49] : memref<332288xi32, #tpu.memory_space<hbm>> -> memref<88xi32, #tpu.memory_space<hbm>>
      %dma_start3A_66 = tpu.memref_slice %arg2[%mul3A_49] : memref<332288xi32, #tpu.memory_space<hbm>> -> memref<88xi32, #tpu.memory_space<hbm>>
      tpu.enqueue_dma source(%dma_start3A_66 : memref<88xi32, #tpu.memory_space<hbm>>) target(%arg11 : memref<88xi32, #tpu.memory_space<vmem>>) target_semaphore(%run_scoped3A : memref<!tpu.dma_semaphore, #tpu.memory_space<semaphore_mem>>)
      %dma_wait3A = tpu.memref_slice %arg2[%mul3A_49] : memref<332288xi32, #tpu.memory_space<hbm>> -> memref<88xi32, #tpu.memory_space<hbm>>
      %dma_wait3A_67 = tpu.memref_slice %arg2[%mul3A_49] : memref<332288xi32, #tpu.memory_space<hbm>> -> memref<88xi32, #tpu.memory_space<hbm>>
      tpu.wait_dma2 semaphore(%run_scoped3A : memref<!tpu.dma_semaphore, #tpu.memory_space<semaphore_mem>>) src(%dma_wait3A_67 : memref<88xi32, #tpu.memory_space<hbm>>) dst(%arg11 : memref<88xi32, #tpu.memory_space<vmem>>)
      tpu.yield
    }) : () -> ()
    "tpu.region"() ({
      %run_scoped3A = tpu.sem_alloc : memref<!tpu.dma_semaphore, #tpu.memory_space<semaphore_mem>>
      %dma_start3A_65 = tpu.memref_slice %arg3[%mul3A_49] : memref<332288xi32, #tpu.memory_space<hbm>> -> memref<88xi32, #tpu.memory_space<hbm>>
      %dma_start3A_66 = tpu.memref_slice %arg3[%mul3A_49] : memref<332288xi32, #tpu.memory_space<hbm>> -> memref<88xi32, #tpu.memory_space<hbm>>
      tpu.enqueue_dma source(%dma_start3A_66 : memref<88xi32, #tpu.memory_space<hbm>>) target(%arg13 : memref<88xi32, #tpu.memory_space<vmem>>) target_semaphore(%run_scoped3A : memref<!tpu.dma_semaphore, #tpu.memory_space<semaphore_mem>>)
      %dma_wait3A = tpu.memref_slice %arg3[%mul3A_49] : memref<332288xi32, #tpu.memory_space<hbm>> -> memref<88xi32, #tpu.memory_space<hbm>>
      %dma_wait3A_67 = tpu.memref_slice %arg3[%mul3A_49] : memref<332288xi32, #tpu.memory_space<hbm>> -> memref<88xi32, #tpu.memory_space<hbm>>
      tpu.wait_dma2 semaphore(%run_scoped3A : memref<!tpu.dma_semaphore, #tpu.memory_space<semaphore_mem>>) src(%dma_wait3A_67 : memref<88xi32, #tpu.memory_space<hbm>>) dst(%arg13 : memref<88xi32, #tpu.memory_space<vmem>>)
      tpu.yield
    }) : () -> ()
    %dma_start3A = arith.constant 0 : i32
    %dma_start3A_50 = arith.constant 0 : i32
    %dma_start3A_51 = tpu.memref_slice %arg4[%dma_start3A, %dma_start3A_50] : memref<10240x128xf32, #tpu.memory_space<hbm>> -> memref<10240x128xf32, #tpu.memory_space<hbm>>
    tpu.enqueue_indirect_dma source(%dma_start3A_51 : memref<10240x128xf32, #tpu.memory_space<hbm>>) target(%arg15 : memref<88x128xf32, #tpu.memory_space<vmem>>) offsets(%arg11 : memref<88xi32, #tpu.memory_space<vmem>>) semaphore(%arg22 : memref<!tpu.dma_semaphore, #tpu.memory_space<semaphore_mem>>)
    %dma_start3A_52 = arith.constant 0 : i32
    %dma_start3A_53 = arith.constant 0 : i32
    %dma_start3A_54 = tpu.memref_slice %arg5[%dma_start3A_52, %dma_start3A_53] : memref<10240x16xf32, #tpu.memory_space<hbm>> -> memref<10240x16xf32, #tpu.memory_space<hbm>>
    tpu.enqueue_indirect_dma source(%dma_start3A_54 : memref<10240x16xf32, #tpu.memory_space<hbm>>) target(%arg17 : memref<88x16xf32, #tpu.memory_space<vmem>>) offsets(%arg11 : memref<88xi32, #tpu.memory_space<vmem>>) semaphore(%arg22 : memref<!tpu.dma_semaphore, #tpu.memory_space<semaphore_mem>>)
    %dma_start3A_55 = arith.constant 0 : i32
    %dma_start3A_56 = arith.constant 0 : i32
    %dma_start3A_57 = tpu.memref_slice %arg6[%dma_start3A_55, %dma_start3A_56] : memref<10240x16xf32, #tpu.memory_space<hbm>> -> memref<10240x16xf32, #tpu.memory_space<hbm>>
    tpu.enqueue_indirect_dma source(%dma_start3A_57 : memref<10240x16xf32, #tpu.memory_space<hbm>>) target(%arg19 : memref<88x16xf32, #tpu.memory_space<vmem>>) offsets(%arg13 : memref<88xi32, #tpu.memory_space<vmem>>) semaphore(%arg22 : memref<!tpu.dma_semaphore, #tpu.memory_space<semaphore_mem>>)
    %scan3A = arith.constant 0 : i32
    %scan3A_58 = arith.constant 0 : i32
    %scan3A_59 = arith.constant 59 : i32
    %scan3A_60 = arith.addi %scan3A_58, %scan3A_59 : i32
    %scan3A_61 = arith.constant 1 : i32
    %scan3A_62 = scf.for %scan3A_65 = %scan3A_58 to %scan3A_60 step %scan3A_61 iter_args(%scan3A_66 = %scan3A) -> (i32)  : i32 {
      %mul3A_67 = arith.constant 2 : i32
      %mul3A_68 = arith.muli %mul3A_67, %scan3A_65 : i32
      %add3A_69 = arith.constant 0 : i32
      %add3A_70 = arith.addi %mul3A_68, %add3A_69 : i32
      %dma_wait3A = arith.constant 0 : i32
      %dma_wait3A_71 = arith.constant 0 : i32
      %dma_wait3A_72 = tpu.memref_slice %arg4[%dma_wait3A, %dma_wait3A_71] : memref<10240x128xf32, #tpu.memory_space<hbm>> -> memref<10240x128xf32, #tpu.memory_space<hbm>>
      tpu.wait_indirect_dma semaphore(%arg22 : memref<!tpu.dma_semaphore, #tpu.memory_space<semaphore_mem>>) src(%dma_wait3A_72 : memref<10240x128xf32, #tpu.memory_space<hbm>>) dst(%arg15 : memref<88x128xf32, #tpu.memory_space<vmem>>)
      %dma_wait3A_73 = arith.constant 0 : i32
      %dma_wait3A_74 = arith.constant 0 : i32
      %dma_wait3A_75 = tpu.memref_slice %arg5[%dma_wait3A_73, %dma_wait3A_74] : memref<10240x16xf32, #tpu.memory_space<hbm>> -> memref<10240x16xf32, #tpu.memory_space<hbm>>
      tpu.wait_indirect_dma semaphore(%arg22 : memref<!tpu.dma_semaphore, #tpu.memory_space<semaphore_mem>>) src(%dma_wait3A_75 : memref<10240x16xf32, #tpu.memory_space<hbm>>) dst(%arg17 : memref<88x16xf32, #tpu.memory_space<vmem>>)
      %dma_wait3A_76 = arith.constant 0 : i32
      %dma_wait3A_77 = arith.constant 0 : i32
      %dma_wait3A_78 = tpu.memref_slice %arg6[%dma_wait3A_76, %dma_wait3A_77] : memref<10240x16xf32, #tpu.memory_space<hbm>> -> memref<10240x16xf32, #tpu.memory_space<hbm>>
      tpu.wait_indirect_dma semaphore(%arg22 : memref<!tpu.dma_semaphore, #tpu.memory_space<semaphore_mem>>) src(%dma_wait3A_78 : memref<10240x16xf32, #tpu.memory_space<hbm>>) dst(%arg19 : memref<88x16xf32, #tpu.memory_space<vmem>>)
      %add3A_79 = arith.constant 1 : i32
      %add3A_80 = arith.addi %add3A_70, %add3A_79 : i32
      %lt3A = arith.constant 118 : i32
      %lt3A_81 = arith.cmpi slt, %add3A_80, %lt3A : i32
      %convert_element_type3A = arith.extui %lt3A_81 : i1 to i32
      %cond3A = arith.constant 0 : i32
      %cond3A_82 = arith.cmpi ne, %convert_element_type3A, %cond3A : i32
      scf.if %cond3A_82 {
        %add3A_110 = arith.constant 1 : i32
        %add3A_111 = arith.addi %add3A_70, %add3A_110 : i32
        %mul3A_112 = arith.constant 118 : i32
        %mul3A_113 = arith.muli %add3A, %mul3A_112 : i32
        %add3A_114 = arith.addi %mul3A_113, %add3A_111 : i32
        %mul3A_115 = arith.constant 88 : i32
        %mul3A_116 = arith.muli %add3A_114, %mul3A_115 : i32
        "tpu.region"() ({
          %run_scoped3A = tpu.sem_alloc : memref<!tpu.dma_semaphore, #tpu.memory_space<semaphore_mem>>
          %dma_start3A_126 = tpu.memref_slice %arg2[%mul3A_116] : memref<332288xi32, #tpu.memory_space<hbm>> -> memref<88xi32, #tpu.memory_space<hbm>>
          %dma_start3A_127 = tpu.memref_slice %arg2[%mul3A_116] : memref<332288xi32, #tpu.memory_space<hbm>> -> memref<88xi32, #tpu.memory_space<hbm>>
          tpu.enqueue_dma source(%dma_start3A_127 : memref<88xi32, #tpu.memory_space<hbm>>) target(%arg12 : memref<88xi32, #tpu.memory_space<vmem>>) target_semaphore(%run_scoped3A : memref<!tpu.dma_semaphore, #tpu.memory_space<semaphore_mem>>)
          %dma_wait3A_128 = tpu.memref_slice %arg2[%mul3A_116] : memref<332288xi32, #tpu.memory_space<hbm>> -> memref<88xi32, #tpu.memory_space<hbm>>
          %dma_wait3A_129 = tpu.memref_slice %arg2[%mul3A_116] : memref<332288xi32, #tpu.memory_space<hbm>> -> memref<88xi32, #tpu.memory_space<hbm>>
          tpu.wait_dma2 semaphore(%run_scoped3A : memref<!tpu.dma_semaphore, #tpu.memory_space<semaphore_mem>>) src(%dma_wait3A_129 : memref<88xi32, #tpu.memory_space<hbm>>) dst(%arg12 : memref<88xi32, #tpu.memory_space<vmem>>)
          tpu.yield
        }) : () -> ()
        "tpu.region"() ({
          %run_scoped3A = tpu.sem_alloc : memref<!tpu.dma_semaphore, #tpu.memory_space<semaphore_mem>>
          %dma_start3A_126 = tpu.memref_slice %arg3[%mul3A_116] : memref<332288xi32, #tpu.memory_space<hbm>> -> memref<88xi32, #tpu.memory_space<hbm>>
          %dma_start3A_127 = tpu.memref_slice %arg3[%mul3A_116] : memref<332288xi32, #tpu.memory_space<hbm>> -> memref<88xi32, #tpu.memory_space<hbm>>
          tpu.enqueue_dma source(%dma_start3A_127 : memref<88xi32, #tpu.memory_space<hbm>>) target(%arg14 : memref<88xi32, #tpu.memory_space<vmem>>) target_semaphore(%run_scoped3A : memref<!tpu.dma_semaphore, #tpu.memory_space<semaphore_mem>>)
          %dma_wait3A_128 = tpu.memref_slice %arg3[%mul3A_116] : memref<332288xi32, #tpu.memory_space<hbm>> -> memref<88xi32, #tpu.memory_space<hbm>>
          %dma_wait3A_129 = tpu.memref_slice %arg3[%mul3A_116] : memref<332288xi32, #tpu.memory_space<hbm>> -> memref<88xi32, #tpu.memory_space<hbm>>
          tpu.wait_dma2 semaphore(%run_scoped3A : memref<!tpu.dma_semaphore, #tpu.memory_space<semaphore_mem>>) src(%dma_wait3A_129 : memref<88xi32, #tpu.memory_space<hbm>>) dst(%arg14 : memref<88xi32, #tpu.memory_space<vmem>>)
          tpu.yield
        }) : () -> ()
        %dma_start3A_117 = arith.constant 0 : i32
        %dma_start3A_118 = arith.constant 0 : i32
        %dma_start3A_119 = tpu.memref_slice %arg4[%dma_start3A_117, %dma_start3A_118] : memref<10240x128xf32, #tpu.memory_space<hbm>> -> memref<10240x128xf32, #tpu.memory_space<hbm>>
        tpu.enqueue_indirect_dma source(%dma_start3A_119 : memref<10240x128xf32, #tpu.memory_space<hbm>>) target(%arg16 : memref<88x128xf32, #tpu.memory_space<vmem>>) offsets(%arg12 : memref<88xi32, #tpu.memory_space<vmem>>) semaphore(%arg23 : memref<!tpu.dma_semaphore, #tpu.memory_space<semaphore_mem>>)
        %dma_start3A_120 = arith.constant 0 : i32
        %dma_start3A_121 = arith.constant 0 : i32
        %dma_start3A_122 = tpu.memref_slice %arg5[%dma_start3A_120, %dma_start3A_121] : memref<10240x16xf32, #tpu.memory_space<hbm>> -> memref<10240x16xf32, #tpu.memory_space<hbm>>
        tpu.enqueue_indirect_dma source(%dma_start3A_122 : memref<10240x16xf32, #tpu.memory_space<hbm>>) target(%arg18 : memref<88x16xf32, #tpu.memory_space<vmem>>) offsets(%arg12 : memref<88xi32, #tpu.memory_space<vmem>>) semaphore(%arg23 : memref<!tpu.dma_semaphore, #tpu.memory_space<semaphore_mem>>)
        %dma_start3A_123 = arith.constant 0 : i32
        %dma_start3A_124 = arith.constant 0 : i32
        %dma_start3A_125 = tpu.memref_slice %arg6[%dma_start3A_123, %dma_start3A_124] : memref<10240x16xf32, #tpu.memory_space<hbm>> -> memref<10240x16xf32, #tpu.memory_space<hbm>>
        tpu.enqueue_indirect_dma source(%dma_start3A_125 : memref<10240x16xf32, #tpu.memory_space<hbm>>) target(%arg20 : memref<88x16xf32, #tpu.memory_space<vmem>>) offsets(%arg14 : memref<88xi32, #tpu.memory_space<vmem>>) semaphore(%arg23 : memref<!tpu.dma_semaphore, #tpu.memory_space<semaphore_mem>>)
      } else {
      }
      %parallel_loop3A_83 = arith.constant 0 : i32
      %parallel_loop3A_84 = arith.constant 88 : i32
      %parallel_loop3A_85 = arith.constant 1 : i32
      scf.for %parallel_loop3A_110 = %parallel_loop3A_83 to %parallel_loop3A_84 step %parallel_loop3A_85  : i32 {
        %parallel_loop3A_111 = arith.index_cast %parallel_loop3A_110 : i32 to index
        %parallel_loop3A_112 = arith.constant 0 : index
        %parallel_loop3A_113 = tpu.vector_load %arg17[%parallel_loop3A_111, %parallel_loop3A_112] {strides = array<i32>} : memref<88x16xf32, #tpu.memory_space<vmem>>, vector<1x16xf32>,
        %parallel_loop3A_114 = vector.shape_cast %parallel_loop3A_113 : vector<1x16xf32> to vector<16xf32>
        %parallel_loop3A_115 = arith.index_cast %parallel_loop3A_110 : i32 to index
        %parallel_loop3A_116 = arith.constant 0 : index
        %parallel_loop3A_117 = tpu.vector_load %arg19[%parallel_loop3A_115, %parallel_loop3A_116] {strides = array<i32>} : memref<88x16xf32, #tpu.memory_space<vmem>>, vector<1x16xf32>,
        %parallel_loop3A_118 = vector.shape_cast %parallel_loop3A_117 : vector<1x16xf32> to vector<16xf32>
        %parallel_loop3A_119 = arith.addf %parallel_loop3A_114, %parallel_loop3A_118 : vector<16xf32>
        %parallel_loop3A_120 = arith.constant 2.000000e-01 : f32
        %parallel_loop3A_121 = vector.broadcast %parallel_loop3A_120 : f32 to vector<16xf32>
        %parallel_loop3A_122 = arith.mulf %parallel_loop3A_121, %parallel_loop3A_119 : vector<16xf32>
        %parallel_loop3A_123 = arith.maximumf %parallel_loop3A_119, %parallel_loop3A_122 : vector<16xf32>
        %parallel_loop3A_124 = math.exp %parallel_loop3A_123 : vector<16xf32>
        %parallel_loop3A_125 = arith.index_cast %parallel_loop3A_110 : i32 to index
        %parallel_loop3A_126 = arith.constant 0 : index
        %parallel_loop3A_127 = tpu.vector_load %arg21[%parallel_loop3A_125, %parallel_loop3A_126] {strides = array<i32>} : memref<88x16xf32, #tpu.memory_space<vmem>>, vector<1x16xf32>,
        %parallel_loop3A_128 = vector.shape_cast %parallel_loop3A_127 : vector<1x16xf32> to vector<16xf32>
        %parallel_loop3A_129 = vector.shape_cast %parallel_loop3A_124 : vector<16xf32> to vector<1x16xf32>
        tpu.vector_store %arg21[%parallel_loop3A_125, %parallel_loop3A_126], %parallel_loop3A_129 {strides = array<i32>} : memref<88x16xf32, #tpu.memory_space<vmem>>, vector<1x16xf32>,
        %parallel_loop3A_130 = vector.shape_cast %broadcast_in_dim3A_43 : vector<16xi32> to vector<16x1xi32>
        %parallel_loop3A_131 = vector.shape_cast %parallel_loop3A_130 : vector<16x1xi32> to vector<16xi32>
        %parallel_loop3A_132 = tpu.dynamic_gather %parallel_loop3A_124[%parallel_loop3A_131] in [0] : vector<16xf32>, vector<16xi32> -> vector<16xf32>
        %parallel_loop3A_133 = vector.shape_cast %broadcast_in_dim3A_43 : vector<16xi32> to vector<16x1xi32>
        %parallel_loop3A_134 = vector.shape_cast %parallel_loop3A_133 : vector<16x1xi32> to vector<16xi32>
        %parallel_loop3A_135 = tpu.dynamic_gather %parallel_loop3A_124[%parallel_loop3A_134] in [0] : vector<16xf32>, vector<16xi32> -> vector<16xf32>
        %parallel_loop3A_136 = vector.shape_cast %broadcast_in_dim3A_43 : vector<16xi32> to vector<16x1xi32>
        %parallel_loop3A_137 = vector.shape_cast %parallel_loop3A_136 : vector<16x1xi32> to vector<16xi32>
        %parallel_loop3A_138 = tpu.dynamic_gather %parallel_loop3A_124[%parallel_loop3A_137] in [0] : vector<16xf32>, vector<16xi32> -> vector<16xf32>
        %parallel_loop3A_139 = vector.shape_cast %broadcast_in_dim3A_43 : vector<16xi32> to vector<16x1xi32>
        %parallel_loop3A_140 = vector.shape_cast %parallel_loop3A_139 : vector<16x1xi32> to vector<16xi32>
        %parallel_loop3A_141 = tpu.dynamic_gather %parallel_loop3A_124[%parallel_loop3A_140] in [0] : vector<16xf32>, vector<16xi32> -> vector<16xf32>
        %parallel_loop3A_142 = vector.shape_cast %broadcast_in_dim3A_43 : vector<16xi32> to vector<16x1xi32>
        %parallel_loop3A_143 = vector.shape_cast %parallel_loop3A_142 : vector<16x1xi32> to vector<16xi32>
        %parallel_loop3A_144 = tpu.dynamic_gather %parallel_loop3A_124[%parallel_loop3A_143] in [0] : vector<16xf32>, vector<16xi32> -> vector<16xf32>
        %parallel_loop3A_145 = vector.shape_cast %broadcast_in_dim3A_43 : vector<16xi32> to vector<16x1xi32>
        %parallel_loop3A_146 = vector.shape_cast %parallel_loop3A_145 : vector<16x1xi32> to vector<16xi32>
        %parallel_loop3A_147 = tpu.dynamic_gather %parallel_loop3A_124[%parallel_loop3A_146] in [0] : vector<16xf32>, vector<16xi32> -> vector<16xf32>
        %parallel_loop3A_148 = vector.shape_cast %broadcast_in_dim3A_43 : vector<16xi32> to vector<16x1xi32>
        %parallel_loop3A_149 = vector.shape_cast %parallel_loop3A_148 : vector<16x1xi32> to vector<16xi32>
        %parallel_loop3A_150 = tpu.dynamic_gather %parallel_loop3A_124[%parallel_loop3A_149] in [0] : vector<16xf32>, vector<16xi32> -> vector<16xf32>
        %parallel_loop3A_151 = vector.shape_cast %broadcast_in_dim3A_43 : vector<16xi32> to vector<16x1xi32>
        %parallel_loop3A_152 = vector.shape_cast %parallel_loop3A_151 : vector<16x1xi32> to vector<16xi32>
        %parallel_loop3A_153 = tpu.dynamic_gather %parallel_loop3A_124[%parallel_loop3A_152] in [0] : vector<16xf32>, vector<16xi32> -> vector<16xf32>
        %parallel_loop3A_154 = arith.index_cast %parallel_loop3A_110 : i32 to index
        %parallel_loop3A_155 = arith.constant 0 : index
        %parallel_loop3A_156 = tpu.vector_load %arg15[%parallel_loop3A_154, %parallel_loop3A_155] {strides = array<i32>} : memref<88x128xf32, #tpu.memory_space<vmem>>, vector<1x16xf32>,
        %parallel_loop3A_157 = vector.shape_cast %parallel_loop3A_156 : vector<1x16xf32> to vector<16xf32>
        %parallel_loop3A_158 = arith.mulf %parallel_loop3A_157, %parallel_loop3A_132 : vector<16xf32>
        %parallel_loop3A_159 = arith.index_cast %parallel_loop3A_110 : i32 to index
        %parallel_loop3A_160 = arith.constant 0 : index
        %parallel_loop3A_161 = tpu.vector_load %arg15[%parallel_loop3A_159, %parallel_loop3A_160] {strides = array<i32>} : memref<88x128xf32, #tpu.memory_space<vmem>>, vector<1x16xf32>,
        %parallel_loop3A_162 = vector.shape_cast %parallel_loop3A_161 : vector<1x16xf32> to vector<16xf32>
        %parallel_loop3A_163 = vector.shape_cast %parallel_loop3A_158 : vector<16xf32> to vector<1x16xf32>
        tpu.vector_store %arg15[%parallel_loop3A_159, %parallel_loop3A_160], %parallel_loop3A_163 {strides = array<i32>} : memref<88x128xf32, #tpu.memory_space<vmem>>, vector<1x16xf32>,
        %parallel_loop3A_164 = arith.index_cast %parallel_loop3A_110 : i32 to index
        %parallel_loop3A_165 = arith.constant 16 : index
        %parallel_loop3A_166 = tpu.vector_load %arg15[%parallel_loop3A_164, %parallel_loop3A_165] {strides = array<i32>} : memref<88x128xf32, #tpu.memory_space<vmem>>, vector<1x16xf32>,
        %parallel_loop3A_167 = vector.shape_cast %parallel_loop3A_166 : vector<1x16xf32> to vector<16xf32>
        %parallel_loop3A_168 = arith.mulf %parallel_loop3A_167, %parallel_loop3A_135 : vector<16xf32>
        %parallel_loop3A_169 = arith.index_cast %parallel_loop3A_110 : i32 to index
        %parallel_loop3A_170 = arith.constant 16 : index
        %parallel_loop3A_171 = tpu.vector_load %arg15[%parallel_loop3A_169, %parallel_loop3A_170] {strides = array<i32>} : memref<88x128xf32, #tpu.memory_space<vmem>>, vector<1x16xf32>,
        %parallel_loop3A_172 = vector.shape_cast %parallel_loop3A_171 : vector<1x16xf32> to vector<16xf32>
        %parallel_loop3A_173 = vector.shape_cast %parallel_loop3A_168 : vector<16xf32> to vector<1x16xf32>
        tpu.vector_store %arg15[%parallel_loop3A_169, %parallel_loop3A_170], %parallel_loop3A_173 {strides = array<i32>} : memref<88x128xf32, #tpu.memory_space<vmem>>, vector<1x16xf32>,
        %parallel_loop3A_174 = arith.index_cast %parallel_loop3A_110 : i32 to index
        %parallel_loop3A_175 = arith.constant 32 : index
        %parallel_loop3A_176 = tpu.vector_load %arg15[%parallel_loop3A_174, %parallel_loop3A_175] {strides = array<i32>} : memref<88x128xf32, #tpu.memory_space<vmem>>, vector<1x16xf32>,
        %parallel_loop3A_177 = vector.shape_cast %parallel_loop3A_176 : vector<1x16xf32> to vector<16xf32>
        %parallel_loop3A_178 = arith.mulf %parallel_loop3A_177, %parallel_loop3A_138 : vector<16xf32>
        %parallel_loop3A_179 = arith.index_cast %parallel_loop3A_110 : i32 to index
        %parallel_loop3A_180 = arith.constant 32 : index
        %parallel_loop3A_181 = tpu.vector_load %arg15[%parallel_loop3A_179, %parallel_loop3A_180] {strides = array<i32>} : memref<88x128xf32, #tpu.memory_space<vmem>>, vector<1x16xf32>,
        %parallel_loop3A_182 = vector.shape_cast %parallel_loop3A_181 : vector<1x16xf32> to vector<16xf32>
        %parallel_loop3A_183 = vector.shape_cast %parallel_loop3A_178 : vector<16xf32> to vector<1x16xf32>
        tpu.vector_store %arg15[%parallel_loop3A_179, %parallel_loop3A_180], %parallel_loop3A_183 {strides = array<i32>} : memref<88x128xf32, #tpu.memory_space<vmem>>, vector<1x16xf32>,
        %parallel_loop3A_184 = arith.index_cast %parallel_loop3A_110 : i32 to index
        %parallel_loop3A_185 = arith.constant 48 : index
        %parallel_loop3A_186 = tpu.vector_load %arg15[%parallel_loop3A_184, %parallel_loop3A_185] {strides = array<i32>} : memref<88x128xf32, #tpu.memory_space<vmem>>, vector<1x16xf32>,
        %parallel_loop3A_187 = vector.shape_cast %parallel_loop3A_186 : vector<1x16xf32> to vector<16xf32>
        %parallel_loop3A_188 = arith.mulf %parallel_loop3A_187, %parallel_loop3A_141 : vector<16xf32>
        %parallel_loop3A_189 = arith.index_cast %parallel_loop3A_110 : i32 to index
        %parallel_loop3A_190 = arith.constant 48 : index
        %parallel_loop3A_191 = tpu.vector_load %arg15[%parallel_loop3A_189, %parallel_loop3A_190] {strides = array<i32>} : memref<88x128xf32, #tpu.memory_space<vmem>>, vector<1x16xf32>,
        %parallel_loop3A_192 = vector.shape_cast %parallel_loop3A_191 : vector<1x16xf32> to vector<16xf32>
        %parallel_loop3A_193 = vector.shape_cast %parallel_loop3A_188 : vector<16xf32> to vector<1x16xf32>
        tpu.vector_store %arg15[%parallel_loop3A_189, %parallel_loop3A_190], %parallel_loop3A_193 {strides = array<i32>} : memref<88x128xf32, #tpu.memory_space<vmem>>, vector<1x16xf32>,
        %parallel_loop3A_194 = arith.index_cast %parallel_loop3A_110 : i32 to index
        %parallel_loop3A_195 = arith.constant 64 : index
        %parallel_loop3A_196 = tpu.vector_load %arg15[%parallel_loop3A_194, %parallel_loop3A_195] {strides = array<i32>} : memref<88x128xf32, #tpu.memory_space<vmem>>, vector<1x16xf32>,
        %parallel_loop3A_197 = vector.shape_cast %parallel_loop3A_196 : vector<1x16xf32> to vector<16xf32>
        %parallel_loop3A_198 = arith.mulf %parallel_loop3A_197, %parallel_loop3A_144 : vector<16xf32>
        %parallel_loop3A_199 = arith.index_cast %parallel_loop3A_110 : i32 to index
        %parallel_loop3A_200 = arith.constant 64 : index
        %parallel_loop3A_201 = tpu.vector_load %arg15[%parallel_loop3A_199, %parallel_loop3A_200] {strides = array<i32>} : memref<88x128xf32, #tpu.memory_space<vmem>>, vector<1x16xf32>,
        %parallel_loop3A_202 = vector.shape_cast %parallel_loop3A_201 : vector<1x16xf32> to vector<16xf32>
        %parallel_loop3A_203 = vector.shape_cast %parallel_loop3A_198 : vector<16xf32> to vector<1x16xf32>
        tpu.vector_store %arg15[%parallel_loop3A_199, %parallel_loop3A_200], %parallel_loop3A_203 {strides = array<i32>} : memref<88x128xf32, #tpu.memory_space<vmem>>, vector<1x16xf32>,
        %parallel_loop3A_204 = arith.index_cast %parallel_loop3A_110 : i32 to index
        %parallel_loop3A_205 = arith.constant 80 : index
        %parallel_loop3A_206 = tpu.vector_load %arg15[%parallel_loop3A_204, %parallel_loop3A_205] {strides = array<i32>} : memref<88x128xf32, #tpu.memory_space<vmem>>, vector<1x16xf32>,
        %parallel_loop3A_207 = vector.shape_cast %parallel_loop3A_206 : vector<1x16xf32> to vector<16xf32>
        %parallel_loop3A_208 = arith.mulf %parallel_loop3A_207, %parallel_loop3A_147 : vector<16xf32>
        %parallel_loop3A_209 = arith.index_cast %parallel_loop3A_110 : i32 to index
        %parallel_loop3A_210 = arith.constant 80 : index
        %parallel_loop3A_211 = tpu.vector_load %arg15[%parallel_loop3A_209, %parallel_loop3A_210] {strides = array<i32>} : memref<88x128xf32, #tpu.memory_space<vmem>>, vector<1x16xf32>,
        %parallel_loop3A_212 = vector.shape_cast %parallel_loop3A_211 : vector<1x16xf32> to vector<16xf32>
        %parallel_loop3A_213 = vector.shape_cast %parallel_loop3A_208 : vector<16xf32> to vector<1x16xf32>
        tpu.vector_store %arg15[%parallel_loop3A_209, %parallel_loop3A_210], %parallel_loop3A_213 {strides = array<i32>} : memref<88x128xf32, #tpu.memory_space<vmem>>, vector<1x16xf32>,
        %parallel_loop3A_214 = arith.index_cast %parallel_loop3A_110 : i32 to index
        %parallel_loop3A_215 = arith.constant 96 : index
        %parallel_loop3A_216 = tpu.vector_load %arg15[%parallel_loop3A_214, %parallel_loop3A_215] {strides = array<i32>} : memref<88x128xf32, #tpu.memory_space<vmem>>, vector<1x16xf32>,
        %parallel_loop3A_217 = vector.shape_cast %parallel_loop3A_216 : vector<1x16xf32> to vector<16xf32>
        %parallel_loop3A_218 = arith.mulf %parallel_loop3A_217, %parallel_loop3A_150 : vector<16xf32>
        %parallel_loop3A_219 = arith.index_cast %parallel_loop3A_110 : i32 to index
        %parallel_loop3A_220 = arith.constant 96 : index
        %parallel_loop3A_221 = tpu.vector_load %arg15[%parallel_loop3A_219, %parallel_loop3A_220] {strides = array<i32>} : memref<88x128xf32, #tpu.memory_space<vmem>>, vector<1x16xf32>,
        %parallel_loop3A_222 = vector.shape_cast %parallel_loop3A_221 : vector<1x16xf32> to vector<16xf32>
        %parallel_loop3A_223 = vector.shape_cast %parallel_loop3A_218 : vector<16xf32> to vector<1x16xf32>
        tpu.vector_store %arg15[%parallel_loop3A_219, %parallel_loop3A_220], %parallel_loop3A_223 {strides = array<i32>} : memref<88x128xf32, #tpu.memory_space<vmem>>, vector<1x16xf32>,
        %parallel_loop3A_224 = arith.index_cast %parallel_loop3A_110 : i32 to index
        %parallel_loop3A_225 = arith.constant 112 : index
        %parallel_loop3A_226 = tpu.vector_load %arg15[%parallel_loop3A_224, %parallel_loop3A_225] {strides = array<i32>} : memref<88x128xf32, #tpu.memory_space<vmem>>, vector<1x16xf32>,
        %parallel_loop3A_227 = vector.shape_cast %parallel_loop3A_226 : vector<1x16xf32> to vector<16xf32>
        %parallel_loop3A_228 = arith.mulf %parallel_loop3A_227, %parallel_loop3A_153 : vector<16xf32>
        %parallel_loop3A_229 = arith.index_cast %parallel_loop3A_110 : i32 to index
        %parallel_loop3A_230 = arith.constant 112 : index
        %parallel_loop3A_231 = tpu.vector_load %arg15[%parallel_loop3A_229, %parallel_loop3A_230] {strides = array<i32>} : memref<88x128xf32, #tpu.memory_space<vmem>>, vector<1x16xf32>,
        %parallel_loop3A_232 = vector.shape_cast %parallel_loop3A_231 : vector<1x16xf32> to vector<16xf32>
        %parallel_loop3A_233 = vector.shape_cast %parallel_loop3A_228 : vector<16xf32> to vector<1x16xf32>
        tpu.vector_store %arg15[%parallel_loop3A_229, %parallel_loop3A_230], %parallel_loop3A_233 {strides = array<i32>} : memref<88x128xf32, #tpu.memory_space<vmem>>, vector<1x16xf32>,
      } {sc.loop_unroll_factor = 4 : i64, sc.parallel_access}
      "tpu.region"() ({
        %run_scoped3A = tpu.sem_alloc : memref<!tpu.dma_semaphore, #tpu.memory_space<semaphore_mem>>
        %dma_start3A_110 = arith.constant 0 : i32
        %dma_start3A_111 = arith.constant 0 : i32
        %dma_start3A_112 = tpu.memref_slice %arg10[%dma_start3A_110, %dma_start3A_111] : memref<10240x16xf32, #tpu.memory_space<vmem_shared>> -> memref<10240x16xf32, #tpu.memory_space<vmem_shared>>
        tpu.enqueue_indirect_dma source(%arg21 : memref<88x16xf32, #tpu.memory_space<vmem>>) target(%dma_start3A_112 : memref<10240x16xf32, #tpu.memory_space<vmem_shared>>) offsets(%arg13 : memref<88xi32, #tpu.memory_space<vmem>>) semaphore(%run_scoped3A : memref<!tpu.dma_semaphore, #tpu.memory_space<semaphore_mem>>) {add = true}
        %dma_wait3A_113 = arith.constant 0 : i32
        %dma_wait3A_114 = arith.constant 0 : i32
        %dma_wait3A_115 = tpu.memref_slice %arg10[%dma_wait3A_113, %dma_wait3A_114] : memref<10240x16xf32, #tpu.memory_space<vmem_shared>> -> memref<10240x16xf32, #tpu.memory_space<vmem_shared>>
        tpu.wait_indirect_dma semaphore(%run_scoped3A : memref<!tpu.dma_semaphore, #tpu.memory_space<semaphore_mem>>) src(%arg21 : memref<88x16xf32, #tpu.memory_space<vmem>>) dst(%dma_wait3A_115 : memref<10240x16xf32, #tpu.memory_space<vmem_shared>>)
        tpu.yield
      }) : () -> ()
      "tpu.region"() ({
        %run_scoped3A = tpu.sem_alloc : memref<!tpu.dma_semaphore, #tpu.memory_space<semaphore_mem>>
        %dma_start3A_110 = arith.constant 0 : i32
        %dma_start3A_111 = arith.constant 0 : i32
        %dma_start3A_112 = tpu.memref_slice %arg9[%dma_start3A_110, %dma_start3A_111] : memref<10240x128xf32, #tpu.memory_space<vmem_shared>> -> memref<10240x128xf32, #tpu.memory_space<vmem_shared>>
        tpu.enqueue_indirect_dma source(%arg15 : memref<88x128xf32, #tpu.memory_space<vmem>>) target(%dma_start3A_112 : memref<10240x128xf32, #tpu.memory_space<vmem_shared>>) offsets(%arg13 : memref<88xi32, #tpu.memory_space<vmem>>) semaphore(%run_scoped3A : memref<!tpu.dma_semaphore, #tpu.memory_space<semaphore_mem>>) {add = true}
        %dma_wait3A_113 = arith.constant 0 : i32
        %dma_wait3A_114 = arith.constant 0 : i32
        %dma_wait3A_115 = tpu.memref_slice %arg9[%dma_wait3A_113, %dma_wait3A_114] : memref<10240x128xf32, #tpu.memory_space<vmem_shared>> -> memref<10240x128xf32, #tpu.memory_space<vmem_shared>>
        tpu.wait_indirect_dma semaphore(%run_scoped3A : memref<!tpu.dma_semaphore, #tpu.memory_space<semaphore_mem>>) src(%arg15 : memref<88x128xf32, #tpu.memory_space<vmem>>) dst(%dma_wait3A_115 : memref<10240x128xf32, #tpu.memory_space<vmem_shared>>)
        tpu.yield
      }) : () -> ()
      %mul3A_86 = arith.constant 2 : i32
      %mul3A_87 = arith.muli %mul3A_86, %scan3A_65 : i32
      %add3A_88 = arith.constant 1 : i32
      %add3A_89 = arith.addi %mul3A_87, %add3A_88 : i32
      %dma_wait3A_90 = arith.constant 0 : i32
      %dma_wait3A_91 = arith.constant 0 : i32
      %dma_wait3A_92 = tpu.memref_slice %arg4[%dma_wait3A_90, %dma_wait3A_91] : memref<10240x128xf32, #tpu.memory_space<hbm>> -> memref<10240x128xf32, #tpu.memory_space<hbm>>
      tpu.wait_indirect_dma semaphore(%arg23 : memref<!tpu.dma_semaphore, #tpu.memory_space<semaphore_mem>>) src(%dma_wait3A_92 : memref<10240x128xf32, #tpu.memory_space<hbm>>) dst(%arg16 : memref<88x128xf32, #tpu.memory_space<vmem>>)
      %dma_wait3A_93 = arith.constant 0 : i32
      %dma_wait3A_94 = arith.constant 0 : i32
      %dma_wait3A_95 = tpu.memref_slice %arg5[%dma_wait3A_93, %dma_wait3A_94] : memref<10240x16xf32, #tpu.memory_space<hbm>> -> memref<10240x16xf32, #tpu.memory_space<hbm>>
      tpu.wait_indirect_dma semaphore(%arg23 : memref<!tpu.dma_semaphore, #tpu.memory_space<semaphore_mem>>) src(%dma_wait3A_95 : memref<10240x16xf32, #tpu.memory_space<hbm>>) dst(%arg18 : memref<88x16xf32, #tpu.memory_space<vmem>>)
      %dma_wait3A_96 = arith.constant 0 : i32
      %dma_wait3A_97 = arith.constant 0 : i32
      %dma_wait3A_98 = tpu.memref_slice %arg6[%dma_wait3A_96, %dma_wait3A_97] : memref<10240x16xf32, #tpu.memory_space<hbm>> -> memref<10240x16xf32, #tpu.memory_space<hbm>>
      tpu.wait_indirect_dma semaphore(%arg23 : memref<!tpu.dma_semaphore, #tpu.memory_space<semaphore_mem>>) src(%dma_wait3A_98 : memref<10240x16xf32, #tpu.memory_space<hbm>>) dst(%arg20 : memref<88x16xf32, #tpu.memory_space<vmem>>)
      %add3A_99 = arith.constant 1 : i32
      %add3A_100 = arith.addi %add3A_89, %add3A_99 : i32
      %lt3A_101 = arith.constant 118 : i32
      %lt3A_102 = arith.cmpi slt, %add3A_100, %lt3A_101 : i32
      %convert_element_type3A_103 = arith.extui %lt3A_102 : i1 to i32
      %cond3A_104 = arith.constant 0 : i32
      %cond3A_105 = arith.cmpi ne, %convert_element_type3A_103, %cond3A_104 : i32
      scf.if %cond3A_105 {
        %add3A_110 = arith.constant 1 : i32
        %add3A_111 = arith.addi %add3A_89, %add3A_110 : i32
        %mul3A_112 = arith.constant 118 : i32
        %mul3A_113 = arith.muli %add3A, %mul3A_112 : i32
        %add3A_114 = arith.addi %mul3A_113, %add3A_111 : i32
        %mul3A_115 = arith.constant 88 : i32
        %mul3A_116 = arith.muli %add3A_114, %mul3A_115 : i32
        "tpu.region"() ({
          %run_scoped3A = tpu.sem_alloc : memref<!tpu.dma_semaphore, #tpu.memory_space<semaphore_mem>>
          %dma_start3A_126 = tpu.memref_slice %arg2[%mul3A_116] : memref<332288xi32, #tpu.memory_space<hbm>> -> memref<88xi32, #tpu.memory_space<hbm>>
          %dma_start3A_127 = tpu.memref_slice %arg2[%mul3A_116] : memref<332288xi32, #tpu.memory_space<hbm>> -> memref<88xi32, #tpu.memory_space<hbm>>
          tpu.enqueue_dma source(%dma_start3A_127 : memref<88xi32, #tpu.memory_space<hbm>>) target(%arg11 : memref<88xi32, #tpu.memory_space<vmem>>) target_semaphore(%run_scoped3A : memref<!tpu.dma_semaphore, #tpu.memory_space<semaphore_mem>>)
          %dma_wait3A_128 = tpu.memref_slice %arg2[%mul3A_116] : memref<332288xi32, #tpu.memory_space<hbm>> -> memref<88xi32, #tpu.memory_space<hbm>>
          %dma_wait3A_129 = tpu.memref_slice %arg2[%mul3A_116] : memref<332288xi32, #tpu.memory_space<hbm>> -> memref<88xi32, #tpu.memory_space<hbm>>
          tpu.wait_dma2 semaphore(%run_scoped3A : memref<!tpu.dma_semaphore, #tpu.memory_space<semaphore_mem>>) src(%dma_wait3A_129 : memref<88xi32, #tpu.memory_space<hbm>>) dst(%arg11 : memref<88xi32, #tpu.memory_space<vmem>>)
          tpu.yield
        }) : () -> ()
        "tpu.region"() ({
          %run_scoped3A = tpu.sem_alloc : memref<!tpu.dma_semaphore, #tpu.memory_space<semaphore_mem>>
          %dma_start3A_126 = tpu.memref_slice %arg3[%mul3A_116] : memref<332288xi32, #tpu.memory_space<hbm>> -> memref<88xi32, #tpu.memory_space<hbm>>
          %dma_start3A_127 = tpu.memref_slice %arg3[%mul3A_116] : memref<332288xi32, #tpu.memory_space<hbm>> -> memref<88xi32, #tpu.memory_space<hbm>>
          tpu.enqueue_dma source(%dma_start3A_127 : memref<88xi32, #tpu.memory_space<hbm>>) target(%arg13 : memref<88xi32, #tpu.memory_space<vmem>>) target_semaphore(%run_scoped3A : memref<!tpu.dma_semaphore, #tpu.memory_space<semaphore_mem>>)
          %dma_wait3A_128 = tpu.memref_slice %arg3[%mul3A_116] : memref<332288xi32, #tpu.memory_space<hbm>> -> memref<88xi32, #tpu.memory_space<hbm>>
          %dma_wait3A_129 = tpu.memref_slice %arg3[%mul3A_116] : memref<332288xi32, #tpu.memory_space<hbm>> -> memref<88xi32, #tpu.memory_space<hbm>>
          tpu.wait_dma2 semaphore(%run_scoped3A : memref<!tpu.dma_semaphore, #tpu.memory_space<semaphore_mem>>) src(%dma_wait3A_129 : memref<88xi32, #tpu.memory_space<hbm>>) dst(%arg13 : memref<88xi32, #tpu.memory_space<vmem>>)
          tpu.yield
        }) : () -> ()
        %dma_start3A_117 = arith.constant 0 : i32
        %dma_start3A_118 = arith.constant 0 : i32
        %dma_start3A_119 = tpu.memref_slice %arg4[%dma_start3A_117, %dma_start3A_118] : memref<10240x128xf32, #tpu.memory_space<hbm>> -> memref<10240x128xf32, #tpu.memory_space<hbm>>
        tpu.enqueue_indirect_dma source(%dma_start3A_119 : memref<10240x128xf32, #tpu.memory_space<hbm>>) target(%arg15 : memref<88x128xf32, #tpu.memory_space<vmem>>) offsets(%arg11 : memref<88xi32, #tpu.memory_space<vmem>>) semaphore(%arg22 : memref<!tpu.dma_semaphore, #tpu.memory_space<semaphore_mem>>)
        %dma_start3A_120 = arith.constant 0 : i32
        %dma_start3A_121 = arith.constant 0 : i32
        %dma_start3A_122 = tpu.memref_slice %arg5[%dma_start3A_120, %dma_start3A_121] : memref<10240x16xf32, #tpu.memory_space<hbm>> -> memref<10240x16xf32, #tpu.memory_space<hbm>>
        tpu.enqueue_indirect_dma source(%dma_start3A_122 : memref<10240x16xf32, #tpu.memory_space<hbm>>) target(%arg17 : memref<88x16xf32, #tpu.memory_space<vmem>>) offsets(%arg11 : memref<88xi32, #tpu.memory_space<vmem>>) semaphore(%arg22 : memref<!tpu.dma_semaphore, #tpu.memory_space<semaphore_mem>>)
        %dma_start3A_123 = arith.constant 0 : i32
        %dma_start3A_124 = arith.constant 0 : i32
        %dma_start3A_125 = tpu.memref_slice %arg6[%dma_start3A_123, %dma_start3A_124] : memref<10240x16xf32, #tpu.memory_space<hbm>> -> memref<10240x16xf32, #tpu.memory_space<hbm>>
        tpu.enqueue_indirect_dma source(%dma_start3A_125 : memref<10240x16xf32, #tpu.memory_space<hbm>>) target(%arg19 : memref<88x16xf32, #tpu.memory_space<vmem>>) offsets(%arg13 : memref<88xi32, #tpu.memory_space<vmem>>) semaphore(%arg22 : memref<!tpu.dma_semaphore, #tpu.memory_space<semaphore_mem>>)
      } else {
      }
      %parallel_loop3A_106 = arith.constant 0 : i32
      %parallel_loop3A_107 = arith.constant 88 : i32
      %parallel_loop3A_108 = arith.constant 1 : i32
      scf.for %parallel_loop3A_110 = %parallel_loop3A_106 to %parallel_loop3A_107 step %parallel_loop3A_108  : i32 {
        %parallel_loop3A_111 = arith.index_cast %parallel_loop3A_110 : i32 to index
        %parallel_loop3A_112 = arith.constant 0 : index
        %parallel_loop3A_113 = tpu.vector_load %arg18[%parallel_loop3A_111, %parallel_loop3A_112] {strides = array<i32>} : memref<88x16xf32, #tpu.memory_space<vmem>>, vector<1x16xf32>,
        %parallel_loop3A_114 = vector.shape_cast %parallel_loop3A_113 : vector<1x16xf32> to vector<16xf32>
        %parallel_loop3A_115 = arith.index_cast %parallel_loop3A_110 : i32 to index
        %parallel_loop3A_116 = arith.constant 0 : index
        %parallel_loop3A_117 = tpu.vector_load %arg20[%parallel_loop3A_115, %parallel_loop3A_116] {strides = array<i32>} : memref<88x16xf32, #tpu.memory_space<vmem>>, vector<1x16xf32>,
        %parallel_loop3A_118 = vector.shape_cast %parallel_loop3A_117 : vector<1x16xf32> to vector<16xf32>
        %parallel_loop3A_119 = arith.addf %parallel_loop3A_114, %parallel_loop3A_118 : vector<16xf32>
        %parallel_loop3A_120 = arith.constant 2.000000e-01 : f32
        %parallel_loop3A_121 = vector.broadcast %parallel_loop3A_120 : f32 to vector<16xf32>
        %parallel_loop3A_122 = arith.mulf %parallel_loop3A_121, %parallel_loop3A_119 : vector<16xf32>
        %parallel_loop3A_123 = arith.maximumf %parallel_loop3A_119, %parallel_loop3A_122 : vector<16xf32>
        %parallel_loop3A_124 = math.exp %parallel_loop3A_123 : vector<16xf32>
        %parallel_loop3A_125 = arith.index_cast %parallel_loop3A_110 : i32 to index
        %parallel_loop3A_126 = arith.constant 0 : index
        %parallel_loop3A_127 = tpu.vector_load %arg21[%parallel_loop3A_125, %parallel_loop3A_126] {strides = array<i32>} : memref<88x16xf32, #tpu.memory_space<vmem>>, vector<1x16xf32>,
        %parallel_loop3A_128 = vector.shape_cast %parallel_loop3A_127 : vector<1x16xf32> to vector<16xf32>
        %parallel_loop3A_129 = vector.shape_cast %parallel_loop3A_124 : vector<16xf32> to vector<1x16xf32>
        tpu.vector_store %arg21[%parallel_loop3A_125, %parallel_loop3A_126], %parallel_loop3A_129 {strides = array<i32>} : memref<88x16xf32, #tpu.memory_space<vmem>>, vector<1x16xf32>,
        %parallel_loop3A_130 = vector.shape_cast %broadcast_in_dim3A_43 : vector<16xi32> to vector<16x1xi32>
        %parallel_loop3A_131 = vector.shape_cast %parallel_loop3A_130 : vector<16x1xi32> to vector<16xi32>
        %parallel_loop3A_132 = tpu.dynamic_gather %parallel_loop3A_124[%parallel_loop3A_131] in [0] : vector<16xf32>, vector<16xi32> -> vector<16xf32>
        %parallel_loop3A_133 = vector.shape_cast %broadcast_in_dim3A_43 : vector<16xi32> to vector<16x1xi32>
        %parallel_loop3A_134 = vector.shape_cast %parallel_loop3A_133 : vector<16x1xi32> to vector<16xi32>
        %parallel_loop3A_135 = tpu.dynamic_gather %parallel_loop3A_124[%parallel_loop3A_134] in [0] : vector<16xf32>, vector<16xi32> -> vector<16xf32>
        %parallel_loop3A_136 = vector.shape_cast %broadcast_in_dim3A_43 : vector<16xi32> to vector<16x1xi32>
        %parallel_loop3A_137 = vector.shape_cast %parallel_loop3A_136 : vector<16x1xi32> to vector<16xi32>
        %parallel_loop3A_138 = tpu.dynamic_gather %parallel_loop3A_124[%parallel_loop3A_137] in [0] : vector<16xf32>, vector<16xi32> -> vector<16xf32>
        %parallel_loop3A_139 = vector.shape_cast %broadcast_in_dim3A_43 : vector<16xi32> to vector<16x1xi32>
        %parallel_loop3A_140 = vector.shape_cast %parallel_loop3A_139 : vector<16x1xi32> to vector<16xi32>
        %parallel_loop3A_141 = tpu.dynamic_gather %parallel_loop3A_124[%parallel_loop3A_140] in [0] : vector<16xf32>, vector<16xi32> -> vector<16xf32>
        %parallel_loop3A_142 = vector.shape_cast %broadcast_in_dim3A_43 : vector<16xi32> to vector<16x1xi32>
        %parallel_loop3A_143 = vector.shape_cast %parallel_loop3A_142 : vector<16x1xi32> to vector<16xi32>
        %parallel_loop3A_144 = tpu.dynamic_gather %parallel_loop3A_124[%parallel_loop3A_143] in [0] : vector<16xf32>, vector<16xi32> -> vector<16xf32>
        %parallel_loop3A_145 = vector.shape_cast %broadcast_in_dim3A_43 : vector<16xi32> to vector<16x1xi32>
        %parallel_loop3A_146 = vector.shape_cast %parallel_loop3A_145 : vector<16x1xi32> to vector<16xi32>
        %parallel_loop3A_147 = tpu.dynamic_gather %parallel_loop3A_124[%parallel_loop3A_146] in [0] : vector<16xf32>, vector<16xi32> -> vector<16xf32>
        %parallel_loop3A_148 = vector.shape_cast %broadcast_in_dim3A_43 : vector<16xi32> to vector<16x1xi32>
        %parallel_loop3A_149 = vector.shape_cast %parallel_loop3A_148 : vector<16x1xi32> to vector<16xi32>
        %parallel_loop3A_150 = tpu.dynamic_gather %parallel_loop3A_124[%parallel_loop3A_149] in [0] : vector<16xf32>, vector<16xi32> -> vector<16xf32>
        %parallel_loop3A_151 = vector.shape_cast %broadcast_in_dim3A_43 : vector<16xi32> to vector<16x1xi32>
        %parallel_loop3A_152 = vector.shape_cast %parallel_loop3A_151 : vector<16x1xi32> to vector<16xi32>
        %parallel_loop3A_153 = tpu.dynamic_gather %parallel_loop3A_124[%parallel_loop3A_152] in [0] : vector<16xf32>, vector<16xi32> -> vector<16xf32>
        %parallel_loop3A_154 = arith.index_cast %parallel_loop3A_110 : i32 to index
        %parallel_loop3A_155 = arith.constant 0 : index
        %parallel_loop3A_156 = tpu.vector_load %arg16[%parallel_loop3A_154, %parallel_loop3A_155] {strides = array<i32>} : memref<88x128xf32, #tpu.memory_space<vmem>>, vector<1x16xf32>,
        %parallel_loop3A_157 = vector.shape_cast %parallel_loop3A_156 : vector<1x16xf32> to vector<16xf32>
        %parallel_loop3A_158 = arith.mulf %parallel_loop3A_157, %parallel_loop3A_132 : vector<16xf32>
        %parallel_loop3A_159 = arith.index_cast %parallel_loop3A_110 : i32 to index
        %parallel_loop3A_160 = arith.constant 0 : index
        %parallel_loop3A_161 = tpu.vector_load %arg16[%parallel_loop3A_159, %parallel_loop3A_160] {strides = array<i32>} : memref<88x128xf32, #tpu.memory_space<vmem>>, vector<1x16xf32>,
        %parallel_loop3A_162 = vector.shape_cast %parallel_loop3A_161 : vector<1x16xf32> to vector<16xf32>
        %parallel_loop3A_163 = vector.shape_cast %parallel_loop3A_158 : vector<16xf32> to vector<1x16xf32>
        tpu.vector_store %arg16[%parallel_loop3A_159, %parallel_loop3A_160], %parallel_loop3A_163 {strides = array<i32>} : memref<88x128xf32, #tpu.memory_space<vmem>>, vector<1x16xf32>,
        %parallel_loop3A_164 = arith.index_cast %parallel_loop3A_110 : i32 to index
        %parallel_loop3A_165 = arith.constant 16 : index
        %parallel_loop3A_166 = tpu.vector_load %arg16[%parallel_loop3A_164, %parallel_loop3A_165] {strides = array<i32>} : memref<88x128xf32, #tpu.memory_space<vmem>>, vector<1x16xf32>,
        %parallel_loop3A_167 = vector.shape_cast %parallel_loop3A_166 : vector<1x16xf32> to vector<16xf32>
        %parallel_loop3A_168 = arith.mulf %parallel_loop3A_167, %parallel_loop3A_135 : vector<16xf32>
        %parallel_loop3A_169 = arith.index_cast %parallel_loop3A_110 : i32 to index
        %parallel_loop3A_170 = arith.constant 16 : index
        %parallel_loop3A_171 = tpu.vector_load %arg16[%parallel_loop3A_169, %parallel_loop3A_170] {strides = array<i32>} : memref<88x128xf32, #tpu.memory_space<vmem>>, vector<1x16xf32>,
        %parallel_loop3A_172 = vector.shape_cast %parallel_loop3A_171 : vector<1x16xf32> to vector<16xf32>
        %parallel_loop3A_173 = vector.shape_cast %parallel_loop3A_168 : vector<16xf32> to vector<1x16xf32>
        tpu.vector_store %arg16[%parallel_loop3A_169, %parallel_loop3A_170], %parallel_loop3A_173 {strides = array<i32>} : memref<88x128xf32, #tpu.memory_space<vmem>>, vector<1x16xf32>,
        %parallel_loop3A_174 = arith.index_cast %parallel_loop3A_110 : i32 to index
        %parallel_loop3A_175 = arith.constant 32 : index
        %parallel_loop3A_176 = tpu.vector_load %arg16[%parallel_loop3A_174, %parallel_loop3A_175] {strides = array<i32>} : memref<88x128xf32, #tpu.memory_space<vmem>>, vector<1x16xf32>,
        %parallel_loop3A_177 = vector.shape_cast %parallel_loop3A_176 : vector<1x16xf32> to vector<16xf32>
        %parallel_loop3A_178 = arith.mulf %parallel_loop3A_177, %parallel_loop3A_138 : vector<16xf32>
        %parallel_loop3A_179 = arith.index_cast %parallel_loop3A_110 : i32 to index
        %parallel_loop3A_180 = arith.constant 32 : index
        %parallel_loop3A_181 = tpu.vector_load %arg16[%parallel_loop3A_179, %parallel_loop3A_180] {strides = array<i32>} : memref<88x128xf32, #tpu.memory_space<vmem>>, vector<1x16xf32>,
        %parallel_loop3A_182 = vector.shape_cast %parallel_loop3A_181 : vector<1x16xf32> to vector<16xf32>
        %parallel_loop3A_183 = vector.shape_cast %parallel_loop3A_178 : vector<16xf32> to vector<1x16xf32>
        tpu.vector_store %arg16[%parallel_loop3A_179, %parallel_loop3A_180], %parallel_loop3A_183 {strides = array<i32>} : memref<88x128xf32, #tpu.memory_space<vmem>>, vector<1x16xf32>,
        %parallel_loop3A_184 = arith.index_cast %parallel_loop3A_110 : i32 to index
        %parallel_loop3A_185 = arith.constant 48 : index
        %parallel_loop3A_186 = tpu.vector_load %arg16[%parallel_loop3A_184, %parallel_loop3A_185] {strides = array<i32>} : memref<88x128xf32, #tpu.memory_space<vmem>>, vector<1x16xf32>,
        %parallel_loop3A_187 = vector.shape_cast %parallel_loop3A_186 : vector<1x16xf32> to vector<16xf32>
        %parallel_loop3A_188 = arith.mulf %parallel_loop3A_187, %parallel_loop3A_141 : vector<16xf32>
        %parallel_loop3A_189 = arith.index_cast %parallel_loop3A_110 : i32 to index
        %parallel_loop3A_190 = arith.constant 48 : index
        %parallel_loop3A_191 = tpu.vector_load %arg16[%parallel_loop3A_189, %parallel_loop3A_190] {strides = array<i32>} : memref<88x128xf32, #tpu.memory_space<vmem>>, vector<1x16xf32>,
        %parallel_loop3A_192 = vector.shape_cast %parallel_loop3A_191 : vector<1x16xf32> to vector<16xf32>
        %parallel_loop3A_193 = vector.shape_cast %parallel_loop3A_188 : vector<16xf32> to vector<1x16xf32>
        tpu.vector_store %arg16[%parallel_loop3A_189, %parallel_loop3A_190], %parallel_loop3A_193 {strides = array<i32>} : memref<88x128xf32, #tpu.memory_space<vmem>>, vector<1x16xf32>,
        %parallel_loop3A_194 = arith.index_cast %parallel_loop3A_110 : i32 to index
        %parallel_loop3A_195 = arith.constant 64 : index
        %parallel_loop3A_196 = tpu.vector_load %arg16[%parallel_loop3A_194, %parallel_loop3A_195] {strides = array<i32>} : memref<88x128xf32, #tpu.memory_space<vmem>>, vector<1x16xf32>,
        %parallel_loop3A_197 = vector.shape_cast %parallel_loop3A_196 : vector<1x16xf32> to vector<16xf32>
        %parallel_loop3A_198 = arith.mulf %parallel_loop3A_197, %parallel_loop3A_144 : vector<16xf32>
        %parallel_loop3A_199 = arith.index_cast %parallel_loop3A_110 : i32 to index
        %parallel_loop3A_200 = arith.constant 64 : index
        %parallel_loop3A_201 = tpu.vector_load %arg16[%parallel_loop3A_199, %parallel_loop3A_200] {strides = array<i32>} : memref<88x128xf32, #tpu.memory_space<vmem>>, vector<1x16xf32>,
        %parallel_loop3A_202 = vector.shape_cast %parallel_loop3A_201 : vector<1x16xf32> to vector<16xf32>
        %parallel_loop3A_203 = vector.shape_cast %parallel_loop3A_198 : vector<16xf32> to vector<1x16xf32>
        tpu.vector_store %arg16[%parallel_loop3A_199, %parallel_loop3A_200], %parallel_loop3A_203 {strides = array<i32>} : memref<88x128xf32, #tpu.memory_space<vmem>>, vector<1x16xf32>,
        %parallel_loop3A_204 = arith.index_cast %parallel_loop3A_110 : i32 to index
        %parallel_loop3A_205 = arith.constant 80 : index
        %parallel_loop3A_206 = tpu.vector_load %arg16[%parallel_loop3A_204, %parallel_loop3A_205] {strides = array<i32>} : memref<88x128xf32, #tpu.memory_space<vmem>>, vector<1x16xf32>,
        %parallel_loop3A_207 = vector.shape_cast %parallel_loop3A_206 : vector<1x16xf32> to vector<16xf32>
        %parallel_loop3A_208 = arith.mulf %parallel_loop3A_207, %parallel_loop3A_147 : vector<16xf32>
        %parallel_loop3A_209 = arith.index_cast %parallel_loop3A_110 : i32 to index
        %parallel_loop3A_210 = arith.constant 80 : index
        %parallel_loop3A_211 = tpu.vector_load %arg16[%parallel_loop3A_209, %parallel_loop3A_210] {strides = array<i32>} : memref<88x128xf32, #tpu.memory_space<vmem>>, vector<1x16xf32>,
        %parallel_loop3A_212 = vector.shape_cast %parallel_loop3A_211 : vector<1x16xf32> to vector<16xf32>
        %parallel_loop3A_213 = vector.shape_cast %parallel_loop3A_208 : vector<16xf32> to vector<1x16xf32>
        tpu.vector_store %arg16[%parallel_loop3A_209, %parallel_loop3A_210], %parallel_loop3A_213 {strides = array<i32>} : memref<88x128xf32, #tpu.memory_space<vmem>>, vector<1x16xf32>,
        %parallel_loop3A_214 = arith.index_cast %parallel_loop3A_110 : i32 to index
        %parallel_loop3A_215 = arith.constant 96 : index
        %parallel_loop3A_216 = tpu.vector_load %arg16[%parallel_loop3A_214, %parallel_loop3A_215] {strides = array<i32>} : memref<88x128xf32, #tpu.memory_space<vmem>>, vector<1x16xf32>,
        %parallel_loop3A_217 = vector.shape_cast %parallel_loop3A_216 : vector<1x16xf32> to vector<16xf32>
        %parallel_loop3A_218 = arith.mulf %parallel_loop3A_217, %parallel_loop3A_150 : vector<16xf32>
        %parallel_loop3A_219 = arith.index_cast %parallel_loop3A_110 : i32 to index
        %parallel_loop3A_220 = arith.constant 96 : index
        %parallel_loop3A_221 = tpu.vector_load %arg16[%parallel_loop3A_219, %parallel_loop3A_220] {strides = array<i32>} : memref<88x128xf32, #tpu.memory_space<vmem>>, vector<1x16xf32>,
        %parallel_loop3A_222 = vector.shape_cast %parallel_loop3A_221 : vector<1x16xf32> to vector<16xf32>
        %parallel_loop3A_223 = vector.shape_cast %parallel_loop3A_218 : vector<16xf32> to vector<1x16xf32>
        tpu.vector_store %arg16[%parallel_loop3A_219, %parallel_loop3A_220], %parallel_loop3A_223 {strides = array<i32>} : memref<88x128xf32, #tpu.memory_space<vmem>>, vector<1x16xf32>,
        %parallel_loop3A_224 = arith.index_cast %parallel_loop3A_110 : i32 to index
        %parallel_loop3A_225 = arith.constant 112 : index
        %parallel_loop3A_226 = tpu.vector_load %arg16[%parallel_loop3A_224, %parallel_loop3A_225] {strides = array<i32>} : memref<88x128xf32, #tpu.memory_space<vmem>>, vector<1x16xf32>,
        %parallel_loop3A_227 = vector.shape_cast %parallel_loop3A_226 : vector<1x16xf32> to vector<16xf32>
        %parallel_loop3A_228 = arith.mulf %parallel_loop3A_227, %parallel_loop3A_153 : vector<16xf32>
        %parallel_loop3A_229 = arith.index_cast %parallel_loop3A_110 : i32 to index
        %parallel_loop3A_230 = arith.constant 112 : index
        %parallel_loop3A_231 = tpu.vector_load %arg16[%parallel_loop3A_229, %parallel_loop3A_230] {strides = array<i32>} : memref<88x128xf32, #tpu.memory_space<vmem>>, vector<1x16xf32>,
        %parallel_loop3A_232 = vector.shape_cast %parallel_loop3A_231 : vector<1x16xf32> to vector<16xf32>
        %parallel_loop3A_233 = vector.shape_cast %parallel_loop3A_228 : vector<16xf32> to vector<1x16xf32>
        tpu.vector_store %arg16[%parallel_loop3A_229, %parallel_loop3A_230], %parallel_loop3A_233 {strides = array<i32>} : memref<88x128xf32, #tpu.memory_space<vmem>>, vector<1x16xf32>,
      } {sc.loop_unroll_factor = 4 : i64, sc.parallel_access}
      "tpu.region"() ({
        %run_scoped3A = tpu.sem_alloc : memref<!tpu.dma_semaphore, #tpu.memory_space<semaphore_mem>>
        %dma_start3A_110 = arith.constant 0 : i32
        %dma_start3A_111 = arith.constant 0 : i32
        %dma_start3A_112 = tpu.memref_slice %arg10[%dma_start3A_110, %dma_start3A_111] : memref<10240x16xf32, #tpu.memory_space<vmem_shared>> -> memref<10240x16xf32, #tpu.memory_space<vmem_shared>>
        tpu.enqueue_indirect_dma source(%arg21 : memref<88x16xf32, #tpu.memory_space<vmem>>) target(%dma_start3A_112 : memref<10240x16xf32, #tpu.memory_space<vmem_shared>>) offsets(%arg14 : memref<88xi32, #tpu.memory_space<vmem>>) semaphore(%run_scoped3A : memref<!tpu.dma_semaphore, #tpu.memory_space<semaphore_mem>>) {add = true}
        %dma_wait3A_113 = arith.constant 0 : i32
        %dma_wait3A_114 = arith.constant 0 : i32
        %dma_wait3A_115 = tpu.memref_slice %arg10[%dma_wait3A_113, %dma_wait3A_114] : memref<10240x16xf32, #tpu.memory_space<vmem_shared>> -> memref<10240x16xf32, #tpu.memory_space<vmem_shared>>
        tpu.wait_indirect_dma semaphore(%run_scoped3A : memref<!tpu.dma_semaphore, #tpu.memory_space<semaphore_mem>>) src(%arg21 : memref<88x16xf32, #tpu.memory_space<vmem>>) dst(%dma_wait3A_115 : memref<10240x16xf32, #tpu.memory_space<vmem_shared>>)
        tpu.yield
      }) : () -> ()
      "tpu.region"() ({
        %run_scoped3A = tpu.sem_alloc : memref<!tpu.dma_semaphore, #tpu.memory_space<semaphore_mem>>
        %dma_start3A_110 = arith.constant 0 : i32
        %dma_start3A_111 = arith.constant 0 : i32
        %dma_start3A_112 = tpu.memref_slice %arg9[%dma_start3A_110, %dma_start3A_111] : memref<10240x128xf32, #tpu.memory_space<vmem_shared>> -> memref<10240x128xf32, #tpu.memory_space<vmem_shared>>
        tpu.enqueue_indirect_dma source(%arg16 : memref<88x128xf32, #tpu.memory_space<vmem>>) target(%dma_start3A_112 : memref<10240x128xf32, #tpu.memory_space<vmem_shared>>) offsets(%arg14 : memref<88xi32, #tpu.memory_space<vmem>>) semaphore(%run_scoped3A : memref<!tpu.dma_semaphore, #tpu.memory_space<semaphore_mem>>) {add = true}
        %dma_wait3A_113 = arith.constant 0 : i32
        %dma_wait3A_114 = arith.constant 0 : i32
        %dma_wait3A_115 = tpu.memref_slice %arg9[%dma_wait3A_113, %dma_wait3A_114] : memref<10240x128xf32, #tpu.memory_space<vmem_shared>> -> memref<10240x128xf32, #tpu.memory_space<vmem_shared>>
        tpu.wait_indirect_dma semaphore(%run_scoped3A : memref<!tpu.dma_semaphore, #tpu.memory_space<semaphore_mem>>) src(%arg16 : memref<88x128xf32, #tpu.memory_space<vmem>>) dst(%dma_wait3A_115 : memref<10240x128xf32, #tpu.memory_space<vmem_shared>>)
        tpu.yield
      }) : () -> ()
      %scan3A_109 = arith.constant 0 : i32
      scf.yield %scan3A_109 : i32
    }
    %scan3A_63 = arith.constant 59 : i32
    %barrier3A_64 = arith.constant 0 : index
    tpu.barrier barrier_id(%barrier3A_64)
    "tpu.region"() ({
      %run_scoped3A = tpu.sem_alloc : memref<!tpu.dma_semaphore, #tpu.memory_space<semaphore_mem>>
      %dma_start3A_65 = arith.constant 0 : i32
      %dma_start3A_66 = tpu.memref_slice %arg7[%arg0, %mul3A_2, %dma_start3A_65] : memref<2x10240x128xf32, #tpu.memory_space<hbm>> -> memref<1x640x128xf32, #tpu.memory_space<hbm>>
      %dma_start3A_67 = tpu.memref_squeeze %dma_start3A_66 : memref<1x640x128xf32, #tpu.memory_space<hbm>> -> memref<640x128xf32, #tpu.memory_space<hbm>>
      %dma_start3A_68 = arith.constant 0 : i32
      %dma_start3A_69 = tpu.memref_slice %arg9[%mul3A_2, %dma_start3A_68] : memref<10240x128xf32, #tpu.memory_space<vmem_shared>> -> memref<640x128xf32, #tpu.memory_space<vmem_shared>>
      tpu.enqueue_dma source(%dma_start3A_69 : memref<640x128xf32, #tpu.memory_space<vmem_shared>>) target(%dma_start3A_67 : memref<640x128xf32, #tpu.memory_space<hbm>>) target_semaphore(%run_scoped3A : memref<!tpu.dma_semaphore, #tpu.memory_space<semaphore_mem>>)
      %dma_wait3A = arith.constant 0 : i32
      %dma_wait3A_70 = tpu.memref_slice %arg7[%arg0, %mul3A_2, %dma_wait3A] : memref<2x10240x128xf32, #tpu.memory_space<hbm>> -> memref<1x640x128xf32, #tpu.memory_space<hbm>>
      %dma_wait3A_71 = tpu.memref_squeeze %dma_wait3A_70 : memref<1x640x128xf32, #tpu.memory_space<hbm>> -> memref<640x128xf32, #tpu.memory_space<hbm>>
      %dma_wait3A_72 = arith.constant 0 : i32
      %dma_wait3A_73 = tpu.memref_slice %arg9[%mul3A_2, %dma_wait3A_72] : memref<10240x128xf32, #tpu.memory_space<vmem_shared>> -> memref<640x128xf32, #tpu.memory_space<vmem_shared>>
      tpu.wait_dma2 semaphore(%run_scoped3A : memref<!tpu.dma_semaphore, #tpu.memory_space<semaphore_mem>>) src(%dma_wait3A_73 : memref<640x128xf32, #tpu.memory_space<vmem_shared>>) dst(%dma_wait3A_71 : memref<640x128xf32, #tpu.memory_space<hbm>>)
      tpu.yield
    }) : () -> ()
    "tpu.region"() ({
      %run_scoped3A = tpu.sem_alloc : memref<!tpu.dma_semaphore, #tpu.memory_space<semaphore_mem>>
      %dma_start3A_65 = arith.constant 0 : i32
      %dma_start3A_66 = tpu.memref_slice %arg8[%arg0, %mul3A_2, %dma_start3A_65] : memref<2x10240x16xf32, #tpu.memory_space<hbm>> -> memref<1x640x16xf32, #tpu.memory_space<hbm>>
      %dma_start3A_67 = tpu.memref_squeeze %dma_start3A_66 : memref<1x640x16xf32, #tpu.memory_space<hbm>> -> memref<640x16xf32, #tpu.memory_space<hbm>>
      %dma_start3A_68 = arith.constant 0 : i32
      %dma_start3A_69 = tpu.memref_slice %arg10[%mul3A_2, %dma_start3A_68] : memref<10240x16xf32, #tpu.memory_space<vmem_shared>> -> memref<640x16xf32, #tpu.memory_space<vmem_shared>>
      tpu.enqueue_dma source(%dma_start3A_69 : memref<640x16xf32, #tpu.memory_space<vmem_shared>>) target(%dma_start3A_67 : memref<640x16xf32, #tpu.memory_space<hbm>>) target_semaphore(%run_scoped3A : memref<!tpu.dma_semaphore, #tpu.memory_space<semaphore_mem>>)
      %dma_wait3A = arith.constant 0 : i32
      %dma_wait3A_70 = tpu.memref_slice %arg8[%arg0, %mul3A_2, %dma_wait3A] : memref<2x10240x16xf32, #tpu.memory_space<hbm>> -> memref<1x640x16xf32, #tpu.memory_space<hbm>>
      %dma_wait3A_71 = tpu.memref_squeeze %dma_wait3A_70 : memref<1x640x16xf32, #tpu.memory_space<hbm>> -> memref<640x16xf32, #tpu.memory_space<hbm>>
      %dma_wait3A_72 = arith.constant 0 : i32
      %dma_wait3A_73 = tpu.memref_slice %arg10[%mul3A_2, %dma_wait3A_72] : memref<10240x16xf32, #tpu.memory_space<vmem_shared>> -> memref<640x16xf32, #tpu.memory_space<vmem_shared>>
      tpu.wait_dma2 semaphore(%run_scoped3A : memref<!tpu.dma_semaphore, #tpu.memory_space<semaphore_mem>>) src(%dma_wait3A_73 : memref<640x16xf32, #tpu.memory_space<vmem_shared>>) dst(%dma_wait3A_71 : memref<640x16xf32, #tpu.memory_space<hbm>>)
      tpu.yield
    }) : () -> ()
    return
  }
}

module attributes {stable_mosaic.version = 14 : i64} {
  func.func @body(%arg0: i32, %arg1: memref<1024x128xf32, #tpu.memory_space<vmem>>, %arg2: memref<128x64xf32, #tpu.memory_space<vmem>>, %arg3: memref<8x8xf32, #tpu.memory_space<vmem>>, %arg4: memref<8x8xf32, #tpu.memory_space<vmem>>, %arg5: memref<1024x64xf32, #tpu.memory_space<vmem>>, %arg6: memref<1024x16xf32, #tpu.memory_space<vmem>>, %arg7: memref<1024x16xf32, #tpu.memory_space<vmem>>) attributes {dimension_semantics = [#tpu.dimension_semantics<arbitrary>], iteration_bounds = array<i64: 10>, scalar_prefetch = 0 : i64, scratch_operands = 0 : i64, tpu.core_type = #tpu.core_type<tc>, window_params = [{transform_indices = @transform_0, window_bounds = array<i64: 1024, 128>}, {pipeline_mode = #tpu.pipeline_mode<synchronous>, transform_indices = @transform_1, window_bounds = array<i64: 128, 64>}, {pipeline_mode = #tpu.pipeline_mode<synchronous>, transform_indices = @transform_2, window_bounds = array<i64: 8, 8>}, {pipeline_mode = #tpu.pipeline_mode<synchronous>, transform_indices = @transform_3, window_bounds = array<i64: 8, 8>}, {transform_indices = @transform_4, window_bounds = array<i64: 1024, 64>}, {transform_indices = @transform_5, window_bounds = array<i64: 1024, 16>}, {transform_indices = @transform_6, window_bounds = array<i64: 1024, 16>}]} {
    %get3A = arith.constant 0 : index
    %get3A_0 = arith.constant 0 : index
    %get3A_1 = vector.load %arg1[%get3A, %get3A_0] : memref<1024x128xf32, #tpu.memory_space<vmem>>, vector<1024x128xf32>
    %get3A_2 = arith.constant 0 : index
    %get3A_3 = arith.constant 0 : index
    %get3A_4 = vector.load %arg2[%get3A_2, %get3A_3] : memref<128x64xf32, #tpu.memory_space<vmem>>, vector<128x64xf32>
    %dot_general3A = arith.constant dense<0.000000e+00> : vector<1024x64xf32>
    %dot_general3A_5 = tpu.matmul %get3A_1, %get3A_4, %dot_general3A {dimension_numbers = #tpu.dot_dimension_numbers<[1], [0], [0], [1], [0, 0, 1, 1], [], []>, transpose_lhs_hint = false} : vector<1024x128xf32>, vector<128x64xf32>, vector<1024x64xf32> -> vector<1024x64xf32>
    %swap3A = arith.constant 0 : index
    %swap3A_6 = arith.constant 0 : index
    %swap3A_7 = vector.load %arg5[%swap3A, %swap3A_6] : memref<1024x64xf32, #tpu.memory_space<vmem>>, vector<1024x64xf32>
    tpu.vector_store %arg5[%swap3A, %swap3A_6], %dot_general3A_5 {strides = array<i32>} : memref<1024x64xf32, #tpu.memory_space<vmem>>, vector<1024x64xf32>,
    %reshape3A = vector.shape_cast %dot_general3A_5 : vector<1024x64xf32> to vector<1024x8x8xf32>
    %get3A_8 = arith.constant 0 : index
    %get3A_9 = arith.constant 0 : index
    %get3A_10 = vector.load %arg3[%get3A_8, %get3A_9] : memref<8x8xf32, #tpu.memory_space<vmem>>, vector<8x8xf32>
    %broadcast_in_dim3A = vector.shape_cast %get3A_10 : vector<8x8xf32> to vector<1x8x8xf32>
    %mul3A = vector.broadcast %broadcast_in_dim3A : vector<1x8x8xf32> to vector<1024x8x8xf32>
    %mul3A_11 = arith.mulf %reshape3A, %mul3A : vector<1024x8x8xf32>
    %reduce_sum3A = arith.constant dense<0.000000e+00> : vector<1024x8xf32>
    %reduce_sum3A_12 = vector.multi_reduction <add>, %mul3A_11, %reduce_sum3A [2] : vector<1024x8x8xf32> to vector<1024x8xf32>
    %get3A_13 = arith.constant 0 : index
    %get3A_14 = arith.constant 0 : index
    %get3A_15 = vector.load %arg4[%get3A_13, %get3A_14] : memref<8x8xf32, #tpu.memory_space<vmem>>, vector<8x8xf32>
    %broadcast_in_dim3A_16 = vector.shape_cast %get3A_15 : vector<8x8xf32> to vector<1x8x8xf32>
    %mul3A_17 = vector.broadcast %broadcast_in_dim3A_16 : vector<1x8x8xf32> to vector<1024x8x8xf32>
    %mul3A_18 = arith.mulf %reshape3A, %mul3A_17 : vector<1024x8x8xf32>
    %reduce_sum3A_19 = arith.constant dense<0.000000e+00> : vector<1024x8xf32>
    %reduce_sum3A_20 = vector.multi_reduction <add>, %mul3A_18, %reduce_sum3A_19 [2] : vector<1024x8x8xf32> to vector<1024x8xf32>
    %broadcast_in_dim3A_21 = arith.constant 0.000000e+00 : f32
    %broadcast_in_dim3A_22 = vector.broadcast %broadcast_in_dim3A_21 : f32 to vector<1024x8xf32>
    %concatenate3A = tpu.concatenate %reduce_sum3A_12, %broadcast_in_dim3A_22 in 1 : vector<1024x8xf32>, vector<1024x8xf32> -> vector<1024x16xf32>
    %swap3A_23 = arith.constant 0 : index
    %swap3A_24 = arith.constant 0 : index
    %swap3A_25 = vector.load %arg6[%swap3A_23, %swap3A_24] : memref<1024x16xf32, #tpu.memory_space<vmem>>, vector<1024x16xf32>
    tpu.vector_store %arg6[%swap3A_23, %swap3A_24], %concatenate3A {strides = array<i32>} : memref<1024x16xf32, #tpu.memory_space<vmem>>, vector<1024x16xf32>,
    %concatenate3A_26 = tpu.concatenate %reduce_sum3A_20, %broadcast_in_dim3A_22 in 1 : vector<1024x8xf32>, vector<1024x8xf32> -> vector<1024x16xf32>
    %swap3A_27 = arith.constant 0 : index
    %swap3A_28 = arith.constant 0 : index
    %swap3A_29 = vector.load %arg7[%swap3A_27, %swap3A_28] : memref<1024x16xf32, #tpu.memory_space<vmem>>, vector<1024x16xf32>
    tpu.vector_store %arg7[%swap3A_27, %swap3A_28], %concatenate3A_26 {strides = array<i32>} : memref<1024x16xf32, #tpu.memory_space<vmem>>, vector<1024x16xf32>,
    return
  }
  func.func @transform_0(%arg0: i32) -> (i32, i32) {
    %c0_i32 = arith.constant 0 : i32
    %c0_i32_0 = arith.constant 0 : i32
    return %arg0, %c0_i32 : i32, i32
  }
  func.func @transform_1(%arg0: i32) -> (i32, i32) {
    %c0_i32 = arith.constant 0 : i32
    %c0_i32_0 = arith.constant 0 : i32
    %c0_i32_1 = arith.constant 0 : i32
    return %c0_i32, %c0_i32_0 : i32, i32
  }
  func.func @transform_2(%arg0: i32) -> (i32, i32) {
    %c0_i32 = arith.constant 0 : i32
    %c0_i32_0 = arith.constant 0 : i32
    %c0_i32_1 = arith.constant 0 : i32
    return %c0_i32, %c0_i32_0 : i32, i32
  }
  func.func @transform_3(%arg0: i32) -> (i32, i32) {
    %c0_i32 = arith.constant 0 : i32
    %c0_i32_0 = arith.constant 0 : i32
    %c0_i32_1 = arith.constant 0 : i32
    return %c0_i32, %c0_i32_0 : i32, i32
  }
  func.func @transform_4(%arg0: i32) -> (i32, i32) {
    %c0_i32 = arith.constant 0 : i32
    %c0_i32_0 = arith.constant 0 : i32
    return %arg0, %c0_i32 : i32, i32
  }
  func.func @transform_5(%arg0: i32) -> (i32, i32) {
    %c0_i32 = arith.constant 0 : i32
    %c0_i32_0 = arith.constant 0 : i32
    return %arg0, %c0_i32 : i32, i32
  }
  func.func @transform_6(%arg0: i32) -> (i32, i32) {
    %c0_i32 = arith.constant 0 : i32
    %c0_i32_0 = arith.constant 0 : i32
    return %arg0, %c0_i32 : i32, i32
  }
}

module attributes {stable_mosaic.version = 14 : i64} {
  func.func @body(%arg0: i32, %arg1: memref<2x1024x64xf32, #tpu.memory_space<vmem>>, %arg2: memref<2x1024x16xf32, #tpu.memory_space<vmem>>, %arg3: memref<1x64xf32, #tpu.memory_space<vmem>>, %arg4: memref<64x128xf32, #tpu.memory_space<vmem>>, %arg5: memref<1x128xf32, #tpu.memory_space<vmem>>, %arg6: memref<1x128xf32, #tpu.memory_space<vmem>>, %arg7: memref<1024x128xf32, #tpu.memory_space<vmem>>, %arg8: memref<1024x16xf32, #tpu.memory_space<vmem>>, %arg9: memref<1024x16xf32, #tpu.memory_space<vmem>>) attributes {dimension_semantics = [#tpu.dimension_semantics<arbitrary>], iteration_bounds = array<i64: 10>, scalar_prefetch = 0 : i64, scratch_operands = 0 : i64, tpu.core_type = #tpu.core_type<tc>, window_params = [{transform_indices = @transform_0, window_bounds = array<i64: 2, 1024, 64>}, {transform_indices = @transform_1, window_bounds = array<i64: 2, 1024, 16>}, {pipeline_mode = #tpu.pipeline_mode<synchronous>, transform_indices = @transform_2, window_bounds = array<i64: 1, 64>}, {pipeline_mode = #tpu.pipeline_mode<synchronous>, transform_indices = @transform_3, window_bounds = array<i64: 64, 128>}, {pipeline_mode = #tpu.pipeline_mode<synchronous>, transform_indices = @transform_4, window_bounds = array<i64: 1, 128>}, {pipeline_mode = #tpu.pipeline_mode<synchronous>, transform_indices = @transform_5, window_bounds = array<i64: 1, 128>}, {transform_indices = @transform_6, window_bounds = array<i64: 1024, 128>}, {transform_indices = @transform_7, window_bounds = array<i64: 1024, 16>}, {transform_indices = @transform_8, window_bounds = array<i64: 1024, 16>}]} {
    %get3A = arith.constant 0 : index
    %get3A_0 = arith.constant 0 : index
    %get3A_1 = arith.constant 0 : index
    %get3A_2 = vector.load %arg1[%get3A, %get3A_0, %get3A_1] : memref<2x1024x64xf32, #tpu.memory_space<vmem>>, vector<1x1024x64xf32>
    %get3A_3 = vector.shape_cast %get3A_2 : vector<1x1024x64xf32> to vector<1024x64xf32>
    %get3A_4 = arith.constant 1 : index
    %get3A_5 = arith.constant 0 : index
    %get3A_6 = arith.constant 0 : index
    %get3A_7 = vector.load %arg1[%get3A_4, %get3A_5, %get3A_6] : memref<2x1024x64xf32, #tpu.memory_space<vmem>>, vector<1x1024x64xf32>
    %get3A_8 = vector.shape_cast %get3A_7 : vector<1x1024x64xf32> to vector<1024x64xf32>
    %add3A = arith.addf %get3A_3, %get3A_8 : vector<1024x64xf32>
    %get3A_9 = arith.constant 0 : index
    %get3A_10 = arith.constant 0 : index
    %get3A_11 = arith.constant 0 : index
    %get3A_12 = vector.load %arg2[%get3A_9, %get3A_10, %get3A_11] : memref<2x1024x16xf32, #tpu.memory_space<vmem>>, vector<1x1024x16xf32>
    %get3A_13 = vector.shape_cast %get3A_12 : vector<1x1024x16xf32> to vector<1024x16xf32>
    %get3A_14 = arith.constant 1 : index
    %get3A_15 = arith.constant 0 : index
    %get3A_16 = arith.constant 0 : index
    %get3A_17 = vector.load %arg2[%get3A_14, %get3A_15, %get3A_16] : memref<2x1024x16xf32, #tpu.memory_space<vmem>>, vector<1x1024x16xf32>
    %get3A_18 = vector.shape_cast %get3A_17 : vector<1x1024x16xf32> to vector<1024x16xf32>
    %add3A_19 = arith.addf %get3A_13, %get3A_18 : vector<1024x16xf32>
    %slice3A = vector.extract_strided_slice %add3A_19 {offsets = [0, 0], sizes = [1024, 8], strides = [1, 1]} : vector<1024x16xf32> to vector<1024x8xf32>
    %eq3A = arith.constant 0.000000e+00 : f32
    %eq3A_20 = vector.broadcast %eq3A : f32 to vector<1024x8xf32>
    %eq3A_21 = arith.cmpf oeq, %slice3A, %eq3A_20 : vector<1024x8xf32>
    %jit3A = arith.constant 1.000000e+00 : f32
    %broadcast_in_dim3A = vector.broadcast %jit3A : f32 to vector<1024x8xf32>
    %select_n3A = arith.select %eq3A_21, %broadcast_in_dim3A, %slice3A : vector<1024x8xi1>, vector<1024x8xf32>
    %broadcast_in_dim3A_22 = vector.shape_cast %select_n3A : vector<1024x8xf32> to vector<1024x8x1xf32>
    %broadcast_in_dim3A_23 = vector.shape_cast %broadcast_in_dim3A_22 : vector<1024x8x1xf32> to vector<1024x8x1xf32>
    %broadcast_in_dim3A_24 = vector.broadcast %broadcast_in_dim3A_23 : vector<1024x8x1xf32> to vector<1024x8x8xf32>
    %reshape3A = vector.shape_cast %broadcast_in_dim3A_24 : vector<1024x8x8xf32> to vector<1024x64xf32>
    %div3A = arith.divf %add3A, %reshape3A : vector<1024x64xf32>
    %get3A_25 = arith.constant 0 : index
    %get3A_26 = arith.constant 0 : index
    %get3A_27 = vector.load %arg3[%get3A_25, %get3A_26] : memref<1x64xf32, #tpu.memory_space<vmem>>, vector<1x64xf32>
    %add3A_28 = vector.broadcast %get3A_27 : vector<1x64xf32> to vector<1024x64xf32>
    %add3A_29 = arith.addf %div3A, %add3A_28 : vector<1024x64xf32>
    %gt3A = arith.constant 0.000000e+00 : f32
    %gt3A_30 = vector.broadcast %gt3A : f32 to vector<1024x64xf32>
    %gt3A_31 = arith.cmpf ogt, %add3A_29, %gt3A_30 : vector<1024x64xf32>
    %min3A = arith.constant 0.000000e+00 : f32
    %min3A_32 = vector.broadcast %min3A : f32 to vector<1024x64xf32>
    %min3A_33 = arith.minimumf %add3A_29, %min3A_32 : vector<1024x64xf32>
    %exp3A = math.exp %min3A_33 : vector<1024x64xf32>
    %sub3A = arith.constant 1.000000e+00 : f32
    %sub3A_34 = vector.broadcast %sub3A : f32 to vector<1024x64xf32>
    %sub3A_35 = arith.subf %exp3A, %sub3A_34 : vector<1024x64xf32>
    %select_n3A_36 = arith.select %gt3A_31, %add3A_29, %sub3A_35 : vector<1024x64xi1>, vector<1024x64xf32>
    %get3A_37 = arith.constant 0 : index
    %get3A_38 = arith.constant 0 : index
    %get3A_39 = vector.load %arg4[%get3A_37, %get3A_38] : memref<64x128xf32, #tpu.memory_space<vmem>>, vector<64x128xf32>
    %dot_general3A = arith.constant dense<0.000000e+00> : vector<1024x128xf32>
    %dot_general3A_40 = tpu.matmul %select_n3A_36, %get3A_39, %dot_general3A {dimension_numbers = #tpu.dot_dimension_numbers<[1], [0], [0], [1], [0, 0, 1, 1], [], []>, transpose_lhs_hint = false} : vector<1024x64xf32>, vector<64x128xf32>, vector<1024x128xf32> -> vector<1024x128xf32>
    %swap3A = arith.constant 0 : index
    %swap3A_41 = arith.constant 0 : index
    %swap3A_42 = vector.load %arg7[%swap3A, %swap3A_41] : memref<1024x128xf32, #tpu.memory_space<vmem>>, vector<1024x128xf32>
    tpu.vector_store %arg7[%swap3A, %swap3A_41], %dot_general3A_40 {strides = array<i32>} : memref<1024x128xf32, #tpu.memory_space<vmem>>, vector<1024x128xf32>,
    %get3A_43 = arith.constant 0 : index
    %get3A_44 = arith.constant 0 : index
    %get3A_45 = vector.load %arg5[%get3A_43, %get3A_44] : memref<1x128xf32, #tpu.memory_space<vmem>>, vector<1x128xf32>
    %mul3A = vector.broadcast %get3A_45 : vector<1x128xf32> to vector<1024x128xf32>
    %mul3A_46 = arith.mulf %dot_general3A_40, %mul3A : vector<1024x128xf32>
    %reduce_sum3A = arith.constant dense<0.000000e+00> : vector<1024xf32>
    %reduce_sum3A_47 = vector.multi_reduction <add>, %mul3A_46, %reduce_sum3A [1] : vector<1024x128xf32> to vector<1024xf32>
    %broadcast_in_dim3A_48 = vector.shape_cast %reduce_sum3A_47 : vector<1024xf32> to vector<1024x1xf32>
    %get3A_49 = arith.constant 0 : index
    %get3A_50 = arith.constant 0 : index
    %get3A_51 = vector.load %arg6[%get3A_49, %get3A_50] : memref<1x128xf32, #tpu.memory_space<vmem>>, vector<1x128xf32>
    %mul3A_52 = vector.broadcast %get3A_51 : vector<1x128xf32> to vector<1024x128xf32>
    %mul3A_53 = arith.mulf %dot_general3A_40, %mul3A_52 : vector<1024x128xf32>
    %reduce_sum3A_54 = arith.constant dense<0.000000e+00> : vector<1024xf32>
    %reduce_sum3A_55 = vector.multi_reduction <add>, %mul3A_53, %reduce_sum3A_54 [1] : vector<1024x128xf32> to vector<1024xf32>
    %broadcast_in_dim3A_56 = vector.shape_cast %reduce_sum3A_55 : vector<1024xf32> to vector<1024x1xf32>
    %broadcast_in_dim3A_57 = arith.constant 0.000000e+00 : f32
    %broadcast_in_dim3A_58 = vector.broadcast %broadcast_in_dim3A_57 : f32 to vector<1024x15xf32>
    %concatenate3A = tpu.concatenate %broadcast_in_dim3A_48, %broadcast_in_dim3A_58 in 1 : vector<1024x1xf32>, vector<1024x15xf32> -> vector<1024x16xf32>
    %swap3A_59 = arith.constant 0 : index
    %swap3A_60 = arith.constant 0 : index
    %swap3A_61 = vector.load %arg8[%swap3A_59, %swap3A_60] : memref<1024x16xf32, #tpu.memory_space<vmem>>, vector<1024x16xf32>
    tpu.vector_store %arg8[%swap3A_59, %swap3A_60], %concatenate3A {strides = array<i32>} : memref<1024x16xf32, #tpu.memory_space<vmem>>, vector<1024x16xf32>,
    %concatenate3A_62 = tpu.concatenate %broadcast_in_dim3A_56, %broadcast_in_dim3A_58 in 1 : vector<1024x1xf32>, vector<1024x15xf32> -> vector<1024x16xf32>
    %swap3A_63 = arith.constant 0 : index
    %swap3A_64 = arith.constant 0 : index
    %swap3A_65 = vector.load %arg9[%swap3A_63, %swap3A_64] : memref<1024x16xf32, #tpu.memory_space<vmem>>, vector<1024x16xf32>
    tpu.vector_store %arg9[%swap3A_63, %swap3A_64], %concatenate3A_62 {strides = array<i32>} : memref<1024x16xf32, #tpu.memory_space<vmem>>, vector<1024x16xf32>,
    return
  }
  func.func @transform_0(%arg0: i32) -> (i32, i32, i32) {
    %c0_i32 = arith.constant 0 : i32
    %c0_i32_0 = arith.constant 0 : i32
    %c0_i32_1 = arith.constant 0 : i32
    return %c0_i32, %arg0, %c0_i32_0 : i32, i32, i32
  }
  func.func @transform_1(%arg0: i32) -> (i32, i32, i32) {
    %c0_i32 = arith.constant 0 : i32
    %c0_i32_0 = arith.constant 0 : i32
    %c0_i32_1 = arith.constant 0 : i32
    return %c0_i32, %arg0, %c0_i32_0 : i32, i32, i32
  }
  func.func @transform_2(%arg0: i32) -> (i32, i32) {
    %c0_i32 = arith.constant 0 : i32
    %c0_i32_0 = arith.constant 0 : i32
    %c0_i32_1 = arith.constant 0 : i32
    return %c0_i32, %c0_i32_0 : i32, i32
  }
  func.func @transform_3(%arg0: i32) -> (i32, i32) {
    %c0_i32 = arith.constant 0 : i32
    %c0_i32_0 = arith.constant 0 : i32
    %c0_i32_1 = arith.constant 0 : i32
    return %c0_i32, %c0_i32_0 : i32, i32
  }
  func.func @transform_4(%arg0: i32) -> (i32, i32) {
    %c0_i32 = arith.constant 0 : i32
    %c0_i32_0 = arith.constant 0 : i32
    %c0_i32_1 = arith.constant 0 : i32
    return %c0_i32, %c0_i32_0 : i32, i32
  }
  func.func @transform_5(%arg0: i32) -> (i32, i32) {
    %c0_i32 = arith.constant 0 : i32
    %c0_i32_0 = arith.constant 0 : i32
    %c0_i32_1 = arith.constant 0 : i32
    return %c0_i32, %c0_i32_0 : i32, i32
  }
  func.func @transform_6(%arg0: i32) -> (i32, i32) {
    %c0_i32 = arith.constant 0 : i32
    %c0_i32_0 = arith.constant 0 : i32
    return %arg0, %c0_i32 : i32, i32
  }
  func.func @transform_7(%arg0: i32) -> (i32, i32) {
    %c0_i32 = arith.constant 0 : i32
    %c0_i32_0 = arith.constant 0 : i32
    return %arg0, %c0_i32 : i32, i32
  }
  func.func @transform_8(%arg0: i32) -> (i32, i32) {
    %c0_i32 = arith.constant 0 : i32
    %c0_i32_0 = arith.constant 0 : i32
    return %arg0, %c0_i32 : i32, i32
  }
}

module attributes {stable_mosaic.version = 14 : i64} {
  func.func @body(%arg0: i32, %arg1: memref<2x1024x128xf32, #tpu.memory_space<vmem>>, %arg2: memref<2x1024x16xf32, #tpu.memory_space<vmem>>, %arg3: memref<1x128xf32, #tpu.memory_space<vmem>>, %arg4: memref<1024x128xf32, #tpu.memory_space<vmem>>) attributes {dimension_semantics = [#tpu.dimension_semantics<arbitrary>], iteration_bounds = array<i64: 10>, scalar_prefetch = 0 : i64, scratch_operands = 0 : i64, tpu.core_type = #tpu.core_type<tc>, window_params = [{transform_indices = @transform_0, window_bounds = array<i64: 2, 1024, 128>}, {transform_indices = @transform_1, window_bounds = array<i64: 2, 1024, 16>}, {pipeline_mode = #tpu.pipeline_mode<synchronous>, transform_indices = @transform_2, window_bounds = array<i64: 1, 128>}, {transform_indices = @transform_3, window_bounds = array<i64: 1024, 128>}]} {
    %get3A = arith.constant 0 : index
    %get3A_0 = arith.constant 0 : index
    %get3A_1 = arith.constant 0 : index
    %get3A_2 = vector.load %arg1[%get3A, %get3A_0, %get3A_1] : memref<2x1024x128xf32, #tpu.memory_space<vmem>>, vector<1x1024x128xf32>
    %get3A_3 = vector.shape_cast %get3A_2 : vector<1x1024x128xf32> to vector<1024x128xf32>
    %get3A_4 = arith.constant 1 : index
    %get3A_5 = arith.constant 0 : index
    %get3A_6 = arith.constant 0 : index
    %get3A_7 = vector.load %arg1[%get3A_4, %get3A_5, %get3A_6] : memref<2x1024x128xf32, #tpu.memory_space<vmem>>, vector<1x1024x128xf32>
    %get3A_8 = vector.shape_cast %get3A_7 : vector<1x1024x128xf32> to vector<1024x128xf32>
    %add3A = arith.addf %get3A_3, %get3A_8 : vector<1024x128xf32>
    %get3A_9 = arith.constant 0 : index
    %get3A_10 = arith.constant 0 : index
    %get3A_11 = arith.constant 0 : index
    %get3A_12 = vector.load %arg2[%get3A_9, %get3A_10, %get3A_11] : memref<2x1024x16xf32, #tpu.memory_space<vmem>>, vector<1x1024x16xf32>
    %get3A_13 = vector.shape_cast %get3A_12 : vector<1x1024x16xf32> to vector<1024x16xf32>
    %slice3A = vector.extract_strided_slice %get3A_13 {offsets = [0, 0], sizes = [1024, 1], strides = [1, 1]} : vector<1024x16xf32> to vector<1024x1xf32>
    %get3A_14 = arith.constant 1 : index
    %get3A_15 = arith.constant 0 : index
    %get3A_16 = arith.constant 0 : index
    %get3A_17 = vector.load %arg2[%get3A_14, %get3A_15, %get3A_16] : memref<2x1024x16xf32, #tpu.memory_space<vmem>>, vector<1x1024x16xf32>
    %get3A_18 = vector.shape_cast %get3A_17 : vector<1x1024x16xf32> to vector<1024x16xf32>
    %slice3A_19 = vector.extract_strided_slice %get3A_18 {offsets = [0, 0], sizes = [1024, 1], strides = [1, 1]} : vector<1024x16xf32> to vector<1024x1xf32>
    %add3A_20 = arith.addf %slice3A, %slice3A_19 : vector<1024x1xf32>
    %eq3A = arith.constant 0.000000e+00 : f32
    %eq3A_21 = vector.broadcast %eq3A : f32 to vector<1024x1xf32>
    %eq3A_22 = arith.cmpf oeq, %add3A_20, %eq3A_21 : vector<1024x1xf32>
    %jit3A = arith.constant 1.000000e+00 : f32
    %broadcast_in_dim3A = vector.broadcast %jit3A : f32 to vector<1024x1xf32>
    %select_n3A = arith.select %eq3A_22, %broadcast_in_dim3A, %add3A_20 : vector<1024x1xi1>, vector<1024x1xf32>
    %div3A = vector.broadcast %select_n3A : vector<1024x1xf32> to vector<1024x128xf32>
    %div3A_23 = arith.divf %add3A, %div3A : vector<1024x128xf32>
    %get3A_24 = arith.constant 0 : index
    %get3A_25 = arith.constant 0 : index
    %get3A_26 = vector.load %arg3[%get3A_24, %get3A_25] : memref<1x128xf32, #tpu.memory_space<vmem>>, vector<1x128xf32>
    %add3A_27 = vector.broadcast %get3A_26 : vector<1x128xf32> to vector<1024x128xf32>
    %add3A_28 = arith.addf %div3A_23, %add3A_27 : vector<1024x128xf32>
    %swap3A = arith.constant 0 : index
    %swap3A_29 = arith.constant 0 : index
    %swap3A_30 = vector.load %arg4[%swap3A, %swap3A_29] : memref<1024x128xf32, #tpu.memory_space<vmem>>, vector<1024x128xf32>
    tpu.vector_store %arg4[%swap3A, %swap3A_29], %add3A_28 {strides = array<i32>} : memref<1024x128xf32, #tpu.memory_space<vmem>>, vector<1024x128xf32>,
    return
  }
  func.func @transform_0(%arg0: i32) -> (i32, i32, i32) {
    %c0_i32 = arith.constant 0 : i32
    %c0_i32_0 = arith.constant 0 : i32
    %c0_i32_1 = arith.constant 0 : i32
    return %c0_i32, %arg0, %c0_i32_0 : i32, i32, i32
  }
  func.func @transform_1(%arg0: i32) -> (i32, i32, i32) {
    %c0_i32 = arith.constant 0 : i32
    %c0_i32_0 = arith.constant 0 : i32
    %c0_i32_1 = arith.constant 0 : i32
    return %c0_i32, %arg0, %c0_i32_0 : i32, i32, i32
  }
  func.func @transform_2(%arg0: i32) -> (i32, i32) {
    %c0_i32 = arith.constant 0 : i32
    %c0_i32_0 = arith.constant 0 : i32
    %c0_i32_1 = arith.constant 0 : i32
    return %c0_i32, %c0_i32_0 : i32, i32
  }
  func.func @transform_3(%arg0: i32) -> (i32, i32) {
    %c0_i32 = arith.constant 0 : i32
    %c0_i32_0 = arith.constant 0 : i32
    return %arg0, %c0_i32 : i32, i32
  }
}

</mosaic_0001>

<sc_bundles>
// kernel: kernel.10.cloned.1.call-start
scs
__scs_entry_jumppad:
0x0: {  	(pc) =	sbr.rel $0x88, $3  }
0x1: {  	(tag) =	ssettag $0x0;
	lr =	simm.s32 $0x1  }
0x2: {  	[smem:$0x3F97] =	sst lr;
	_ =	strace $0xD0000000  }
0x3: {  	_ = 	snop  }
0x4: {  	_ = 	snop  }
0x5: {  	_ = 	snop  }
0x6: {  	_ = 	snop  }
0x7: {  	_ = 	snop  }
__scs_overlays_trampoline_lowered:
0x8: {  	[smem:$0x3FA6] =	sst s0  }
0x9: {  	[smem:$0x3FA7] =	sst s1  }
0xa: {  	[smem:$0x3FA8] =	sst s2  }
0xb: {  	[smem:$0x3FA9] =	sst s3  }
0xc: {  	[smem:$0x3FAA] =	sst s4  }
0xd: {  	[smem:$0x3FAB] =	sst s5  }
0xe: {  	[smem:$0x3FAC] =	sst s6  }
0xf: {  	[smem:$0x3FAD] =	sst s7  }
0x10: {  	[smem:$0x3FAE] =	sst s8  }
0x11: {  	[smem:$0x3FAF] =	sst s9;
	s0 =	simm.s32 @!p0 $0x0  }
0x12: {  	s1 =	sld [smem:$0x3F95];
	s0 =	simm.s32 @p0 $0x1  }
0x13: {  	[smem:$0x3FB0] =	sst s0;
	s0 =	simm.s32 @!p1 $0x0  }
0x14: {  	s2 =	sld [smem:$0x3F94];
	s0 =	simm.s32 @p1 $0x1  }
0x15: {  	[smem:$0x3FB1] =	sst s0;
	s0 =	simm.s32 @!p2 $0x0  }
0x16: {  	s3 =	sld [smem:$0x3FDB];
	s0 =	simm.s32 @p2 $0x1  }
0x17: {  	s4 =	simm.s32 $0x1BF5;
	[smem:$0x3FB3] =	sst s0  }
0x18: {  	s0 =	sld [smem:$0x3F96];
	_ =	swait.ge [sflag:s4], $0x0  }
0x19: {  	s7 =	sld [smem:$0x3F97]  }
0x1a: {  	s8 =	sadd.s32 $0xFFFFE003, lr  }
0x1b: {  	s9 =	sadd.s32 $0xFFFFFEF7, lr;
	s5 =	simm.s32 $0xFFFFFFFF;
	p2 =	slt.u32 s8, $0xFFFFF086  }
0x1c: {  	p1 =	slt.u32 s9, $0xF7A;
	s5 =	simm.s32 @!p2 $0x0  }
0x1d: {  	s5 =	simm.s32 @p1 $0x1;
	p0 =	seq.s32 s7, s2  }
0x1e: {  	s7 =	smul.u32 @!p0 $0xF7A, s2;
	p2 =	seq.s32 @!p0 s5, $0x0  }
0x1f: {  	s9 =	smul.u32 $0xF7A, s1;
	s8 =	simm.s32 @!p0 $0x1BF5;
	p2 =	por !p2, p0  }
0x20: {  	[sflag:s8] =	ssyncset.s32 @!p0 $0xFFFFF086;
	s6 =	sadd.s32 @!p0 s3, s7;
	s7 =	simm.s32 @!p0 $0x108  }
0x21: {  	s3 =	sadd.s32 s3, s9;
	s6 =	sadd.s32 @!p0 $0x88, s6;
	s7 =	simm.s32 @p2 $0x1082  }
0x22: {  	[simem:s7], [sflag:s8] =	dma.local @!p0 [hbm:s6], $0xF7A  }
0x23: {  	s9 =	sor.u32 $0xD0000000, s2;
	s6 =	simm.s32 $0x108;
	_ =	swait.ge @!p0 [sflag:s8], $0x0  }
0x24: {  	s3 =	sadd.s32 $0x88, s3;
	s6 =	simm.s32 @!p1 $0x1082;
	[sflag:s4] =	ssyncset.s32 $0xFFFFF086  }
0x25: {  	[simem:s6], [sflag:s4] =	dma.local [hbm:s3], $0xF7A  }
0x26: {  	[smem:$0x3F97] =	sst s1;
	(tag) =	ssettag s2;
	_ =	strace s9  }
0x27: {  	s1 =	sld [smem:$0x3FA7]  }
0x28: {  	s2 =	sld [smem:$0x3FA8]  }
0x29: {  	s4 =	sld [smem:$0x3FAA]  }
0x2a: {  	p0 =	seq.s32 s5, $0x0;
	s5 =	sld [smem:$0x3FAB]  }
0x2b: {  	s6 =	sld [smem:$0x3FAC]  }
0x2c: {  	s7 =	sld [smem:$0x3FAD]  }
0x2d: {  	s3 =	simm.s32 $0x108;
	s8 =	sld [smem:$0x3FAE]  }
0x2e: {  	s3 =	simm.s32 @!p0 $0x1082;
	s9 =	sld [smem:$0x3FAF]  }
0x2f: {  	lr =	sadd.s32 s0, s3;
	s0 =	sld [smem:$0x3FA6]  }
0x30: {  	s3 =	sld [smem:$0x3FA9]  }
0x31: {  	[smem:$0x3FB2] =	sst s10  }
0x32: {  	s10 =	sld [smem:$0x3FB0];
	_ =	sdelay $0x3  }
0x33: {  	p0 =	seq.s32 s10, $0x1;
	s10 =	sld [smem:$0x3FB2];
	_ =	sdelay $0x3  }
0x34: {  	[smem:$0x3FB2] =	sst s10  }
0x35: {  	s10 =	sld [smem:$0x3FB1];
	_ =	sdelay $0x3  }
0x36: {  	p1 =	seq.s32 s10, $0x1;
	s10 =	sld [smem:$0x3FB2];
	_ =	sdelay $0x3  }
0x37: {  	[smem:$0x3FB2] =	sst s10  }
0x38: {  	s10 =	sld [smem:$0x3FB3]  }
0x39: {  	_ = 	snop;
	(pc) =	sbr.ind lr, $3  }
0x3a: {  	_ = 	snop  }
0x3b: {  	_ = 	snop  }
0x3c: {  	p2 =	seq.s32 s10, $0x1;
	s10 =	sld [smem:$0x3FB2]  }
0x3d: {  	_ =	shalt  }
0x3e: {  	_ =	shalt  }
0x3f: {  	_ =	shalt  }
0x40: {  	_ =	shalt  }
0x41: {  	_ =	shalt  }
0x42: {  	_ =	shalt  }
0x43: {  	_ =	shalt  }
0x44: {  	_ =	shalt  }
0x45: {  	_ =	shalt  }
0x46: {  	_ =	shalt  }
0x47: {  	_ =	shalt  }
0x48: {  	_ =	shalt  }
0x49: {  	_ =	shalt  }
0x4a: {  	_ =	shalt  }
0x4b: {  	_ =	shalt  }
0x4c: {  	_ =	shalt  }
0x4d: {  	_ =	shalt  }
0x4e: {  	_ =	shalt  }
0x4f: {  	_ =	shalt  }
0x50: {  	_ =	shalt  }
0x51: {  	_ =	shalt  }
0x52: {  	_ =	shalt  }
0x53: {  	_ =	shalt  }
0x54: {  	_ =	shalt  }
0x55: {  	_ =	shalt  }
0x56: {  	_ =	shalt  }
0x57: {  	_ =	shalt  }
0x58: {  	_ =	shalt  }
0x59: {  	_ =	shalt  }
0x5a: {  	_ =	shalt  }
0x5b: {  	_ =	shalt  }
0x5c: {  	_ =	shalt  }
0x5d: {  	_ =	shalt  }
0x5e: {  	_ =	shalt  }
0x5f: {  	_ =	shalt  }
0x60: {  	_ =	shalt  }
0x61: {  	_ =	shalt  }
0x62: {  	_ =	shalt  }
0x63: {  	_ =	shalt  }
0x64: {  	_ =	shalt  }
0x65: {  	_ =	shalt  }
0x66: {  	_ =	shalt  }
0x67: {  	_ =	shalt  }
0x68: {  	_ =	shalt  }
0x69: {  	_ =	shalt  }
0x6a: {  	_ =	shalt  }
0x6b: {  	_ =	shalt  }
0x6c: {  	_ =	shalt  }
0x6d: {  	_ =	shalt  }
0x6e: {  	_ =	shalt  }
0x6f: {  	_ =	shalt  }
0x70: {  	_ =	shalt  }
0x71: {  	_ =	shalt  }
0x72: {  	_ =	shalt  }
0x73: {  	_ =	shalt  }
0x74: {  	_ =	shalt  }
0x75: {  	_ =	shalt  }
0x76: {  	_ =	shalt  }
0x77: {  	_ =	shalt  }
0x78: {  	_ =	shalt  }
0x79: {  	_ =	shalt  }
0x7a: {  	_ =	shalt  }
0x7b: {  	_ =	shalt  }
0x7c: {  	_ =	shalt  }
0x7d: {  	_ =	shalt  }
0x7e: {  	_ =	shalt  }
0x7f: {  	_ =	shalt  }
0x80: {  	_ =	shalt  }
0x81: {  	_ =	shalt  }
0x82: {  	_ =	shalt  }
0x83: {  	_ =	shalt  }
0x84: {  	_ =	shalt  }
0x85: {  	_ =	shalt  }
0x86: {  	_ =	shalt  }
0x87: {  	_ =	shalt  }
.Lfunc_end0:
.L_simem_size_0:
called_computation.1_lowered:
.L_overlay_start_0:
0x88: {  	s2 =	sld [smem:$0x3FD9]  }
0x89: {  	s3 =	sld [smem:$0x3FFE];
	_ =	sdelay $0x1  }
0x8a: {  	s1 =	srdreg.scid  }
0x8b: {  	s0 =	sand.u32 $0x1, s1  }
0x8c: {  	s17 =	sshll.u32 s0, $0xA;
	s2 =	sadd.s32 s3, s2  }
0x8d: {  	s2 =	sadd.s32 s2, s17  }
0x8e: {  	[smem:$0x3FBE] =	sst s2  }
0x8f: {  	_ = 	snop  }
0x90: {  	s2 =	sld [smem:$0x3FD0];
	(tm) =	ssettm $0x1  }
0x91: {  	s18 =	sld [smem:$0x3FFB];
	_ =	sdelay $0x3  }
0x92: {  	_ =	strace s18  }
0x93: {  	s3 =	sld [smem:$0x3FFC];
	_ =	sdelay $0x3  }
0x94: {  	_ =	strace s3  }
0x95: {  	s3 =	sld [smem:$0x3FFD];
	_ =	sdelay $0x3  }
0x96: {  	_ =	strace s3  }
0x97: {  	_ =	strace $0x8FFFFFFF  }
0x98: {  	s19 =	sld [smem:$0x3FDB];
	_ =	sdelay $0x1  }
0x99: {  	s4 =	simm.s32 $_scs_section_size  }
0x9a: {  	s5 =	simm.s32 $_size__tile_overlayer_lowered;
	s6 =	simm.s32 $_tile_overlayer_lowered  }
0x9b: {  	s22 =	simm.s32 $0x1BFF;
	s21 =	sshll.u32 s6, $0x1;
	s3 =	sadd.s32 s4, s19  }
0x9c: {  	s7 =	simm.s32 $0x0;
	s20 =	sshll.u32 s5, $0x1;
	s5 =	sadd.s32 s21, s3  }
0x9d: {  	[timem:s7], [sflag:s22] =	dma.local [hbm:s5], s20  }
0x9e: {  	_ =	swait.ge [sflag:s22], s20  }
0x9f: {  	s4 =	ssub.s32 $0x0, s20;
	[sflag:s22] =	ssyncset.done $0x0  }
0xa0: {  	[sflag:s22] =	ssyncadd.s32 s4;
	_ =	sdelay $0x1  }
0xa1: {  	s23 =	simm.s32 $0x1B8B  }
0xa2: {  	_ =	swait.ge [sflag:s23], $0x1  }
0xa3: {  	[sflag:s23] =	ssyncset.done $0x0  }
0xa4: {  	s25 =	simm.s32 $0x1B8E;
	s24 =	sld [smem:$0x3FFE];
	[sflag:s23] =	ssyncadd.s32 $0xFFFFFFFF  }
0xa5: {  	s26 =	simm.s32 $execute0_lowered;
	[smem:$0x3FD2] =	sst s25  }
0xa6: {  	s5 =	sshll.u32 s26, $0x1;
	_ =	strace $0x80000049;
	[dreg:$0x1] =	wrdreg $0xFFFFFFFF  }
0xa7: {  	s28 =	simm.s32 $_size_execute0_lowered;
	s3 =	sadd.s32 s3, s5;
	[dreg:$0x0] =	wrdreg $0x0  }
0xa8: {  	s5 =	sshll.u32 s28, $0x1;
	[dreg:$0x2] =	wrdreg s3  }
0xa9: {  	[dreg:$0x3] =	wrdreg s5  }
0xaa: {  	[dreg:$0x4] =	wrdreg $0xC0  }
0xab: {  	_ =	task [dreg:s7], $0x5FFFF  }
0xac: {  	[dreg:$0x1] =	wrdreg $0xFFFFFFFF  }
0xad: {  	[dreg:$0x0] =	wrdreg $0x60  }
0xae: {  	[dreg:$0x2] =	wrdreg s24  }
0xaf: {  	[dreg:$0x3] =	wrdreg s2  }
0xb0: {  	[dreg:$0x4] =	wrdreg $0x0  }
0xb1: {  	[dreg:$0x5] =	wrdreg $0x140000  }
0xb2: {  	[dreg:$0x6] =	wrdreg $0x9  }
0xb3: {  	_ =	task.clear_ibuf [dreg:s7], $0x7FFFF;
	_ =	strace $0x90000049  }
0xb4: {  	s29 =	simm.s32 $0x9;
	_ =	strace $0x8000004B  }
0xb5: {  	_ =	swait.ge [sflag:s29], $0x1  }
0xb6: {  	[sflag:s29] =	ssyncadd.s32 $0xFFFFFFFF  }
0xb7: {  	_ =	strace $0x9000004B  }
0xb8: {  	_ =	sfence  }
0xb9: {  	s30 =	sld [smem:$0x0];
	_ =	sdelay $0x2  }
0xba: {  	s31 =	sshll.u32 s1, $0xD;
	s1 =	sshrl.u32 s1, $0x2  }
0xbb: {  	s3 =	sand.u32 $0x4000, s31;
	s1 =	sadd.s32 s1, s30  }
0xbc: {  	s0 =	sor.u32 s3, s0;
	s1 =	sshll.u32 s1, $0x11  }
0xbd: {  	s0 =	sor.u32 s1, s0  }
0xbe: {  	s0 =	sadd.s32 $0x8F2B, s0  }
0xbf: {  	[sflag:s0] =	ssyncadd.remote.s32 $0x1  }
0xc0: {  	_ =	sfence.sel $0xFFFF  }
0xc1: {  	[dreg:$0x0] =	wrdreg $0xFFFFFFFF;
	(pc) =	sbr.abs _section_cstart, $3  }
0xc2: {  	[dreg:$0x1] =	wrdreg $0xFFFFFFFF  }
0xc3: {  	_ =	task.clear_ibuf [dreg:s7], $0x2FFFF;
	_ =	strace $0x9FFFFFFF  }
0xc4: {  	(tm) =	ssettm $0x7FFFFFFF  }
0xc5: {  	_ =	shalt  }
tec
execute0_lowered:
.L_overlay_start_1:
0x0: {  	(tag) =	ssettag $0x1  }
0x1: {  	s0 =	rddreg [dreg:$0x0]  }
0x2: {  	s1 =	rddreg [dreg:$0x1]  }
0x3: {  	s2 =	rddreg [dreg:$0x2]  }
0x4: {  	s3 =	rddreg [dreg:$0x3];
	s16 =	stileid.u32  }
0x5: {  	s5 =	srdreg.scid;
	s4 =	simm.s32 $0x0;
	s11 =	smul.u32 $0x14000, s16  }
0x6: {  	s10 =	sand.u32 $0x1, s5;
	[smem:$0x7FF] =	sst s4;
	s14 =	smul.u32 $0x280, s16  }
0x7: {  	s5 =	sadd.s32 $0x5CC00, s0;
	s6 =	sadd.s32 $0x52800, s0;
	s15 =	smul.u32 $0x2800, s16  }
0x8: {  	s7 =	sadd.s32 $0x2400, s0;
	s8 =	sadd.s32 $0x2F400, s0;
	s9 =	smul.u32 $0x140000, s10  }
0x9: {  	_ =	strace $0x8000004A;
	s13 =	ssub.s32 $0x2, s10;
	s23 =	sshll.u32 s10, $0x4  }
0xa: {  	s10 =	smul.u32 $0x28000, s10;
	s22 =	sshrl.u32 s13, $0x1;
	s26 =	sadd.s32 s11, s2  }
0xb: {  	s24 =	sor.u32 $0x58, s14;
	s28 =	sadd.s32 s15, s3;
	s17 =	sadd.s32 $0xB0, s14  }
0xc: {  	s18 =	sadd.s32 $0x108, s14;
	s12 =	sadd.s32 s11, s9;
	s9 =	sadd.s32 $0x2A400, s0  }
0xd: {  	s25 =	sshll.u32 s24, $0x7;
	s11 =	sshll.u32 s24, $0x4;
	s29 =	sshll.u32 s17, $0x7  }
0xe: {  	s19 =	sshll.u32 s17, $0x4;
	s20 =	sshll.u32 s18, $0x7;
	[dreg:$0x5] =	wrdreg s26  }
0xf: {  	s10 =	sadd.s32 s15, s10;
	s17 =	sadd.s32 $0x210, s14;
	[dreg:$0x6] =	wrdreg s28  }
0x10: {  	s12 =	sshrl.u32 s12, $0x3;
	s11 =	sadd.s32 s11, s3;
	s21 =	sadd.s32 s20, s2  }
0x11: {  	s10 =	sshrl.u32 s10, $0x3;
	s20 =	sshll.u32 s17, $0x4;
	s0 =	sadd.s32 s12, s0  }
0x12: {  	s12 =	ssub.s32 s13, s22;
	s13 =	sor.u32 s16, s23;
	[dreg:$0x8] =	wrdreg s11  }
0x13: {  	s16 =	sadd.s32 s25, s2;
	[dreg:$0xb] =	wrdreg s21;
	s22 =	sadd.s32 $0x160, s14  }
0x14: {  	s11 =	sshll.u32 s18, $0x4;
	s1 =	sadd.s32 s1, s10;
	s18 =	sshll.u32 s17, $0x7  }
0x15: {  	s21 =	sadd.s32 $0x268, s14;
	s17 =	simm.s32 $0x58;
	[dreg:$0x7] =	wrdreg s16  }
0x16: {  	s16 =	sadd.s32 s29, s2;
	s23 =	sshll.u32 s22, $0x7;
	s11 =	sadd.s32 s11, s3  }
0x17: {  	s25 =	sshll.u32 s22, $0x4;
	[dreg:$0xe] =	wrdreg s1;
	s22 =	smul.u32 $0x512, s13  }
0x18: {  	s29 =	sadd.s32 $0x1B8, s14;
	s13 =	smul.u32 $0x76, s13;
	[dreg:$0x9] =	wrdreg s16  }
0x19: {  	s0 =	sadd.s32 $0x67000, s0;
	s14 =	simm.s32 $0x1D760;
	[dreg:$0xc] =	wrdreg s11  }
0x1a: {  	s16 =	sadd.s32 s19, s3;
	s24 =	sadd.s32 s23, s2;
	[dreg:$0x18] =	wrdreg s0  }
0x1b: {  	s15 =	sadd.s32 s25, s3;
	s1 =	sshll.u32 s29, $0x4;
	[dreg:$0xa] =	wrdreg s16  }
0x1c: {  	s19 =	sadd.s32 s18, s2;
	s23 =	sshll.u32 s21, $0x7;
	[dreg:$0xd] =	wrdreg s24  }
0x1d: {  	s18 =	simm.s32 $0x1;
	[dreg:$0xf] =	wrdreg s15;
	s16 =	sshll.u32 s29, $0x7  }
0x1e: {  	s1 =	sadd.s32 s1, s3;
	[dreg:$0x12] =	wrdreg s19;
	s11 =	sadd.s32 s23, s2  }
0x1f: {  	s24 =	sadd.s32 s5, s22;
	s25 =	sadd.s32 s6, s22;
	s30 =	sor.u32 $0x1, s13  }
0x20: {  	s31 =	sadd.s32 $0x2, s13;
	s29 =	smax.u32 s12, $0x1;
	[dreg:$0x11] =	wrdreg s1  }
0x21: {  	s12 =	simm.s32 $0x16960;
	s13 =	simm.s32 $0x3;
	[dreg:$0x14] =	wrdreg s11  }
0x22: {  	s19 =	simm.s32 $0x16858;
	s22 =	simm.s32 $0x1C6E0;
	[dreg:$0x16] =	wrdreg s24  }
0x23: {  	s23 =	simm.s32 $0x1D1E0;
	s10 =	sadd.s32 s16, s2;
	[dreg:$0x17] =	wrdreg s25  }
0x24: {  	s1 =	sadd.s32 s20, s3;
	[dreg:$0x19] =	wrdreg s29;
	s16 =	simm.s32 $0x168B0  }
0x25: {  	s20 =	simm.s32 $0x16908;
	[dreg:$0x13] =	wrdreg s1;
	s1 =	sshll.u32 s21, $0x4  }
0x26: {  	s24 =	simm.s32 $0x2;
	[dreg:$0x10] =	wrdreg s10;
	s1 =	sadd.s32 s1, s3  }
0x27: {  	v0 =	vimm.f32 $0.0e+00;
	v1 =	vimm.s32 $0x0;
	s25 =	simm.s32 $0x0;
	s21 =	simm.s32 $0x19560;
	[dreg:$0x15] =	wrdreg s1  }
.LBB2_1:
0x28: {  	s0 =	simm.s32 $0x16A60  }
0x29: {  	[tilespmem:s0+$0xFFFFFF00] =	vst v0  }
0x2a: {  	[tilespmem:s0+$0xFFFFFF70] =	vst v0  }
0x2b: {  	[tilespmem:s0+$0xF0] =	vst v0  }
0x2c: {  	[tilespmem:s0+$0xE0] =	vst v0  }
0x2d: {  	[tilespmem:s0+$0xD0] =	vst v0  }
0x2e: {  	[tilespmem:s0+$0xC0] =	vst v0  }
0x2f: {  	[tilespmem:s0+$0xB0] =	vst v0  }
0x30: {  	[tilespmem:s0+$0xA0] =	vst v0  }
0x31: {  	[tilespmem:s0+$0x90] =	vst v0  }
0x32: {  	[tilespmem:s0+$0x80] =	vst v0  }
0x33: {  	[tilespmem:s0+$0xFFFFFFF0] =	vst v0  }
0x34: {  	[tilespmem:s0+$0x70] =	vst v0  }
0x35: {  	[tilespmem:s0+$0x60] =	vst v0  }
0x36: {  	[tilespmem:s0+$0x50] =	vst v0  }
0x37: {  	[tilespmem:s0+$0x40] =	vst v0  }
0x38: {  	[tilespmem:s0+$0x30] =	vst v0  }
0x39: {  	[tilespmem:s0+$0x20] =	vst v0  }
0x3a: {  	[tilespmem:s0+$0x10] =	vst v0  }
0x3b: {  	[tilespmem:s0+$0x0] =	vst v0  }
0x3c: {  	[tilespmem:s0+$0xFFFFFFE0] =	vst v0  }
0x3d: {  	[tilespmem:s0+$0xFFFFFFD0] =	vst v0  }
0x3e: {  	[tilespmem:s0+$0xFFFFFFC0] =	vst v0  }
0x3f: {  	[tilespmem:s0+$0xFFFFFFB0] =	vst v0  }
0x40: {  	[tilespmem:s0+$0xFFFFFFA0] =	vst v0  }
0x41: {  	[tilespmem:s0+$0xFFFFFF90] =	vst v0  }
0x42: {  	[tilespmem:s0+$0xFFFFFF80] =	vst v0  }
0x43: {  	[tilespmem:s0+$0xFFFFFF60] =	vst v0  }
0x44: {  	[tilespmem:s0+$0xFFFFFF50] =	vst v0  }
0x45: {  	[tilespmem:s0+$0xFFFFFF40] =	vst v0  }
0x46: {  	[tilespmem:s0+$0xFFFFFF30] =	vst v0  }
0x47: {  	[tilespmem:s0+$0xFFFFFF20] =	vst v0  }
0x48: {  	s1 =	simm.s32 $0x1D780;
	[tilespmem:s0+$0xFFFFFF10] =	vst v0  }
0x49: {  	[tilespmem:s1+$0x10] =	vst v0  }
0x4a: {  	[tilespmem:s1+$0x0] =	vst v0  }
0x4b: {  	s10 =	simm.s32 $0x0;
	[tilespmem:s1+$0xFFFFFFF0] =	vst v0  }
.LBB2_2:
0x4c: {  	s10 =	sadd.s32 $0x4, s10;
	[tilespmem:s1+$0xFFFFFFE0] =	vst v0;
	s1 =	sadd.s32 $0x40, s1;
	s0 =	sadd.s32 $0x200, s0  }
0x4d: {  	[tilespmem:s0+$0xFFFFFF00] =	vst v0;
	p0 =	slt.u32 s10, $0x54  }
0x4e: {  	[tilespmem:s0+$0xFFFFFF70] =	vst v0  }
0x4f: {  	[tilespmem:s0+$0xF0] =	vst v0  }
0x50: {  	[tilespmem:s0+$0xE0] =	vst v0  }
0x51: {  	[tilespmem:s0+$0xD0] =	vst v0  }
0x52: {  	[tilespmem:s0+$0xC0] =	vst v0  }
0x53: {  	[tilespmem:s0+$0xB0] =	vst v0  }
0x54: {  	[tilespmem:s0+$0xA0] =	vst v0  }
0x55: {  	[tilespmem:s0+$0x90] =	vst v0  }
0x56: {  	[tilespmem:s0+$0x80] =	vst v0  }
0x57: {  	[tilespmem:s1+$0x10] =	vst v0  }
0x58: {  	[tilespmem:s0+$0xFFFFFFF0] =	vst v0  }
0x59: {  	[tilespmem:s0+$0x70] =	vst v0  }
0x5a: {  	[tilespmem:s0+$0x60] =	vst v0  }
0x5b: {  	[tilespmem:s0+$0x50] =	vst v0  }
0x5c: {  	[tilespmem:s0+$0x40] =	vst v0  }
0x5d: {  	[tilespmem:s0+$0x30] =	vst v0  }
0x5e: {  	[tilespmem:s0+$0x20] =	vst v0  }
0x5f: {  	[tilespmem:s0+$0x10] =	vst v0  }
0x60: {  	[tilespmem:s0+$0x0] =	vst v0  }
0x61: {  	[tilespmem:s1+$0x0] =	vst v0  }
0x62: {  	[tilespmem:s0+$0xFFFFFFE0] =	vst v0  }
0x63: {  	[tilespmem:s0+$0xFFFFFFD0] =	vst v0  }
0x64: {  	[tilespmem:s0+$0xFFFFFFC0] =	vst v0  }
0x65: {  	[tilespmem:s0+$0xFFFFFFB0] =	vst v0  }
0x66: {  	[tilespmem:s0+$0xFFFFFFA0] =	vst v0  }
0x67: {  	[tilespmem:s0+$0xFFFFFF90] =	vst v0  }
0x68: {  	[tilespmem:s0+$0xFFFFFF80] =	vst v0  }
0x69: {  	[tilespmem:s1+$0xFFFFFFF0] =	vst v0  }
0x6a: {  	[tilespmem:s0+$0xFFFFFF60] =	vst v0  }
.Ltmp0:
0x6b: {  	[tilespmem:s0+$0xFFFFFF50] =	vst v0;
	(pc) =	sbr.rel @p0 .LBB2_2-.Ltmp0, $4  }
0x6c: {  	[tilespmem:s0+$0xFFFFFF40] =	vst v0  }
0x6d: {  	[tilespmem:s0+$0xFFFFFF30] =	vst v0  }
0x6e: {  	[tilespmem:s0+$0xFFFFFF20] =	vst v0  }
0x6f: {  	[tilespmem:s0+$0xFFFFFF10] =	vst v0  }
0x70: {  	[tilespmem:s1+$0xFFFFFFE0] =	vst v0  }
0x71: {  	[spmem:s26] =	stream.linear.scatter [tilespmem:s12], [sflag:$0x3], $0x2C00, $0x38;
	[tilespmem:$0x1DCE0] =	vst v63  }
0x72: {  	_ =	swait.ge [sflag:s13], $0x2C00  }
0x73: {  	[sflag:s13] =	ssyncset.done $0x0  }
0x74: {  	[sflag:s13] =	ssyncadd.s32 $0xFFFFD400  }
0x75: {  	[spmem:s28] =	stream.linear.scatter [tilespmem:s14], [sflag:$0x3], $0x580, $0x38;
	[tilespmem:$0x1DCE0] =	vst v63  }
0x76: {  	_ =	swait.ge [sflag:s13], $0x580  }
0x77: {  	[sflag:s13] =	ssyncset.done $0x0  }
0x78: {  	s0 =	rddreg [dreg:$0x7];
	[sflag:s13] =	ssyncadd.s32 $0xFFFFFA80  }
0x79: {  	[spmem:s0] =	stream.linear.scatter [tilespmem:s12], [sflag:$0x3], $0x2C00, $0x38;
	[tilespmem:$0x1DCE0] =	vst v63  }
0x7a: {  	_ =	swait.ge [sflag:s13], $0x2C00  }
0x7b: {  	[sflag:s13] =	ssyncset.done $0x0  }
0x7c: {  	s11 =	rddreg [dreg:$0x8];
	[sflag:s13] =	ssyncadd.s32 $0xFFFFD400  }
0x7d: {  	[spmem:s11] =	stream.linear.scatter [tilespmem:s14], [sflag:$0x3], $0x580, $0x38;
	[tilespmem:$0x1DCE0] =	vst v63  }
0x7e: {  	_ =	swait.ge [sflag:s13], $0x580  }
0x7f: {  	[sflag:s13] =	ssyncset.done $0x0  }
0x80: {  	s15 =	rddreg [dreg:$0x9];
	[sflag:s13] =	ssyncadd.s32 $0xFFFFFA80  }
0x81: {  	[spmem:s15] =	stream.linear.scatter [tilespmem:s12], [sflag:$0x3], $0x2C00, $0x38;
	[tilespmem:$0x1DCE0] =	vst v63  }
0x82: {  	_ =	swait.ge [sflag:s13], $0x2C00  }
0x83: {  	[sflag:s13] =	ssyncset.done $0x0  }
0x84: {  	s26 =	rddreg [dreg:$0xa];
	[sflag:s13] =	ssyncadd.s32 $0xFFFFD400  }
0x85: {  	[spmem:s26] =	stream.linear.scatter [tilespmem:s14], [sflag:$0x3], $0x580, $0x38;
	[tilespmem:$0x1DCE0] =	vst v63  }
0x86: {  	_ =	swait.ge [sflag:s13], $0x580  }
0x87: {  	[sflag:s13] =	ssyncset.done $0x0  }
0x88: {  	s28 =	rddreg [dreg:$0xb];
	[sflag:s13] =	ssyncadd.s32 $0xFFFFFA80  }
0x89: {  	[spmem:s28] =	stream.linear.scatter [tilespmem:s12], [sflag:$0x3], $0x2C00, $0x38;
	[tilespmem:$0x1DCE0] =	vst v63  }
0x8a: {  	_ =	swait.ge [sflag:s13], $0x2C00  }
0x8b: {  	[sflag:s13] =	ssyncset.done $0x0  }
0x8c: {  	s29 =	rddreg [dreg:$0xc];
	[sflag:s13] =	ssyncadd.s32 $0xFFFFD400  }
0x8d: {  	[spmem:s29] =	stream.linear.scatter [tilespmem:s14], [sflag:$0x3], $0x580, $0x38;
	[tilespmem:$0x1DCE0] =	vst v63  }
0x8e: {  	_ =	swait.ge [sflag:s13], $0x580  }
0x8f: {  	[sflag:s13] =	ssyncset.done $0x0  }
0x90: {  	s1 =	rddreg [dreg:$0xd];
	[sflag:s13] =	ssyncadd.s32 $0xFFFFFA80  }
0x91: {  	[spmem:s1] =	stream.linear.scatter [tilespmem:s12], [sflag:$0x3], $0x2C00, $0x38;
	[tilespmem:$0x1DCE0] =	vst v63  }
0x92: {  	_ =	swait.ge [sflag:s13], $0x2C00  }
0x93: {  	[sflag:s13] =	ssyncset.done $0x0  }
0x94: {  	s10 =	rddreg [dreg:$0xf];
	[sflag:s13] =	ssyncadd.s32 $0xFFFFD400  }
0x95: {  	[spmem:s10] =	stream.linear.scatter [tilespmem:s14], [sflag:$0x3], $0x580, $0x38;
	[tilespmem:$0x1DCE0] =	vst v63  }
0x96: {  	_ =	swait.ge [sflag:s13], $0x580  }
0x97: {  	[sflag:s13] =	ssyncset.done $0x0  }
0x98: {  	s11 =	rddreg [dreg:$0x10];
	[sflag:s13] =	ssyncadd.s32 $0xFFFFFA80  }
0x99: {  	[spmem:s11] =	stream.linear.scatter [tilespmem:s12], [sflag:$0x3], $0x2C00, $0x38;
	[tilespmem:$0x1DCE0] =	vst v63  }
0x9a: {  	_ =	swait.ge [sflag:s13], $0x2C00  }
0x9b: {  	[sflag:s13] =	ssyncset.done $0x0  }
0x9c: {  	s15 =	rddreg [dreg:$0x11];
	[sflag:s13] =	ssyncadd.s32 $0xFFFFD400  }
0x9d: {  	[spmem:s15] =	stream.linear.scatter [tilespmem:s14], [sflag:$0x3], $0x580, $0x38;
	[tilespmem:$0x1DCE0] =	vst v63  }
0x9e: {  	_ =	swait.ge [sflag:s13], $0x580  }
0x9f: {  	[sflag:s13] =	ssyncset.done $0x0  }
0xa0: {  	s26 =	rddreg [dreg:$0x12];
	[sflag:s13] =	ssyncadd.s32 $0xFFFFFA80  }
0xa1: {  	[spmem:s26] =	stream.linear.scatter [tilespmem:s12], [sflag:$0x3], $0x2C00, $0x38;
	[tilespmem:$0x1DCE0] =	vst v63  }
0xa2: {  	_ =	swait.ge [sflag:s13], $0x2C00  }
0xa3: {  	[sflag:s13] =	ssyncset.done $0x0  }
0xa4: {  	s28 =	rddreg [dreg:$0x13];
	[sflag:s13] =	ssyncadd.s32 $0xFFFFD400  }
0xa5: {  	[spmem:s28] =	stream.linear.scatter [tilespmem:s14], [sflag:$0x3], $0x580, $0x38;
	[tilespmem:$0x1DCE0] =	vst v63  }
0xa6: {  	_ =	swait.ge [sflag:s13], $0x580  }
0xa7: {  	[sflag:s13] =	ssyncset.done $0x0  }
0xa8: {  	s29 =	rddreg [dreg:$0x14];
	[sflag:s13] =	ssyncadd.s32 $0xFFFFFA80  }
0xa9: {  	[spmem:s29] =	stream.linear.scatter [tilespmem:s12], [sflag:$0x3], $0xC00, $0x38;
	[tilespmem:$0x1DCE0] =	vst v63  }
0xaa: {  	_ =	swait.ge [sflag:s13], $0xC00  }
0xab: {  	[sflag:s13] =	ssyncset.done $0x0  }
0xac: {  	s1 =	rddreg [dreg:$0x15];
	[sflag:s13] =	ssyncadd.s32 $0xFFFFF400  }
0xad: {  	[spmem:s1] =	stream.linear.scatter [tilespmem:s14], [sflag:$0x3], $0x180, $0x38;
	[tilespmem:$0x1DCE0] =	vst v63  }
0xae: {  	_ =	swait.ge [sflag:s13], $0x180  }
0xaf: {  	[sflag:s13] =	ssyncset.done $0x0  }
0xb0: {  	[sflag:s13] =	ssyncadd.s32 $0xFFFFFE80  }
0xb1: {  	[bflag:$0x0] =	sbarrier.arrive $0xFFFF  }
0xb2: {  	s11 =	simm.s32 $0x16800;
	s26 =	simm.s32 $0x0;
	s10 =	rddreg [dreg:$0x16]  }
0xb3: {  	[tilespmem:s11], [sflag:$0x3] =	stream.linear.gather [hbm4b:s10+s26], $0x58, $0x38;
	[tilespmem:$0x1DCE0] =	vst v63  }
0xb4: {  	_ =	swait.ge [sflag:s13], $0x58  }
0xb5: {  	[sflag:s13] =	ssyncset.done $0x0  }
0xb6: {  	s15 =	rddreg [dreg:$0x17];
	[sflag:s13] =	ssyncadd.s32 $0xFFFFFFA8  }
0xb7: {  	[tilespmem:s16], [sflag:$0x3] =	stream.linear.gather [hbm4b:s15+s26], $0x58, $0x38;
	[tilespmem:$0x1DCE0] =	vst v63  }
0xb8: {  	_ =	swait.ge [sflag:s13], $0x58  }
0xb9: {  	[sflag:s13] =	ssyncset.done $0x0  }
0xba: {  	[sflag:s13] =	ssyncadd.s32 $0xFFFFFFA8  }
0xbb: {  	[tilespmem:s12], [sflag:$0x1] =	stream.indirect.gather [hbm4b:s7+s17], $0x80, s11, s17, $0xb8;
	[tilespmem:$0x1DCE0] =	vst v63  }
0xbc: {  	s28 =	simm.s32 $0x1C160  }
0xbd: {  	[tilespmem:s28], [sflag:$0x1] =	stream.indirect.gather [hbm4b:s8+s17], $0x10, s11, s17, $0xb8;
	[tilespmem:$0x1DCE0] =	vst v63  }
0xbe: {  	s29 =	simm.s32 $0x1CC60  }
0xbf: {  	[tilespmem:s29], [sflag:$0x1] =	stream.indirect.gather [hbm4b:s9+s17], $0x10, s16, s17, $0xb8;
	[tilespmem:$0x1DCE0] =	vst v63  }
.LBB2_4:
0xc0: {  	_ =	swait.ge [sflag:s18], $0x2C00  }
0xc1: {  	[sflag:s18] =	ssyncset.done $0x0  }
0xc2: {  	[sflag:s18] =	ssyncadd.s32 $0xFFFFD400  }
0xc3: {  	_ =	swait.ge [sflag:s18], $0x580  }
0xc4: {  	s28 =	sshll.u32 s26, $0x1;
	[sflag:s18] =	ssyncset.done $0x0  }
0xc5: {  	s0 =	sadd.s32 s28, s30;
	[sflag:s18] =	ssyncadd.s32 $0xFFFFFA80  }
0xc6: {  	s0 =	smul.u32 $0xB, s0;
	_ =	swait.ge [sflag:s18], $0x580  }
0xc7: {  	[sflag:s18] =	ssyncset.done $0x0  }
0xc8: {  	s1 =	sadd.s32 s5, s0;
	[sflag:s18] =	ssyncadd.s32 $0xFFFFFA80  }
0xc9: {  	[tilespmem:s19], [sflag:$0x3] =	stream.linear.gather [hbm4b:s1+s4], $0x58, $0x38;
	[tilespmem:$0x1DCE0] =	vst v63  }
0xca: {  	_ =	swait.ge [sflag:s13], $0x58  }
0xcb: {  	[sflag:s13] =	ssyncset.done $0x0  }
0xcc: {  	s0 =	sadd.s32 s6, s0;
	[sflag:s13] =	ssyncadd.s32 $0xFFFFFFA8  }
0xcd: {  	[tilespmem:s20], [sflag:$0x3] =	stream.linear.gather [hbm4b:s0+s4], $0x58, $0x38;
	[tilespmem:$0x1DCE0] =	vst v63  }
0xce: {  	_ =	swait.ge [sflag:s13], $0x58  }
0xcf: {  	[sflag:s13] =	ssyncset.done $0x0  }
0xd0: {  	[sflag:s13] =	ssyncadd.s32 $0xFFFFFFA8  }
0xd1: {  	[tilespmem:s21], [sflag:$0x2] =	stream.indirect.gather [hbm4b:s7+s17], $0x80, s19, s17, $0xb8;
	[tilespmem:$0x1DCE0] =	vst v63  }
0xd2: {  	_ = 	snop  }
0xd3: {  	[tilespmem:s22], [sflag:$0x2] =	stream.indirect.gather [hbm4b:s8+s17], $0x10, s19, s17, $0xb8;
	[tilespmem:$0x1DCE0] =	vst v63  }
0xd4: {  	s10 =	simm.s32 $0x1C180  }
0xd5: {  	[tilespmem:s23], [sflag:$0x2] =	stream.indirect.gather [hbm4b:s9+s17], $0x10, s20, s17, $0xb8;
	[tilespmem:$0x1DCE0] =	vst v63  }
0xd6: {  	s11 =	simm.s32 $0x1CC80;
	v2 =	vld [tilespmem:s10+$0x10]  }
0xd7: {  	v3 =	vld [tilespmem:s11+$0x10]  }
0xd8: {  	v5 =	vld [tilespmem:s10+$0xFFFFFFF0]  }
0xd9: {  	v6 =	vld [tilespmem:s11+$0xFFFFFFF0]  }
0xda: {  	v4 =	vld [tilespmem:s11+$0xFFFFFFE0]  }
0xdb: {  	v7 =	vld [tilespmem:s10+$0x0]  }
0xdc: {  	v8 =	vld [tilespmem:s11+$0x0]  }
0xdd: {  	v2 =	vadd.f32 v3, v2;
	v3 =	vld [tilespmem:s10+$0xFFFFFFE0]  }
0xde: {  	v5 =	vadd.f32 v6, v5  }
0xdf: {  	v9 =	vmul.f32 $2.000000030e-01, v2  }
0xe0: {  	v6 =	vmul.f32 $2.000000030e-01, v5  }
0xe1: {  	v7 =	vadd.f32 v8, v7;
	v2 =	vmax.f32 v2, v9  }
0xe2: {  	v2 =	vmul.f32 $1.442695020e+00, v2;
	v3 =	vadd.f32 v4, v3;
	v4 =	vmax.f32 v5, v6  }
0xe3: {  	v4 =	vmul.f32 $1.442695020e+00, v4  }
0xe4: {  	v5 =	vmul.f32 $2.000000030e-01, v7;
	(erf) = vpow2.f32 v2  }
0xe5: {  	v2 =	vmul.f32 $2.000000030e-01, v3;
	(erf) = vpow2.f32 v4  }
0xe6: {  	v5 =	vmax.f32 v7, v5  }
0xe7: {  	v2 =	vmax.f32 v3, v2;
	v3 =	vmul.f32 $1.442695020e+00, v5  }
0xe8: {  	s0 =	simm.s32 $0x1CCC0;
	v2 =	vmul.f32 $1.442695020e+00, v2  }
0xe9: {  	v19 =	vld [tilespmem:s0+$0x10];
	(erf) = vpow2.f32 v3  }
0xea: {  	v20 =	vld [tilespmem:s0+$0xFFFFFFE0];
	(erf) = vpow2.f32 v2  }
0xeb: {  	v23 =	vld [tilespmem:s0+$0xFFFFFFF0]  }
0xec: {  	v58 =	vld [tilespmem:s0+$0x0];
	s10 =	simm.s32 $0x1C1C0  }
0xed: {  	s15 =	simm.s32 $0x1D780;
	v18 =	vld [tilespmem:s10+$0x10];
	v2 =	vpop (erf)  }
0xee: {  	s29 =	simm.s32 $0x16A60;
	v21 =	vld [tilespmem:s10+$0xFFFFFFF0];
	[tilespmem:s15+$0x10] =	vst v2;
	v4 =	vpop (erf)  }
0xef: {  	v3 =	vld [tilespmem:s29+$0xF0];
	[tilespmem:s15+$0xFFFFFFF0] =	vst v4  }
0xf0: {  	v10 =	vld [tilespmem:s29+$0xFFFFFFA0]  }
0xf1: {  	v5 =	vld [tilespmem:s29+$0x80]  }
0xf2: {  	v18 =	vadd.f32 v19, v18;
	v8 =	vld [tilespmem:s29+$0xFFFFFF90];
	v7 =	vpop (erf)  }
0xf3: {  	v4 =	vperm.xlane v4, v1;
	v6 =	vld [tilespmem:s29+$0xFFFFFF80];
	v9 =	vpop (erf);
	[tilespmem:s15+$0x0] =	vst v7  }
0xf4: {  	v17 =	vld [tilespmem:s29+$0xFFFFFFC0];
	v19 =	vperm.xlane v7, v1;
	v7 =	vmul.f32 $2.000000030e-01, v18;
	[tilespmem:s15+$0xFFFFFFE0] =	vst v9  }
0xf5: {  	v14 =	vperm.xlane v9, v1;
	v11 =	vld [tilespmem:s29+$0xFFFFFF00];
	v9 =	vmul.f32 v10, v4  }
0xf6: {  	v12 =	vld [tilespmem:s29+$0xFFFFFF10]  }
0xf7: {  	v7 =	vmax.f32 v18, v7;
	v8 =	vmul.f32 v8, v4;
	[tilespmem:s29+$0xFFFFFFA0] =	vst v9;
	v9 =	vld [tilespmem:s29+$0xFFFFFFB0]  }
0xf8: {  	v13 =	vld [tilespmem:s29+$0xFFFFFF20];
	v7 =	vmul.f32 $1.442695020e+00, v7  }
0xf9: {  	v6 =	vmul.f32 v6, v4;
	[tilespmem:s29+$0xFFFFFF90] =	vst v8;
	v8 =	vld [tilespmem:s29+$0xFFFFFF60]  }
0xfa: {  	(erf) = vpow2.f32 v7;
	v7 =	vld [tilespmem:s29+$0x20]  }
0xfb: {  	v15 =	vld [tilespmem:s29+$0xFFFFFF30];
	[tilespmem:s29+$0xFFFFFF80] =	vst v6;
	v6 =	vmul.f32 v11, v14  }
0xfc: {  	v10 =	vld [tilespmem:s29+$0x90];
	v22 =	vmul.f32 v9, v4  }
0xfd: {  	v11 =	vld [tilespmem:s29+$0xFFFFFF50];
	[tilespmem:s29+$0xFFFFFF00] =	vst v6;
	v9 =	vperm.xlane v2, v1;
	v2 =	vmul.f32 v17, v4  }
0xfe: {  	v17 =	vld [tilespmem:s10+$0x0];
	v8 =	vmul.f32 v8, v14;
	[tilespmem:s29+$0xFFFFFFB0] =	vst v22  }
0xff: {  	v7 =	vmul.f32 v7, v19;
	[tilespmem:s29+$0xFFFFFFC0] =	vst v2;
	v2 =	vld [tilespmem:s10+$0xFFFFFFE0]  }
0x100: {  	v16 =	vld [tilespmem:s29+$0xFFFFFF40];
	v3 =	vmul.f32 v3, v9;
	[tilespmem:s29+$0xFFFFFF60] =	vst v8  }
0x101: {  	v6 =	vld [tilespmem:s29+$0xFFFFFF70];
	v5 =	vmul.f32 v5, v9;
	[tilespmem:s29+$0x20] =	vst v7  }
0x102: {  	v59 =	vld [tilespmem:s29+$0xFFFFFFE0];
	[tilespmem:s29+$0xF0] =	vst v3;
	v3 =	vmul.f32 v12, v14;
	v12 =	vmul.f32 v13, v14;
	v13 =	vadd.f32 v23, v21  }
0x103: {  	v24 =	vld [tilespmem:s29+$0xFFFFFFD0];
	v11 =	vmul.f32 v11, v14;
	[tilespmem:s29+$0x80] =	vst v5;
	v5 =	vmul.f32 v15, v14;
	v17 =	vadd.f32 v58, v17  }
0x104: {  	v18 =	vld [tilespmem:s29+$0x0];
	v10 =	vmul.f32 v10, v9;
	[tilespmem:s29+$0xFFFFFF10] =	vst v3;
	v3 =	vmul.f32 $2.000000030e-01, v13;
	v2 =	vadd.f32 v20, v2  }
0x105: {  	v8 =	vld [tilespmem:s29+$0x60];
	v15 =	vmul.f32 v16, v14;
	[tilespmem:s29+$0xFFFFFF30] =	vst v5;
	v5 =	vmul.f32 $2.000000030e-01, v17  }
0x106: {  	v16 =	vld [tilespmem:s29+$0xFFFFFFF0];
	[tilespmem:s29+$0xFFFFFF50] =	vst v11;
	v6 =	vmul.f32 v6, v14;
	v3 =	vmax.f32 v13, v3;
	v13 =	vmul.f32 $2.000000030e-01, v2  }
0x107: {  	v11 =	vld [tilespmem:s29+$0x40];
	[tilespmem:s29+$0x90] =	vst v10;
	v10 =	vmul.f32 v59, v4;
	v3 =	vmul.f32 $1.442695020e+00, v3;
	v5 =	vmax.f32 v17, v5  }
0x108: {  	v14 =	vld [tilespmem:s29+$0xB0];
	[tilespmem:s29+$0xFFFFFF70] =	vst v6;
	v6 =	vmul.f32 v24, v4;
	v5 =	vmul.f32 $1.442695020e+00, v5;
	v2 =	vmax.f32 v2, v13  }
0x109: {  	[tilespmem:s29+$0xFFFFFF20] =	vst v12;
	v12 =	vld [tilespmem:s29+$0x10];
	(erf) = vpow2.f32 v3;
	v2 =	vmul.f32 $1.442695020e+00, v2  }
0x10a: {  	[tilespmem:s29+$0xFFFFFF40] =	vst v15;
	v15 =	vld [tilespmem:s29+$0x30];
	v8 =	vmul.f32 v8, v19;
	(erf) = vpow2.f32 v5  }
0x10b: {  	[tilespmem:s29+$0xFFFFFFD0] =	vst v6;
	v6 =	vld [tilespmem:s29+$0xA0];
	(erf) = vpow2.f32 v2;
	v2 =	vmul.f32 v18, v19  }
0x10c: {  	[tilespmem:s29+$0xFFFFFFE0] =	vst v10;
	v4 =	vmul.f32 v16, v4;
	v16 =	vld [tilespmem:s29+$0xC0]  }
0x10d: {  	v17 =	vld [tilespmem:s29+$0xD0];
	[tilespmem:s29+$0x60] =	vst v8  }
0x10e: {  	v3 =	vld [tilespmem:s29+$0x50];
	[tilespmem:s29+$0xFFFFFFF0] =	vst v4  }
0x10f: {  	s15 =	simm.s32 $0x1D7C0;
	v4 =	vmul.f32 v12, v19;
	v5 =	vld [tilespmem:s29+$0x70];
	[tilespmem:s29+$0x0] =	vst v2;
	v2 =	vpop (erf)  }
0x110: {  	s1 =	simm.s32 $0x16C60;
	v11 =	vmul.f32 v11, v19;
	v18 =	vld [tilespmem:s29+$0xE0];
	[tilespmem:s15+$0x10] =	vst v2  }
0x111: {  	v10 =	vmul.f32 v15, v19;
	[tilespmem:s29+$0x10] =	vst v4;
	v4 =	vld [tilespmem:s1+$0xF0]  }
0x112: {  	[tilespmem:s29+$0x40] =	vst v11;
	v7 =	vld [tilespmem:s1+$0x80];
	v12 =	vpop (erf)  }
0x113: {  	v3 =	vmul.f32 v3, v19;
	v15 =	vld [tilespmem:s1+$0x90];
	[tilespmem:s15+$0xFFFFFFF0] =	vst v12  }
0x114: {  	[tilespmem:s29+$0x30] =	vst v10;
	v20 =	vpop (erf);
	v13 =	vld [tilespmem:s1+$0xFFFFFF80]  }
0x115: {  	v5 =	vmul.f32 v5, v19;
	[tilespmem:s29+$0x50] =	vst v3;
	v2 =	vperm.xlane v2, v1;
	v11 =	vld [tilespmem:s1+$0xFFFFFF90];
	v10 =	vpop (erf)  }
0x116: {  	v60 =	vld [tilespmem:s1+$0xFFFFFFA0];
	[tilespmem:s15+$0xFFFFFFE0] =	vst v10  }
0x117: {  	[tilespmem:s29+$0x70] =	vst v5;
	v3 =	vmul.f32 v4, v2;
	v61 =	vld [tilespmem:s1+$0xFFFFFF00];
	v4 =	vperm.xlane v12, v1  }
0x118: {  	[tilespmem:s15+$0x0] =	vst v20;
	v19 =	vld [tilespmem:s1+$0xFFFFFF10];
	v7 =	vmul.f32 v7, v2  }
0x119: {  	v5 =	vmul.f32 v6, v9;
	v62 =	vld [tilespmem:s1+$0xFFFFFF20];
	[tilespmem:s1+$0xF0] =	vst v3;
	v3 =	vmul.f32 v13, v4  }
0x11a: {  	v10 =	vperm.xlane v10, v1;
	v63 =	vld [tilespmem:s1+$0xFFFFFF30];
	v8 =	vmul.f32 v11, v4;
	[tilespmem:s1+$0x80] =	vst v7  }
0x11b: {  	v6 =	vmul.f32 v14, v9;
	v25 =	vld [tilespmem:s1+$0xFFFFFF40];
	v11 =	vmul.f32 v60, v4;
	[tilespmem:s1+$0xFFFFFF80] =	vst v3  }
0x11c: {  	v13 =	vld [tilespmem:s1+$0xFFFFFF50];
	v7 =	vmul.f32 v16, v9;
	[tilespmem:s1+$0xFFFFFF90] =	vst v8;
	v3 =	vmul.f32 v61, v10  }
0x11d: {  	v12 =	vld [tilespmem:s1+$0xFFFFFF60];
	v8 =	vmul.f32 v17, v9;
	[tilespmem:s1+$0xFFFFFFA0] =	vst v11;
	v16 =	vmul.f32 v19, v10  }
0x11e: {  	v14 =	vld [tilespmem:s1+$0xFFFFFF70];
	v9 =	vmul.f32 v18, v9;
	v17 =	vmul.f32 v62, v10;
	[tilespmem:s1+$0xFFFFFF00] =	vst v3  }
0x11f: {  	v11 =	vmul.f32 v15, v2;
	v15 =	vld [tilespmem:s1+$0xFFFFFFB0];
	v18 =	vmul.f32 v63, v10;
	[tilespmem:s1+$0xFFFFFF10] =	vst v16  }
0x120: {  	s11 =	simm.s32 $0x1C200;
	s10 =	simm.s32 $0x4;
	v3 =	vperm.xlane v20, v1;
	[tilespmem:s1+$0xFFFFFF20] =	vst v17;
	v17 =	vmul.f32 v25, v10;
	v16 =	vld [tilespmem:s1+$0xFFFFFFC0]  }
.LBB2_5:
0x121: {  	v19 =	vld [tilespmem:s11+$0x10];
	[tilespmem:s1+$0xFFFFFF30] =	vst v18;
	v13 =	vmul.f32 v13, v10;
	s0 =	sadd.s32 $0x40, s0  }
0x122: {  	s10 =	sadd.s32 $0x4, s10;
	v18 =	vld [tilespmem:s0+$0x10];
	[tilespmem:s1+$0xFFFFFF40] =	vst v17;
	v12 =	vmul.f32 v12, v10  }
0x123: {  	p0 =	slt.u32 s10, $0x54;
	v17 =	vld [tilespmem:s0+$0xFFFFFFE0];
	[tilespmem:s1+$0xFFFFFF50] =	vst v13;
	v10 =	vmul.f32 v14, v10  }
0x124: {  	v13 =	vld [tilespmem:s11+$0xFFFFFFF0];
	[tilespmem:s1+$0xFFFFFF60] =	vst v12;
	v12 =	vmul.f32 v15, v4  }
0x125: {  	v14 =	vld [tilespmem:s0+$0xFFFFFFF0];
	[tilespmem:s1+$0xFFFFFF70] =	vst v10;
	v10 =	vmul.f32 v16, v4  }
0x126: {  	v15 =	vld [tilespmem:s11+$0x0];
	[tilespmem:s1+$0xFFFFFFB0] =	vst v12  }
0x127: {  	v12 =	vld [tilespmem:s0+$0x0];
	v16 =	vadd.f32 v18, v19;
	[tilespmem:s1+$0xFFFFFFC0] =	vst v10  }
0x128: {  	v10 =	vld [tilespmem:s11+$0xFFFFFFE0];
	[tilespmem:s1+$0x90] =	vst v11  }
0x129: {  	v11 =	vmul.f32 $2.000000030e-01, v16;
	v18 =	vld [tilespmem:s1+$0xFFFFFFD0];
	[tilespmem:s29+$0xA0] =	vst v5  }
0x12a: {  	v5 =	vadd.f32 v14, v13;
	v13 =	vld [tilespmem:s1+$0xFFFFFFE0];
	[tilespmem:s29+$0xB0] =	vst v6  }
0x12b: {  	v6 =	vmax.f32 v16, v11;
	v11 =	vld [tilespmem:s1+$0xFFFFFFF0];
	[tilespmem:s29+$0xC0] =	vst v7  }
0x12c: {  	v7 =	vmul.f32 $2.000000030e-01, v5;
	v12 =	vadd.f32 v12, v15;
	v6 =	vmul.f32 $1.442695020e+00, v6;
	v14 =	vld [tilespmem:s1+$0x0];
	[tilespmem:s29+$0xD0] =	vst v8  }
0x12d: {  	v8 =	vadd.f32 v17, v10;
	v10 =	vld [tilespmem:s1+$0x10];
	[tilespmem:s29+$0xE0] =	vst v9;
	s29 =	smov.u32 s1  }
0x12e: {  	v5 =	vmax.f32 v5, v7;
	v7 =	vmul.f32 $2.000000030e-01, v12;
	(erf) = vpow2.f32 v6;
	v6 =	vld [tilespmem:s1+$0x20]  }
0x12f: {  	v9 =	vmul.f32 $2.000000030e-01, v8;
	v5 =	vmul.f32 $1.442695020e+00, v5;
	v15 =	vld [tilespmem:s1+$0x30]  }
0x130: {  	v13 =	vmul.f32 v13, v4;
	v7 =	vmax.f32 v12, v7;
	v12 =	vmul.f32 v18, v4;
	v16 =	vld [tilespmem:s1+$0x40]  }
0x131: {  	v8 =	vmax.f32 v8, v9;
	v7 =	vmul.f32 $1.442695020e+00, v7;
	(erf) = vpow2.f32 v5;
	v5 =	vld [tilespmem:s1+$0x50]  }
0x132: {  	v4 =	vmul.f32 v11, v4;
	v8 =	vmul.f32 $1.442695020e+00, v8;
	[tilespmem:s1+$0xFFFFFFD0] =	vst v12;
	v9 =	vld [tilespmem:s1+$0x60]  }
0x133: {  	(erf) = vpow2.f32 v7;
	[tilespmem:s1+$0xFFFFFFE0] =	vst v13;
	v7 =	vmul.f32 v14, v3;
	v11 =	vld [tilespmem:s1+$0x70]  }
0x134: {  	(erf) = vpow2.f32 v8;
	[tilespmem:s1+$0xFFFFFFF0] =	vst v4;
	v4 =	vmul.f32 v10, v3;
	v8 =	vld [tilespmem:s1+$0xA0]  }
0x135: {  	v6 =	vmul.f32 v6, v3;
	[tilespmem:s1+$0x0] =	vst v7;
	v7 =	vmul.f32 v15, v3;
	v10 =	vld [tilespmem:s1+$0xB0]  }
0x136: {  	[tilespmem:s1+$0x10] =	vst v4;
	v4 =	vmul.f32 v16, v3;
	v12 =	vmul.f32 v5, v3;
	v13 =	vld [tilespmem:s1+$0xC0]  }
0x137: {  	s15 =	sadd.s32 $0x40, s15;
	v14 =	vpop (erf);
	[tilespmem:s1+$0x20] =	vst v6;
	v15 =	vmul.f32 v9, v3;
	v9 =	vld [tilespmem:s1+$0xD0]  }
0x138: {  	s1 =	sadd.s32 $0x200, s1;
	[tilespmem:s15+$0x10] =	vst v14;
	v16 =	vmul.f32 v11, v3;
	v11 =	vld [tilespmem:s29+$0xE0]  }
0x139: {  	v17 =	vld [tilespmem:s1+$0xF0];
	[tilespmem:s29+$0x30] =	vst v7;
	v5 =	vmul.f32 v8, v2  }
0x13a: {  	v18 =	vld [tilespmem:s1+$0x80];
	v3 =	vpop (erf);
	[tilespmem:s29+$0x40] =	vst v4;
	v6 =	vmul.f32 v10, v2  }
0x13b: {  	[tilespmem:s15+$0xFFFFFFF0] =	vst v3;
	v4 =	vperm.xlane v3, v1;
	v19 =	vld [tilespmem:s1+$0x90];
	v7 =	vmul.f32 v13, v2  }
0x13c: {  	v14 =	vperm.xlane v14, v1;
	v13 =	vld [tilespmem:s1+$0xFFFFFF80];
	v3 =	vpop (erf);
	[tilespmem:s29+$0x50] =	vst v12;
	v8 =	vmul.f32 v9, v2  }
0x13d: {  	v12 =	vld [tilespmem:s1+$0xFFFFFF90];
	[tilespmem:s15+$0x0] =	vst v3;
	v3 =	vperm.xlane v3, v1;
	v10 =	vpop (erf);
	v9 =	vmul.f32 v11, v2  }
0x13e: {  	v2 =	vmov v14;
	[tilespmem:s15+$0xFFFFFFE0] =	vst v10;
	v10 =	vperm.xlane v10, v1;
	v20 =	vld [tilespmem:s1+$0xFFFFFFA0];
	v17 =	vmul.f32 v17, v14  }
0x13f: {  	v14 =	vld [tilespmem:s1+$0xFFFFFF00];
	v18 =	vmul.f32 v18, v2;
	[tilespmem:s29+$0x60] =	vst v15  }
0x140: {  	v15 =	vld [tilespmem:s1+$0xFFFFFF10];
	v11 =	vmul.f32 v19, v2;
	[tilespmem:s1+$0xF0] =	vst v17  }
0x141: {  	v17 =	vld [tilespmem:s1+$0xFFFFFF20];
	v13 =	vmul.f32 v13, v4;
	[tilespmem:s29+$0x70] =	vst v16  }
0x142: {  	v16 =	vld [tilespmem:s1+$0xFFFFFF30];
	v12 =	vmul.f32 v12, v4;
	[tilespmem:s1+$0x80] =	vst v18  }
0x143: {  	v19 =	vld [tilespmem:s1+$0xFFFFFF40];
	[tilespmem:s1+$0xFFFFFF80] =	vst v13;
	v18 =	vmul.f32 v20, v4  }
.Ltmp1:
0x144: {  	v14 =	vmul.f32 v14, v10;
	v13 =	vld [tilespmem:s1+$0xFFFFFF50];
	[tilespmem:s1+$0xFFFFFF90] =	vst v12;
	(pc) =	sbr.rel @p0 .LBB2_5-.Ltmp1, $4  }
0x145: {  	v15 =	vmul.f32 v15, v10;
	v12 =	vld [tilespmem:s1+$0xFFFFFF60];
	[tilespmem:s1+$0xFFFFFFA0] =	vst v18  }
0x146: {  	[tilespmem:s1+$0xFFFFFF00] =	vst v14;
	v17 =	vmul.f32 v17, v10;
	v14 =	vld [tilespmem:s1+$0xFFFFFF70]  }
0x147: {  	[tilespmem:s1+$0xFFFFFF10] =	vst v15;
	v18 =	vmul.f32 v16, v10;
	v15 =	vld [tilespmem:s1+$0xFFFFFFB0]  }
0x148: {  	s11 =	sadd.s32 $0x40, s11;
	[tilespmem:s1+$0xFFFFFF20] =	vst v17;
	v17 =	vmul.f32 v19, v10;
	v16 =	vld [tilespmem:s1+$0xFFFFFFC0]  }
0x149: {  	[tilespmem:s1+$0xFFFFFF30] =	vst v18  }
0x14a: {  	[tilespmem:s1+$0x90] =	vst v11  }
0x14b: {  	[tilespmem:s29+$0xA0] =	vst v5  }
0x14c: {  	[tilespmem:s29+$0xB0] =	vst v6  }
0x14d: {  	[tilespmem:s29+$0xC0] =	vst v7  }
0x14e: {  	v13 =	vmul.f32 v13, v10;
	v5 =	vld [tilespmem:s1+$0x0];
	[tilespmem:s29+$0xD0] =	vst v8  }
0x14f: {  	v11 =	vld [tilespmem:s1+$0xFFFFFFF0];
	[tilespmem:s29+$0xE0] =	vst v9;
	v12 =	vmul.f32 v12, v10;
	v10 =	vmul.f32 v14, v10  }
0x150: {  	v7 =	vld [tilespmem:s1+$0x20];
	[tilespmem:s1+$0xFFFFFF40] =	vst v17  }
0x151: {  	[tilespmem:s1+$0xFFFFFF70] =	vst v10;
	v10 =	vld [tilespmem:s1+$0xFFFFFFE0]  }
0x152: {  	v15 =	vmul.f32 v15, v4;
	[tilespmem:s1+$0xFFFFFF60] =	vst v12;
	v12 =	vld [tilespmem:s1+$0xFFFFFFD0]  }
0x153: {  	v8 =	vld [tilespmem:s1+$0x30];
	[tilespmem:s1+$0xFFFFFF50] =	vst v13;
	v5 =	vmul.f32 v5, v3  }
0x154: {  	v6 =	vld [tilespmem:s1+$0x10];
	v13 =	vmul.f32 v16, v4;
	[tilespmem:s1+$0xFFFFFFB0] =	vst v15  }
0x155: {  	[tilespmem:s1+$0x0] =	vst v5;
	v5 =	vmul.f32 v7, v3  }
0x156: {  	[tilespmem:s1+$0xFFFFFFC0] =	vst v13;
	v13 =	vld [tilespmem:s1+$0x50];
	v9 =	vmul.f32 v10, v4  }
0x157: {  	v12 =	vmul.f32 v12, v4;
	v10 =	vld [tilespmem:s1+$0x40];
	v4 =	vmul.f32 v11, v4;
	[tilespmem:s1+$0x20] =	vst v5  }
0x158: {  	v7 =	vmul.f32 v8, v3;
	v11 =	vld [tilespmem:s1+$0x60];
	[tilespmem:s1+$0xFFFFFFE0] =	vst v9  }
0x159: {  	v9 =	vld [tilespmem:s1+$0x70];
	[tilespmem:s1+$0xFFFFFFF0] =	vst v4;
	v4 =	vmul.f32 v6, v3  }
0x15a: {  	[tilespmem:s1+$0x30] =	vst v7;
	v6 =	vld [tilespmem:s1+$0xA0]  }
0x15b: {  	v5 =	vmul.f32 v13, v3;
	[tilespmem:s1+$0x10] =	vst v4;
	v4 =	vld [tilespmem:s1+$0xB0]  }
0x15c: {  	[tilespmem:s1+$0xFFFFFFD0] =	vst v12;
	v8 =	vmul.f32 v10, v3;
	v10 =	vld [tilespmem:s1+$0xC0]  }
0x15d: {  	[tilespmem:s1+$0x50] =	vst v5;
	v7 =	vmul.f32 v11, v3;
	v11 =	vld [tilespmem:s1+$0xD0]  }
0x15e: {  	[tilespmem:s1+$0x40] =	vst v8;
	v3 =	vmul.f32 v9, v3;
	v8 =	vld [tilespmem:s1+$0xE0]  }
0x15f: {  	v5 =	vmul.f32 v6, v2;
	[tilespmem:s1+$0x60] =	vst v7  }
0x160: {  	v4 =	vmul.f32 v4, v2;
	[tilespmem:s1+$0x70] =	vst v3  }
0x161: {  	[tilespmem:s1+$0xA0] =	vst v5;
	v3 =	vmul.f32 v10, v2  }
0x162: {  	v5 =	vmul.f32 v11, v2;
	[tilespmem:s1+$0xB0] =	vst v4  }
0x163: {  	v2 =	vmul.f32 v8, v2;
	[tilespmem:s1+$0xC0] =	vst v3  }
0x164: {  	[tilespmem:s1+$0xD0] =	vst v5  }
0x165: {  	[tilespmem:s1+$0xE0] =	vst v2  }
0x166: {  	[spmem:s3] =	stream.indirect.scatter.add.f32 [tilespmem:s14], [sflag:$0x3], $0x10, s16, s17, $0xb8;
	[tilespmem:$0x1DCE0] =	vst v63  }
0x167: {  	_ =	swait.ge [sflag:s13], $0x580  }
0x168: {  	[sflag:s13] =	ssyncset.done $0x0  }
0x169: {  	[sflag:s13] =	ssyncadd.s32 $0xFFFFFA80  }
0x16a: {  	[spmem:s2] =	stream.indirect.scatter.add.f32 [tilespmem:s12], [sflag:$0x3], $0x80, s16, s17, $0xb8;
	[tilespmem:$0x1DCE0] =	vst v63  }
0x16b: {  	_ =	swait.ge [sflag:s13], $0x2C00  }
0x16c: {  	[sflag:s13] =	ssyncset.done $0x0  }
0x16d: {  	[sflag:s13] =	ssyncadd.s32 $0xFFFFD400  }
0x16e: {  	_ =	swait.ge [sflag:s24], $0x2C00  }
0x16f: {  	[sflag:s24] =	ssyncset.done $0x0  }
0x170: {  	[sflag:s24] =	ssyncadd.s32 $0xFFFFD400  }
0x171: {  	_ =	swait.ge [sflag:s24], $0x580  }
0x172: {  	p0 =	seq.s32 s26, $0x3A;
	[sflag:s24] =	ssyncset.done $0x0  }
0x173: {  	s0 =	sadd.s32 @!p0 s28, s31;
	[sflag:s24] =	ssyncadd.s32 $0xFFFFFA80  }
0x174: {  	s0 =	smul.u32 @!p0 $0xB, s0;
	_ =	swait.ge [sflag:s24], $0x580  }
0x175: {  	s10 =	simm.s32 @!p0 $0x0;
	[sflag:s24] =	ssyncset.done $0x0  }
0x176: {  	s11 =	simm.s32 @!p0 $0x16800;
	s1 =	sadd.s32 @!p0 s5, s0;
	[sflag:s24] =	ssyncadd.s32 $0xFFFFFA80  }
0x177: {  	[tilespmem:s11], [sflag:$0x3] =	stream.linear.gather @!p0 [hbm4b:s1+s10], $0x58, $0x38;
	[tilespmem:$0x1DCE0] =	vst v63  }
0x178: {  	s1 =	simm.s32 @!p0 $0x3  }
0x179: {  	_ =	swait.ge @!p0 [sflag:s1], $0x58  }
0x17a: {  	[sflag:s1] =	ssyncset.done @!p0 $0x0  }
0x17b: {  	s15 =	simm.s32 @!p0 $0x168B0;
	s0 =	sadd.s32 @!p0 s6, s0;
	[sflag:s1] =	ssyncadd.s32 @!p0 $0xFFFFFFA8  }
0x17c: {  	[tilespmem:s15], [sflag:$0x3] =	stream.linear.gather @!p0 [hbm4b:s0+s10], $0x58, $0x38;
	[tilespmem:$0x1DCE0] =	vst v63  }
0x17d: {  	_ =	swait.ge @!p0 [sflag:s1], $0x58  }
0x17e: {  	[sflag:s1] =	ssyncset.done @!p0 $0x0  }
0x17f: {  	s0 =	simm.s32 @!p0 $0x58;
	[sflag:s1] =	ssyncadd.s32 @!p0 $0xFFFFFFA8;
	s1 =	simm.s32 @!p0 $0x16960  }
0x180: {  	[tilespmem:s1], [sflag:$0x1] =	stream.indirect.gather @!p0 [hbm4b:s7+s0], $0x80, s11, s0, $0xb8;
	[tilespmem:$0x1DCE0] =	vst v63  }
0x181: {  	s1 =	simm.s32 @!p0 $0x1C160  }
0x182: {  	[tilespmem:s1], [sflag:$0x1] =	stream.indirect.gather @!p0 [hbm4b:s8+s0], $0x10, s11, s0, $0xb8;
	[tilespmem:$0x1DCE0] =	vst v63  }
0x183: {  	s10 =	simm.s32 $0x1C700;
	s1 =	simm.s32 @!p0 $0x1CC60  }
0x184: {  	[tilespmem:s1], [sflag:$0x1] =	stream.indirect.gather @!p0 [hbm4b:s9+s0], $0x10, s15, s0, $0xb8;
	[tilespmem:$0x1DCE0] =	vst v63  }
0x185: {  	s11 =	simm.s32 $0x1D200;
	v2 =	vld [tilespmem:s10+$0x10]  }
0x186: {  	v3 =	vld [tilespmem:s11+$0x10]  }
0x187: {  	v5 =	vld [tilespmem:s10+$0xFFFFFFF0]  }
0x188: {  	v6 =	vld [tilespmem:s11+$0xFFFFFFF0]  }
0x189: {  	v4 =	vld [tilespmem:s11+$0xFFFFFFE0]  }
0x18a: {  	v7 =	vld [tilespmem:s10+$0x0]  }
0x18b: {  	v8 =	vld [tilespmem:s11+$0x0]  }
0x18c: {  	v2 =	vadd.f32 v3, v2;
	v3 =	vld [tilespmem:s10+$0xFFFFFFE0]  }
0x18d: {  	v5 =	vadd.f32 v6, v5  }
0x18e: {  	v9 =	vmul.f32 $2.000000030e-01, v2  }
0x18f: {  	v6 =	vmul.f32 $2.000000030e-01, v5  }
0x190: {  	v7 =	vadd.f32 v8, v7;
	v2 =	vmax.f32 v2, v9  }
0x191: {  	v2 =	vmul.f32 $1.442695020e+00, v2;
	v3 =	vadd.f32 v4, v3;
	v4 =	vmax.f32 v5, v6  }
0x192: {  	v4 =	vmul.f32 $1.442695020e+00, v4  }
0x193: {  	v5 =	vmul.f32 $2.000000030e-01, v7;
	(erf) = vpow2.f32 v2  }
0x194: {  	v2 =	vmul.f32 $2.000000030e-01, v3;
	(erf) = vpow2.f32 v4  }
0x195: {  	v5 =	vmax.f32 v7, v5  }
0x196: {  	v2 =	vmax.f32 v3, v2;
	v3 =	vmul.f32 $1.442695020e+00, v5  }
0x197: {  	s29 =	simm.s32 $0x1C740;
	v2 =	vmul.f32 $1.442695020e+00, v2  }
0x198: {  	s0 =	simm.s32 $0x1D240;
	v18 =	vld [tilespmem:s29+$0x10];
	(erf) = vpow2.f32 v3  }
0x199: {  	v19 =	vld [tilespmem:s0+$0x10];
	(erf) = vpow2.f32 v2  }
0x19a: {  	v20 =	vld [tilespmem:s0+$0xFFFFFFE0]  }
0x19b: {  	v21 =	vld [tilespmem:s29+$0xFFFFFFF0]  }
0x19c: {  	s15 =	simm.s32 $0x1D780;
	v23 =	vld [tilespmem:s0+$0xFFFFFFF0];
	v2 =	vpop (erf)  }
0x19d: {  	s28 =	simm.s32 $0x19660;
	v58 =	vld [tilespmem:s0+$0x0];
	[tilespmem:s15+$0x10] =	vst v2;
	v4 =	vpop (erf)  }
0x19e: {  	v3 =	vld [tilespmem:s28+$0xF0];
	[tilespmem:s15+$0xFFFFFFF0] =	vst v4  }
0x19f: {  	v10 =	vld [tilespmem:s28+$0xFFFFFFA0]  }
0x1a0: {  	v5 =	vld [tilespmem:s28+$0x80]  }
0x1a1: {  	v18 =	vadd.f32 v19, v18;
	v8 =	vld [tilespmem:s28+$0xFFFFFF90];
	v7 =	vpop (erf)  }
0x1a2: {  	v4 =	vperm.xlane v4, v1;
	v6 =	vld [tilespmem:s28+$0xFFFFFF80];
	v9 =	vpop (erf);
	[tilespmem:s15+$0x0] =	vst v7  }
0x1a3: {  	v17 =	vld [tilespmem:s28+$0xFFFFFFC0];
	v19 =	vperm.xlane v7, v1;
	v7 =	vmul.f32 $2.000000030e-01, v18;
	[tilespmem:s15+$0xFFFFFFE0] =	vst v9  }
0x1a4: {  	v14 =	vperm.xlane v9, v1;
	v11 =	vld [tilespmem:s28+$0xFFFFFF00];
	v9 =	vmul.f32 v10, v4  }
0x1a5: {  	v12 =	vld [tilespmem:s28+$0xFFFFFF10]  }
0x1a6: {  	v7 =	vmax.f32 v18, v7;
	v8 =	vmul.f32 v8, v4;
	[tilespmem:s28+$0xFFFFFFA0] =	vst v9;
	v9 =	vld [tilespmem:s28+$0xFFFFFFB0]  }
0x1a7: {  	v13 =	vld [tilespmem:s28+$0xFFFFFF20];
	v7 =	vmul.f32 $1.442695020e+00, v7  }
0x1a8: {  	v6 =	vmul.f32 v6, v4;
	[tilespmem:s28+$0xFFFFFF90] =	vst v8;
	v8 =	vld [tilespmem:s28+$0xFFFFFF60]  }
0x1a9: {  	(erf) = vpow2.f32 v7;
	v7 =	vld [tilespmem:s28+$0x20]  }
0x1aa: {  	v15 =	vld [tilespmem:s28+$0xFFFFFF30];
	[tilespmem:s28+$0xFFFFFF80] =	vst v6;
	v6 =	vmul.f32 v11, v14  }
0x1ab: {  	v10 =	vld [tilespmem:s28+$0x90];
	v22 =	vmul.f32 v9, v4  }
0x1ac: {  	v11 =	vld [tilespmem:s28+$0xFFFFFF50];
	[tilespmem:s28+$0xFFFFFF00] =	vst v6;
	v9 =	vperm.xlane v2, v1;
	v2 =	vmul.f32 v17, v4  }
0x1ad: {  	v17 =	vld [tilespmem:s29+$0x0];
	v8 =	vmul.f32 v8, v14;
	[tilespmem:s28+$0xFFFFFFB0] =	vst v22  }
0x1ae: {  	v7 =	vmul.f32 v7, v19;
	[tilespmem:s28+$0xFFFFFFC0] =	vst v2;
	v2 =	vld [tilespmem:s29+$0xFFFFFFE0]  }
0x1af: {  	v16 =	vld [tilespmem:s28+$0xFFFFFF40];
	v3 =	vmul.f32 v3, v9;
	[tilespmem:s28+$0xFFFFFF60] =	vst v8  }
0x1b0: {  	v6 =	vld [tilespmem:s28+$0xFFFFFF70];
	v5 =	vmul.f32 v5, v9;
	[tilespmem:s28+$0x20] =	vst v7  }
0x1b1: {  	v59 =	vld [tilespmem:s28+$0xFFFFFFE0];
	[tilespmem:s28+$0xF0] =	vst v3;
	v3 =	vmul.f32 v12, v14;
	v12 =	vmul.f32 v13, v14;
	v13 =	vadd.f32 v23, v21  }
0x1b2: {  	v24 =	vld [tilespmem:s28+$0xFFFFFFD0];
	v11 =	vmul.f32 v11, v14;
	[tilespmem:s28+$0x80] =	vst v5;
	v5 =	vmul.f32 v15, v14;
	v17 =	vadd.f32 v58, v17  }
0x1b3: {  	v18 =	vld [tilespmem:s28+$0x0];
	v10 =	vmul.f32 v10, v9;
	[tilespmem:s28+$0xFFFFFF10] =	vst v3;
	v3 =	vmul.f32 $2.000000030e-01, v13;
	v2 =	vadd.f32 v20, v2  }
0x1b4: {  	v8 =	vld [tilespmem:s28+$0x60];
	v15 =	vmul.f32 v16, v14;
	[tilespmem:s28+$0xFFFFFF30] =	vst v5;
	v5 =	vmul.f32 $2.000000030e-01, v17  }
0x1b5: {  	v16 =	vld [tilespmem:s28+$0xFFFFFFF0];
	[tilespmem:s28+$0xFFFFFF50] =	vst v11;
	v6 =	vmul.f32 v6, v14;
	v3 =	vmax.f32 v13, v3;
	v13 =	vmul.f32 $2.000000030e-01, v2  }
0x1b6: {  	v11 =	vld [tilespmem:s28+$0x40];
	[tilespmem:s28+$0x90] =	vst v10;
	v10 =	vmul.f32 v59, v4;
	v3 =	vmul.f32 $1.442695020e+00, v3;
	v5 =	vmax.f32 v17, v5  }
0x1b7: {  	v14 =	vld [tilespmem:s28+$0xB0];
	[tilespmem:s28+$0xFFFFFF70] =	vst v6;
	v6 =	vmul.f32 v24, v4;
	v5 =	vmul.f32 $1.442695020e+00, v5;
	v2 =	vmax.f32 v2, v13  }
0x1b8: {  	[tilespmem:s28+$0xFFFFFF20] =	vst v12;
	v12 =	vld [tilespmem:s28+$0x10];
	(erf) = vpow2.f32 v3;
	v2 =	vmul.f32 $1.442695020e+00, v2  }
0x1b9: {  	[tilespmem:s28+$0xFFFFFF40] =	vst v15;
	v15 =	vld [tilespmem:s28+$0x30];
	v8 =	vmul.f32 v8, v19;
	(erf) = vpow2.f32 v5  }
0x1ba: {  	[tilespmem:s28+$0xFFFFFFD0] =	vst v6;
	v6 =	vld [tilespmem:s28+$0xA0];
	(erf) = vpow2.f32 v2;
	v2 =	vmul.f32 v18, v19  }
0x1bb: {  	[tilespmem:s28+$0xFFFFFFE0] =	vst v10;
	v4 =	vmul.f32 v16, v4;
	v16 =	vld [tilespmem:s28+$0xC0]  }
0x1bc: {  	v17 =	vld [tilespmem:s28+$0xD0];
	[tilespmem:s28+$0x60] =	vst v8  }
0x1bd: {  	v3 =	vld [tilespmem:s28+$0x50];
	[tilespmem:s28+$0xFFFFFFF0] =	vst v4  }
0x1be: {  	s15 =	simm.s32 $0x1D7C0;
	v4 =	vmul.f32 v12, v19;
	v5 =	vld [tilespmem:s28+$0x70];
	[tilespmem:s28+$0x0] =	vst v2;
	v2 =	vpop (erf)  }
0x1bf: {  	s1 =	simm.s32 $0x19860;
	v11 =	vmul.f32 v11, v19;
	v18 =	vld [tilespmem:s28+$0xE0];
	[tilespmem:s15+$0x10] =	vst v2  }
0x1c0: {  	v10 =	vmul.f32 v15, v19;
	[tilespmem:s28+$0x10] =	vst v4;
	v4 =	vld [tilespmem:s1+$0xF0]  }
0x1c1: {  	[tilespmem:s28+$0x40] =	vst v11;
	v7 =	vld [tilespmem:s1+$0x80];
	v12 =	vpop (erf)  }
0x1c2: {  	v3 =	vmul.f32 v3, v19;
	v15 =	vld [tilespmem:s1+$0x90];
	[tilespmem:s15+$0xFFFFFFF0] =	vst v12  }
0x1c3: {  	[tilespmem:s28+$0x30] =	vst v10;
	v20 =	vpop (erf);
	v13 =	vld [tilespmem:s1+$0xFFFFFF80]  }
0x1c4: {  	v5 =	vmul.f32 v5, v19;
	[tilespmem:s28+$0x50] =	vst v3;
	v2 =	vperm.xlane v2, v1;
	v11 =	vld [tilespmem:s1+$0xFFFFFF90];
	v10 =	vpop (erf)  }
0x1c5: {  	v60 =	vld [tilespmem:s1+$0xFFFFFFA0];
	[tilespmem:s15+$0xFFFFFFE0] =	vst v10  }
0x1c6: {  	[tilespmem:s28+$0x70] =	vst v5;
	v3 =	vmul.f32 v4, v2;
	v61 =	vld [tilespmem:s1+$0xFFFFFF00];
	v4 =	vperm.xlane v12, v1  }
0x1c7: {  	[tilespmem:s15+$0x0] =	vst v20;
	v19 =	vld [tilespmem:s1+$0xFFFFFF10];
	v7 =	vmul.f32 v7, v2  }
0x1c8: {  	v5 =	vmul.f32 v6, v9;
	v62 =	vld [tilespmem:s1+$0xFFFFFF20];
	[tilespmem:s1+$0xF0] =	vst v3;
	v3 =	vmul.f32 v13, v4  }
0x1c9: {  	v10 =	vperm.xlane v10, v1;
	v63 =	vld [tilespmem:s1+$0xFFFFFF30];
	v8 =	vmul.f32 v11, v4;
	[tilespmem:s1+$0x80] =	vst v7  }
0x1ca: {  	v6 =	vmul.f32 v14, v9;
	v25 =	vld [tilespmem:s1+$0xFFFFFF40];
	v11 =	vmul.f32 v60, v4;
	[tilespmem:s1+$0xFFFFFF80] =	vst v3  }
0x1cb: {  	v13 =	vld [tilespmem:s1+$0xFFFFFF50];
	v7 =	vmul.f32 v16, v9;
	[tilespmem:s1+$0xFFFFFF90] =	vst v8;
	v3 =	vmul.f32 v61, v10  }
0x1cc: {  	v12 =	vld [tilespmem:s1+$0xFFFFFF60];
	v8 =	vmul.f32 v17, v9;
	[tilespmem:s1+$0xFFFFFFA0] =	vst v11;
	v16 =	vmul.f32 v19, v10  }
0x1cd: {  	v14 =	vld [tilespmem:s1+$0xFFFFFF70];
	v9 =	vmul.f32 v18, v9;
	v17 =	vmul.f32 v62, v10;
	[tilespmem:s1+$0xFFFFFF00] =	vst v3  }
0x1ce: {  	v11 =	vmul.f32 v15, v2;
	v15 =	vld [tilespmem:s1+$0xFFFFFFB0];
	v18 =	vmul.f32 v63, v10;
	[tilespmem:s1+$0xFFFFFF10] =	vst v16  }
0x1cf: {  	s11 =	simm.s32 $0x1C780;
	s10 =	simm.s32 $0x4;
	v3 =	vperm.xlane v20, v1;
	[tilespmem:s1+$0xFFFFFF20] =	vst v17;
	v17 =	vmul.f32 v25, v10;
	v16 =	vld [tilespmem:s1+$0xFFFFFFC0]  }
.LBB2_7:
0x1d0: {  	v19 =	vld [tilespmem:s11+$0x10];
	[tilespmem:s1+$0xFFFFFF30] =	vst v18;
	v13 =	vmul.f32 v13, v10;
	s0 =	sadd.s32 $0x40, s0  }
0x1d1: {  	s10 =	sadd.s32 $0x4, s10;
	v18 =	vld [tilespmem:s0+$0x10];
	[tilespmem:s1+$0xFFFFFF40] =	vst v17;
	v12 =	vmul.f32 v12, v10  }
0x1d2: {  	p0 =	slt.u32 s10, $0x54;
	v17 =	vld [tilespmem:s0+$0xFFFFFFE0];
	[tilespmem:s1+$0xFFFFFF50] =	vst v13;
	v10 =	vmul.f32 v14, v10  }
0x1d3: {  	v13 =	vld [tilespmem:s11+$0xFFFFFFF0];
	[tilespmem:s1+$0xFFFFFF60] =	vst v12;
	v12 =	vmul.f32 v15, v4  }
0x1d4: {  	v14 =	vld [tilespmem:s0+$0xFFFFFFF0];
	[tilespmem:s1+$0xFFFFFF70] =	vst v10;
	v10 =	vmul.f32 v16, v4  }
0x1d5: {  	v15 =	vld [tilespmem:s11+$0x0];
	[tilespmem:s1+$0xFFFFFFB0] =	vst v12  }
0x1d6: {  	v12 =	vld [tilespmem:s0+$0x0];
	v16 =	vadd.f32 v18, v19;
	[tilespmem:s1+$0xFFFFFFC0] =	vst v10  }
0x1d7: {  	v10 =	vld [tilespmem:s11+$0xFFFFFFE0];
	[tilespmem:s1+$0x90] =	vst v11  }
0x1d8: {  	v11 =	vmul.f32 $2.000000030e-01, v16;
	v18 =	vld [tilespmem:s1+$0xFFFFFFD0];
	[tilespmem:s28+$0xA0] =	vst v5  }
0x1d9: {  	v5 =	vadd.f32 v14, v13;
	v13 =	vld [tilespmem:s1+$0xFFFFFFE0];
	[tilespmem:s28+$0xB0] =	vst v6  }
0x1da: {  	v6 =	vmax.f32 v16, v11;
	v11 =	vld [tilespmem:s1+$0xFFFFFFF0];
	[tilespmem:s28+$0xC0] =	vst v7  }
0x1db: {  	v7 =	vmul.f32 $2.000000030e-01, v5;
	v12 =	vadd.f32 v12, v15;
	v6 =	vmul.f32 $1.442695020e+00, v6;
	v14 =	vld [tilespmem:s1+$0x0];
	[tilespmem:s28+$0xD0] =	vst v8  }
0x1dc: {  	v8 =	vadd.f32 v17, v10;
	v10 =	vld [tilespmem:s1+$0x10];
	[tilespmem:s28+$0xE0] =	vst v9;
	s28 =	smov.u32 s1  }
0x1dd: {  	v5 =	vmax.f32 v5, v7;
	v7 =	vmul.f32 $2.000000030e-01, v12;
	(erf) = vpow2.f32 v6;
	v6 =	vld [tilespmem:s1+$0x20]  }
0x1de: {  	v9 =	vmul.f32 $2.000000030e-01, v8;
	v5 =	vmul.f32 $1.442695020e+00, v5;
	v15 =	vld [tilespmem:s1+$0x30]  }
0x1df: {  	v13 =	vmul.f32 v13, v4;
	v7 =	vmax.f32 v12, v7;
	v12 =	vmul.f32 v18, v4;
	v16 =	vld [tilespmem:s1+$0x40]  }
0x1e0: {  	v8 =	vmax.f32 v8, v9;
	v7 =	vmul.f32 $1.442695020e+00, v7;
	(erf) = vpow2.f32 v5;
	v5 =	vld [tilespmem:s1+$0x50]  }
0x1e1: {  	v4 =	vmul.f32 v11, v4;
	v8 =	vmul.f32 $1.442695020e+00, v8;
	[tilespmem:s1+$0xFFFFFFD0] =	vst v12;
	v9 =	vld [tilespmem:s1+$0x60]  }
0x1e2: {  	(erf) = vpow2.f32 v7;
	[tilespmem:s1+$0xFFFFFFE0] =	vst v13;
	v7 =	vmul.f32 v14, v3;
	v11 =	vld [tilespmem:s1+$0x70]  }
0x1e3: {  	(erf) = vpow2.f32 v8;
	[tilespmem:s1+$0xFFFFFFF0] =	vst v4;
	v4 =	vmul.f32 v10, v3;
	v8 =	vld [tilespmem:s1+$0xA0]  }
0x1e4: {  	v6 =	vmul.f32 v6, v3;
	[tilespmem:s1+$0x0] =	vst v7;
	v7 =	vmul.f32 v15, v3;
	v10 =	vld [tilespmem:s1+$0xB0]  }
0x1e5: {  	[tilespmem:s1+$0x10] =	vst v4;
	v4 =	vmul.f32 v16, v3;
	v12 =	vmul.f32 v5, v3;
	v13 =	vld [tilespmem:s1+$0xC0]  }
0x1e6: {  	s15 =	sadd.s32 $0x40, s15;
	v14 =	vpop (erf);
	[tilespmem:s1+$0x20] =	vst v6;
	v15 =	vmul.f32 v9, v3;
	v9 =	vld [tilespmem:s1+$0xD0]  }
0x1e7: {  	s1 =	sadd.s32 $0x200, s1;
	[tilespmem:s15+$0x10] =	vst v14;
	v16 =	vmul.f32 v11, v3;
	v11 =	vld [tilespmem:s28+$0xE0]  }
0x1e8: {  	v17 =	vld [tilespmem:s1+$0xF0];
	[tilespmem:s28+$0x30] =	vst v7;
	v5 =	vmul.f32 v8, v2  }
0x1e9: {  	v18 =	vld [tilespmem:s1+$0x80];
	v3 =	vpop (erf);
	[tilespmem:s28+$0x40] =	vst v4;
	v6 =	vmul.f32 v10, v2  }
0x1ea: {  	[tilespmem:s15+$0xFFFFFFF0] =	vst v3;
	v4 =	vperm.xlane v3, v1;
	v19 =	vld [tilespmem:s1+$0x90];
	v7 =	vmul.f32 v13, v2  }
0x1eb: {  	v14 =	vperm.xlane v14, v1;
	v13 =	vld [tilespmem:s1+$0xFFFFFF80];
	v3 =	vpop (erf);
	[tilespmem:s28+$0x50] =	vst v12;
	v8 =	vmul.f32 v9, v2  }
0x1ec: {  	v12 =	vld [tilespmem:s1+$0xFFFFFF90];
	[tilespmem:s15+$0x0] =	vst v3;
	v3 =	vperm.xlane v3, v1;
	v10 =	vpop (erf);
	v9 =	vmul.f32 v11, v2  }
0x1ed: {  	v2 =	vmov v14;
	[tilespmem:s15+$0xFFFFFFE0] =	vst v10;
	v10 =	vperm.xlane v10, v1;
	v20 =	vld [tilespmem:s1+$0xFFFFFFA0];
	v17 =	vmul.f32 v17, v14  }
0x1ee: {  	v14 =	vld [tilespmem:s1+$0xFFFFFF00];
	v18 =	vmul.f32 v18, v2;
	[tilespmem:s28+$0x60] =	vst v15  }
0x1ef: {  	v15 =	vld [tilespmem:s1+$0xFFFFFF10];
	v11 =	vmul.f32 v19, v2;
	[tilespmem:s1+$0xF0] =	vst v17  }
0x1f0: {  	v17 =	vld [tilespmem:s1+$0xFFFFFF20];
	v13 =	vmul.f32 v13, v4;
	[tilespmem:s28+$0x70] =	vst v16  }
0x1f1: {  	v16 =	vld [tilespmem:s1+$0xFFFFFF30];
	v12 =	vmul.f32 v12, v4;
	[tilespmem:s1+$0x80] =	vst v18  }
0x1f2: {  	v19 =	vld [tilespmem:s1+$0xFFFFFF40];
	[tilespmem:s1+$0xFFFFFF80] =	vst v13;
	v18 =	vmul.f32 v20, v4  }
.Ltmp2:
0x1f3: {  	v14 =	vmul.f32 v14, v10;
	v13 =	vld [tilespmem:s1+$0xFFFFFF50];
	[tilespmem:s1+$0xFFFFFF90] =	vst v12;
	(pc) =	sbr.rel @p0 .LBB2_7-.Ltmp2, $4  }
0x1f4: {  	v15 =	vmul.f32 v15, v10;
	v12 =	vld [tilespmem:s1+$0xFFFFFF60];
	[tilespmem:s1+$0xFFFFFFA0] =	vst v18  }
0x1f5: {  	[tilespmem:s1+$0xFFFFFF00] =	vst v14;
	v17 =	vmul.f32 v17, v10;
	v14 =	vld [tilespmem:s1+$0xFFFFFF70]  }
0x1f6: {  	[tilespmem:s1+$0xFFFFFF10] =	vst v15;
	v18 =	vmul.f32 v16, v10;
	v15 =	vld [tilespmem:s1+$0xFFFFFFB0]  }
0x1f7: {  	s11 =	sadd.s32 $0x40, s11;
	[tilespmem:s1+$0xFFFFFF20] =	vst v17;
	v17 =	vmul.f32 v19, v10;
	v16 =	vld [tilespmem:s1+$0xFFFFFFC0]  }
0x1f8: {  	[tilespmem:s1+$0xFFFFFF30] =	vst v18  }
0x1f9: {  	[tilespmem:s1+$0x90] =	vst v11  }
0x1fa: {  	[tilespmem:s28+$0xA0] =	vst v5  }
0x1fb: {  	[tilespmem:s28+$0xB0] =	vst v6  }
0x1fc: {  	[tilespmem:s28+$0xC0] =	vst v7  }
0x1fd: {  	[tilespmem:s28+$0xD0] =	vst v8  }
0x1fe: {  	v13 =	vmul.f32 v13, v10;
	v38 =	vld [tilespmem:s1+$0xFFFFFFD0];
	[tilespmem:s28+$0xE0] =	vst v9  }
0x1ff: {  	v39 =	vld [tilespmem:s1+$0xFFFFFFE0];
	[tilespmem:s1+$0xFFFFFF40] =	vst v17;
	v12 =	vmul.f32 v12, v10  }
0x200: {  	v40 =	vld [tilespmem:s1+$0xFFFFFFF0];
	[tilespmem:s1+$0xFFFFFF50] =	vst v13;
	v37 =	vmul.f32 v14, v10  }
0x201: {  	v41 =	vld [tilespmem:s1+$0x0];
	v15 =	vmul.f32 v15, v4;
	[tilespmem:s1+$0xFFFFFF60] =	vst v12  }
0x202: {  	v42 =	vld [tilespmem:s1+$0x10];
	v36 =	vmul.f32 v16, v4;
	[tilespmem:s1+$0xFFFFFF70] =	vst v37  }
0x203: {  	v43 =	vld [tilespmem:s1+$0x20];
	[tilespmem:s1+$0xFFFFFFB0] =	vst v15;
	v12 =	vmul.f32 v38, v4  }
0x204: {  	v44 =	vld [tilespmem:s1+$0x30];
	v45 =	vmul.f32 v39, v4;
	[tilespmem:s1+$0xFFFFFFC0] =	vst v36  }
0x205: {  	v46 =	vld [tilespmem:s1+$0x40];
	v48 =	vmul.f32 v40, v4;
	[tilespmem:s1+$0xFFFFFFD0] =	vst v12  }
0x206: {  	v47 =	vld [tilespmem:s1+$0x50];
	v5 =	vmul.f32 v41, v3;
	[tilespmem:s1+$0xFFFFFFE0] =	vst v45  }
0x207: {  	v49 =	vld [tilespmem:s1+$0x60];
	v51 =	vmul.f32 v42, v3;
	[tilespmem:s1+$0xFFFFFFF0] =	vst v48  }
0x208: {  	v50 =	vld [tilespmem:s1+$0x70];
	v52 =	vmul.f32 v43, v3;
	[tilespmem:s1+$0x0] =	vst v5  }
0x209: {  	v53 =	vld [tilespmem:s1+$0xA0];
	v54 =	vmul.f32 v44, v3;
	[tilespmem:s1+$0x10] =	vst v51  }
0x20a: {  	v55 =	vld [tilespmem:s1+$0xB0];
	v56 =	vmul.f32 v46, v3;
	[tilespmem:s1+$0x20] =	vst v52  }
0x20b: {  	v60 =	vld [tilespmem:s1+$0xD0];
	v57 =	vmul.f32 v47, v3;
	[tilespmem:s1+$0x30] =	vst v54  }
0x20c: {  	v58 =	vld [tilespmem:s1+$0xC0];
	v59 =	vmul.f32 v49, v3;
	[tilespmem:s1+$0x40] =	vst v56  }
0x20d: {  	v61 =	vld [tilespmem:s1+$0xE0];
	v3 =	vmul.f32 v50, v3;
	[tilespmem:s1+$0x50] =	vst v57  }
0x20e: {  	v62 =	vmul.f32 v53, v2;
	[tilespmem:s1+$0x60] =	vst v59  }
0x20f: {  	v4 =	vmul.f32 v55, v2;
	[tilespmem:s1+$0x70] =	vst v3  }
0x210: {  	v63 =	vmul.f32 v60, v2;
	[tilespmem:s1+$0xA0] =	vst v62  }
0x211: {  	v3 =	vmul.f32 v58, v2;
	[tilespmem:s1+$0xB0] =	vst v4  }
0x212: {  	v2 =	vmul.f32 v61, v2;
	[tilespmem:s1+$0xD0] =	vst v63  }
0x213: {  	[tilespmem:s1+$0xC0] =	vst v3  }
0x214: {  	[tilespmem:s1+$0xE0] =	vst v2  }
0x215: {  	[spmem:s3] =	stream.indirect.scatter.add.f32 [tilespmem:s14], [sflag:$0x3], $0x10, s20, s17, $0xb8;
	[tilespmem:$0x1DCE0] =	vst v63  }
0x216: {  	s26 =	sadd.s32 $0x1, s26;
	_ =	swait.ge [sflag:s13], $0x580  }
0x217: {  	p0 =	sne.s32 s26, $0x3B;
	[sflag:s13] =	ssyncset.done $0x0  }
.Ltmp3:
0x218: {  	[sflag:s13] =	ssyncadd.s32 $0xFFFFFA80;
	(pc) =	sbr.rel @p0 .LBB2_4-.Ltmp3, $4  }
0x219: {  	[spmem:s2] =	stream.indirect.scatter.add.f32 [tilespmem:s21], [sflag:$0x3], $0x80, s20, s17, $0xb8;
	[tilespmem:$0x1DCE0] =	vst v63  }
0x21a: {  	_ =	swait.ge [sflag:s13], $0x2C00  }
0x21b: {  	[sflag:s13] =	ssyncset.done $0x0  }
0x21c: {  	[sflag:s13] =	ssyncadd.s32 $0xFFFFD400  }
0x21d: {  	s0 =	stileid.u32;
	[bflag:$0x0] =	sbarrier.arrive $0xFFFF  }
0x21e: {  	s0 =	sshll.u32 s0, $0x6;
	s26 =	rddreg [dreg:$0x5]  }
0x21f: {  	s10 =	rddreg [dreg:$0x18];
	s0 =	sor.u32 $0x1C03, s0;
	s1 =	sshrl.u32 s26, $0x3  }
0x220: {  	[hbm:s10], [sflag:s0] =	dma.local [spmem:s1], $0x2800  }
0x221: {  	_ =	swait.ge [sflag:s13], $0x2800  }
0x222: {  	[sflag:s13] =	ssyncset.done $0x0;
	s28 =	rddreg [dreg:$0x6]  }
0x223: {  	s15 =	rddreg [dreg:$0xe];
	[sflag:s13] =	ssyncadd.s32 $0xFFFFD800;
	s11 =	sshrl.u32 s28, $0x3  }
0x224: {  	[hbm:s15], [sflag:s0] =	dma.local [spmem:s11], $0x500  }
0x225: {  	_ =	swait.ge [sflag:s13], $0x500  }
0x226: {  	s25 =	sadd.s32 $0x1, s25;
	s29 =	rddreg [dreg:$0x19]  }
0x227: {  	p0 =	sne.s32 s25, s29  }
.Ltmp4:
0x228: {  	_ = 	snop;
	(pc) =	sbr.rel @p0 .LBB2_1-.Ltmp4, $3  }
0x229: {  	_ =	sdelay $0x1  }
0x22a: {  	[sflag:s13] =	ssyncset.done $0x0  }
0x22b: {  	[sflag:s13] =	ssyncadd.s32 $0xFFFFFB00  }
0x22c: {  	_ =	sfence.sel $0x180000  }
0x22d: {  	[bflag:$0x0] =	sbarrier.arrive $0xFFFF  }
0x22e: {  	_ =	strace $0x9000004A  }
0x22f: {  	s0 =	stileid.u32;
	[bflag:$0x2] =	sbarrier.arrive $0xFFFF  }
0x230: {  	p0 =	sne.s32 s0, $0x0;
	s0 =	rddreg [dreg:$0x4]  }
0x231: {  	s0 =	sadd.s32 @!p0 $0x100000, s0  }
0x232: {  	[sflag:s0] =	ssyncadd.tile.s32 @!p0 $0x1;
	_ =	shalt  }
.Lfunc_end2:
_tile_overlayer_lowered:
.L_overlay_start_2:
0x233: {  	(tag) =	ssettag $0x2  }
0x234: {  	s0 =	rddreg [dreg:$0x0];
	s2 =	stileid.u32  }
0x235: {  	s1 =	rddreg [dreg:$0x1];
	p0 =	sne.s32 s2, $0x0  }
0x236: {  	s3 =	rddreg [dreg:$0x2];
	[bflag:$0x3] =	sbarrier.arrive $0xFFFF;
	s2 =	simm.s32 @!p0 $0x1C03  }
0x237: {  	[timem:s3], [sflag:s2] =	dma.local @!p0 [hbm:s0], s1  }
0x238: {  	s0 =	simm.s32 @!p0 $0x3  }
0x239: {  	_ =	swait.ge @!p0 [sflag:s0], s1  }
0x23a: {  	s1 =	ssub.s32 @!p0 $0x0, s1;
	[sflag:s0] =	ssyncset.done @!p0 $0x0  }
0x23b: {  	[sflag:s0] =	ssyncadd.s32 @!p0 s1  }
0x23c: {  	[bflag:$0x3] =	sbarrier.arrive $0xFFFF  }
0x23d: {  	_ =	shalt  }

// kernel: kernel.7.cloned.1.call-start
scs
__scs_entry_jumppad:
0x0: {  	(pc) =	sbr.rel $0x88, $3  }
0x1: {  	(tag) =	ssettag $0x0;
	lr =	simm.s32 $0x1  }
0x2: {  	[smem:$0x3F97] =	sst lr;
	_ =	strace $0xD0000000  }
0x3: {  	_ = 	snop  }
0x4: {  	_ = 	snop  }
0x5: {  	_ = 	snop  }
0x6: {  	_ = 	snop  }
0x7: {  	_ = 	snop  }
__scs_overlays_trampoline_lowered:
0x8: {  	[smem:$0x3FA6] =	sst s0  }
0x9: {  	[smem:$0x3FA7] =	sst s1  }
0xa: {  	[smem:$0x3FA8] =	sst s2  }
0xb: {  	[smem:$0x3FA9] =	sst s3  }
0xc: {  	[smem:$0x3FAA] =	sst s4  }
0xd: {  	[smem:$0x3FAB] =	sst s5  }
0xe: {  	[smem:$0x3FAC] =	sst s6  }
0xf: {  	[smem:$0x3FAD] =	sst s7  }
0x10: {  	[smem:$0x3FAE] =	sst s8  }
0x11: {  	[smem:$0x3FAF] =	sst s9;
	s0 =	simm.s32 @!p0 $0x0  }
0x12: {  	s1 =	sld [smem:$0x3F95];
	s0 =	simm.s32 @p0 $0x1  }
0x13: {  	[smem:$0x3FB0] =	sst s0;
	s0 =	simm.s32 @!p1 $0x0  }
0x14: {  	s2 =	sld [smem:$0x3F94];
	s0 =	simm.s32 @p1 $0x1  }
0x15: {  	[smem:$0x3FB1] =	sst s0;
	s0 =	simm.s32 @!p2 $0x0  }
0x16: {  	s3 =	sld [smem:$0x3FDB];
	s0 =	simm.s32 @p2 $0x1  }
0x17: {  	s4 =	simm.s32 $0x1BF5;
	[smem:$0x3FB3] =	sst s0  }
0x18: {  	s0 =	sld [smem:$0x3F96];
	_ =	swait.ge [sflag:s4], $0x0  }
0x19: {  	s7 =	sld [smem:$0x3F97]  }
0x1a: {  	s8 =	sadd.s32 $0xFFFFE003, lr  }
0x1b: {  	s9 =	sadd.s32 $0xFFFFFEF7, lr;
	s5 =	simm.s32 $0xFFFFFFFF;
	p2 =	slt.u32 s8, $0xFFFFF086  }
0x1c: {  	p1 =	slt.u32 s9, $0xF7A;
	s5 =	simm.s32 @!p2 $0x0  }
0x1d: {  	s5 =	simm.s32 @p1 $0x1;
	p0 =	seq.s32 s7, s2  }
0x1e: {  	s7 =	smul.u32 @!p0 $0xF7A, s2;
	p2 =	seq.s32 @!p0 s5, $0x0  }
0x1f: {  	s9 =	smul.u32 $0xF7A, s1;
	s8 =	simm.s32 @!p0 $0x1BF5;
	p2 =	por !p2, p0  }
0x20: {  	[sflag:s8] =	ssyncset.s32 @!p0 $0xFFFFF086;
	s6 =	sadd.s32 @!p0 s3, s7;
	s7 =	simm.s32 @!p0 $0x108  }
0x21: {  	s3 =	sadd.s32 s3, s9;
	s6 =	sadd.s32 @!p0 $0x88, s6;
	s7 =	simm.s32 @p2 $0x1082  }
0x22: {  	[simem:s7], [sflag:s8] =	dma.local @!p0 [hbm:s6], $0xF7A  }
0x23: {  	s9 =	sor.u32 $0xD0000000, s2;
	s6 =	simm.s32 $0x108;
	_ =	swait.ge @!p0 [sflag:s8], $0x0  }
0x24: {  	s3 =	sadd.s32 $0x88, s3;
	s6 =	simm.s32 @!p1 $0x1082;
	[sflag:s4] =	ssyncset.s32 $0xFFFFF086  }
0x25: {  	[simem:s6], [sflag:s4] =	dma.local [hbm:s3], $0xF7A  }
0x26: {  	[smem:$0x3F97] =	sst s1;
	(tag) =	ssettag s2;
	_ =	strace s9  }
0x27: {  	s1 =	sld [smem:$0x3FA7]  }
0x28: {  	s2 =	sld [smem:$0x3FA8]  }
0x29: {  	s4 =	sld [smem:$0x3FAA]  }
0x2a: {  	p0 =	seq.s32 s5, $0x0;
	s5 =	sld [smem:$0x3FAB]  }
0x2b: {  	s6 =	sld [smem:$0x3FAC]  }
0x2c: {  	s7 =	sld [smem:$0x3FAD]  }
0x2d: {  	s3 =	simm.s32 $0x108;
	s8 =	sld [smem:$0x3FAE]  }
0x2e: {  	s3 =	simm.s32 @!p0 $0x1082;
	s9 =	sld [smem:$0x3FAF]  }
0x2f: {  	lr =	sadd.s32 s0, s3;
	s0 =	sld [smem:$0x3FA6]  }
0x30: {  	s3 =	sld [smem:$0x3FA9]  }
0x31: {  	[smem:$0x3FB2] =	sst s10  }
0x32: {  	s10 =	sld [smem:$0x3FB0];
	_ =	sdelay $0x3  }
0x33: {  	p0 =	seq.s32 s10, $0x1;
	s10 =	sld [smem:$0x3FB2];
	_ =	sdelay $0x3  }
0x34: {  	[smem:$0x3FB2] =	sst s10  }
0x35: {  	s10 =	sld [smem:$0x3FB1];
	_ =	sdelay $0x3  }
0x36: {  	p1 =	seq.s32 s10, $0x1;
	s10 =	sld [smem:$0x3FB2];
	_ =	sdelay $0x3  }
0x37: {  	[smem:$0x3FB2] =	sst s10  }
0x38: {  	s10 =	sld [smem:$0x3FB3]  }
0x39: {  	_ = 	snop;
	(pc) =	sbr.ind lr, $3  }
0x3a: {  	_ = 	snop  }
0x3b: {  	_ = 	snop  }
0x3c: {  	p2 =	seq.s32 s10, $0x1;
	s10 =	sld [smem:$0x3FB2]  }
0x3d: {  	_ =	shalt  }
0x3e: {  	_ =	shalt  }
0x3f: {  	_ =	shalt  }
0x40: {  	_ =	shalt  }
0x41: {  	_ =	shalt  }
0x42: {  	_ =	shalt  }
0x43: {  	_ =	shalt  }
0x44: {  	_ =	shalt  }
0x45: {  	_ =	shalt  }
0x46: {  	_ =	shalt  }
0x47: {  	_ =	shalt  }
0x48: {  	_ =	shalt  }
0x49: {  	_ =	shalt  }
0x4a: {  	_ =	shalt  }
0x4b: {  	_ =	shalt  }
0x4c: {  	_ =	shalt  }
0x4d: {  	_ =	shalt  }
0x4e: {  	_ =	shalt  }
0x4f: {  	_ =	shalt  }
0x50: {  	_ =	shalt  }
0x51: {  	_ =	shalt  }
0x52: {  	_ =	shalt  }
0x53: {  	_ =	shalt  }
0x54: {  	_ =	shalt  }
0x55: {  	_ =	shalt  }
0x56: {  	_ =	shalt  }
0x57: {  	_ =	shalt  }
0x58: {  	_ =	shalt  }
0x59: {  	_ =	shalt  }
0x5a: {  	_ =	shalt  }
0x5b: {  	_ =	shalt  }
0x5c: {  	_ =	shalt  }
0x5d: {  	_ =	shalt  }
0x5e: {  	_ =	shalt  }
0x5f: {  	_ =	shalt  }
0x60: {  	_ =	shalt  }
0x61: {  	_ =	shalt  }
0x62: {  	_ =	shalt  }
0x63: {  	_ =	shalt  }
0x64: {  	_ =	shalt  }
0x65: {  	_ =	shalt  }
0x66: {  	_ =	shalt  }
0x67: {  	_ =	shalt  }
0x68: {  	_ =	shalt  }
0x69: {  	_ =	shalt  }
0x6a: {  	_ =	shalt  }
0x6b: {  	_ =	shalt  }
0x6c: {  	_ =	shalt  }
0x6d: {  	_ =	shalt  }
0x6e: {  	_ =	shalt  }
0x6f: {  	_ =	shalt  }
0x70: {  	_ =	shalt  }
0x71: {  	_ =	shalt  }
0x72: {  	_ =	shalt  }
0x73: {  	_ =	shalt  }
0x74: {  	_ =	shalt  }
0x75: {  	_ =	shalt  }
0x76: {  	_ =	shalt  }
0x77: {  	_ =	shalt  }
0x78: {  	_ =	shalt  }
0x79: {  	_ =	shalt  }
0x7a: {  	_ =	shalt  }
0x7b: {  	_ =	shalt  }
0x7c: {  	_ =	shalt  }
0x7d: {  	_ =	shalt  }
0x7e: {  	_ =	shalt  }
0x7f: {  	_ =	shalt  }
0x80: {  	_ =	shalt  }
0x81: {  	_ =	shalt  }
0x82: {  	_ =	shalt  }
0x83: {  	_ =	shalt  }
0x84: {  	_ =	shalt  }
0x85: {  	_ =	shalt  }
0x86: {  	_ =	shalt  }
0x87: {  	_ =	shalt  }
.Lfunc_end0:
.L_simem_size_0:
called_computation_lowered:
.L_overlay_start_0:
0x88: {  	s2 =	sld [smem:$0x3FD9]  }
0x89: {  	s3 =	sld [smem:$0x3FFE];
	_ =	sdelay $0x1  }
0x8a: {  	s1 =	srdreg.scid  }
0x8b: {  	s0 =	sand.u32 $0x1, s1  }
0x8c: {  	s17 =	sshll.u32 s0, $0xA;
	s2 =	sadd.s32 s3, s2  }
0x8d: {  	s2 =	sadd.s32 s2, s17  }
0x8e: {  	[smem:$0x3FBE] =	sst s2  }
0x8f: {  	_ = 	snop  }
0x90: {  	s2 =	sld [smem:$0x3FD0];
	(tm) =	ssettm $0x1  }
0x91: {  	s18 =	sld [smem:$0x3FFB];
	_ =	sdelay $0x3  }
0x92: {  	_ =	strace s18  }
0x93: {  	s3 =	sld [smem:$0x3FFC];
	_ =	sdelay $0x3  }
0x94: {  	_ =	strace s3  }
0x95: {  	s3 =	sld [smem:$0x3FFD];
	_ =	sdelay $0x3  }
0x96: {  	_ =	strace s3  }
0x97: {  	_ =	strace $0x8FFFFFFF  }
0x98: {  	s19 =	sld [smem:$0x3FDB];
	_ =	sdelay $0x1  }
0x99: {  	s4 =	simm.s32 $_scs_section_size  }
0x9a: {  	s5 =	simm.s32 $_size__tile_overlayer_lowered;
	s6 =	simm.s32 $_tile_overlayer_lowered  }
0x9b: {  	s22 =	simm.s32 $0x1BFF;
	s21 =	sshll.u32 s6, $0x1;
	s3 =	sadd.s32 s4, s19  }
0x9c: {  	s7 =	simm.s32 $0x0;
	s20 =	sshll.u32 s5, $0x1;
	s5 =	sadd.s32 s21, s3  }
0x9d: {  	[timem:s7], [sflag:s22] =	dma.local [hbm:s5], s20  }
0x9e: {  	_ =	swait.ge [sflag:s22], s20  }
0x9f: {  	s4 =	ssub.s32 $0x0, s20;
	[sflag:s22] =	ssyncset.done $0x0  }
0xa0: {  	[sflag:s22] =	ssyncadd.s32 s4;
	_ =	sdelay $0x1  }
0xa1: {  	s23 =	simm.s32 $0x1B8B  }
0xa2: {  	_ =	swait.ge [sflag:s23], $0x1  }
0xa3: {  	[sflag:s23] =	ssyncset.done $0x0  }
0xa4: {  	s25 =	simm.s32 $0x1B8E;
	s24 =	sld [smem:$0x3FFE];
	[sflag:s23] =	ssyncadd.s32 $0xFFFFFFFF  }
0xa5: {  	s26 =	simm.s32 $execute0_lowered;
	[smem:$0x3FD2] =	sst s25  }
0xa6: {  	s5 =	sshll.u32 s26, $0x1;
	_ =	strace $0x80000046;
	[dreg:$0x1] =	wrdreg $0xFFFFFFFF  }
0xa7: {  	s28 =	simm.s32 $_size_execute0_lowered;
	s3 =	sadd.s32 s3, s5;
	[dreg:$0x0] =	wrdreg $0x0  }
0xa8: {  	s5 =	sshll.u32 s28, $0x1;
	[dreg:$0x2] =	wrdreg s3  }
0xa9: {  	[dreg:$0x3] =	wrdreg s5  }
0xaa: {  	[dreg:$0x4] =	wrdreg $0xC0  }
0xab: {  	_ =	task [dreg:s7], $0x5FFFF  }
0xac: {  	[dreg:$0x1] =	wrdreg $0xFFFFFFFF  }
0xad: {  	[dreg:$0x0] =	wrdreg $0x60  }
0xae: {  	[dreg:$0x2] =	wrdreg s24  }
0xaf: {  	[dreg:$0x3] =	wrdreg s2  }
0xb0: {  	[dreg:$0x4] =	wrdreg $0x0  }
0xb1: {  	[dreg:$0x5] =	wrdreg $0xA0000  }
0xb2: {  	[dreg:$0x6] =	wrdreg $0xC8000  }
0xb3: {  	[dreg:$0x7] =	wrdreg $0xF0000  }
0xb4: {  	[dreg:$0x8] =	wrdreg $0x190000  }
0xb5: {  	[dreg:$0x9] =	wrdreg $0x9  }
0xb6: {  	_ =	task.clear_ibuf [dreg:s7], $0xAFFFF;
	_ =	strace $0x90000046  }
0xb7: {  	s29 =	simm.s32 $0x9;
	_ =	strace $0x80000048  }
0xb8: {  	_ =	swait.ge [sflag:s29], $0x1  }
0xb9: {  	[sflag:s29] =	ssyncadd.s32 $0xFFFFFFFF  }
0xba: {  	_ =	strace $0x90000048  }
0xbb: {  	_ =	sfence  }
0xbc: {  	s30 =	sld [smem:$0x0];
	_ =	sdelay $0x2  }
0xbd: {  	s31 =	sshll.u32 s1, $0xD;
	s1 =	sshrl.u32 s1, $0x2  }
0xbe: {  	s3 =	sand.u32 $0x4000, s31;
	s1 =	sadd.s32 s1, s30  }
0xbf: {  	s0 =	sor.u32 s3, s0;
	s1 =	sshll.u32 s1, $0x11  }
0xc0: {  	s0 =	sor.u32 s1, s0  }
0xc1: {  	s0 =	sadd.s32 $0x8F2B, s0  }
0xc2: {  	[sflag:s0] =	ssyncadd.remote.s32 $0x1  }
0xc3: {  	_ =	sfence.sel $0xFFFF  }
0xc4: {  	[dreg:$0x0] =	wrdreg $0xFFFFFFFF;
	(pc) =	sbr.abs _section_cstart, $3  }
0xc5: {  	[dreg:$0x1] =	wrdreg $0xFFFFFFFF  }
0xc6: {  	_ =	task.clear_ibuf [dreg:s7], $0x2FFFF;
	_ =	strace $0x9FFFFFFF  }
0xc7: {  	(tm) =	ssettm $0x7FFFFFFF  }
tec
execute0_lowered:
.L_overlay_start_1:
0x0: {  	(tag) =	ssettag $0x1  }
0x1: {  	s0 =	rddreg [dreg:$0x0]  }
0x2: {  	s3 =	rddreg [dreg:$0x1]  }
0x3: {  	s1 =	rddreg [dreg:$0x2]  }
0x4: {  	s2 =	rddreg [dreg:$0x3]  }
0x5: {  	s4 =	rddreg [dreg:$0x4]  }
0x6: {  	s5 =	rddreg [dreg:$0x5]  }
0x7: {  	s6 =	rddreg [dreg:$0x6]  }
0x8: {  	s18 =	stileid.u32;
	s8 =	srdreg.scid  }
0x9: {  	s7 =	simm.s32 $0x0;
	s28 =	simm.s32 $0x1EF80;
	s10 =	smul.u32 $0x2800, s18  }
0xa: {  	s29 =	simm.s32 $0x1B860;
	s11 =	sand.u32 $0x1, s8;
	s12 =	smul.u32 $0xA000, s18  }
0xb: {  	[smem:$0x7FF] =	sst s7;
	s8 =	sadd.s32 $0xC600, s0;
	s9 =	smul.u32 $0xA0000, s11  }
0xc: {  	_ =	strace $0x80000047;
	s15 =	smul.u32 $0x28000, s11;
	s16 =	ssub.s32 $0x2, s11  }
0xd: {  	s11 =	sshll.u32 s11, $0x4;
	s13 =	sshrl.u32 s10, $0x3;
	s17 =	sshrl.u32 s16, $0x1  }
0xe: {  	s24 =	sshrl.u32 s12, $0x3;
	s19 =	sadd.s32 s12, s1;
	s14 =	sadd.s32 s12, s9  }
0xf: {  	s9 =	sadd.s32 $0x2400, s0;
	s13 =	sadd.s32 s13, s0;
	s15 =	sadd.s32 s10, s15  }
0x10: {  	s16 =	ssub.s32 s16, s17;
	s3 =	sadd.s32 s3, s24;
	s17 =	sadd.s32 s10, s4  }
0x11: {  	s12 =	sadd.s32 s12, s5;
	s14 =	sshrl.u32 s14, $0x3;
	s15 =	sshrl.u32 s15, $0x3  }
0x12: {  	[dreg:$0x8] =	wrdreg s3;
	s3 =	sadd.s32 s10, s2;
	s25 =	sadd.s32 $0x1B800, s13  }
0x13: {  	s13 =	sadd.s32 $0x16800, s13;
	[dreg:$0xc] =	wrdreg s12;
	s10 =	sadd.s32 s10, s6  }
0x14: {  	s14 =	sadd.s32 s14, s0;
	s15 =	sadd.s32 s15, s0;
	[dreg:$0xa] =	wrdreg s25  }
0x15: {  	s0 =	sor.u32 s18, s11;
	s11 =	smul.u32 $0x280, s18;
	[dreg:$0xb] =	wrdreg s13  }
0x16: {  	s18 =	sshll.u32 s18, $0x6;
	[dreg:$0xd] =	wrdreg s10;
	s3 =	sshrl.u32 s3, $0x3  }
0x17: {  	s30 =	simm.s32 $0x1B920;
	s21 =	sor.u32 $0x1C04, s18;
	[smem:$0x7FC] =	sst s3  }
0x18: {  	s3 =	simm.s32 $0x1D180;
	s26 =	sor.u32 $0x60, s11;
	s20 =	sadd.s32 $0xC0, s11  }
0x19: {  	s23 =	sadd.s32 $0x120, s11;
	[dreg:$0x9] =	wrdreg s21;
	s13 =	sshll.u32 s26, $0x6  }
0x1a: {  	s12 =	sshll.u32 s26, $0x4;
	s22 =	sshll.u32 s20, $0x6;
	s24 =	sshll.u32 s23, $0x6  }
0x1b: {  	s25 =	sshll.u32 s23, $0x4;
	s26 =	sadd.s32 $0x180, s11;
	s10 =	sadd.s32 s13, s5  }
0x1c: {  	s18 =	sadd.s32 s12, s6;
	s12 =	sadd.s32 s22, s5;
	[dreg:$0xe] =	wrdreg s10  }
0x1d: {  	s13 =	sshll.u32 s26, $0x6;
	[dreg:$0xf] =	wrdreg s18;
	s10 =	sshll.u32 s20, $0x4  }
0x1e: {  	[dreg:$0x10] =	wrdreg s12;
	s20 =	sshll.u32 s26, $0x4;
	s26 =	smul.u32 $0x510, s0  }
0x1f: {  	s18 =	sadd.s32 $0x1E0, s11;
	s0 =	smul.u32 $0x6C, s0;
	s10 =	sadd.s32 s10, s6  }
0x20: {  	s22 =	sshll.u32 s18, $0x6;
	[dreg:$0x11] =	wrdreg s10;
	s10 =	sadd.s32 s24, s5  }
0x21: {  	s23 =	sadd.s32 s22, s5;
	s24 =	sshll.u32 s18, $0x4;
	[dreg:$0x12] =	wrdreg s10  }
0x22: {  	s18 =	sadd.s32 s8, s26;
	s31 =	sor.u32 $0x1, s0;
	[dreg:$0x16] =	wrdreg s23  }
0x23: {  	s0 =	sor.u32 $0x2, s0;
	s22 =	sadd.s32 $0x20800, s14;
	[dreg:$0x1a] =	wrdreg s18  }
0x24: {  	s10 =	sadd.s32 s25, s6;
	s25 =	sadd.s32 $0x240, s11;
	[dreg:$0x1c] =	wrdreg s22  }
0x25: {  	s23 =	sadd.s32 $0x48800, s15;
	s18 =	simm.s32 $0x4;
	[dreg:$0x13] =	wrdreg s10  }
0x26: {  	s22 =	simm.s32 $0x1B8C0;
	s10 =	sadd.s32 s13, s5;
	[dreg:$0x1d] =	wrdreg s23  }
0x27: {  	s13 =	sshll.u32 s25, $0x6;
	[dreg:$0x14] =	wrdreg s10;
	s10 =	sadd.s32 s20, s6  }
0x28: {  	s23 =	simm.s32 $0x60;
	s12 =	sadd.s32 s13, s5;
	[dreg:$0x15] =	wrdreg s10  }
0x29: {  	s20 =	sadd.s32 s9, s26;
	s26 =	sshrl.u32 s17, $0x3;
	[dreg:$0x18] =	wrdreg s12  }
0x2a: {  	s10 =	sadd.s32 s24, s6;
	[dreg:$0x1b] =	wrdreg s20;
	s24 =	smax.u32 s16, $0x1  }
0x2b: {  	[smem:$0x7FD] =	sst s26;
	s20 =	simm.s32 $0x1F580;
	s26 =	simm.s32 $0x3  }
0x2c: {  	s12 =	simm.s32 $0x0;
	[dreg:$0x17] =	wrdreg s10;
	s10 =	sshll.u32 s25, $0x4  }
0x2d: {  	v1 =	vlaneseq.u32;
	[dreg:$0x1e] =	wrdreg s24;
	s25 =	sshrl.u32 s19, $0x3;
	s24 =	simm.s32 $0x1  }
0x2e: {  	v0 =	vimm.f32 $0.0e+00;
	v1 =	vshrl.u32 v1, $0x3;
	s19 =	simm.s32 $0x1B980;
	s10 =	sadd.s32 s10, s6;
	[dreg:$0x1f] =	wrdreg s25  }
0x2f: {  	v2 =	vor.u32 $0x2, v1;
	v3 =	vor.u32 $0x4, v1;
	v4 =	vor.u32 $0x6, v1;
	s25 =	simm.s32 $0x1E980;
	[dreg:$0x19] =	wrdreg s10;
	s10 =	simm.s32 $0x2  }
.LBB2_1:
0x30: {  	[smem:$0x7FB] =	sst s12  }
0x31: {  	s11 =	rddreg [dreg:$0x8]  }
0x32: {  	s13 =	rddreg [dreg:$0x1f]  }
0x33: {  	[spmem:s13], [sflag:s21] =	dma.local [hbm:s11], $0x1400  }
0x34: {  	_ =	swait.ge [sflag:s18], $0x1400  }
0x35: {  	s15 =	sld [smem:$0x7FC]  }
0x36: {  	[sflag:s18] =	ssyncset.done $0x0  }
0x37: {  	s14 =	rddreg [dreg:$0xa];
	[sflag:s18] =	ssyncadd.s32 $0xFFFFEC00  }
0x38: {  	[spmem:s15], [sflag:s21] =	dma.local [hbm:s14], $0x500  }
0x39: {  	_ =	swait.ge [sflag:s18], $0x500  }
0x3a: {  	s17 =	sld [smem:$0x7FD]  }
0x3b: {  	[sflag:s18] =	ssyncset.done $0x0  }
0x3c: {  	s16 =	rddreg [dreg:$0xb];
	[sflag:s18] =	ssyncadd.s32 $0xFFFFFB00  }
0x3d: {  	[spmem:s17], [sflag:s21] =	dma.local [hbm:s16], $0x500  }
0x3e: {  	_ =	swait.ge [sflag:s18], $0x500  }
0x3f: {  	[sflag:s18] =	ssyncset.done $0x0  }
0x40: {  	s11 =	simm.s32 $0x1BA00;
	[sflag:s18] =	ssyncadd.s32 $0xFFFFFB00  }
0x41: {  	[tilespmem:s11+$0xFFFFFF80] =	vst v0  }
0x42: {  	[tilespmem:s11+$0xFFFFFFB0] =	vst v0  }
0x43: {  	[tilespmem:s11+$0x70] =	vst v0  }
0x44: {  	[tilespmem:s11+$0x60] =	vst v0  }
0x45: {  	[tilespmem:s11+$0x50] =	vst v0  }
0x46: {  	[tilespmem:s11+$0x40] =	vst v0  }
0x47: {  	[tilespmem:s11+$0xFFFFFFF0] =	vst v0  }
0x48: {  	[tilespmem:s11+$0x30] =	vst v0  }
0x49: {  	[tilespmem:s11+$0x20] =	vst v0  }
0x4a: {  	[tilespmem:s11+$0x10] =	vst v0  }
0x4b: {  	[tilespmem:s11+$0x0] =	vst v0  }
0x4c: {  	[tilespmem:s11+$0xFFFFFFE0] =	vst v0  }
0x4d: {  	[tilespmem:s11+$0xFFFFFFD0] =	vst v0  }
0x4e: {  	[tilespmem:s11+$0xFFFFFFC0] =	vst v0  }
0x4f: {  	[tilespmem:s11+$0xFFFFFFA0] =	vst v0  }
0x50: {  	s12 =	simm.s32 $0x1F5A0;
	[tilespmem:s11+$0xFFFFFF90] =	vst v0  }
0x51: {  	[tilespmem:s12+$0x10] =	vst v0  }
0x52: {  	[tilespmem:s12+$0x0] =	vst v0  }
0x53: {  	s13 =	simm.s32 $0x0;
	[tilespmem:s12+$0xFFFFFFF0] =	vst v0  }
.LBB2_2:
0x54: {  	s13 =	sadd.s32 $0x4, s13;
	[tilespmem:s12+$0xFFFFFFE0] =	vst v0;
	s11 =	sadd.s32 $0x100, s11;
	s12 =	sadd.s32 $0x40, s12  }
0x55: {  	[tilespmem:s11+$0xFFFFFF80] =	vst v0;
	p0 =	slt.u32 s13, $0x5C  }
0x56: {  	[tilespmem:s11+$0xFFFFFFB0] =	vst v0  }
0x57: {  	[tilespmem:s11+$0x70] =	vst v0  }
0x58: {  	[tilespmem:s11+$0x60] =	vst v0  }
0x59: {  	[tilespmem:s11+$0x50] =	vst v0  }
0x5a: {  	[tilespmem:s11+$0x40] =	vst v0  }
0x5b: {  	[tilespmem:s12+$0x10] =	vst v0  }
0x5c: {  	[tilespmem:s11+$0xFFFFFFF0] =	vst v0  }
0x5d: {  	[tilespmem:s11+$0x30] =	vst v0  }
0x5e: {  	[tilespmem:s11+$0x20] =	vst v0  }
0x5f: {  	[tilespmem:s11+$0x10] =	vst v0  }
0x60: {  	[tilespmem:s11+$0x0] =	vst v0  }
0x61: {  	[tilespmem:s12+$0x0] =	vst v0  }
0x62: {  	[tilespmem:s11+$0xFFFFFFE0] =	vst v0  }
.Ltmp0:
0x63: {  	[tilespmem:s11+$0xFFFFFFD0] =	vst v0;
	(pc) =	sbr.rel @p0 .LBB2_2-.Ltmp0, $4  }
0x64: {  	[tilespmem:s11+$0xFFFFFFC0] =	vst v0  }
0x65: {  	[tilespmem:s12+$0xFFFFFFF0] =	vst v0  }
0x66: {  	[tilespmem:s11+$0xFFFFFFA0] =	vst v0  }
0x67: {  	[tilespmem:s11+$0xFFFFFF90] =	vst v0  }
0x68: {  	[tilespmem:s12+$0xFFFFFFE0] =	vst v0  }
0x69: {  	s14 =	simm.s32 $0x1B980;
	s11 =	rddreg [dreg:$0xc]  }
0x6a: {  	[spmem:s11] =	stream.linear.scatter [tilespmem:s14], [sflag:$0x4], $0x1800, $0x38;
	[tilespmem:$0x1FB80] =	vst v63  }
0x6b: {  	_ =	swait.ge [sflag:s18], $0x1800  }
0x6c: {  	[sflag:s18] =	ssyncset.done $0x0  }
0x6d: {  	s15 =	rddreg [dreg:$0xd];
	[sflag:s18] =	ssyncadd.s32 $0xFFFFE800  }
0x6e: {  	[spmem:s15] =	stream.linear.scatter [tilespmem:s20], [sflag:$0x4], $0x600, $0x38;
	[tilespmem:$0x1FB80] =	vst v63  }
0x6f: {  	_ =	swait.ge [sflag:s18], $0x600  }
0x70: {  	[sflag:s18] =	ssyncset.done $0x0  }
0x71: {  	s16 =	rddreg [dreg:$0xe];
	[sflag:s18] =	ssyncadd.s32 $0xFFFFFA00  }
0x72: {  	[spmem:s16] =	stream.linear.scatter [tilespmem:s14], [sflag:$0x4], $0x1800, $0x38;
	[tilespmem:$0x1FB80] =	vst v63  }
0x73: {  	_ =	swait.ge [sflag:s18], $0x1800  }
0x74: {  	[sflag:s18] =	ssyncset.done $0x0  }
0x75: {  	s17 =	rddreg [dreg:$0xf];
	[sflag:s18] =	ssyncadd.s32 $0xFFFFE800  }
0x76: {  	[spmem:s17] =	stream.linear.scatter [tilespmem:s20], [sflag:$0x4], $0x600, $0x38;
	[tilespmem:$0x1FB80] =	vst v63  }
0x77: {  	_ =	swait.ge [sflag:s18], $0x600  }
0x78: {  	[sflag:s18] =	ssyncset.done $0x0  }
0x79: {  	s21 =	rddreg [dreg:$0x10];
	[sflag:s18] =	ssyncadd.s32 $0xFFFFFA00  }
0x7a: {  	[spmem:s21] =	stream.linear.scatter [tilespmem:s14], [sflag:$0x4], $0x1800, $0x38;
	[tilespmem:$0x1FB80] =	vst v63  }
0x7b: {  	_ =	swait.ge [sflag:s18], $0x1800  }
0x7c: {  	[sflag:s18] =	ssyncset.done $0x0  }
0x7d: {  	s12 =	rddreg [dreg:$0x11];
	[sflag:s18] =	ssyncadd.s32 $0xFFFFE800  }
0x7e: {  	[spmem:s12] =	stream.linear.scatter [tilespmem:s20], [sflag:$0x4], $0x600, $0x38;
	[tilespmem:$0x1FB80] =	vst v63  }
0x7f: {  	_ =	swait.ge [sflag:s18], $0x600  }
0x80: {  	[sflag:s18] =	ssyncset.done $0x0  }
0x81: {  	s13 =	rddreg [dreg:$0x12];
	[sflag:s18] =	ssyncadd.s32 $0xFFFFFA00  }
0x82: {  	[spmem:s13] =	stream.linear.scatter [tilespmem:s14], [sflag:$0x4], $0x1800, $0x38;
	[tilespmem:$0x1FB80] =	vst v63  }
0x83: {  	_ =	swait.ge [sflag:s18], $0x1800  }
0x84: {  	[sflag:s18] =	ssyncset.done $0x0  }
0x85: {  	s15 =	rddreg [dreg:$0x13];
	[sflag:s18] =	ssyncadd.s32 $0xFFFFE800  }
0x86: {  	[spmem:s15] =	stream.linear.scatter [tilespmem:s20], [sflag:$0x4], $0x600, $0x38;
	[tilespmem:$0x1FB80] =	vst v63  }
0x87: {  	_ =	swait.ge [sflag:s18], $0x600  }
0x88: {  	[sflag:s18] =	ssyncset.done $0x0  }
0x89: {  	s16 =	rddreg [dreg:$0x14];
	[sflag:s18] =	ssyncadd.s32 $0xFFFFFA00  }
0x8a: {  	[spmem:s16] =	stream.linear.scatter [tilespmem:s14], [sflag:$0x4], $0x1800, $0x38;
	[tilespmem:$0x1FB80] =	vst v63  }
0x8b: {  	_ =	swait.ge [sflag:s18], $0x1800  }
0x8c: {  	[sflag:s18] =	ssyncset.done $0x0  }
0x8d: {  	s17 =	rddreg [dreg:$0x15];
	[sflag:s18] =	ssyncadd.s32 $0xFFFFE800  }
0x8e: {  	[spmem:s17] =	stream.linear.scatter [tilespmem:s20], [sflag:$0x4], $0x600, $0x38;
	[tilespmem:$0x1FB80] =	vst v63  }
0x8f: {  	_ =	swait.ge [sflag:s18], $0x600  }
0x90: {  	[sflag:s18] =	ssyncset.done $0x0  }
0x91: {  	s21 =	rddreg [dreg:$0x16];
	[sflag:s18] =	ssyncadd.s32 $0xFFFFFA00  }
0x92: {  	[spmem:s21] =	stream.linear.scatter [tilespmem:s14], [sflag:$0x4], $0x1800, $0x38;
	[tilespmem:$0x1FB80] =	vst v63  }
0x93: {  	_ =	swait.ge [sflag:s18], $0x1800  }
0x94: {  	[sflag:s18] =	ssyncset.done $0x0  }
0x95: {  	s12 =	rddreg [dreg:$0x17];
	[sflag:s18] =	ssyncadd.s32 $0xFFFFE800  }
0x96: {  	[spmem:s12] =	stream.linear.scatter [tilespmem:s20], [sflag:$0x4], $0x600, $0x38;
	[tilespmem:$0x1FB80] =	vst v63  }
0x97: {  	_ =	swait.ge [sflag:s18], $0x600  }
0x98: {  	[sflag:s18] =	ssyncset.done $0x0  }
0x99: {  	s13 =	rddreg [dreg:$0x18];
	[sflag:s18] =	ssyncadd.s32 $0xFFFFFA00  }
0x9a: {  	[spmem:s13] =	stream.linear.scatter [tilespmem:s14], [sflag:$0x4], $0x1000, $0x38;
	[tilespmem:$0x1FB80] =	vst v63  }
0x9b: {  	_ =	swait.ge [sflag:s18], $0x1000  }
0x9c: {  	[sflag:s18] =	ssyncset.done $0x0  }
0x9d: {  	s15 =	rddreg [dreg:$0x19];
	[sflag:s18] =	ssyncadd.s32 $0xFFFFF000  }
0x9e: {  	[spmem:s15] =	stream.linear.scatter [tilespmem:s20], [sflag:$0x4], $0x400, $0x38;
	[tilespmem:$0x1FB80] =	vst v63  }
0x9f: {  	_ =	swait.ge [sflag:s18], $0x400  }
0xa0: {  	[sflag:s18] =	ssyncset.done $0x0  }
0xa1: {  	[sflag:s18] =	ssyncadd.s32 $0xFFFFFC00  }
0xa2: {  	[bflag:$0x0] =	sbarrier.arrive $0xFFFF  }
0xa3: {  	s17 =	simm.s32 $0x1B800;
	s13 =	simm.s32 $0x0;
	s16 =	rddreg [dreg:$0x1a]  }
0xa4: {  	[tilespmem:s17], [sflag:$0x4] =	stream.linear.gather [hbm4b:s16+s13], $0x60, $0x38;
	[tilespmem:$0x1FB80] =	vst v63  }
0xa5: {  	_ =	swait.ge [sflag:s18], $0x60  }
0xa6: {  	[sflag:s18] =	ssyncset.done $0x0  }
0xa7: {  	s21 =	rddreg [dreg:$0x1b];
	[sflag:s18] =	ssyncadd.s32 $0xFFFFFFA0  }
0xa8: {  	[tilespmem:s22], [sflag:$0x4] =	stream.linear.gather [hbm4b:s21+s13], $0x60, $0x38;
	[tilespmem:$0x1FB80] =	vst v63  }
0xa9: {  	_ =	swait.ge [sflag:s18], $0x60  }
0xaa: {  	[sflag:s18] =	ssyncset.done $0x0  }
0xab: {  	[sflag:s18] =	ssyncadd.s32 $0xFFFFFFA0  }
0xac: {  	[tilespmem:s14], [sflag:$0x1] =	stream.indirect.gather [spmem:s1], $0x40, s17, s23, $0xb8;
	[tilespmem:$0x1FB80] =	vst v63  }
.LBB2_4:
0xad: {  	_ =	swait.ge [sflag:s24], $0x1800  }
0xae: {  	[sflag:s24] =	ssyncset.done $0x0  }
0xaf: {  	s11 =	simm.s32 $0x1B800;
	[sflag:s24] =	ssyncadd.s32 $0xFFFFE800  }
0xb0: {  	[tilespmem:s25], [sflag:$0x3] =	stream.indirect.gather [spmem:s2], $0x10, s11, s23, $0xb8;
	[tilespmem:$0x1FB80] =	vst v63  }
0xb1: {  	_ =	swait.ge [sflag:s26], $0x600  }
0xb2: {  	s16 =	sshll.u32 s13, $0x1;
	[sflag:s26] =	ssyncset.done $0x0  }
0xb3: {  	s17 =	sadd.s32 s16, s31;
	[sflag:s26] =	ssyncadd.s32 $0xFFFFFA00  }
0xb4: {  	[tilespmem:s28], [sflag:$0x3] =	stream.indirect.gather [spmem:s4], $0x10, s22, s23, $0xb8;
	[tilespmem:$0x1FB80] =	vst v63  }
0xb5: {  	s11 =	smul.u32 $0xC, s17;
	_ =	swait.ge [sflag:s26], $0x600  }
0xb6: {  	[sflag:s26] =	ssyncset.done $0x0  }
0xb7: {  	s12 =	sadd.s32 s8, s11;
	[sflag:s26] =	ssyncadd.s32 $0xFFFFFA00  }
0xb8: {  	[tilespmem:s29], [sflag:$0x4] =	stream.linear.gather [hbm4b:s12+s7], $0x60, $0x38;
	[tilespmem:$0x1FB80] =	vst v63  }
0xb9: {  	_ =	swait.ge [sflag:s18], $0x60  }
0xba: {  	[sflag:s18] =	ssyncset.done $0x0  }
0xbb: {  	s11 =	sadd.s32 s9, s11;
	[sflag:s18] =	ssyncadd.s32 $0xFFFFFFA0  }
0xbc: {  	[tilespmem:s30], [sflag:$0x4] =	stream.linear.gather [hbm4b:s11+s7], $0x60, $0x38;
	[tilespmem:$0x1FB80] =	vst v63  }
0xbd: {  	_ =	swait.ge [sflag:s18], $0x60  }
0xbe: {  	[sflag:s18] =	ssyncset.done $0x0  }
0xbf: {  	s21 =	simm.s32 $0x1E9A0;
	[sflag:s18] =	ssyncadd.s32 $0xFFFFFFA0  }
0xc0: {  	[tilespmem:s3], [sflag:$0x2] =	stream.indirect.gather [spmem:s1], $0x40, s29, s23, $0xb8;
	[tilespmem:$0x1FB80] =	vst v63  }
0xc1: {  	s14 =	simm.s32 $0x1EFA0;
	v5 =	vld [tilespmem:s21+$0x10]  }
0xc2: {  	v6 =	vld [tilespmem:s14+$0x10];
	_ =	sdelay $0x1  }
0xc3: {  	v7 =	vld [tilespmem:s14+$0xFFFFFFE0]  }
0xc4: {  	v8 =	vld [tilespmem:s21+$0xFFFFFFF0]  }
0xc5: {  	v9 =	vld [tilespmem:s14+$0xFFFFFFF0]  }
0xc6: {  	v10 =	vld [tilespmem:s14+$0x0];
	v5 =	vadd.f32 v6, v5  }
0xc7: {  	v6 =	vld [tilespmem:s21+$0x0]  }
0xc8: {  	v12 =	vld [tilespmem:s21+$0xFFFFFFE0];
	v11 =	vmul.f32 $2.000000030e-01, v5;
	_ =	sdelay $0x1  }
0xc9: {  	v8 =	vadd.f32 v9, v8;
	v5 =	vmax.f32 v5, v11  }
0xca: {  	v5 =	vmul.f32 $1.442695020e+00, v5  }
0xcb: {  	s14 =	simm.s32 $0x1EFE0;
	v9 =	vmul.f32 $2.000000030e-01, v8;
	v6 =	vadd.f32 v10, v6  }
0xcc: {  	v16 =	vld [tilespmem:s14+$0xFFFFFFF0];
	s21 =	simm.s32 $0x1E9E0;
	(erf) = vpow2.f32 v5;
	v5 =	vadd.f32 v7, v12  }
0xcd: {  	v14 =	vld [tilespmem:s21+$0xFFFFFFF0];
	v7 =	vmax.f32 v8, v9;
	v8 =	vmul.f32 $2.000000030e-01, v6  }
0xce: {  	v25 =	vld [tilespmem:s21+$0xFFFFFFE0];
	v7 =	vmul.f32 $1.442695020e+00, v7;
	v9 =	vmul.f32 $2.000000030e-01, v5  }
0xcf: {  	v12 =	vld [tilespmem:s14+$0xFFFFFFE0];
	v6 =	vmax.f32 v6, v8  }
0xd0: {  	v6 =	vmul.f32 $1.442695020e+00, v6;
	(erf) = vpow2.f32 v7;
	v5 =	vmax.f32 v5, v9  }
0xd1: {  	v5 =	vmul.f32 $1.442695020e+00, v5  }
0xd2: {  	v14 =	vadd.f32 v16, v14;
	(erf) = vpow2.f32 v6  }
0xd3: {  	v23 =	vld [tilespmem:s14+$0x0];
	(erf) = vpow2.f32 v5  }
0xd4: {  	v11 =	vld [tilespmem:s14+$0x10];
	v58 =	vmul.f32 $2.000000030e-01, v14;
	v12 =	vadd.f32 v12, v25  }
0xd5: {  	s15 =	simm.s32 $0x1F5A0;
	v9 =	vld [tilespmem:s21+$0x10];
	v8 =	vpop (erf)  }
0xd6: {  	s17 =	simm.s32 $0x1BA00;
	v20 =	vld [tilespmem:s21+$0x0];
	v14 =	vmax.f32 v14, v58;
	v60 =	vmul.f32 $2.000000030e-01, v12;
	[tilespmem:s15+$0x10] =	vst v8  }
0xd7: {  	v14 =	vmul.f32 $1.442695020e+00, v14;
	v6 =	vperm.xlane v8, v1;
	v10 =	vld [tilespmem:s17+$0x70]  }
0xd8: {  	v12 =	vmax.f32 v12, v60;
	v7 =	vperm.xlane v8, v2;
	v5 =	vperm.xlane v8, v3  }
0xd9: {  	v8 =	vperm.xlane v8, v4;
	v12 =	vmul.f32 $1.442695020e+00, v12;
	v13 =	vpop (erf)  }
0xda: {  	v9 =	vadd.f32 v11, v9;
	v15 =	vperm.xlane v13, v1;
	v17 =	vperm.xlane v13, v2  }
0xdb: {  	v18 =	vperm.xlane v13, v3;
	v21 =	vperm.xlane v13, v4;
	[tilespmem:s15+$0xFFFFFFF0] =	vst v13;
	v19 =	vpop (erf)  }
0xdc: {  	v13 =	vadd.f32 v23, v20;
	v59 =	vld [tilespmem:s17+$0xFFFFFFC0];
	v22 =	vpop (erf);
	v10 =	vmul.f32 v10, v8;
	v8 =	vmul.f32 $2.000000030e-01, v9  }
0xdd: {  	v32 =	vld [tilespmem:s17+$0xFFFFFFD0];
	v24 =	vperm.xlane v19, v1;
	v30 =	vperm.xlane v19, v2;
	[tilespmem:s15+$0xFFFFFFE0] =	vst v22  }
0xde: {  	v31 =	vmul.f32 $2.000000030e-01, v13;
	v11 =	vperm.xlane v22, v1;
	v26 =	vld [tilespmem:s17+$0xFFFFFF80];
	v8 =	vmax.f32 v9, v8  }
0xdf: {  	v27 =	vperm.xlane v22, v2;
	v29 =	vld [tilespmem:s17+$0xFFFFFF90];
	v9 =	vmul.f32 $1.442695020e+00, v8  }
0xe0: {  	v28 =	vperm.xlane v22, v3;
	v22 =	vperm.xlane v22, v4;
	v16 =	vld [tilespmem:s17+$0xFFFFFFA0]  }
0xe1: {  	v13 =	vmax.f32 v13, v31;
	v20 =	vld [tilespmem:s17+$0xFFFFFFB0];
	v8 =	vperm.xlane v19, v3;
	(erf) = vpow2.f32 v9  }
0xe2: {  	v33 =	vld [tilespmem:s17+$0xFFFFFFE0];
	[tilespmem:s15+$0x0] =	vst v19;
	v9 =	vperm.xlane v19, v4;
	v19 =	vmul.f32 $1.442695020e+00, v13  }
0xe3: {  	v61 =	vld [tilespmem:s17+$0xFFFFFFF0];
	(erf) = vpow2.f32 v14;
	v11 =	vmul.f32 v26, v11  }
0xe4: {  	v62 =	vld [tilespmem:s17+$0x0];
	[tilespmem:s17+$0x70] =	vst v10;
	v10 =	vmul.f32 v29, v27;
	(erf) = vpow2.f32 v19  }
0xe5: {  	v63 =	vld [tilespmem:s17+$0x10];
	(erf) = vpow2.f32 v12;
	v12 =	vmul.f32 v32, v17;
	[tilespmem:s17+$0xFFFFFF80] =	vst v11  }
0xe6: {  	v13 =	vld [tilespmem:s17+$0x20];
	v11 =	vmul.f32 v16, v28;
	[tilespmem:s17+$0xFFFFFF90] =	vst v10;
	v10 =	vmul.f32 v20, v22  }
0xe7: {  	v14 =	vld [tilespmem:s17+$0x30];
	[tilespmem:s17+$0xFFFFFFD0] =	vst v12  }
0xe8: {  	v16 =	vld [tilespmem:s17+$0x40];
	[tilespmem:s17+$0xFFFFFFA0] =	vst v11;
	v11 =	vmul.f32 v59, v15  }
0xe9: {  	s12 =	simm.s32 $0x4;
	v19 =	vmul.f32 v33, v18;
	v18 =	vmul.f32 v61, v21;
	v12 =	vld [tilespmem:s17+$0x60];
	[tilespmem:s17+$0xFFFFFFB0] =	vst v10  }
0xea: {  	s11 =	simm.s32 $0x1F5E0;
	s21 =	simm.s32 $0x1EA20;
	s15 =	simm.s32 $0x1BA00;
	v17 =	vmul.f32 v62, v24;
	v15 =	vmul.f32 v63, v30;
	[tilespmem:s17+$0xFFFFFFC0] =	vst v11;
	v11 =	vld [tilespmem:s17+$0x50];
	v10 =	vpop (erf)  }
.LBB2_5:
0xeb: {  	v20 =	vld [tilespmem:s21+$0x10];
	[tilespmem:s11+$0x10] =	vst v10;
	v21 =	vperm.xlane v10, v1;
	v22 =	vperm.xlane v10, v2;
	s17 =	sadd.s32 $0x100, s17  }
0xec: {  	v23 =	vperm.xlane v10, v3;
	s14 =	sadd.s32 $0x40, s14;
	v13 =	vmul.f32 v13, v8;
	v24 =	vld [tilespmem:s17+$0x70];
	[tilespmem:s15+$0xFFFFFFE0] =	vst v19  }
0xed: {  	s12 =	sadd.s32 $0x4, s12;
	v14 =	vmul.f32 v14, v9;
	v8 =	vld [tilespmem:s14+$0x10];
	v19 =	vpop (erf);
	[tilespmem:s15+$0xFFFFFFF0] =	vst v18;
	v16 =	vmul.f32 v16, v6;
	v6 =	vmov v21  }
0xee: {  	p0 =	slt.u32 s12, $0x5C;
	v18 =	vld [tilespmem:s14+$0xFFFFFFE0];
	[tilespmem:s11+$0xFFFFFFF0] =	vst v19;
	v21 =	vperm.xlane v19, v1;
	v25 =	vperm.xlane v19, v2  }
0xef: {  	v10 =	vperm.xlane v10, v4;
	v26 =	vperm.xlane v19, v3;
	v9 =	vld [tilespmem:s21+$0xFFFFFFF0];
	v27 =	vpop (erf);
	[tilespmem:s15+$0x0] =	vst v17  }
0xf0: {  	v28 =	vperm.xlane v19, v4;
	v17 =	vld [tilespmem:s14+$0xFFFFFFF0];
	[tilespmem:s11+$0x0] =	vst v27;
	v29 =	vperm.xlane v27, v1;
	v19 =	vpop (erf)  }
0xf1: {  	v30 =	vld [tilespmem:s21+$0x0];
	[tilespmem:s11+$0xFFFFFFE0] =	vst v19;
	v31 =	vperm.xlane v19, v1;
	v10 =	vmul.f32 v24, v10  }
0xf2: {  	v32 =	vperm.xlane v19, v2;
	v33 =	vperm.xlane v19, v3;
	v24 =	vld [tilespmem:s14+$0x0];
	v20 =	vadd.f32 v8, v20;
	[tilespmem:s15+$0x10] =	vst v15  }
0xf3: {  	v34 =	vperm.xlane v27, v2;
	v19 =	vperm.xlane v19, v4;
	v15 =	vld [tilespmem:s21+$0xFFFFFFE0];
	[tilespmem:s17+$0x70] =	vst v10  }
0xf4: {  	v8 =	vperm.xlane v27, v3;
	v10 =	vmul.f32 $2.000000030e-01, v20;
	v35 =	vld [tilespmem:s17+$0xFFFFFF80];
	[tilespmem:s15+$0x20] =	vst v13  }
0xf5: {  	v11 =	vmul.f32 v11, v7;
	v13 =	vadd.f32 v17, v9;
	v17 =	vld [tilespmem:s17+$0xFFFFFF90];
	v9 =	vperm.xlane v27, v4;
	[tilespmem:s15+$0x30] =	vst v14  }
0xf6: {  	v7 =	vmovc v22;
	v12 =	vmul.f32 v12, v5;
	v5 =	vmov v23;
	v10 =	vmax.f32 v20, v10;
	v14 =	vld [tilespmem:s17+$0xFFFFFFA0];
	[tilespmem:s15+$0x40] =	vst v16  }
0xf7: {  	v16 =	vmul.f32 $2.000000030e-01, v13;
	v20 =	vadd.f32 v24, v30;
	v10 =	vmul.f32 $1.442695020e+00, v10;
	v22 =	vld [tilespmem:s17+$0xFFFFFFB0];
	[tilespmem:s15+$0x50] =	vst v11  }
0xf8: {  	v11 =	vadd.f32 v18, v15;
	v15 =	vld [tilespmem:s17+$0xFFFFFFC0];
	[tilespmem:s15+$0x60] =	vst v12;
	s15 =	smov.u32 s17  }
0xf9: {  	v12 =	vmax.f32 v13, v16;
	v13 =	vmul.f32 $2.000000030e-01, v20;
	(erf) = vpow2.f32 v10;
	v10 =	vld [tilespmem:s17+$0xFFFFFFD0]  }
0xfa: {  	v16 =	vmul.f32 $2.000000030e-01, v11;
	v12 =	vmul.f32 $1.442695020e+00, v12;
	v18 =	vld [tilespmem:s17+$0xFFFFFFE0]  }
0xfb: {  	v17 =	vmul.f32 v17, v32;
	v13 =	vmax.f32 v20, v13;
	v20 =	vmul.f32 v35, v31;
	v23 =	vld [tilespmem:s17+$0xFFFFFFF0]  }
0xfc: {  	v11 =	vmax.f32 v11, v16;
	v13 =	vmul.f32 $1.442695020e+00, v13;
	(erf) = vpow2.f32 v12;
	v12 =	vld [tilespmem:s17+$0x0]  }
0xfd: {  	v14 =	vmul.f32 v14, v33;
	v11 =	vmul.f32 $1.442695020e+00, v11;
	[tilespmem:s17+$0xFFFFFF80] =	vst v20;
	v20 =	vld [tilespmem:s17+$0x10]  }
.Ltmp1:
0xfe: {  	v16 =	vmul.f32 v22, v19;
	(erf) = vpow2.f32 v13;
	[tilespmem:s17+$0xFFFFFF90] =	vst v17;
	v13 =	vld [tilespmem:s17+$0x20];
	(pc) =	sbr.rel @p0 .LBB2_5-.Ltmp1, $4  }
0xff: {  	(erf) = vpow2.f32 v11;
	[tilespmem:s17+$0xFFFFFFA0] =	vst v14;
	v11 =	vmul.f32 v15, v21;
	v14 =	vld [tilespmem:s17+$0x30]  }
0x100: {  	v15 =	vmul.f32 v10, v25;
	v19 =	vmul.f32 v18, v26;
	[tilespmem:s17+$0xFFFFFFB0] =	vst v16;
	v16 =	vld [tilespmem:s17+$0x40]  }
0x101: {  	v18 =	vmul.f32 v23, v28;
	[tilespmem:s17+$0xFFFFFFC0] =	vst v11;
	v17 =	vmul.f32 v12, v29;
	v11 =	vld [tilespmem:s17+$0x50]  }
0x102: {  	s11 =	sadd.s32 $0x40, s11;
	s21 =	sadd.s32 $0x40, s21;
	v10 =	vpop (erf);
	[tilespmem:s17+$0xFFFFFFD0] =	vst v15;
	v15 =	vmul.f32 v20, v34;
	v12 =	vld [tilespmem:s17+$0x60]  }
0x103: {  	[tilespmem:s11+$0x10] =	vst v10  }
0x104: {  	[tilespmem:s15+$0xFFFFFFE0] =	vst v19  }
0x105: {  	[tilespmem:s15+$0xFFFFFFF0] =	vst v18  }
0x106: {  	[tilespmem:s15+$0x0] =	vst v17;
	v8 =	vmul.f32 v13, v8;
	v19 =	vpop (erf)  }
0x107: {  	[tilespmem:s15+$0x10] =	vst v15;
	v21 =	vpop (erf)  }
0x108: {  	s12 =	sadd.s32 $0x100, s17;
	[tilespmem:s15+$0x20] =	vst v8;
	v17 =	vpop (erf)  }
0x109: {  	v20 =	vld [tilespmem:s12+$0x70];
	v9 =	vmul.f32 v14, v9;
	[tilespmem:s11+$0xFFFFFFE0] =	vst v17  }
0x10a: {  	v6 =	vmul.f32 v16, v6;
	[tilespmem:s11+$0xFFFFFFF0] =	vst v19;
	v13 =	vld [tilespmem:s12+$0xFFFFFF80]  }
0x10b: {  	[tilespmem:s15+$0x30] =	vst v9;
	v14 =	vld [tilespmem:s12+$0xFFFFFF90]  }
0x10c: {  	v18 =	vperm.xlane v10, v4;
	v7 =	vmul.f32 v11, v7;
	[tilespmem:s15+$0x40] =	vst v6;
	v8 =	vld [tilespmem:s12+$0xFFFFFFA0]  }
0x10d: {  	v5 =	vmul.f32 v12, v5;
	[tilespmem:s11+$0x0] =	vst v21;
	v15 =	vperm.xlane v17, v1;
	v9 =	vld [tilespmem:s12+$0xFFFFFFB0]  }
0x10e: {  	v6 =	vld [tilespmem:s12+$0xFFFFFFC0];
	[tilespmem:s15+$0x50] =	vst v7;
	v18 =	vmul.f32 v20, v18;
	v11 =	vperm.xlane v17, v2  }
0x10f: {  	v7 =	vld [tilespmem:s12+$0xFFFFFFD0];
	v12 =	vperm.xlane v17, v3;
	[tilespmem:s15+$0x60] =	vst v5;
	v13 =	vmul.f32 v13, v15  }
0x110: {  	v5 =	vld [tilespmem:s12+$0xFFFFFFE0];
	[tilespmem:s12+$0x70] =	vst v18;
	v15 =	vperm.xlane v17, v4;
	v11 =	vmul.f32 v14, v11  }
0x111: {  	v16 =	vld [tilespmem:s12+$0xFFFFFFF0];
	v14 =	vperm.xlane v19, v1;
	v8 =	vmul.f32 v8, v12;
	[tilespmem:s12+$0xFFFFFF80] =	vst v13  }
0x112: {  	v12 =	vperm.xlane v19, v2;
	v13 =	vld [tilespmem:s12+$0x0];
	[tilespmem:s12+$0xFFFFFF90] =	vst v11;
	v9 =	vmul.f32 v9, v15  }
0x113: {  	v11 =	vperm.xlane v19, v3;
	v15 =	vld [tilespmem:s12+$0x10];
	[tilespmem:s12+$0xFFFFFFA0] =	vst v8;
	v6 =	vmul.f32 v6, v14  }
0x114: {  	v8 =	vperm.xlane v19, v4;
	v14 =	vld [tilespmem:s12+$0x20];
	v7 =	vmul.f32 v7, v12;
	[tilespmem:s12+$0xFFFFFFB0] =	vst v9  }
0x115: {  	v12 =	vld [tilespmem:s12+$0x30];
	v9 =	vperm.xlane v21, v1;
	v5 =	vmul.f32 v5, v11;
	[tilespmem:s12+$0xFFFFFFC0] =	vst v6  }
0x116: {  	v6 =	vperm.xlane v21, v2;
	v11 =	vld [tilespmem:s12+$0x40];
	v8 =	vmul.f32 v16, v8;
	[tilespmem:s12+$0xFFFFFFD0] =	vst v7  }
0x117: {  	v7 =	vperm.xlane v21, v3;
	[tilespmem:s12+$0xFFFFFFE0] =	vst v5;
	v9 =	vmul.f32 v13, v9;
	v13 =	vld [tilespmem:s12+$0x50]  }
0x118: {  	v5 =	vperm.xlane v21, v4;
	[tilespmem:s12+$0xFFFFFFF0] =	vst v8;
	v6 =	vmul.f32 v15, v6;
	v15 =	vld [tilespmem:s12+$0x60]  }
0x119: {  	v8 =	vperm.xlane v10, v1;
	v7 =	vmul.f32 v14, v7;
	[tilespmem:s12+$0x0] =	vst v9  }
0x11a: {  	v5 =	vmul.f32 v12, v5;
	v9 =	vperm.xlane v10, v2;
	[tilespmem:s12+$0x10] =	vst v6  }
0x11b: {  	v6 =	vperm.xlane v10, v3;
	v8 =	vmul.f32 v11, v8;
	[tilespmem:s12+$0x20] =	vst v7  }
0x11c: {  	[tilespmem:s12+$0x30] =	vst v5;
	v5 =	vmul.f32 v13, v9  }
0x11d: {  	[tilespmem:s12+$0x40] =	vst v8;
	v6 =	vmul.f32 v15, v6  }
0x11e: {  	[tilespmem:s12+$0x50] =	vst v5  }
0x11f: {  	[tilespmem:s12+$0x60] =	vst v6  }
0x120: {  	[spmem:s6] =	stream.indirect.scatter.add.f32 [tilespmem:s20], [sflag:$0x4], $0x10, s22, s23, $0xb8;
	[tilespmem:$0x1FB80] =	vst v63  }
0x121: {  	_ =	swait.ge [sflag:s18], $0x600  }
0x122: {  	[sflag:s18] =	ssyncset.done $0x0  }
0x123: {  	[sflag:s18] =	ssyncadd.s32 $0xFFFFFA00  }
0x124: {  	[spmem:s5] =	stream.indirect.scatter.add.f32 [tilespmem:s19], [sflag:$0x4], $0x40, s22, s23, $0xb8;
	[tilespmem:$0x1FB80] =	vst v63  }
0x125: {  	_ =	swait.ge [sflag:s18], $0x1800  }
0x126: {  	[sflag:s18] =	ssyncset.done $0x0  }
0x127: {  	[sflag:s18] =	ssyncadd.s32 $0xFFFFE800  }
0x128: {  	_ =	swait.ge [sflag:s10], $0x1800  }
0x129: {  	[sflag:s10] =	ssyncset.done $0x0  }
0x12a: {  	[sflag:s10] =	ssyncadd.s32 $0xFFFFE800  }
0x12b: {  	[tilespmem:s25], [sflag:$0x3] =	stream.indirect.gather [spmem:s2], $0x10, s29, s23, $0xb8;
	[tilespmem:$0x1FB80] =	vst v63  }
0x12c: {  	_ =	swait.ge [sflag:s26], $0x600  }
0x12d: {  	p0 =	seq.s32 s13, $0x35;
	[sflag:s26] =	ssyncset.done $0x0  }
0x12e: {  	s11 =	sadd.s32 @!p0 s16, s0;
	[sflag:s26] =	ssyncadd.s32 $0xFFFFFA00  }
0x12f: {  	[tilespmem:s28], [sflag:$0x3] =	stream.indirect.gather [spmem:s4], $0x10, s30, s23, $0xb8;
	[tilespmem:$0x1FB80] =	vst v63  }
0x130: {  	s11 =	smul.u32 @!p0 $0xC, s11;
	_ =	swait.ge [sflag:s26], $0x600  }
0x131: {  	s14 =	simm.s32 @!p0 $0x0;
	[sflag:s26] =	ssyncset.done $0x0  }
0x132: {  	s15 =	simm.s32 @!p0 $0x1B800;
	s12 =	sadd.s32 @!p0 s8, s11;
	[sflag:s26] =	ssyncadd.s32 $0xFFFFFA00  }
0x133: {  	[tilespmem:s15], [sflag:$0x4] =	stream.linear.gather @!p0 [hbm4b:s12+s14], $0x60, $0x38;
	[tilespmem:$0x1FB80] =	vst v63  }
0x134: {  	s12 =	simm.s32 @!p0 $0x4  }
0x135: {  	_ =	swait.ge @!p0 [sflag:s12], $0x60  }
0x136: {  	[sflag:s12] =	ssyncset.done @!p0 $0x0  }
0x137: {  	s16 =	simm.s32 @!p0 $0x1B8C0;
	s11 =	sadd.s32 @!p0 s9, s11;
	[sflag:s12] =	ssyncadd.s32 @!p0 $0xFFFFFFA0  }
0x138: {  	[tilespmem:s16], [sflag:$0x4] =	stream.linear.gather @!p0 [hbm4b:s11+s14], $0x60, $0x38;
	[tilespmem:$0x1FB80] =	vst v63  }
0x139: {  	_ =	swait.ge @!p0 [sflag:s12], $0x60  }
0x13a: {  	[sflag:s12] =	ssyncset.done @!p0 $0x0  }
0x13b: {  	s11 =	simm.s32 @!p0 $0x60;
	[sflag:s12] =	ssyncadd.s32 @!p0 $0xFFFFFFA0;
	s12 =	simm.s32 @!p0 $0x1B980  }
0x13c: {  	[tilespmem:s12], [sflag:$0x1] =	stream.indirect.gather @!p0 [spmem:s1], $0x40, s15, s11, $0xb8;
	[tilespmem:$0x1FB80] =	vst v63  }
0x13d: {  	s15 =	simm.s32 $0x1E9A0  }
0x13e: {  	s16 =	simm.s32 $0x1EFA0;
	v5 =	vld [tilespmem:s15+$0x10]  }
0x13f: {  	v6 =	vld [tilespmem:s16+$0x10];
	_ =	sdelay $0x1  }
0x140: {  	v7 =	vld [tilespmem:s16+$0xFFFFFFE0]  }
0x141: {  	v8 =	vld [tilespmem:s15+$0xFFFFFFF0]  }
0x142: {  	v9 =	vld [tilespmem:s16+$0xFFFFFFF0]  }
0x143: {  	v10 =	vld [tilespmem:s16+$0x0];
	v5 =	vadd.f32 v6, v5  }
0x144: {  	v6 =	vld [tilespmem:s15+$0x0]  }
0x145: {  	v12 =	vld [tilespmem:s15+$0xFFFFFFE0];
	v11 =	vmul.f32 $2.000000030e-01, v5;
	_ =	sdelay $0x1  }
0x146: {  	v8 =	vadd.f32 v9, v8;
	v5 =	vmax.f32 v5, v11  }
0x147: {  	v5 =	vmul.f32 $1.442695020e+00, v5  }
0x148: {  	s21 =	simm.s32 $0x1E9E0;
	v9 =	vmul.f32 $2.000000030e-01, v8;
	v6 =	vadd.f32 v10, v6  }
0x149: {  	s14 =	simm.s32 $0x1EFE0;
	v14 =	vld [tilespmem:s21+$0xFFFFFFF0];
	(erf) = vpow2.f32 v5;
	v5 =	vadd.f32 v7, v12  }
0x14a: {  	v16 =	vld [tilespmem:s14+$0xFFFFFFF0];
	v7 =	vmax.f32 v8, v9;
	v8 =	vmul.f32 $2.000000030e-01, v6  }
0x14b: {  	v25 =	vld [tilespmem:s21+$0xFFFFFFE0];
	v7 =	vmul.f32 $1.442695020e+00, v7;
	v9 =	vmul.f32 $2.000000030e-01, v5  }
0x14c: {  	v12 =	vld [tilespmem:s14+$0xFFFFFFE0];
	v6 =	vmax.f32 v6, v8  }
0x14d: {  	v6 =	vmul.f32 $1.442695020e+00, v6;
	(erf) = vpow2.f32 v7;
	v5 =	vmax.f32 v5, v9  }
0x14e: {  	v5 =	vmul.f32 $1.442695020e+00, v5  }
0x14f: {  	v14 =	vadd.f32 v16, v14;
	(erf) = vpow2.f32 v6  }
0x150: {  	v20 =	vld [tilespmem:s21+$0x0];
	(erf) = vpow2.f32 v5  }
0x151: {  	v58 =	vmul.f32 $2.000000030e-01, v14;
	v11 =	vld [tilespmem:s14+$0x10];
	v12 =	vadd.f32 v12, v25  }
0x152: {  	s17 =	simm.s32 $0x1F5A0;
	v9 =	vld [tilespmem:s21+$0x10];
	v8 =	vpop (erf)  }
0x153: {  	s16 =	simm.s32 $0x1D200;
	v23 =	vld [tilespmem:s14+$0x0];
	v14 =	vmax.f32 v14, v58;
	v60 =	vmul.f32 $2.000000030e-01, v12;
	[tilespmem:s17+$0x10] =	vst v8  }
0x154: {  	v14 =	vmul.f32 $1.442695020e+00, v14;
	v6 =	vperm.xlane v8, v1;
	v10 =	vld [tilespmem:s16+$0x70]  }
0x155: {  	v12 =	vmax.f32 v12, v60;
	v7 =	vperm.xlane v8, v2;
	v5 =	vperm.xlane v8, v3  }
0x156: {  	v8 =	vperm.xlane v8, v4;
	v12 =	vmul.f32 $1.442695020e+00, v12;
	v13 =	vpop (erf)  }
0x157: {  	v9 =	vadd.f32 v11, v9;
	v15 =	vperm.xlane v13, v1;
	v17 =	vperm.xlane v13, v2  }
0x158: {  	v18 =	vperm.xlane v13, v3;
	v57 =	vperm.xlane v13, v4;
	[tilespmem:s17+$0xFFFFFFF0] =	vst v13;
	v19 =	vpop (erf)  }
0x159: {  	v13 =	vadd.f32 v23, v20;
	v59 =	vld [tilespmem:s16+$0xFFFFFFC0];
	v22 =	vpop (erf);
	v10 =	vmul.f32 v10, v8;
	v8 =	vmul.f32 $2.000000030e-01, v9  }
0x15a: {  	v32 =	vld [tilespmem:s16+$0xFFFFFFD0];
	v24 =	vperm.xlane v19, v1;
	v30 =	vperm.xlane v19, v2;
	[tilespmem:s17+$0xFFFFFFE0] =	vst v22  }
0x15b: {  	v31 =	vmul.f32 $2.000000030e-01, v13;
	v11 =	vperm.xlane v22, v1;
	v26 =	vld [tilespmem:s16+$0xFFFFFF80];
	v8 =	vmax.f32 v9, v8  }
0x15c: {  	v27 =	vperm.xlane v22, v2;
	v29 =	vld [tilespmem:s16+$0xFFFFFF90];
	v9 =	vmul.f32 $1.442695020e+00, v8  }
0x15d: {  	v28 =	vperm.xlane v22, v3;
	v22 =	vperm.xlane v22, v4;
	v16 =	vld [tilespmem:s16+$0xFFFFFFA0]  }
0x15e: {  	v13 =	vmax.f32 v13, v31;
	v20 =	vld [tilespmem:s16+$0xFFFFFFB0];
	v8 =	vperm.xlane v19, v3;
	(erf) = vpow2.f32 v9  }
0x15f: {  	v33 =	vld [tilespmem:s16+$0xFFFFFFE0];
	[tilespmem:s17+$0x0] =	vst v19;
	v9 =	vperm.xlane v19, v4;
	v19 =	vmul.f32 $1.442695020e+00, v13  }
0x160: {  	v61 =	vld [tilespmem:s16+$0xFFFFFFF0];
	(erf) = vpow2.f32 v14;
	v11 =	vmul.f32 v26, v11  }
0x161: {  	v62 =	vld [tilespmem:s16+$0x0];
	[tilespmem:s16+$0x70] =	vst v10;
	v10 =	vmul.f32 v29, v27;
	(erf) = vpow2.f32 v19  }
0x162: {  	v63 =	vld [tilespmem:s16+$0x10];
	(erf) = vpow2.f32 v12;
	v12 =	vmul.f32 v32, v17;
	[tilespmem:s16+$0xFFFFFF80] =	vst v11  }
0x163: {  	v13 =	vld [tilespmem:s16+$0x20];
	v11 =	vmul.f32 v16, v28;
	[tilespmem:s16+$0xFFFFFF90] =	vst v10;
	v10 =	vmul.f32 v20, v22  }
0x164: {  	v14 =	vld [tilespmem:s16+$0x30];
	[tilespmem:s16+$0xFFFFFFD0] =	vst v12  }
0x165: {  	v16 =	vld [tilespmem:s16+$0x40];
	[tilespmem:s16+$0xFFFFFFA0] =	vst v11;
	v11 =	vmul.f32 v59, v15  }
0x166: {  	s12 =	simm.s32 $0x4;
	v19 =	vmul.f32 v33, v18;
	v18 =	vmul.f32 v61, v57;
	v12 =	vld [tilespmem:s16+$0x60];
	[tilespmem:s16+$0xFFFFFFB0] =	vst v10  }
0x167: {  	s11 =	simm.s32 $0x1F5E0;
	s15 =	simm.s32 $0x1D200;
	s17 =	simm.s32 $0x1EA20;
	v17 =	vmul.f32 v62, v24;
	v15 =	vmul.f32 v63, v30;
	[tilespmem:s16+$0xFFFFFFC0] =	vst v11;
	v11 =	vld [tilespmem:s16+$0x50];
	v10 =	vpop (erf)  }
.LBB2_7:
0x168: {  	v20 =	vld [tilespmem:s17+$0x10];
	[tilespmem:s11+$0x10] =	vst v10;
	v21 =	vperm.xlane v10, v1;
	v22 =	vperm.xlane v10, v2;
	s16 =	sadd.s32 $0x100, s16  }
0x169: {  	v23 =	vperm.xlane v10, v3;
	s14 =	sadd.s32 $0x40, s14;
	v13 =	vmul.f32 v13, v8;
	v24 =	vld [tilespmem:s16+$0x70];
	[tilespmem:s15+$0xFFFFFFE0] =	vst v19  }
0x16a: {  	s12 =	sadd.s32 $0x4, s12;
	v14 =	vmul.f32 v14, v9;
	v8 =	vld [tilespmem:s14+$0x10];
	v19 =	vpop (erf);
	[tilespmem:s15+$0xFFFFFFF0] =	vst v18;
	v16 =	vmul.f32 v16, v6;
	v6 =	vmov v21  }
0x16b: {  	p0 =	slt.u32 s12, $0x5C;
	v18 =	vld [tilespmem:s14+$0xFFFFFFE0];
	[tilespmem:s11+$0xFFFFFFF0] =	vst v19;
	v21 =	vperm.xlane v19, v1;
	v25 =	vperm.xlane v19, v2  }
0x16c: {  	v10 =	vperm.xlane v10, v4;
	v26 =	vperm.xlane v19, v3;
	v9 =	vld [tilespmem:s17+$0xFFFFFFF0];
	v27 =	vpop (erf);
	[tilespmem:s15+$0x0] =	vst v17  }
0x16d: {  	v28 =	vperm.xlane v19, v4;
	v17 =	vld [tilespmem:s14+$0xFFFFFFF0];
	[tilespmem:s11+$0x0] =	vst v27;
	v29 =	vperm.xlane v27, v1;
	v19 =	vpop (erf)  }
0x16e: {  	v30 =	vld [tilespmem:s17+$0x0];
	[tilespmem:s11+$0xFFFFFFE0] =	vst v19;
	v31 =	vperm.xlane v19, v1;
	v10 =	vmul.f32 v24, v10  }
0x16f: {  	v32 =	vperm.xlane v19, v2;
	v33 =	vperm.xlane v19, v3;
	v24 =	vld [tilespmem:s14+$0x0];
	v20 =	vadd.f32 v8, v20;
	[tilespmem:s15+$0x10] =	vst v15  }
0x170: {  	v34 =	vperm.xlane v27, v2;
	v19 =	vperm.xlane v19, v4;
	v15 =	vld [tilespmem:s17+$0xFFFFFFE0];
	[tilespmem:s16+$0x70] =	vst v10  }
0x171: {  	v8 =	vperm.xlane v27, v3;
	v10 =	vmul.f32 $2.000000030e-01, v20;
	v35 =	vld [tilespmem:s16+$0xFFFFFF80];
	[tilespmem:s15+$0x20] =	vst v13  }
0x172: {  	v11 =	vmul.f32 v11, v7;
	v13 =	vadd.f32 v17, v9;
	v17 =	vld [tilespmem:s16+$0xFFFFFF90];
	v9 =	vperm.xlane v27, v4;
	[tilespmem:s15+$0x30] =	vst v14  }
0x173: {  	v7 =	vmovc v22;
	v12 =	vmul.f32 v12, v5;
	v5 =	vmov v23;
	v10 =	vmax.f32 v20, v10;
	v14 =	vld [tilespmem:s16+$0xFFFFFFA0];
	[tilespmem:s15+$0x40] =	vst v16  }
0x174: {  	v16 =	vmul.f32 $2.000000030e-01, v13;
	v20 =	vadd.f32 v24, v30;
	v10 =	vmul.f32 $1.442695020e+00, v10;
	v22 =	vld [tilespmem:s16+$0xFFFFFFB0];
	[tilespmem:s15+$0x50] =	vst v11  }
0x175: {  	v11 =	vadd.f32 v18, v15;
	v15 =	vld [tilespmem:s16+$0xFFFFFFC0];
	[tilespmem:s15+$0x60] =	vst v12;
	s15 =	smov.u32 s16  }
0x176: {  	v12 =	vmax.f32 v13, v16;
	v13 =	vmul.f32 $2.000000030e-01, v20;
	(erf) = vpow2.f32 v10;
	v10 =	vld [tilespmem:s16+$0xFFFFFFD0]  }
0x177: {  	v16 =	vmul.f32 $2.000000030e-01, v11;
	v12 =	vmul.f32 $1.442695020e+00, v12;
	v18 =	vld [tilespmem:s16+$0xFFFFFFE0]  }
0x178: {  	v17 =	vmul.f32 v17, v32;
	v13 =	vmax.f32 v20, v13;
	v20 =	vmul.f32 v35, v31;
	v23 =	vld [tilespmem:s16+$0xFFFFFFF0]  }
0x179: {  	v11 =	vmax.f32 v11, v16;
	v13 =	vmul.f32 $1.442695020e+00, v13;
	(erf) = vpow2.f32 v12;
	v12 =	vld [tilespmem:s16+$0x0]  }
0x17a: {  	v14 =	vmul.f32 v14, v33;
	v11 =	vmul.f32 $1.442695020e+00, v11;
	[tilespmem:s16+$0xFFFFFF80] =	vst v20;
	v20 =	vld [tilespmem:s16+$0x10]  }
.Ltmp2:
0x17b: {  	v16 =	vmul.f32 v22, v19;
	(erf) = vpow2.f32 v13;
	[tilespmem:s16+$0xFFFFFF90] =	vst v17;
	v13 =	vld [tilespmem:s16+$0x20];
	(pc) =	sbr.rel @p0 .LBB2_7-.Ltmp2, $4  }
0x17c: {  	(erf) = vpow2.f32 v11;
	[tilespmem:s16+$0xFFFFFFA0] =	vst v14;
	v11 =	vmul.f32 v15, v21;
	v14 =	vld [tilespmem:s16+$0x30]  }
0x17d: {  	v15 =	vmul.f32 v10, v25;
	v19 =	vmul.f32 v18, v26;
	[tilespmem:s16+$0xFFFFFFB0] =	vst v16;
	v16 =	vld [tilespmem:s16+$0x40]  }
0x17e: {  	v18 =	vmul.f32 v23, v28;
	[tilespmem:s16+$0xFFFFFFC0] =	vst v11;
	v17 =	vmul.f32 v12, v29;
	v11 =	vld [tilespmem:s16+$0x50]  }
0x17f: {  	s11 =	sadd.s32 $0x40, s11;
	s17 =	sadd.s32 $0x40, s17;
	v10 =	vpop (erf);
	[tilespmem:s16+$0xFFFFFFD0] =	vst v15;
	v15 =	vmul.f32 v20, v34;
	v12 =	vld [tilespmem:s16+$0x60]  }
0x180: {  	[tilespmem:s11+$0x10] =	vst v10  }
0x181: {  	[tilespmem:s15+$0xFFFFFFE0] =	vst v19  }
0x182: {  	[tilespmem:s15+$0xFFFFFFF0] =	vst v18  }
0x183: {  	[tilespmem:s15+$0x0] =	vst v17  }
0x184: {  	[tilespmem:s15+$0x10] =	vst v15;
	v38 =	vpop (erf);
	v6 =	vmul.f32 v16, v6  }
0x185: {  	s12 =	sadd.s32 $0x100, s16;
	[tilespmem:s11+$0xFFFFFFF0] =	vst v38;
	v7 =	vmul.f32 v11, v7  }
0x186: {  	v20 =	vld [tilespmem:s12+$0x70];
	v21 =	vpop (erf);
	[tilespmem:s15+$0x40] =	vst v6  }
0x187: {  	v5 =	vmul.f32 v12, v5;
	v6 =	vld [tilespmem:s12+$0xFFFFFFC0];
	v40 =	vpop (erf);
	[tilespmem:s15+$0x50] =	vst v7  }
0x188: {  	v8 =	vmul.f32 v13, v8;
	v7 =	vld [tilespmem:s12+$0xFFFFFFD0];
	[tilespmem:s11+$0xFFFFFFE0] =	vst v40  }
0x189: {  	v39 =	vperm.xlane v10, v4;
	v9 =	vmul.f32 v14, v9;
	[tilespmem:s15+$0x60] =	vst v5;
	v5 =	vld [tilespmem:s12+$0xFFFFFFE0]  }
0x18a: {  	[tilespmem:s15+$0x20] =	vst v8;
	v49 =	vperm.xlane v38, v1;
	v41 =	vld [tilespmem:s12+$0xFFFFFF80]  }
0x18b: {  	[tilespmem:s15+$0x30] =	vst v9;
	v51 =	vperm.xlane v38, v2;
	v18 =	vmul.f32 v20, v39;
	v42 =	vld [tilespmem:s12+$0xFFFFFF90]  }
0x18c: {  	v53 =	vperm.xlane v38, v3;
	[tilespmem:s11+$0x0] =	vst v21;
	v43 =	vld [tilespmem:s12+$0xFFFFFFA0];
	v6 =	vmul.f32 v6, v49  }
0x18d: {  	v44 =	vperm.xlane v40, v1;
	v45 =	vld [tilespmem:s12+$0xFFFFFFB0];
	[tilespmem:s12+$0x70] =	vst v18;
	v7 =	vmul.f32 v7, v51  }
0x18e: {  	v46 =	vperm.xlane v40, v2;
	v54 =	vld [tilespmem:s12+$0x10];
	v5 =	vmul.f32 v5, v53;
	[tilespmem:s12+$0xFFFFFFC0] =	vst v6  }
0x18f: {  	v50 =	vld [tilespmem:s12+$0xFFFFFFF0];
	v47 =	vperm.xlane v40, v3;
	v13 =	vmul.f32 v41, v44;
	[tilespmem:s12+$0xFFFFFFD0] =	vst v7  }
0x190: {  	v48 =	vperm.xlane v40, v4;
	v52 =	vld [tilespmem:s12+$0x0];
	v11 =	vmul.f32 v42, v46;
	[tilespmem:s12+$0xFFFFFFE0] =	vst v5  }
0x191: {  	v56 =	vld [tilespmem:s12+$0x20];
	v6 =	vperm.xlane v21, v2;
	v8 =	vmul.f32 v43, v47;
	[tilespmem:s12+$0xFFFFFF80] =	vst v13  }
0x192: {  	v55 =	vperm.xlane v38, v4;
	v58 =	vld [tilespmem:s12+$0x30];
	v9 =	vmul.f32 v45, v48;
	[tilespmem:s12+$0xFFFFFF90] =	vst v11  }
0x193: {  	v59 =	vld [tilespmem:s12+$0x40];
	v57 =	vperm.xlane v21, v1;
	v6 =	vmul.f32 v54, v6;
	[tilespmem:s12+$0xFFFFFFA0] =	vst v8  }
0x194: {  	v60 =	vld [tilespmem:s12+$0x50];
	v7 =	vperm.xlane v21, v3;
	[tilespmem:s12+$0xFFFFFFB0] =	vst v9;
	v8 =	vmul.f32 v50, v55  }
0x195: {  	v61 =	vld [tilespmem:s12+$0x60];
	v5 =	vperm.xlane v21, v4;
	v9 =	vmul.f32 v52, v57;
	[tilespmem:s12+$0x10] =	vst v6  }
0x196: {  	v62 =	vperm.xlane v10, v1;
	v7 =	vmul.f32 v56, v7;
	[tilespmem:s12+$0xFFFFFFF0] =	vst v8  }
0x197: {  	v63 =	vperm.xlane v10, v2;
	v5 =	vmul.f32 v58, v5;
	[tilespmem:s12+$0x0] =	vst v9  }
0x198: {  	v6 =	vperm.xlane v10, v3;
	v8 =	vmul.f32 v59, v62;
	[tilespmem:s12+$0x20] =	vst v7  }
0x199: {  	[tilespmem:s12+$0x30] =	vst v5;
	v5 =	vmul.f32 v60, v63  }
0x19a: {  	v6 =	vmul.f32 v61, v6;
	[tilespmem:s12+$0x40] =	vst v8  }
0x19b: {  	[tilespmem:s12+$0x50] =	vst v5  }
0x19c: {  	[tilespmem:s12+$0x60] =	vst v6  }
0x19d: {  	[spmem:s6] =	stream.indirect.scatter.add.f32 [tilespmem:s20], [sflag:$0x4], $0x10, s30, s23, $0xb8;
	[tilespmem:$0x1FB80] =	vst v63  }
0x19e: {  	s13 =	sadd.s32 $0x1, s13;
	_ =	swait.ge [sflag:s18], $0x600  }
0x19f: {  	p0 =	sne.s32 s13, $0x36;
	[sflag:s18] =	ssyncset.done $0x0  }
.Ltmp3:
0x1a0: {  	[sflag:s18] =	ssyncadd.s32 $0xFFFFFA00;
	(pc) =	sbr.rel @p0 .LBB2_4-.Ltmp3, $4  }
0x1a1: {  	[spmem:s5] =	stream.indirect.scatter.add.f32 [tilespmem:s3], [sflag:$0x4], $0x40, s30, s23, $0xb8;
	[tilespmem:$0x1FB80] =	vst v63  }
0x1a2: {  	_ =	swait.ge [sflag:s18], $0x1800  }
0x1a3: {  	[sflag:s18] =	ssyncset.done $0x0  }
0x1a4: {  	[sflag:s18] =	ssyncadd.s32 $0xFFFFE800  }
0x1a5: {  	[bflag:$0x0] =	sbarrier.arrive $0xFFFF  }
0x1a6: {  	s11 =	rddreg [dreg:$0xc]  }
0x1a7: {  	s21 =	rddreg [dreg:$0x9]  }
0x1a8: {  	s12 =	rddreg [dreg:$0x1c];
	s11 =	sshrl.u32 s11, $0x3  }
0x1a9: {  	[hbm:s12], [sflag:s21] =	dma.local [spmem:s11], $0x1400  }
0x1aa: {  	_ =	swait.ge [sflag:s18], $0x1400  }
0x1ab: {  	[sflag:s18] =	ssyncset.done $0x0;
	s14 =	rddreg [dreg:$0xd]  }
0x1ac: {  	s15 =	rddreg [dreg:$0x1d];
	[sflag:s18] =	ssyncadd.s32 $0xFFFFEC00;
	s11 =	sshrl.u32 s14, $0x3  }
0x1ad: {  	[hbm:s15], [sflag:s21] =	dma.local [spmem:s11], $0x500  }
0x1ae: {  	_ =	swait.ge [sflag:s18], $0x500  }
0x1af: {  	s16 =	sld [smem:$0x7FB];
	_ =	sdelay $0x2  }
0x1b0: {  	s17 =	rddreg [dreg:$0x1e];
	s12 =	sadd.s32 $0x1, s16  }
0x1b1: {  	p0 =	sne.s32 s12, s17  }
.Ltmp4:
0x1b2: {  	_ = 	snop;
	(pc) =	sbr.rel @p0 .LBB2_1-.Ltmp4, $3  }
0x1b3: {  	_ =	sdelay $0x1  }
0x1b4: {  	[sflag:s18] =	ssyncset.done $0x0  }
0x1b5: {  	[sflag:s18] =	ssyncadd.s32 $0xFFFFFB00  }
0x1b6: {  	_ =	sfence.sel $0x180000  }
0x1b7: {  	[bflag:$0x0] =	sbarrier.arrive $0xFFFF  }
0x1b8: {  	_ =	strace $0x90000047  }
0x1b9: {  	s0 =	stileid.u32;
	[bflag:$0x2] =	sbarrier.arrive $0xFFFF  }
0x1ba: {  	p0 =	sne.s32 s0, $0x0;
	s0 =	rddreg [dreg:$0x7]  }
0x1bb: {  	s0 =	sadd.s32 @!p0 $0x100000, s0  }
0x1bc: {  	[sflag:s0] =	ssyncadd.tile.s32 @!p0 $0x1;
	_ =	shalt  }
.Lfunc_end2:
_tile_overlayer_lowered:
.L_overlay_start_2:
0x1bd: {  	(tag) =	ssettag $0x2  }
0x1be: {  	s0 =	rddreg [dreg:$0x0];
	s2 =	stileid.u32  }
0x1bf: {  	s1 =	rddreg [dreg:$0x1];
	p0 =	sne.s32 s2, $0x0  }
0x1c0: {  	s3 =	rddreg [dreg:$0x2];
	[bflag:$0x3] =	sbarrier.arrive $0xFFFF;
	s2 =	simm.s32 @!p0 $0x1C04  }
0x1c1: {  	[timem:s3], [sflag:s2] =	dma.local @!p0 [hbm:s0], s1  }
0x1c2: {  	s0 =	simm.s32 @!p0 $0x4  }
0x1c3: {  	_ =	swait.ge @!p0 [sflag:s0], s1  }
0x1c4: {  	s1 =	ssub.s32 @!p0 $0x0, s1;
	[sflag:s0] =	ssyncset.done @!p0 $0x0  }
0x1c5: {  	[sflag:s0] =	ssyncadd.s32 @!p0 s1  }
0x1c6: {  	[bflag:$0x3] =	sbarrier.arrive $0xFFFF  }
0x1c7: {  	_ =	shalt  }

</sc_bundles>
